<compile_context>
chip_gen: v7x
topology: tpu7x:2x2x1
jax: 0.10.2.dev20260603
libtpu: 0.0.44.dev20260713+nightly
codegen_flags: <defaults>
</compile_context>

<pallas_src>
import functools

import jax
import jax.numpy as jnp
from jax import lax
from jax.experimental import pallas as pl
from jax.experimental.pallas import tpu as pltpu
from jax.experimental.pallas import tpu_sc as plsc

_N = 10000
_E = 320000
_H = 512
_DIN = 128
_DOUT = 2000

_NC_CORES = 2
_NS = 16
_GP = 88
_K = 4
_NGROUP_PAD = 3712
_EPAD = _NGROUP_PAD * _GP
_NBLK = _NGROUP_PAD // _K
_NROWS = _N + 112
_PROWS = _NROWS // _NS


def _aggr_body(split, cpc, tb, cw,
               hv, idxs, idxd, zeros, out, acc, ibs, ibd, gbuf,
               gsem0, gsem1, gsem2, gsem3, ssem0, ssem1, ssem2, ssem3, isem):
    c = lax.axis_index("c")
    s = lax.axis_index("s")
    gsems = (gsem0, gsem1, gsem2, gsem3)
    ssems = (ssem0, ssem1, ssem2, ssem3)
    for cc in range(cpc):
        if split:
            ccol = c
            ichunk = 0
            boff = c * (_NBLK // 2)
        else:
            ccol = c * cpc + cc
            ichunk = ccol
            boff = 0
        rows = pl.ds(s * _PROWS, _PROWS)
        b0 = boff + s * tb
        pltpu.sync_copy(idxs.at[ichunk * _NBLK + b0], ibs.at[0])
        pltpu.sync_copy(idxd.at[b0], ibd.at[0])
        pltpu.async_copy(hv.at[ibs.at[0, 0]], gbuf.at[0], gsem0)
        pltpu.async_copy(hv.at[ibs.at[0, 1]], gbuf.at[1], gsem1)
        pltpu.sync_copy(zeros.at[rows], acc.at[rows])
        plsc.subcore_barrier()

        def blk(t, carry):
            slot = lax.rem(t, 2)
            nslot = lax.rem(t + 1, 2)
            b = b0 + t

            @pl.when(t + 1 < tb)
            def _prefetch_idx():
                pltpu.async_copy(idxs.at[ichunk * _NBLK + b + 1],
                                 ibs.at[nslot], isem)
                pltpu.async_copy(idxd.at[b + 1], ibd.at[nslot], isem)

            for j in range(_K):
                sl = j % 4
                gb = gbuf.at[sl]
                pltpu.make_async_copy(hv.at[ibs.at[slot, j]], gb,
                                      gsems[sl]).wait()
                psl = (j - 2) % 4
                if j >= 2:
                    pltpu.make_async_copy(gbuf.at[psl],
                                          acc.at[ibd.at[slot, j]],
                                          ssems[psl]).wait()
                else:
                    @pl.when(t > 0)
                    def _wait_prev():
                        pltpu.make_async_copy(gbuf.at[psl],
                                              acc.at[ibd.at[slot, j]],
                                              ssems[psl]).wait()
                pltpu.async_copy(gb, acc.at[ibd.at[slot, j]],
                                 ssems[sl], add=True)
                nsl = (j + 2) % 4
                if j + 2 < _K:
                    pltpu.async_copy(hv.at[ibs.at[slot, j + 2]],
                                     gbuf.at[nsl], gsems[nsl])
                else:
                    @pl.when(t + 1 < tb)
                    def _next_block_gather():
                        if j == _K - 2:
                            pltpu.make_async_copy(idxs.at[0], ibs.at[nslot],
                                                  isem).wait()
                            pltpu.make_async_copy(idxd.at[0], ibd.at[nslot],
                                                  isem).wait()
                        pltpu.async_copy(hv.at[ibs.at[nslot, j + 2 - _K]],
                                         gbuf.at[nsl], gsems[nsl])
            return carry

        lax.fori_loop(0, tb, blk, 0)
        pltpu.make_async_copy(gbuf.at[(_K - 2) % 4], acc.at[ibd.at[0, 0]],
                              ssems[(_K - 2) % 4]).wait()
        pltpu.make_async_copy(gbuf.at[(_K - 1) % 4], acc.at[ibd.at[0, 0]],
                              ssems[(_K - 1) % 4]).wait()
        plsc.subcore_barrier()
        pltpu.sync_copy(acc.at[rows], out.at[rows, pl.ds(ccol * cw, cw)])
        plsc.subcore_barrier()


def _make_aggr(split, nchunks, cw):
    cpc = 1 if split else nchunks // _NC_CORES
    tb = (_NBLK // _NC_CORES if split else _NBLK) // _NS
    mesh = plsc.VectorSubcoreMesh(core_axis_name="c", subcore_axis_name="s",
                                  num_cores=_NC_CORES, num_subcores=_NS)
    return pl.kernel(
        functools.partial(_aggr_body, split, cpc, tb, cw),
        out_type=jax.ShapeDtypeStruct((_NROWS, nchunks * cw), jnp.float32),
        mesh=mesh,
        scratch_types=[
            pltpu.VMEM_SHARED((_NROWS, cw), jnp.float32),
            pltpu.VMEM((2, _K, _GP), jnp.int32),
            pltpu.VMEM((2, _K, _GP), jnp.int32),
            pltpu.VMEM((4, _GP, cw), jnp.float32),
            pltpu.SemaphoreType.DMA,
            pltpu.SemaphoreType.DMA,
            pltpu.SemaphoreType.DMA,
            pltpu.SemaphoreType.DMA,
            pltpu.SemaphoreType.DMA,
            pltpu.SemaphoreType.DMA,
            pltpu.SemaphoreType.DMA,
            pltpu.SemaphoreType.DMA,
            pltpu.SemaphoreType.DMA,
        ],
    )


def _aggregate(h, d, src, dstb, zeros):
    split = d == _DIN
    nic = 1 if split else 4
    cw = 128
    pad = _EPAD - _E
    padsrc = (jnp.arange(pad, dtype=jnp.int32) * 997) % _N
    base = jnp.concatenate([src, padsrc]) * nic
    idx = base[None, :] + jnp.arange(nic, dtype=jnp.int32)[:, None]
    idxs = idx.reshape(nic * _NBLK, _K, _GP)
    hv = h.reshape(_N * nic, cw)
    return _make_aggr(split, 2 if split else 4, cw)(hv, idxs, dstb, zeros)



_BR = 512


def _stage1_body(x, a, eps, w1, b1, w2, b2, sc1, sh1, o):
    e = eps[0]
    aa = a[...]
    z = x[...] * e + aa[:, 0:_DIN] + aa[:, _DIN:2 * _DIN]
    t = jnp.maximum(jnp.dot(z, w1[...], preferred_element_type=jnp.float32)
                    + b1[...], 0.0)
    h = jnp.maximum(jnp.dot(t, w2[...], preferred_element_type=jnp.float32)
                    + b2[...], 0.0)
    o[...] = h * sc1[...] + sh1[...]


def _stage2_body(x, a, eps, w3, b3, sc2, sh2, o):
    e = eps[0]
    z = x[...] * e + a[...]
    t = jnp.maximum(jnp.dot(z, w3[...], preferred_element_type=jnp.float32)
                    + b3[...], 0.0)
    o[...] = t * sc2[...] + sh2[...]


def _stage3_body(x, a, eps, w4, b4, w5, b5, sc3, sh3, wl, bl, wf, bf, o):
    e = eps[0]
    z = x[...] * e + a[...]
    t = jnp.maximum(jnp.dot(z, w4[...], preferred_element_type=jnp.float32)
                    + b4[...], 0.0)
    t = jnp.maximum(jnp.dot(t, w5[...], preferred_element_type=jnp.float32)
                    + b5[...], 0.0)
    t = t * sc3[...] + sh3[...]
    t = jnp.maximum(jnp.dot(t, wl[...], preferred_element_type=jnp.float32)
                    + bl[...], 0.0)
    o[...] = jnp.dot(t.astype(jnp.bfloat16), wf[...].astype(jnp.bfloat16),
                     preferred_element_type=jnp.float32) + bf[...]


def _row_spec(d):
    return pl.BlockSpec((_BR, d), lambda i: (i, 0))


def _full_spec(r, c):
    return pl.BlockSpec((r, c), lambda i: (0, 0))


_SMEM_SPEC = pl.BlockSpec(memory_space=pltpu.SMEM)


def _mlp_call(body, in_specs, dout):
    return pl.pallas_call(
        body,
        grid=(pl.cdiv(_N, _BR),),
        in_specs=in_specs,
        out_specs=_row_spec(dout),
        out_shape=jax.ShapeDtypeStruct((_N, dout), jnp.float32),
        compiler_params=pltpu.CompilerParams(
            dimension_semantics=("arbitrary",)),
    )


def kernel(x, edge_index, eps1, W1, b1, W2, b2, g1, be1, eps2, W3, b3, g2, be2,
           eps3, W4, b4, W5, b5, g3, be3, Wl, bl, Wf, bf):
    src = edge_index[0]
    dst = edge_index[1]
    pad = _EPAD - _E
    dstb = jnp.concatenate(
        [dst, _N + (jnp.arange(pad, dtype=jnp.int32) % 16)]
    ).reshape(_NBLK, _K, _GP)
    zeros = jnp.zeros((_NROWS, 128), jnp.float32)

    inv = 1.0 / jnp.sqrt(jnp.float32(1.0 + 1e-5))
    r1 = (1.0 + eps1).reshape(1)
    r2 = (1.0 + eps2).reshape(1)
    r3 = (1.0 + eps3).reshape(1)

    a1 = _aggregate(x, _DIN, src, dstb, zeros)
    h = _mlp_call(
        _stage1_body,
        [_row_spec(_DIN), _row_spec(2 * _DIN), _SMEM_SPEC,
         _full_spec(_DIN, _H), _full_spec(1, _H),
         _full_spec(_H, _H), _full_spec(1, _H),
         _full_spec(1, _H), _full_spec(1, _H)],
        _H,
    )(x, a1, r1, W1, b1.reshape(1, _H), W2, b2.reshape(1, _H),
      (g1 * inv).reshape(1, _H), be1.reshape(1, _H))

    a2 = _aggregate(h, _H, src, dstb, zeros)
    h2 = _mlp_call(
        _stage2_body,
        [_row_spec(_H), _row_spec(_H), _SMEM_SPEC,
         _full_spec(_H, _H), _full_spec(1, _H),
         _full_spec(1, _H), _full_spec(1, _H)],
        _H,
    )(h, a2, r2, W3, b3.reshape(1, _H),
      (g2 * inv).reshape(1, _H), be2.reshape(1, _H))

    a3 = _aggregate(h2, _H, src, dstb, zeros)
    out = _mlp_call(
        _stage3_body,
        [_row_spec(_H), _row_spec(_H), _SMEM_SPEC,
         _full_spec(_H, _H), _full_spec(1, _H),
         _full_spec(_H, _H), _full_spec(1, _H),
         _full_spec(1, _H), _full_spec(1, _H),
         _full_spec(_H, _H), _full_spec(1, _H),
         _full_spec(_H, _DOUT), _full_spec(1, _DOUT)],
        _DOUT,
    )(h2, a3, r3, W4, b4.reshape(1, _H), W5, b5.reshape(1, _H),
      (g3 * inv).reshape(1, _H), be3.reshape(1, _H),
      Wl, bl.reshape(1, _H), Wf, bf.reshape(1, _DOUT))
    return out

# --- scband reference (transcript-rebuilt; emitter-appended) ---
"""Pipeline reference for scband-gin-69209103007770 (READ-ONLY COPY).

The authoritative reference and input builder live on the scoring server;
editing this copy changes nothing except your own understanding.
"""

import jax, jax.numpy as jnp
import numpy as np

N = 10000
E = 320000
H = 512
D_IN = 128
D_OUT = 2000


def setup_inputs(seed: int = 0) -> dict:
    key = jax.random.key(seed)
    ks = jax.random.split(key, 16)

    def w(k, i, o):
        return jax.random.normal(k, (i, o), dtype=jnp.float32) * (1.0 / np.sqrt(i))

    inp = {}
    inp["x"] = jax.random.normal(ks[0], (N, D_IN), dtype=jnp.float32)
    inp["edge_index"] = jax.random.randint(ks[1], (2, E), 0, N, dtype=jnp.int32)
    inp["eps1"] = jnp.zeros((), jnp.float32)
    inp["W1"] = w(ks[2], D_IN, H)
    inp["b1"] = jnp.zeros((H,), jnp.float32)
    inp["W2"] = w(ks[3], H, H)
    inp["b2"] = jnp.zeros((H,), jnp.float32)
    inp["g1"] = jnp.ones((H,), jnp.float32)
    inp["be1"] = jnp.zeros((H,), jnp.float32)
    inp["eps2"] = jnp.zeros((), jnp.float32)
    inp["W3"] = w(ks[4], H, H)
    inp["b3"] = jnp.zeros((H,), jnp.float32)
    inp["g2"] = jnp.ones((H,), jnp.float32)
    inp["be2"] = jnp.zeros((H,), jnp.float32)
    inp["eps3"] = jnp.zeros((), jnp.float32)
    inp["W4"] = w(ks[5], H, H)
    inp["b4"] = jnp.zeros((H,), jnp.float32)
    inp["W5"] = w(ks[6], H, H)
    inp["b5"] = jnp.zeros((H,), jnp.float32)
    inp["g3"] = jnp.ones((H,), jnp.float32)
    inp["be3"] = jnp.zeros((H,), jnp.float32)
    inp["Wl"] = w(ks[7], H, H)
    inp["bl"] = jnp.zeros((H,), jnp.float32)
    inp["Wf"] = w(ks[8], H, D_OUT)
    inp["bf"] = jnp.zeros((D_OUT,), jnp.float32)
    return inp


def _bn(x, g, b):
    # eval-mode BatchNorm1d: running_mean=0, running_var=1, eps=1e-5
    return x / jnp.sqrt(1.0 + 1e-5) * g + b


def reference(x, edge_index, eps1, W1, b1, W2, b2, g1, be1, eps2, W3, b3, g2, be2,
              eps3, W4, b4, W5, b5, g3, be3, Wl, bl, Wf, bf):
    src = edge_index[0]
    dst = edge_index[1]

    def aggr(h):
        return jax.ops.segment_sum(h[src], dst, num_segments=N)

    # gin_conv1: MLP(Linear(128,H)-ReLU-Linear(H,H)-ReLU-BN)
    h = (1.0 + eps1) * x + aggr(x)
    h = jax.nn.relu(h @ W1 + b1)
    h = jax.nn.relu(h @ W2 + b2)
    h = _bn(h, g1, be1)
    # gin_conv2: MLP(Linear(H,H)-ReLU-BN)
    h2 = (1.0 + eps2) * h + aggr(h)
    h2 = jax.nn.relu(h2 @ W3 + b3)
    h2 = _bn(h2, g2, be2)
    # gin_conv3: MLP(Linear(H,H)-ReLU-Linear(H,H)-ReLU-BN)
    h3 = (1.0 + eps3) * h2 + aggr(h2)
    h3 = jax.nn.relu(h3 @ W4 + b4)
    h3 = jax.nn.relu(h3 @ W5 + b5)
    h3 = _bn(h3, g3, be3)
    out = jax.nn.relu(h3 @ Wl + bl)
    # dropout is identity in eval mode
    out = out @ Wf + bf
    return out

if __name__ == "__main__":
    import jax
    _d = setup_inputs()
    print(jax.jit(kernel)(*tuple(_d.values())))

</pallas_src>

<mosaic_0001>
#map = affine_map<(d0, d1) -> (0, 0)>
#map1 = affine_map<(d0, d1) -> (0, 0, 0)>
module attributes {stable_mosaic.version = 14 : i64} {
  func.func @_aggr_body(%arg0: i32, %arg1: i32, %arg2: memref<40000x128xf32, #tpu.memory_space<hbm>>, %arg3: memref<3712x4x88xi32, #tpu.memory_space<hbm>>, %arg4: memref<928x4x88xi32, #tpu.memory_space<hbm>>, %arg5: memref<10112x128xf32, #tpu.memory_space<hbm>>, %arg6: memref<10112x512xf32, #tpu.memory_space<hbm>>, %arg7: memref<10112x128xf32, #tpu.memory_space<vmem_shared>>, %arg8: memref<2x4x88xi32, #tpu.memory_space<vmem>>, %arg9: memref<2x4x88xi32, #tpu.memory_space<vmem>>, %arg10: memref<4x88x128xf32, #tpu.memory_space<vmem>>, %arg11: memref<!tpu.dma_semaphore, #tpu.memory_space<semaphore_mem>>, %arg12: memref<!tpu.dma_semaphore, #tpu.memory_space<semaphore_mem>>, %arg13: memref<!tpu.dma_semaphore, #tpu.memory_space<semaphore_mem>>, %arg14: memref<!tpu.dma_semaphore, #tpu.memory_space<semaphore_mem>>, %arg15: memref<!tpu.dma_semaphore, #tpu.memory_space<semaphore_mem>>, %arg16: memref<!tpu.dma_semaphore, #tpu.memory_space<semaphore_mem>>, %arg17: memref<!tpu.dma_semaphore, #tpu.memory_space<semaphore_mem>>, %arg18: memref<!tpu.dma_semaphore, #tpu.memory_space<semaphore_mem>>, %arg19: memref<!tpu.dma_semaphore, #tpu.memory_space<semaphore_mem>>) attributes {dimension_semantics = [#tpu.dimension_semantics<core_parallel>, #tpu.dimension_semantics<subcore_parallel>], iteration_bounds = array<i64: 2, 16>, scalar_prefetch = 0 : i64, scratch_operands = 13 : i64, tpu.core_type = #tpu.core_type<sc_vector_subcore>, window_params = [{transform_indices = #map}, {transform_indices = #map1}, {transform_indices = #map1}, {transform_indices = #map}, {transform_indices = #map}]} {
    %mul3A = arith.constant 2 : i32
    %mul3A_0 = arith.muli %arg0, %mul3A : i32
    %add3A = arith.constant 0 : i32
    %add3A_1 = arith.addi %mul3A_0, %add3A : i32
    %mul3A_2 = arith.constant 632 : i32
    %mul3A_3 = arith.muli %arg1, %mul3A_2 : i32
    %mul3A_4 = arith.constant 58 : i32
    %mul3A_5 = arith.muli %arg1, %mul3A_4 : i32
    %add3A_6 = arith.constant 0 : i32
    %add3A_7 = arith.addi %add3A_6, %mul3A_5 : i32
    %mul3A_8 = arith.constant 928 : i32
    %mul3A_9 = arith.muli %add3A_1, %mul3A_8 : i32
    %add3A_10 = arith.addi %mul3A_9, %add3A_7 : i32
    %run_scoped3A = arith.constant 0 : i32
    "tpu.region"() ({
      %run_scoped3A_149 = tpu.sem_alloc : memref<!tpu.dma_semaphore, #tpu.memory_space<semaphore_mem>>
      %dma_start3A_150 = arith.constant 0 : i32
      %dma_start3A_151 = arith.constant 0 : i32
      %dma_start3A_152 = tpu.memref_slice %arg8[%run_scoped3A, %dma_start3A_150, %dma_start3A_151] : memref<2x4x88xi32, #tpu.memory_space<vmem>> -> memref<1x4x88xi32, #tpu.memory_space<vmem>>
      %dma_start3A_153 = tpu.memref_squeeze %dma_start3A_152 : memref<1x4x88xi32, #tpu.memory_space<vmem>> -> memref<4x88xi32, #tpu.memory_space<vmem>>
      %dma_start3A_154 = arith.constant 0 : i32
      %dma_start3A_155 = arith.constant 0 : i32
      %dma_start3A_156 = tpu.memref_slice %arg3[%add3A_10, %dma_start3A_154, %dma_start3A_155] : memref<3712x4x88xi32, #tpu.memory_space<hbm>> -> memref<1x4x88xi32, #tpu.memory_space<hbm>>
      %dma_start3A_157 = tpu.memref_squeeze %dma_start3A_156 : memref<1x4x88xi32, #tpu.memory_space<hbm>> -> memref<4x88xi32, #tpu.memory_space<hbm>>
      %dma_start3A_158 = arith.constant 0 : i32
      %dma_start3A_159 = arith.constant 0 : i32
      %dma_start3A_160 = tpu.memref_slice %arg8[%run_scoped3A, %dma_start3A_158, %dma_start3A_159] : memref<2x4x88xi32, #tpu.memory_space<vmem>> -> memref<1x4x88xi32, #tpu.memory_space<vmem>>
      %dma_start3A_161 = tpu.memref_squeeze %dma_start3A_160 : memref<1x4x88xi32, #tpu.memory_space<vmem>> -> memref<4x88xi32, #tpu.memory_space<vmem>>
      %dma_start3A_162 = arith.constant 0 : i32
      %dma_start3A_163 = arith.constant 0 : i32
      %dma_start3A_164 = tpu.memref_slice %arg3[%add3A_10, %dma_start3A_162, %dma_start3A_163] : memref<3712x4x88xi32, #tpu.memory_space<hbm>> -> memref<1x4x88xi32, #tpu.memory_space<hbm>>
      %dma_start3A_165 = tpu.memref_squeeze %dma_start3A_164 : memref<1x4x88xi32, #tpu.memory_space<hbm>> -> memref<4x88xi32, #tpu.memory_space<hbm>>
      tpu.enqueue_dma source(%dma_start3A_165 : memref<4x88xi32, #tpu.memory_space<hbm>>) target(%dma_start3A_161 : memref<4x88xi32, #tpu.memory_space<vmem>>) target_semaphore(%run_scoped3A_149 : memref<!tpu.dma_semaphore, #tpu.memory_space<semaphore_mem>>)
      %dma_wait3A_166 = arith.constant 0 : i32
      %dma_wait3A_167 = arith.constant 0 : i32
      %dma_wait3A_168 = tpu.memref_slice %arg8[%run_scoped3A, %dma_wait3A_166, %dma_wait3A_167] : memref<2x4x88xi32, #tpu.memory_space<vmem>> -> memref<1x4x88xi32, #tpu.memory_space<vmem>>
      %dma_wait3A_169 = tpu.memref_squeeze %dma_wait3A_168 : memref<1x4x88xi32, #tpu.memory_space<vmem>> -> memref<4x88xi32, #tpu.memory_space<vmem>>
      %dma_wait3A_170 = arith.constant 0 : i32
      %dma_wait3A_171 = arith.constant 0 : i32
      %dma_wait3A_172 = tpu.memref_slice %arg3[%add3A_10, %dma_wait3A_170, %dma_wait3A_171] : memref<3712x4x88xi32, #tpu.memory_space<hbm>> -> memref<1x4x88xi32, #tpu.memory_space<hbm>>
      %dma_wait3A_173 = tpu.memref_squeeze %dma_wait3A_172 : memref<1x4x88xi32, #tpu.memory_space<hbm>> -> memref<4x88xi32, #tpu.memory_space<hbm>>
      %dma_wait3A_174 = arith.constant 0 : i32
      %dma_wait3A_175 = arith.constant 0 : i32
      %dma_wait3A_176 = tpu.memref_slice %arg8[%run_scoped3A, %dma_wait3A_174, %dma_wait3A_175] : memref<2x4x88xi32, #tpu.memory_space<vmem>> -> memref<1x4x88xi32, #tpu.memory_space<vmem>>
      %dma_wait3A_177 = tpu.memref_squeeze %dma_wait3A_176 : memref<1x4x88xi32, #tpu.memory_space<vmem>> -> memref<4x88xi32, #tpu.memory_space<vmem>>
      %dma_wait3A_178 = arith.constant 0 : i32
      %dma_wait3A_179 = arith.constant 0 : i32
      %dma_wait3A_180 = tpu.memref_slice %arg3[%add3A_10, %dma_wait3A_178, %dma_wait3A_179] : memref<3712x4x88xi32, #tpu.memory_space<hbm>> -> memref<1x4x88xi32, #tpu.memory_space<hbm>>
      %dma_wait3A_181 = tpu.memref_squeeze %dma_wait3A_180 : memref<1x4x88xi32, #tpu.memory_space<hbm>> -> memref<4x88xi32, #tpu.memory_space<hbm>>
      tpu.wait_dma2 semaphore(%run_scoped3A_149 : memref<!tpu.dma_semaphore, #tpu.memory_space<semaphore_mem>>) src(%dma_wait3A_181 : memref<4x88xi32, #tpu.memory_space<hbm>>) dst(%dma_wait3A_177 : memref<4x88xi32, #tpu.memory_space<vmem>>)
      tpu.yield
    }) : () -> ()
    %run_scoped3A_11 = arith.constant 0 : i32
    "tpu.region"() ({
      %run_scoped3A_149 = tpu.sem_alloc : memref<!tpu.dma_semaphore, #tpu.memory_space<semaphore_mem>>
      %dma_start3A_150 = arith.constant 0 : i32
      %dma_start3A_151 = arith.constant 0 : i32
      %dma_start3A_152 = tpu.memref_slice %arg9[%run_scoped3A_11, %dma_start3A_150, %dma_start3A_151] : memref<2x4x88xi32, #tpu.memory_space<vmem>> -> memref<1x4x88xi32, #tpu.memory_space<vmem>>
      %dma_start3A_153 = tpu.memref_squeeze %dma_start3A_152 : memref<1x4x88xi32, #tpu.memory_space<vmem>> -> memref<4x88xi32, #tpu.memory_space<vmem>>
      %dma_start3A_154 = arith.constant 0 : i32
      %dma_start3A_155 = arith.constant 0 : i32
      %dma_start3A_156 = tpu.memref_slice %arg4[%add3A_7, %dma_start3A_154, %dma_start3A_155] : memref<928x4x88xi32, #tpu.memory_space<hbm>> -> memref<1x4x88xi32, #tpu.memory_space<hbm>>
      %dma_start3A_157 = tpu.memref_squeeze %dma_start3A_156 : memref<1x4x88xi32, #tpu.memory_space<hbm>> -> memref<4x88xi32, #tpu.memory_space<hbm>>
      %dma_start3A_158 = arith.constant 0 : i32
      %dma_start3A_159 = arith.constant 0 : i32
      %dma_start3A_160 = tpu.memref_slice %arg9[%run_scoped3A_11, %dma_start3A_158, %dma_start3A_159] : memref<2x4x88xi32, #tpu.memory_space<vmem>> -> memref<1x4x88xi32, #tpu.memory_space<vmem>>
      %dma_start3A_161 = tpu.memref_squeeze %dma_start3A_160 : memref<1x4x88xi32, #tpu.memory_space<vmem>> -> memref<4x88xi32, #tpu.memory_space<vmem>>
      %dma_start3A_162 = arith.constant 0 : i32
      %dma_start3A_163 = arith.constant 0 : i32
      %dma_start3A_164 = tpu.memref_slice %arg4[%add3A_7, %dma_start3A_162, %dma_start3A_163] : memref<928x4x88xi32, #tpu.memory_space<hbm>> -> memref<1x4x88xi32, #tpu.memory_space<hbm>>
      %dma_start3A_165 = tpu.memref_squeeze %dma_start3A_164 : memref<1x4x88xi32, #tpu.memory_space<hbm>> -> memref<4x88xi32, #tpu.memory_space<hbm>>
      tpu.enqueue_dma source(%dma_start3A_165 : memref<4x88xi32, #tpu.memory_space<hbm>>) target(%dma_start3A_161 : memref<4x88xi32, #tpu.memory_space<vmem>>) target_semaphore(%run_scoped3A_149 : memref<!tpu.dma_semaphore, #tpu.memory_space<semaphore_mem>>)
      %dma_wait3A_166 = arith.constant 0 : i32
      %dma_wait3A_167 = arith.constant 0 : i32
      %dma_wait3A_168 = tpu.memref_slice %arg9[%run_scoped3A_11, %dma_wait3A_166, %dma_wait3A_167] : memref<2x4x88xi32, #tpu.memory_space<vmem>> -> memref<1x4x88xi32, #tpu.memory_space<vmem>>
      %dma_wait3A_169 = tpu.memref_squeeze %dma_wait3A_168 : memref<1x4x88xi32, #tpu.memory_space<vmem>> -> memref<4x88xi32, #tpu.memory_space<vmem>>
      %dma_wait3A_170 = arith.constant 0 : i32
      %dma_wait3A_171 = arith.constant 0 : i32
      %dma_wait3A_172 = tpu.memref_slice %arg4[%add3A_7, %dma_wait3A_170, %dma_wait3A_171] : memref<928x4x88xi32, #tpu.memory_space<hbm>> -> memref<1x4x88xi32, #tpu.memory_space<hbm>>
      %dma_wait3A_173 = tpu.memref_squeeze %dma_wait3A_172 : memref<1x4x88xi32, #tpu.memory_space<hbm>> -> memref<4x88xi32, #tpu.memory_space<hbm>>
      %dma_wait3A_174 = arith.constant 0 : i32
      %dma_wait3A_175 = arith.constant 0 : i32
      %dma_wait3A_176 = tpu.memref_slice %arg9[%run_scoped3A_11, %dma_wait3A_174, %dma_wait3A_175] : memref<2x4x88xi32, #tpu.memory_space<vmem>> -> memref<1x4x88xi32, #tpu.memory_space<vmem>>
      %dma_wait3A_177 = tpu.memref_squeeze %dma_wait3A_176 : memref<1x4x88xi32, #tpu.memory_space<vmem>> -> memref<4x88xi32, #tpu.memory_space<vmem>>
      %dma_wait3A_178 = arith.constant 0 : i32
      %dma_wait3A_179 = arith.constant 0 : i32
      %dma_wait3A_180 = tpu.memref_slice %arg4[%add3A_7, %dma_wait3A_178, %dma_wait3A_179] : memref<928x4x88xi32, #tpu.memory_space<hbm>> -> memref<1x4x88xi32, #tpu.memory_space<hbm>>
      %dma_wait3A_181 = tpu.memref_squeeze %dma_wait3A_180 : memref<1x4x88xi32, #tpu.memory_space<hbm>> -> memref<4x88xi32, #tpu.memory_space<hbm>>
      tpu.wait_dma2 semaphore(%run_scoped3A_149 : memref<!tpu.dma_semaphore, #tpu.memory_space<semaphore_mem>>) src(%dma_wait3A_181 : memref<4x88xi32, #tpu.memory_space<hbm>>) dst(%dma_wait3A_177 : memref<4x88xi32, #tpu.memory_space<vmem>>)
      tpu.yield
    }) : () -> ()
    %dma_start3A = arith.constant 0 : i32
    %dma_start3A_12 = arith.constant 0 : i32
    %dma_start3A_13 = arith.constant 0 : i32
    %dma_start3A_14 = arith.constant 0 : i32
    %dma_start3A_15 = arith.constant 0 : i32
    %dma_start3A_16 = tpu.memref_slice %arg10[%dma_start3A_13, %dma_start3A_14, %dma_start3A_15] : memref<4x88x128xf32, #tpu.memory_space<vmem>> -> memref<1x88x128xf32, #tpu.memory_space<vmem>>
    %dma_start3A_17 = tpu.memref_squeeze %dma_start3A_16 : memref<1x88x128xf32, #tpu.memory_space<vmem>> -> memref<88x128xf32, #tpu.memory_space<vmem>>
    %dma_start3A_18 = arith.constant 0 : i32
    %dma_start3A_19 = tpu.memref_slice %arg8[%dma_start3A, %dma_start3A_12, %dma_start3A_18] : memref<2x4x88xi32, #tpu.memory_space<vmem>> -> memref<1x1x88xi32, #tpu.memory_space<vmem>>
    %dma_start3A_20 = tpu.memref_squeeze %dma_start3A_19 : memref<1x1x88xi32, #tpu.memory_space<vmem>> -> memref<88xi32, #tpu.memory_space<vmem>>
    %dma_start3A_21 = arith.constant 0 : i32
    %dma_start3A_22 = arith.constant 0 : i32
    %dma_start3A_23 = tpu.memref_slice %arg2[%dma_start3A_21, %dma_start3A_22] : memref<40000x128xf32, #tpu.memory_space<hbm>> -> memref<40000x128xf32, #tpu.memory_space<hbm>>
    tpu.enqueue_indirect_dma source(%dma_start3A_23 : memref<40000x128xf32, #tpu.memory_space<hbm>>) target(%dma_start3A_17 : memref<88x128xf32, #tpu.memory_space<vmem>>) offsets(%dma_start3A_20 : memref<88xi32, #tpu.memory_space<vmem>>) semaphore(%arg11 : memref<!tpu.dma_semaphore, #tpu.memory_space<semaphore_mem>>)
    %dma_start3A_24 = arith.constant 0 : i32
    %dma_start3A_25 = arith.constant 1 : i32
    %dma_start3A_26 = arith.constant 1 : i32
    %dma_start3A_27 = arith.constant 0 : i32
    %dma_start3A_28 = arith.constant 0 : i32
    %dma_start3A_29 = tpu.memref_slice %arg10[%dma_start3A_26, %dma_start3A_27, %dma_start3A_28] : memref<4x88x128xf32, #tpu.memory_space<vmem>> -> memref<1x88x128xf32, #tpu.memory_space<vmem>>
    %dma_start3A_30 = tpu.memref_squeeze %dma_start3A_29 : memref<1x88x128xf32, #tpu.memory_space<vmem>> -> memref<88x128xf32, #tpu.memory_space<vmem>>
    %dma_start3A_31 = arith.constant 0 : i32
    %dma_start3A_32 = tpu.memref_slice %arg8[%dma_start3A_24, %dma_start3A_25, %dma_start3A_31] : memref<2x4x88xi32, #tpu.memory_space<vmem>> -> memref<1x1x88xi32, #tpu.memory_space<vmem>>
    %dma_start3A_33 = tpu.memref_squeeze %dma_start3A_32 : memref<1x1x88xi32, #tpu.memory_space<vmem>> -> memref<88xi32, #tpu.memory_space<vmem>>
    %dma_start3A_34 = arith.constant 0 : i32
    %dma_start3A_35 = arith.constant 0 : i32
    %dma_start3A_36 = tpu.memref_slice %arg2[%dma_start3A_34, %dma_start3A_35] : memref<40000x128xf32, #tpu.memory_space<hbm>> -> memref<40000x128xf32, #tpu.memory_space<hbm>>
    tpu.enqueue_indirect_dma source(%dma_start3A_36 : memref<40000x128xf32, #tpu.memory_space<hbm>>) target(%dma_start3A_30 : memref<88x128xf32, #tpu.memory_space<vmem>>) offsets(%dma_start3A_33 : memref<88xi32, #tpu.memory_space<vmem>>) semaphore(%arg12 : memref<!tpu.dma_semaphore, #tpu.memory_space<semaphore_mem>>)
    "tpu.region"() ({
      %run_scoped3A_149 = tpu.sem_alloc : memref<!tpu.dma_semaphore, #tpu.memory_space<semaphore_mem>>
      %dma_start3A_150 = arith.constant 0 : i32
      %dma_start3A_151 = tpu.memref_slice %arg7[%mul3A_3, %dma_start3A_150] : memref<10112x128xf32, #tpu.memory_space<vmem_shared>> -> memref<632x128xf32, #tpu.memory_space<vmem_shared>>
      %dma_start3A_152 = arith.constant 0 : i32
      %dma_start3A_153 = tpu.memref_slice %arg5[%mul3A_3, %dma_start3A_152] : memref<10112x128xf32, #tpu.memory_space<hbm>> -> memref<632x128xf32, #tpu.memory_space<hbm>>
      tpu.enqueue_dma source(%dma_start3A_153 : memref<632x128xf32, #tpu.memory_space<hbm>>) target(%dma_start3A_151 : memref<632x128xf32, #tpu.memory_space<vmem_shared>>) target_semaphore(%run_scoped3A_149 : memref<!tpu.dma_semaphore, #tpu.memory_space<semaphore_mem>>)
      %dma_wait3A_154 = arith.constant 0 : i32
      %dma_wait3A_155 = tpu.memref_slice %arg7[%mul3A_3, %dma_wait3A_154] : memref<10112x128xf32, #tpu.memory_space<vmem_shared>> -> memref<632x128xf32, #tpu.memory_space<vmem_shared>>
      %dma_wait3A_156 = arith.constant 0 : i32
      %dma_wait3A_157 = tpu.memref_slice %arg5[%mul3A_3, %dma_wait3A_156] : memref<10112x128xf32, #tpu.memory_space<hbm>> -> memref<632x128xf32, #tpu.memory_space<hbm>>
      tpu.wait_dma2 semaphore(%run_scoped3A_149 : memref<!tpu.dma_semaphore, #tpu.memory_space<semaphore_mem>>) src(%dma_wait3A_157 : memref<632x128xf32, #tpu.memory_space<hbm>>) dst(%dma_wait3A_155 : memref<632x128xf32, #tpu.memory_space<vmem_shared>>)
      tpu.yield
    }) : () -> ()
    %barrier3A = arith.constant 0 : index
    tpu.barrier barrier_id(%barrier3A)
    %scan3A = arith.constant 0 : i32
    %scan3A_37 = arith.constant 0 : i32
    %scan3A_38 = arith.constant 58 : i32
    %scan3A_39 = arith.addi %scan3A_37, %scan3A_38 : i32
    %scan3A_40 = arith.constant 1 : i32
    scf.for %scan3A_149 = %scan3A_37 to %scan3A_39 step %scan3A_40  : i32 {
      %rem3A = arith.constant 2 : i32
      %rem3A_150 = arith.remsi %scan3A_149, %rem3A : i32
      %add3A_151 = arith.constant 1 : i32
      %add3A_152 = arith.addi %scan3A_149, %add3A_151 : i32
      %rem3A_153 = arith.constant 2 : i32
      %rem3A_154 = arith.remsi %add3A_152, %rem3A_153 : i32
      %add3A_155 = arith.addi %add3A_7, %scan3A_149 : i32
      %add3A_156 = arith.constant 1 : i32
      %add3A_157 = arith.addi %scan3A_149, %add3A_156 : i32
      %lt3A = arith.constant 58 : i32
      %lt3A_158 = arith.cmpi slt, %add3A_157, %lt3A : i32
      %convert_element_type3A = arith.extui %lt3A_158 : i1 to i32
      %cond3A = arith.constant 0 : i32
      %cond3A_159 = arith.cmpi ne, %convert_element_type3A, %cond3A : i32
      scf.if %cond3A_159 {
        %mul3A_327 = arith.constant 928 : i32
        %mul3A_328 = arith.muli %add3A_1, %mul3A_327 : i32
        %add3A_329 = arith.addi %mul3A_328, %add3A_155 : i32
        %add3A_330 = arith.constant 1 : i32
        %add3A_331 = arith.addi %add3A_329, %add3A_330 : i32
        %dma_start3A_332 = arith.constant 0 : i32
        %dma_start3A_333 = arith.constant 0 : i32
        %dma_start3A_334 = tpu.memref_slice %arg8[%rem3A_154, %dma_start3A_332, %dma_start3A_333] : memref<2x4x88xi32, #tpu.memory_space<vmem>> -> memref<1x4x88xi32, #tpu.memory_space<vmem>>
        %dma_start3A_335 = tpu.memref_squeeze %dma_start3A_334 : memref<1x4x88xi32, #tpu.memory_space<vmem>> -> memref<4x88xi32, #tpu.memory_space<vmem>>
        %dma_start3A_336 = arith.constant 0 : i32
        %dma_start3A_337 = arith.constant 0 : i32
        %dma_start3A_338 = tpu.memref_slice %arg3[%add3A_331, %dma_start3A_336, %dma_start3A_337] : memref<3712x4x88xi32, #tpu.memory_space<hbm>> -> memref<1x4x88xi32, #tpu.memory_space<hbm>>
        %dma_start3A_339 = tpu.memref_squeeze %dma_start3A_338 : memref<1x4x88xi32, #tpu.memory_space<hbm>> -> memref<4x88xi32, #tpu.memory_space<hbm>>
        %dma_start3A_340 = arith.constant 0 : i32
        %dma_start3A_341 = arith.constant 0 : i32
        %dma_start3A_342 = tpu.memref_slice %arg8[%rem3A_154, %dma_start3A_340, %dma_start3A_341] : memref<2x4x88xi32, #tpu.memory_space<vmem>> -> memref<1x4x88xi32, #tpu.memory_space<vmem>>
        %dma_start3A_343 = tpu.memref_squeeze %dma_start3A_342 : memref<1x4x88xi32, #tpu.memory_space<vmem>> -> memref<4x88xi32, #tpu.memory_space<vmem>>
        %dma_start3A_344 = arith.constant 0 : i32
        %dma_start3A_345 = arith.constant 0 : i32
        %dma_start3A_346 = tpu.memref_slice %arg3[%add3A_331, %dma_start3A_344, %dma_start3A_345] : memref<3712x4x88xi32, #tpu.memory_space<hbm>> -> memref<1x4x88xi32, #tpu.memory_space<hbm>>
        %dma_start3A_347 = tpu.memref_squeeze %dma_start3A_346 : memref<1x4x88xi32, #tpu.memory_space<hbm>> -> memref<4x88xi32, #tpu.memory_space<hbm>>
        tpu.enqueue_dma source(%dma_start3A_347 : memref<4x88xi32, #tpu.memory_space<hbm>>) target(%dma_start3A_343 : memref<4x88xi32, #tpu.memory_space<vmem>>) target_semaphore(%arg19 : memref<!tpu.dma_semaphore, #tpu.memory_space<semaphore_mem>>)
        %add3A_348 = arith.constant 1 : i32
        %add3A_349 = arith.addi %add3A_155, %add3A_348 : i32
        %dma_start3A_350 = arith.constant 0 : i32
        %dma_start3A_351 = arith.constant 0 : i32
        %dma_start3A_352 = tpu.memref_slice %arg9[%rem3A_154, %dma_start3A_350, %dma_start3A_351] : memref<2x4x88xi32, #tpu.memory_space<vmem>> -> memref<1x4x88xi32, #tpu.memory_space<vmem>>
        %dma_start3A_353 = tpu.memref_squeeze %dma_start3A_352 : memref<1x4x88xi32, #tpu.memory_space<vmem>> -> memref<4x88xi32, #tpu.memory_space<vmem>>
        %dma_start3A_354 = arith.constant 0 : i32
        %dma_start3A_355 = arith.constant 0 : i32
        %dma_start3A_356 = tpu.memref_slice %arg4[%add3A_349, %dma_start3A_354, %dma_start3A_355] : memref<928x4x88xi32, #tpu.memory_space<hbm>> -> memref<1x4x88xi32, #tpu.memory_space<hbm>>
        %dma_start3A_357 = tpu.memref_squeeze %dma_start3A_356 : memref<1x4x88xi32, #tpu.memory_space<hbm>> -> memref<4x88xi32, #tpu.memory_space<hbm>>
        %dma_start3A_358 = arith.constant 0 : i32
        %dma_start3A_359 = arith.constant 0 : i32
        %dma_start3A_360 = tpu.memref_slice %arg9[%rem3A_154, %dma_start3A_358, %dma_start3A_359] : memref<2x4x88xi32, #tpu.memory_space<vmem>> -> memref<1x4x88xi32, #tpu.memory_space<vmem>>
        %dma_start3A_361 = tpu.memref_squeeze %dma_start3A_360 : memref<1x4x88xi32, #tpu.memory_space<vmem>> -> memref<4x88xi32, #tpu.memory_space<vmem>>
        %dma_start3A_362 = arith.constant 0 : i32
        %dma_start3A_363 = arith.constant 0 : i32
        %dma_start3A_364 = tpu.memref_slice %arg4[%add3A_349, %dma_start3A_362, %dma_start3A_363] : memref<928x4x88xi32, #tpu.memory_space<hbm>> -> memref<1x4x88xi32, #tpu.memory_space<hbm>>
        %dma_start3A_365 = tpu.memref_squeeze %dma_start3A_364 : memref<1x4x88xi32, #tpu.memory_space<hbm>> -> memref<4x88xi32, #tpu.memory_space<hbm>>
        tpu.enqueue_dma source(%dma_start3A_365 : memref<4x88xi32, #tpu.memory_space<hbm>>) target(%dma_start3A_361 : memref<4x88xi32, #tpu.memory_space<vmem>>) target_semaphore(%arg19 : memref<!tpu.dma_semaphore, #tpu.memory_space<semaphore_mem>>)
      } else {
      }
      %dma_wait3A_160 = arith.constant 0 : i32
      %dma_wait3A_161 = arith.constant 0 : i32
      %dma_wait3A_162 = arith.constant 0 : i32
      %dma_wait3A_163 = arith.constant 0 : i32
      %dma_wait3A_164 = tpu.memref_slice %arg10[%dma_wait3A_161, %dma_wait3A_162, %dma_wait3A_163] : memref<4x88x128xf32, #tpu.memory_space<vmem>> -> memref<1x88x128xf32, #tpu.memory_space<vmem>>
      %dma_wait3A_165 = tpu.memref_squeeze %dma_wait3A_164 : memref<1x88x128xf32, #tpu.memory_space<vmem>> -> memref<88x128xf32, #tpu.memory_space<vmem>>
      %dma_wait3A_166 = arith.constant 0 : i32
      %dma_wait3A_167 = tpu.memref_slice %arg8[%rem3A_150, %dma_wait3A_160, %dma_wait3A_166] : memref<2x4x88xi32, #tpu.memory_space<vmem>> -> memref<1x1x88xi32, #tpu.memory_space<vmem>>
      %dma_wait3A_168 = tpu.memref_squeeze %dma_wait3A_167 : memref<1x1x88xi32, #tpu.memory_space<vmem>> -> memref<88xi32, #tpu.memory_space<vmem>>
      %dma_wait3A_169 = arith.constant 0 : i32
      %dma_wait3A_170 = arith.constant 0 : i32
      %dma_wait3A_171 = tpu.memref_slice %arg2[%dma_wait3A_169, %dma_wait3A_170] : memref<40000x128xf32, #tpu.memory_space<hbm>> -> memref<40000x128xf32, #tpu.memory_space<hbm>>
      tpu.wait_indirect_dma semaphore(%arg11 : memref<!tpu.dma_semaphore, #tpu.memory_space<semaphore_mem>>) src(%dma_wait3A_171 : memref<40000x128xf32, #tpu.memory_space<hbm>>) dst(%dma_wait3A_165 : memref<88x128xf32, #tpu.memory_space<vmem>>)
      %gt3A = arith.constant 0 : i32
      %gt3A_172 = arith.cmpi sgt, %scan3A_149, %gt3A : i32
      %convert_element_type3A_173 = arith.extui %gt3A_172 : i1 to i32
      %cond3A_174 = arith.constant 0 : i32
      %cond3A_175 = arith.cmpi ne, %convert_element_type3A_173, %cond3A_174 : i32
      scf.if %cond3A_175 {
        %dma_wait3A_327 = arith.constant 2 : i32
        %dma_wait3A_328 = arith.constant 0 : i32
        %dma_wait3A_329 = arith.constant 0 : i32
        %dma_wait3A_330 = arith.constant 0 : i32
        %dma_wait3A_331 = tpu.memref_slice %arg10[%dma_wait3A_327, %dma_wait3A_329, %dma_wait3A_330] : memref<4x88x128xf32, #tpu.memory_space<vmem>> -> memref<1x88x128xf32, #tpu.memory_space<vmem>>
        %dma_wait3A_332 = tpu.memref_squeeze %dma_wait3A_331 : memref<1x88x128xf32, #tpu.memory_space<vmem>> -> memref<88x128xf32, #tpu.memory_space<vmem>>
        %dma_wait3A_333 = arith.constant 0 : i32
        %dma_wait3A_334 = tpu.memref_slice %arg9[%rem3A_150, %dma_wait3A_328, %dma_wait3A_333] : memref<2x4x88xi32, #tpu.memory_space<vmem>> -> memref<1x1x88xi32, #tpu.memory_space<vmem>>
        %dma_wait3A_335 = tpu.memref_squeeze %dma_wait3A_334 : memref<1x1x88xi32, #tpu.memory_space<vmem>> -> memref<88xi32, #tpu.memory_space<vmem>>
        %dma_wait3A_336 = arith.constant 0 : i32
        %dma_wait3A_337 = arith.constant 0 : i32
        %dma_wait3A_338 = tpu.memref_slice %arg7[%dma_wait3A_336, %dma_wait3A_337] : memref<10112x128xf32, #tpu.memory_space<vmem_shared>> -> memref<10112x128xf32, #tpu.memory_space<vmem_shared>>
        tpu.wait_indirect_dma semaphore(%arg17 : memref<!tpu.dma_semaphore, #tpu.memory_space<semaphore_mem>>) src(%dma_wait3A_332 : memref<88x128xf32, #tpu.memory_space<vmem>>) dst(%dma_wait3A_338 : memref<10112x128xf32, #tpu.memory_space<vmem_shared>>)
      } else {
      }
      %dma_start3A_176 = arith.constant 0 : i32
      %dma_start3A_177 = arith.constant 0 : i32
      %dma_start3A_178 = arith.constant 0 : i32
      %dma_start3A_179 = arith.constant 0 : i32
      %dma_start3A_180 = tpu.memref_slice %arg10[%dma_start3A_176, %dma_start3A_178, %dma_start3A_179] : memref<4x88x128xf32, #tpu.memory_space<vmem>> -> memref<1x88x128xf32, #tpu.memory_space<vmem>>
      %dma_start3A_181 = tpu.memref_squeeze %dma_start3A_180 : memref<1x88x128xf32, #tpu.memory_space<vmem>> -> memref<88x128xf32, #tpu.memory_space<vmem>>
      %dma_start3A_182 = arith.constant 0 : i32
      %dma_start3A_183 = tpu.memref_slice %arg9[%rem3A_150, %dma_start3A_177, %dma_start3A_182] : memref<2x4x88xi32, #tpu.memory_space<vmem>> -> memref<1x1x88xi32, #tpu.memory_space<vmem>>
      %dma_start3A_184 = tpu.memref_squeeze %dma_start3A_183 : memref<1x1x88xi32, #tpu.memory_space<vmem>> -> memref<88xi32, #tpu.memory_space<vmem>>
      %dma_start3A_185 = arith.constant 0 : i32
      %dma_start3A_186 = arith.constant 0 : i32
      %dma_start3A_187 = tpu.memref_slice %arg7[%dma_start3A_185, %dma_start3A_186] : memref<10112x128xf32, #tpu.memory_space<vmem_shared>> -> memref<10112x128xf32, #tpu.memory_space<vmem_shared>>
      tpu.enqueue_indirect_dma source(%dma_start3A_181 : memref<88x128xf32, #tpu.memory_space<vmem>>) target(%dma_start3A_187 : memref<10112x128xf32, #tpu.memory_space<vmem_shared>>) offsets(%dma_start3A_184 : memref<88xi32, #tpu.memory_space<vmem>>) semaphore(%arg15 : memref<!tpu.dma_semaphore, #tpu.memory_space<semaphore_mem>>) {add = true}
      %dma_start3A_188 = arith.constant 2 : i32
      %dma_start3A_189 = arith.constant 2 : i32
      %dma_start3A_190 = arith.constant 0 : i32
      %dma_start3A_191 = arith.constant 0 : i32
      %dma_start3A_192 = tpu.memref_slice %arg10[%dma_start3A_189, %dma_start3A_190, %dma_start3A_191] : memref<4x88x128xf32, #tpu.memory_space<vmem>> -> memref<1x88x128xf32, #tpu.memory_space<vmem>>
      %dma_start3A_193 = tpu.memref_squeeze %dma_start3A_192 : memref<1x88x128xf32, #tpu.memory_space<vmem>> -> memref<88x128xf32, #tpu.memory_space<vmem>>
      %dma_start3A_194 = arith.constant 0 : i32
      %dma_start3A_195 = tpu.memref_slice %arg8[%rem3A_150, %dma_start3A_188, %dma_start3A_194] : memref<2x4x88xi32, #tpu.memory_space<vmem>> -> memref<1x1x88xi32, #tpu.memory_space<vmem>>
      %dma_start3A_196 = tpu.memref_squeeze %dma_start3A_195 : memref<1x1x88xi32, #tpu.memory_space<vmem>> -> memref<88xi32, #tpu.memory_space<vmem>>
      %dma_start3A_197 = arith.constant 0 : i32
      %dma_start3A_198 = arith.constant 0 : i32
      %dma_start3A_199 = tpu.memref_slice %arg2[%dma_start3A_197, %dma_start3A_198] : memref<40000x128xf32, #tpu.memory_space<hbm>> -> memref<40000x128xf32, #tpu.memory_space<hbm>>
      tpu.enqueue_indirect_dma source(%dma_start3A_199 : memref<40000x128xf32, #tpu.memory_space<hbm>>) target(%dma_start3A_193 : memref<88x128xf32, #tpu.memory_space<vmem>>) offsets(%dma_start3A_196 : memref<88xi32, #tpu.memory_space<vmem>>) semaphore(%arg13 : memref<!tpu.dma_semaphore, #tpu.memory_space<semaphore_mem>>)
      %dma_wait3A_200 = arith.constant 1 : i32
      %dma_wait3A_201 = arith.constant 1 : i32
      %dma_wait3A_202 = arith.constant 0 : i32
      %dma_wait3A_203 = arith.constant 0 : i32
      %dma_wait3A_204 = tpu.memref_slice %arg10[%dma_wait3A_201, %dma_wait3A_202, %dma_wait3A_203] : memref<4x88x128xf32, #tpu.memory_space<vmem>> -> memref<1x88x128xf32, #tpu.memory_space<vmem>>
      %dma_wait3A_205 = tpu.memref_squeeze %dma_wait3A_204 : memref<1x88x128xf32, #tpu.memory_space<vmem>> -> memref<88x128xf32, #tpu.memory_space<vmem>>
      %dma_wait3A_206 = arith.constant 0 : i32
      %dma_wait3A_207 = tpu.memref_slice %arg8[%rem3A_150, %dma_wait3A_200, %dma_wait3A_206] : memref<2x4x88xi32, #tpu.memory_space<vmem>> -> memref<1x1x88xi32, #tpu.memory_space<vmem>>
      %dma_wait3A_208 = tpu.memref_squeeze %dma_wait3A_207 : memref<1x1x88xi32, #tpu.memory_space<vmem>> -> memref<88xi32, #tpu.memory_space<vmem>>
      %dma_wait3A_209 = arith.constant 0 : i32
      %dma_wait3A_210 = arith.constant 0 : i32
      %dma_wait3A_211 = tpu.memref_slice %arg2[%dma_wait3A_209, %dma_wait3A_210] : memref<40000x128xf32, #tpu.memory_space<hbm>> -> memref<40000x128xf32, #tpu.memory_space<hbm>>
      tpu.wait_indirect_dma semaphore(%arg12 : memref<!tpu.dma_semaphore, #tpu.memory_space<semaphore_mem>>) src(%dma_wait3A_211 : memref<40000x128xf32, #tpu.memory_space<hbm>>) dst(%dma_wait3A_205 : memref<88x128xf32, #tpu.memory_space<vmem>>)
      %gt3A_212 = arith.constant 0 : i32
      %gt3A_213 = arith.cmpi sgt, %scan3A_149, %gt3A_212 : i32
      %convert_element_type3A_214 = arith.extui %gt3A_213 : i1 to i32
      %cond3A_215 = arith.constant 0 : i32
      %cond3A_216 = arith.cmpi ne, %convert_element_type3A_214, %cond3A_215 : i32
      scf.if %cond3A_216 {
        %dma_wait3A_327 = arith.constant 3 : i32
        %dma_wait3A_328 = arith.constant 1 : i32
        %dma_wait3A_329 = arith.constant 0 : i32
        %dma_wait3A_330 = arith.constant 0 : i32
        %dma_wait3A_331 = tpu.memref_slice %arg10[%dma_wait3A_327, %dma_wait3A_329, %dma_wait3A_330] : memref<4x88x128xf32, #tpu.memory_space<vmem>> -> memref<1x88x128xf32, #tpu.memory_space<vmem>>
        %dma_wait3A_332 = tpu.memref_squeeze %dma_wait3A_331 : memref<1x88x128xf32, #tpu.memory_space<vmem>> -> memref<88x128xf32, #tpu.memory_space<vmem>>
        %dma_wait3A_333 = arith.constant 0 : i32
        %dma_wait3A_334 = tpu.memref_slice %arg9[%rem3A_150, %dma_wait3A_328, %dma_wait3A_333] : memref<2x4x88xi32, #tpu.memory_space<vmem>> -> memref<1x1x88xi32, #tpu.memory_space<vmem>>
        %dma_wait3A_335 = tpu.memref_squeeze %dma_wait3A_334 : memref<1x1x88xi32, #tpu.memory_space<vmem>> -> memref<88xi32, #tpu.memory_space<vmem>>
        %dma_wait3A_336 = arith.constant 0 : i32
        %dma_wait3A_337 = arith.constant 0 : i32
        %dma_wait3A_338 = tpu.memref_slice %arg7[%dma_wait3A_336, %dma_wait3A_337] : memref<10112x128xf32, #tpu.memory_space<vmem_shared>> -> memref<10112x128xf32, #tpu.memory_space<vmem_shared>>
        tpu.wait_indirect_dma semaphore(%arg18 : memref<!tpu.dma_semaphore, #tpu.memory_space<semaphore_mem>>) src(%dma_wait3A_332 : memref<88x128xf32, #tpu.memory_space<vmem>>) dst(%dma_wait3A_338 : memref<10112x128xf32, #tpu.memory_space<vmem_shared>>)
      } else {
      }
      %dma_start3A_217 = arith.constant 1 : i32
      %dma_start3A_218 = arith.constant 1 : i32
      %dma_start3A_219 = arith.constant 0 : i32
      %dma_start3A_220 = arith.constant 0 : i32
      %dma_start3A_221 = tpu.memref_slice %arg10[%dma_start3A_217, %dma_start3A_219, %dma_start3A_220] : memref<4x88x128xf32, #tpu.memory_space<vmem>> -> memref<1x88x128xf32, #tpu.memory_space<vmem>>
      %dma_start3A_222 = tpu.memref_squeeze %dma_start3A_221 : memref<1x88x128xf32, #tpu.memory_space<vmem>> -> memref<88x128xf32, #tpu.memory_space<vmem>>
      %dma_start3A_223 = arith.constant 0 : i32
      %dma_start3A_224 = tpu.memref_slice %arg9[%rem3A_150, %dma_start3A_218, %dma_start3A_223] : memref<2x4x88xi32, #tpu.memory_space<vmem>> -> memref<1x1x88xi32, #tpu.memory_space<vmem>>
      %dma_start3A_225 = tpu.memref_squeeze %dma_start3A_224 : memref<1x1x88xi32, #tpu.memory_space<vmem>> -> memref<88xi32, #tpu.memory_space<vmem>>
      %dma_start3A_226 = arith.constant 0 : i32
      %dma_start3A_227 = arith.constant 0 : i32
      %dma_start3A_228 = tpu.memref_slice %arg7[%dma_start3A_226, %dma_start3A_227] : memref<10112x128xf32, #tpu.memory_space<vmem_shared>> -> memref<10112x128xf32, #tpu.memory_space<vmem_shared>>
      tpu.enqueue_indirect_dma source(%dma_start3A_222 : memref<88x128xf32, #tpu.memory_space<vmem>>) target(%dma_start3A_228 : memref<10112x128xf32, #tpu.memory_space<vmem_shared>>) offsets(%dma_start3A_225 : memref<88xi32, #tpu.memory_space<vmem>>) semaphore(%arg16 : memref<!tpu.dma_semaphore, #tpu.memory_space<semaphore_mem>>) {add = true}
      %dma_start3A_229 = arith.constant 3 : i32
      %dma_start3A_230 = arith.constant 3 : i32
      %dma_start3A_231 = arith.constant 0 : i32
      %dma_start3A_232 = arith.constant 0 : i32
      %dma_start3A_233 = tpu.memref_slice %arg10[%dma_start3A_230, %dma_start3A_231, %dma_start3A_232] : memref<4x88x128xf32, #tpu.memory_space<vmem>> -> memref<1x88x128xf32, #tpu.memory_space<vmem>>
      %dma_start3A_234 = tpu.memref_squeeze %dma_start3A_233 : memref<1x88x128xf32, #tpu.memory_space<vmem>> -> memref<88x128xf32, #tpu.memory_space<vmem>>
      %dma_start3A_235 = arith.constant 0 : i32
      %dma_start3A_236 = tpu.memref_slice %arg8[%rem3A_150, %dma_start3A_229, %dma_start3A_235] : memref<2x4x88xi32, #tpu.memory_space<vmem>> -> memref<1x1x88xi32, #tpu.memory_space<vmem>>
      %dma_start3A_237 = tpu.memref_squeeze %dma_start3A_236 : memref<1x1x88xi32, #tpu.memory_space<vmem>> -> memref<88xi32, #tpu.memory_space<vmem>>
      %dma_start3A_238 = arith.constant 0 : i32
      %dma_start3A_239 = arith.constant 0 : i32
      %dma_start3A_240 = tpu.memref_slice %arg2[%dma_start3A_238, %dma_start3A_239] : memref<40000x128xf32, #tpu.memory_space<hbm>> -> memref<40000x128xf32, #tpu.memory_space<hbm>>
      tpu.enqueue_indirect_dma source(%dma_start3A_240 : memref<40000x128xf32, #tpu.memory_space<hbm>>) target(%dma_start3A_234 : memref<88x128xf32, #tpu.memory_space<vmem>>) offsets(%dma_start3A_237 : memref<88xi32, #tpu.memory_space<vmem>>) semaphore(%arg14 : memref<!tpu.dma_semaphore, #tpu.memory_space<semaphore_mem>>)
      %dma_wait3A_241 = arith.constant 2 : i32
      %dma_wait3A_242 = arith.constant 2 : i32
      %dma_wait3A_243 = arith.constant 0 : i32
      %dma_wait3A_244 = arith.constant 0 : i32
      %dma_wait3A_245 = tpu.memref_slice %arg10[%dma_wait3A_242, %dma_wait3A_243, %dma_wait3A_244] : memref<4x88x128xf32, #tpu.memory_space<vmem>> -> memref<1x88x128xf32, #tpu.memory_space<vmem>>
      %dma_wait3A_246 = tpu.memref_squeeze %dma_wait3A_245 : memref<1x88x128xf32, #tpu.memory_space<vmem>> -> memref<88x128xf32, #tpu.memory_space<vmem>>
      %dma_wait3A_247 = arith.constant 0 : i32
      %dma_wait3A_248 = tpu.memref_slice %arg8[%rem3A_150, %dma_wait3A_241, %dma_wait3A_247] : memref<2x4x88xi32, #tpu.memory_space<vmem>> -> memref<1x1x88xi32, #tpu.memory_space<vmem>>
      %dma_wait3A_249 = tpu.memref_squeeze %dma_wait3A_248 : memref<1x1x88xi32, #tpu.memory_space<vmem>> -> memref<88xi32, #tpu.memory_space<vmem>>
      %dma_wait3A_250 = arith.constant 0 : i32
      %dma_wait3A_251 = arith.constant 0 : i32
      %dma_wait3A_252 = tpu.memref_slice %arg2[%dma_wait3A_250, %dma_wait3A_251] : memref<40000x128xf32, #tpu.memory_space<hbm>> -> memref<40000x128xf32, #tpu.memory_space<hbm>>
      tpu.wait_indirect_dma semaphore(%arg13 : memref<!tpu.dma_semaphore, #tpu.memory_space<semaphore_mem>>) src(%dma_wait3A_252 : memref<40000x128xf32, #tpu.memory_space<hbm>>) dst(%dma_wait3A_246 : memref<88x128xf32, #tpu.memory_space<vmem>>)
      %dma_wait3A_253 = arith.constant 0 : i32
      %dma_wait3A_254 = arith.constant 2 : i32
      %dma_wait3A_255 = arith.constant 0 : i32
      %dma_wait3A_256 = arith.constant 0 : i32
      %dma_wait3A_257 = tpu.memref_slice %arg10[%dma_wait3A_253, %dma_wait3A_255, %dma_wait3A_256] : memref<4x88x128xf32, #tpu.memory_space<vmem>> -> memref<1x88x128xf32, #tpu.memory_space<vmem>>
      %dma_wait3A_258 = tpu.memref_squeeze %dma_wait3A_257 : memref<1x88x128xf32, #tpu.memory_space<vmem>> -> memref<88x128xf32, #tpu.memory_space<vmem>>
      %dma_wait3A_259 = arith.constant 0 : i32
      %dma_wait3A_260 = tpu.memref_slice %arg9[%rem3A_150, %dma_wait3A_254, %dma_wait3A_259] : memref<2x4x88xi32, #tpu.memory_space<vmem>> -> memref<1x1x88xi32, #tpu.memory_space<vmem>>
      %dma_wait3A_261 = tpu.memref_squeeze %dma_wait3A_260 : memref<1x1x88xi32, #tpu.memory_space<vmem>> -> memref<88xi32, #tpu.memory_space<vmem>>
      %dma_wait3A_262 = arith.constant 0 : i32
      %dma_wait3A_263 = arith.constant 0 : i32
      %dma_wait3A_264 = tpu.memref_slice %arg7[%dma_wait3A_262, %dma_wait3A_263] : memref<10112x128xf32, #tpu.memory_space<vmem_shared>> -> memref<10112x128xf32, #tpu.memory_space<vmem_shared>>
      tpu.wait_indirect_dma semaphore(%arg15 : memref<!tpu.dma_semaphore, #tpu.memory_space<semaphore_mem>>) src(%dma_wait3A_258 : memref<88x128xf32, #tpu.memory_space<vmem>>) dst(%dma_wait3A_264 : memref<10112x128xf32, #tpu.memory_space<vmem_shared>>)
      %dma_start3A_265 = arith.constant 2 : i32
      %dma_start3A_266 = arith.constant 2 : i32
      %dma_start3A_267 = arith.constant 0 : i32
      %dma_start3A_268 = arith.constant 0 : i32
      %dma_start3A_269 = tpu.memref_slice %arg10[%dma_start3A_265, %dma_start3A_267, %dma_start3A_268] : memref<4x88x128xf32, #tpu.memory_space<vmem>> -> memref<1x88x128xf32, #tpu.memory_space<vmem>>
      %dma_start3A_270 = tpu.memref_squeeze %dma_start3A_269 : memref<1x88x128xf32, #tpu.memory_space<vmem>> -> memref<88x128xf32, #tpu.memory_space<vmem>>
      %dma_start3A_271 = arith.constant 0 : i32
      %dma_start3A_272 = tpu.memref_slice %arg9[%rem3A_150, %dma_start3A_266, %dma_start3A_271] : memref<2x4x88xi32, #tpu.memory_space<vmem>> -> memref<1x1x88xi32, #tpu.memory_space<vmem>>
      %dma_start3A_273 = tpu.memref_squeeze %dma_start3A_272 : memref<1x1x88xi32, #tpu.memory_space<vmem>> -> memref<88xi32, #tpu.memory_space<vmem>>
      %dma_start3A_274 = arith.constant 0 : i32
      %dma_start3A_275 = arith.constant 0 : i32
      %dma_start3A_276 = tpu.memref_slice %arg7[%dma_start3A_274, %dma_start3A_275] : memref<10112x128xf32, #tpu.memory_space<vmem_shared>> -> memref<10112x128xf32, #tpu.memory_space<vmem_shared>>
      tpu.enqueue_indirect_dma source(%dma_start3A_270 : memref<88x128xf32, #tpu.memory_space<vmem>>) target(%dma_start3A_276 : memref<10112x128xf32, #tpu.memory_space<vmem_shared>>) offsets(%dma_start3A_273 : memref<88xi32, #tpu.memory_space<vmem>>) semaphore(%arg17 : memref<!tpu.dma_semaphore, #tpu.memory_space<semaphore_mem>>) {add = true}
      %add3A_277 = arith.constant 1 : i32
      %add3A_278 = arith.addi %scan3A_149, %add3A_277 : i32
      %lt3A_279 = arith.constant 58 : i32
      %lt3A_280 = arith.cmpi slt, %add3A_278, %lt3A_279 : i32
      %convert_element_type3A_281 = arith.extui %lt3A_280 : i1 to i32
      %cond3A_282 = arith.constant 0 : i32
      %cond3A_283 = arith.cmpi ne, %convert_element_type3A_281, %cond3A_282 : i32
      scf.if %cond3A_283 {
        %dma_wait3A_327 = arith.constant 0 : i32
        %dma_wait3A_328 = arith.constant 0 : i32
        %dma_wait3A_329 = arith.constant 0 : i32
        %dma_wait3A_330 = tpu.memref_slice %arg8[%rem3A_154, %dma_wait3A_328, %dma_wait3A_329] : memref<2x4x88xi32, #tpu.memory_space<vmem>> -> memref<1x4x88xi32, #tpu.memory_space<vmem>>
        %dma_wait3A_331 = tpu.memref_squeeze %dma_wait3A_330 : memref<1x4x88xi32, #tpu.memory_space<vmem>> -> memref<4x88xi32, #tpu.memory_space<vmem>>
        %dma_wait3A_332 = arith.constant 0 : i32
        %dma_wait3A_333 = arith.constant 0 : i32
        %dma_wait3A_334 = tpu.memref_slice %arg3[%dma_wait3A_327, %dma_wait3A_332, %dma_wait3A_333] : memref<3712x4x88xi32, #tpu.memory_space<hbm>> -> memref<1x4x88xi32, #tpu.memory_space<hbm>>
        %dma_wait3A_335 = tpu.memref_squeeze %dma_wait3A_334 : memref<1x4x88xi32, #tpu.memory_space<hbm>> -> memref<4x88xi32, #tpu.memory_space<hbm>>
        %dma_wait3A_336 = arith.constant 0 : i32
        %dma_wait3A_337 = arith.constant 0 : i32
        %dma_wait3A_338 = tpu.memref_slice %arg8[%rem3A_154, %dma_wait3A_336, %dma_wait3A_337] : memref<2x4x88xi32, #tpu.memory_space<vmem>> -> memref<1x4x88xi32, #tpu.memory_space<vmem>>
        %dma_wait3A_339 = tpu.memref_squeeze %dma_wait3A_338 : memref<1x4x88xi32, #tpu.memory_space<vmem>> -> memref<4x88xi32, #tpu.memory_space<vmem>>
        %dma_wait3A_340 = arith.constant 0 : i32
        %dma_wait3A_341 = arith.constant 0 : i32
        %dma_wait3A_342 = tpu.memref_slice %arg3[%dma_wait3A_327, %dma_wait3A_340, %dma_wait3A_341] : memref<3712x4x88xi32, #tpu.memory_space<hbm>> -> memref<1x4x88xi32, #tpu.memory_space<hbm>>
        %dma_wait3A_343 = tpu.memref_squeeze %dma_wait3A_342 : memref<1x4x88xi32, #tpu.memory_space<hbm>> -> memref<4x88xi32, #tpu.memory_space<hbm>>
        tpu.wait_dma2 semaphore(%arg19 : memref<!tpu.dma_semaphore, #tpu.memory_space<semaphore_mem>>) src(%dma_wait3A_343 : memref<4x88xi32, #tpu.memory_space<hbm>>) dst(%dma_wait3A_339 : memref<4x88xi32, #tpu.memory_space<vmem>>)
        %dma_wait3A_344 = arith.constant 0 : i32
        %dma_wait3A_345 = arith.constant 0 : i32
        %dma_wait3A_346 = arith.constant 0 : i32
        %dma_wait3A_347 = tpu.memref_slice %arg9[%rem3A_154, %dma_wait3A_345, %dma_wait3A_346] : memref<2x4x88xi32, #tpu.memory_space<vmem>> -> memref<1x4x88xi32, #tpu.memory_space<vmem>>
        %dma_wait3A_348 = tpu.memref_squeeze %dma_wait3A_347 : memref<1x4x88xi32, #tpu.memory_space<vmem>> -> memref<4x88xi32, #tpu.memory_space<vmem>>
        %dma_wait3A_349 = arith.constant 0 : i32
        %dma_wait3A_350 = arith.constant 0 : i32
        %dma_wait3A_351 = tpu.memref_slice %arg4[%dma_wait3A_344, %dma_wait3A_349, %dma_wait3A_350] : memref<928x4x88xi32, #tpu.memory_space<hbm>> -> memref<1x4x88xi32, #tpu.memory_space<hbm>>
        %dma_wait3A_352 = tpu.memref_squeeze %dma_wait3A_351 : memref<1x4x88xi32, #tpu.memory_space<hbm>> -> memref<4x88xi32, #tpu.memory_space<hbm>>
        %dma_wait3A_353 = arith.constant 0 : i32
        %dma_wait3A_354 = arith.constant 0 : i32
        %dma_wait3A_355 = tpu.memref_slice %arg9[%rem3A_154, %dma_wait3A_353, %dma_wait3A_354] : memref<2x4x88xi32, #tpu.memory_space<vmem>> -> memref<1x4x88xi32, #tpu.memory_space<vmem>>
        %dma_wait3A_356 = tpu.memref_squeeze %dma_wait3A_355 : memref<1x4x88xi32, #tpu.memory_space<vmem>> -> memref<4x88xi32, #tpu.memory_space<vmem>>
        %dma_wait3A_357 = arith.constant 0 : i32
        %dma_wait3A_358 = arith.constant 0 : i32
        %dma_wait3A_359 = tpu.memref_slice %arg4[%dma_wait3A_344, %dma_wait3A_357, %dma_wait3A_358] : memref<928x4x88xi32, #tpu.memory_space<hbm>> -> memref<1x4x88xi32, #tpu.memory_space<hbm>>
        %dma_wait3A_360 = tpu.memref_squeeze %dma_wait3A_359 : memref<1x4x88xi32, #tpu.memory_space<hbm>> -> memref<4x88xi32, #tpu.memory_space<hbm>>
        tpu.wait_dma2 semaphore(%arg19 : memref<!tpu.dma_semaphore, #tpu.memory_space<semaphore_mem>>) src(%dma_wait3A_360 : memref<4x88xi32, #tpu.memory_space<hbm>>) dst(%dma_wait3A_356 : memref<4x88xi32, #tpu.memory_space<vmem>>)
        %dma_start3A_361 = arith.constant 0 : i32
        %dma_start3A_362 = arith.constant 0 : i32
        %dma_start3A_363 = arith.constant 0 : i32
        %dma_start3A_364 = arith.constant 0 : i32
        %dma_start3A_365 = tpu.memref_slice %arg10[%dma_start3A_362, %dma_start3A_363, %dma_start3A_364] : memref<4x88x128xf32, #tpu.memory_space<vmem>> -> memref<1x88x128xf32, #tpu.memory_space<vmem>>
        %dma_start3A_366 = tpu.memref_squeeze %dma_start3A_365 : memref<1x88x128xf32, #tpu.memory_space<vmem>> -> memref<88x128xf32, #tpu.memory_space<vmem>>
        %dma_start3A_367 = arith.constant 0 : i32
        %dma_start3A_368 = tpu.memref_slice %arg8[%rem3A_154, %dma_start3A_361, %dma_start3A_367] : memref<2x4x88xi32, #tpu.memory_space<vmem>> -> memref<1x1x88xi32, #tpu.memory_space<vmem>>
        %dma_start3A_369 = tpu.memref_squeeze %dma_start3A_368 : memref<1x1x88xi32, #tpu.memory_space<vmem>> -> memref<88xi32, #tpu.memory_space<vmem>>
        %dma_start3A_370 = arith.constant 0 : i32
        %dma_start3A_371 = arith.constant 0 : i32
        %dma_start3A_372 = tpu.memref_slice %arg2[%dma_start3A_370, %dma_start3A_371] : memref<40000x128xf32, #tpu.memory_space<hbm>> -> memref<40000x128xf32, #tpu.memory_space<hbm>>
        tpu.enqueue_indirect_dma source(%dma_start3A_372 : memref<40000x128xf32, #tpu.memory_space<hbm>>) target(%dma_start3A_366 : memref<88x128xf32, #tpu.memory_space<vmem>>) offsets(%dma_start3A_369 : memref<88xi32, #tpu.memory_space<vmem>>) semaphore(%arg11 : memref<!tpu.dma_semaphore, #tpu.memory_space<semaphore_mem>>)
      } else {
      }
      %dma_wait3A_284 = arith.constant 3 : i32
      %dma_wait3A_285 = arith.constant 3 : i32
      %dma_wait3A_286 = arith.constant 0 : i32
      %dma_wait3A_287 = arith.constant 0 : i32
      %dma_wait3A_288 = tpu.memref_slice %arg10[%dma_wait3A_285, %dma_wait3A_286, %dma_wait3A_287] : memref<4x88x128xf32, #tpu.memory_space<vmem>> -> memref<1x88x128xf32, #tpu.memory_space<vmem>>
      %dma_wait3A_289 = tpu.memref_squeeze %dma_wait3A_288 : memref<1x88x128xf32, #tpu.memory_space<vmem>> -> memref<88x128xf32, #tpu.memory_space<vmem>>
      %dma_wait3A_290 = arith.constant 0 : i32
      %dma_wait3A_291 = tpu.memref_slice %arg8[%rem3A_150, %dma_wait3A_284, %dma_wait3A_290] : memref<2x4x88xi32, #tpu.memory_space<vmem>> -> memref<1x1x88xi32, #tpu.memory_space<vmem>>
      %dma_wait3A_292 = tpu.memref_squeeze %dma_wait3A_291 : memref<1x1x88xi32, #tpu.memory_space<vmem>> -> memref<88xi32, #tpu.memory_space<vmem>>
      %dma_wait3A_293 = arith.constant 0 : i32
      %dma_wait3A_294 = arith.constant 0 : i32
      %dma_wait3A_295 = tpu.memref_slice %arg2[%dma_wait3A_293, %dma_wait3A_294] : memref<40000x128xf32, #tpu.memory_space<hbm>> -> memref<40000x128xf32, #tpu.memory_space<hbm>>
      tpu.wait_indirect_dma semaphore(%arg14 : memref<!tpu.dma_semaphore, #tpu.memory_space<semaphore_mem>>) src(%dma_wait3A_295 : memref<40000x128xf32, #tpu.memory_space<hbm>>) dst(%dma_wait3A_289 : memref<88x128xf32, #tpu.memory_space<vmem>>)
      %dma_wait3A_296 = arith.constant 1 : i32
      %dma_wait3A_297 = arith.constant 3 : i32
      %dma_wait3A_298 = arith.constant 0 : i32
      %dma_wait3A_299 = arith.constant 0 : i32
      %dma_wait3A_300 = tpu.memref_slice %arg10[%dma_wait3A_296, %dma_wait3A_298, %dma_wait3A_299] : memref<4x88x128xf32, #tpu.memory_space<vmem>> -> memref<1x88x128xf32, #tpu.memory_space<vmem>>
      %dma_wait3A_301 = tpu.memref_squeeze %dma_wait3A_300 : memref<1x88x128xf32, #tpu.memory_space<vmem>> -> memref<88x128xf32, #tpu.memory_space<vmem>>
      %dma_wait3A_302 = arith.constant 0 : i32
      %dma_wait3A_303 = tpu.memref_slice %arg9[%rem3A_150, %dma_wait3A_297, %dma_wait3A_302] : memref<2x4x88xi32, #tpu.memory_space<vmem>> -> memref<1x1x88xi32, #tpu.memory_space<vmem>>
      %dma_wait3A_304 = tpu.memref_squeeze %dma_wait3A_303 : memref<1x1x88xi32, #tpu.memory_space<vmem>> -> memref<88xi32, #tpu.memory_space<vmem>>
      %dma_wait3A_305 = arith.constant 0 : i32
      %dma_wait3A_306 = arith.constant 0 : i32
      %dma_wait3A_307 = tpu.memref_slice %arg7[%dma_wait3A_305, %dma_wait3A_306] : memref<10112x128xf32, #tpu.memory_space<vmem_shared>> -> memref<10112x128xf32, #tpu.memory_space<vmem_shared>>
      tpu.wait_indirect_dma semaphore(%arg16 : memref<!tpu.dma_semaphore, #tpu.memory_space<semaphore_mem>>) src(%dma_wait3A_301 : memref<88x128xf32, #tpu.memory_space<vmem>>) dst(%dma_wait3A_307 : memref<10112x128xf32, #tpu.memory_space<vmem_shared>>)
      %dma_start3A_308 = arith.constant 3 : i32
      %dma_start3A_309 = arith.constant 3 : i32
      %dma_start3A_310 = arith.constant 0 : i32
      %dma_start3A_311 = arith.constant 0 : i32
      %dma_start3A_312 = tpu.memref_slice %arg10[%dma_start3A_308, %dma_start3A_310, %dma_start3A_311] : memref<4x88x128xf32, #tpu.memory_space<vmem>> -> memref<1x88x128xf32, #tpu.memory_space<vmem>>
      %dma_start3A_313 = tpu.memref_squeeze %dma_start3A_312 : memref<1x88x128xf32, #tpu.memory_space<vmem>> -> memref<88x128xf32, #tpu.memory_space<vmem>>
      %dma_start3A_314 = arith.constant 0 : i32
      %dma_start3A_315 = tpu.memref_slice %arg9[%rem3A_150, %dma_start3A_309, %dma_start3A_314] : memref<2x4x88xi32, #tpu.memory_space<vmem>> -> memref<1x1x88xi32, #tpu.memory_space<vmem>>
      %dma_start3A_316 = tpu.memref_squeeze %dma_start3A_315 : memref<1x1x88xi32, #tpu.memory_space<vmem>> -> memref<88xi32, #tpu.memory_space<vmem>>
      %dma_start3A_317 = arith.constant 0 : i32
      %dma_start3A_318 = arith.constant 0 : i32
      %dma_start3A_319 = tpu.memref_slice %arg7[%dma_start3A_317, %dma_start3A_318] : memref<10112x128xf32, #tpu.memory_space<vmem_shared>> -> memref<10112x128xf32, #tpu.memory_space<vmem_shared>>
      tpu.enqueue_indirect_dma source(%dma_start3A_313 : memref<88x128xf32, #tpu.memory_space<vmem>>) target(%dma_start3A_319 : memref<10112x128xf32, #tpu.memory_space<vmem_shared>>) offsets(%dma_start3A_316 : memref<88xi32, #tpu.memory_space<vmem>>) semaphore(%arg18 : memref<!tpu.dma_semaphore, #tpu.memory_space<semaphore_mem>>) {add = true}
      %add3A_320 = arith.constant 1 : i32
      %add3A_321 = arith.addi %scan3A_149, %add3A_320 : i32
      %lt3A_322 = arith.constant 58 : i32
      %lt3A_323 = arith.cmpi slt, %add3A_321, %lt3A_322 : i32
      %convert_element_type3A_324 = arith.extui %lt3A_323 : i1 to i32
      %cond3A_325 = arith.constant 0 : i32
      %cond3A_326 = arith.cmpi ne, %convert_element_type3A_324, %cond3A_325 : i32
      scf.if %cond3A_326 {
        %dma_start3A_327 = arith.constant 1 : i32
        %dma_start3A_328 = arith.constant 1 : i32
        %dma_start3A_329 = arith.constant 0 : i32
        %dma_start3A_330 = arith.constant 0 : i32
        %dma_start3A_331 = tpu.memref_slice %arg10[%dma_start3A_328, %dma_start3A_329, %dma_start3A_330] : memref<4x88x128xf32, #tpu.memory_space<vmem>> -> memref<1x88x128xf32, #tpu.memory_space<vmem>>
        %dma_start3A_332 = tpu.memref_squeeze %dma_start3A_331 : memref<1x88x128xf32, #tpu.memory_space<vmem>> -> memref<88x128xf32, #tpu.memory_space<vmem>>
        %dma_start3A_333 = arith.constant 0 : i32
        %dma_start3A_334 = tpu.memref_slice %arg8[%rem3A_154, %dma_start3A_327, %dma_start3A_333] : memref<2x4x88xi32, #tpu.memory_space<vmem>> -> memref<1x1x88xi32, #tpu.memory_space<vmem>>
        %dma_start3A_335 = tpu.memref_squeeze %dma_start3A_334 : memref<1x1x88xi32, #tpu.memory_space<vmem>> -> memref<88xi32, #tpu.memory_space<vmem>>
        %dma_start3A_336 = arith.constant 0 : i32
        %dma_start3A_337 = arith.constant 0 : i32
        %dma_start3A_338 = tpu.memref_slice %arg2[%dma_start3A_336, %dma_start3A_337] : memref<40000x128xf32, #tpu.memory_space<hbm>> -> memref<40000x128xf32, #tpu.memory_space<hbm>>
        tpu.enqueue_indirect_dma source(%dma_start3A_338 : memref<40000x128xf32, #tpu.memory_space<hbm>>) target(%dma_start3A_332 : memref<88x128xf32, #tpu.memory_space<vmem>>) offsets(%dma_start3A_335 : memref<88xi32, #tpu.memory_space<vmem>>) semaphore(%arg12 : memref<!tpu.dma_semaphore, #tpu.memory_space<semaphore_mem>>)
      } else {
      }
    }
    %scan3A_41 = arith.constant 58 : i32
    %dma_wait3A = arith.constant 2 : i32
    %dma_wait3A_42 = arith.constant 0 : i32
    %dma_wait3A_43 = arith.constant 0 : i32
    %dma_wait3A_44 = arith.constant 0 : i32
    %dma_wait3A_45 = arith.constant 0 : i32
    %dma_wait3A_46 = tpu.memref_slice %arg10[%dma_wait3A, %dma_wait3A_44, %dma_wait3A_45] : memref<4x88x128xf32, #tpu.memory_space<vmem>> -> memref<1x88x128xf32, #tpu.memory_space<vmem>>
    %dma_wait3A_47 = tpu.memref_squeeze %dma_wait3A_46 : memref<1x88x128xf32, #tpu.memory_space<vmem>> -> memref<88x128xf32, #tpu.memory_space<vmem>>
    %dma_wait3A_48 = arith.constant 0 : i32
    %dma_wait3A_49 = tpu.memref_slice %arg9[%dma_wait3A_42, %dma_wait3A_43, %dma_wait3A_48] : memref<2x4x88xi32, #tpu.memory_space<vmem>> -> memref<1x1x88xi32, #tpu.memory_space<vmem>>
    %dma_wait3A_50 = tpu.memref_squeeze %dma_wait3A_49 : memref<1x1x88xi32, #tpu.memory_space<vmem>> -> memref<88xi32, #tpu.memory_space<vmem>>
    %dma_wait3A_51 = arith.constant 0 : i32
    %dma_wait3A_52 = arith.constant 0 : i32
    %dma_wait3A_53 = tpu.memref_slice %arg7[%dma_wait3A_51, %dma_wait3A_52] : memref<10112x128xf32, #tpu.memory_space<vmem_shared>> -> memref<10112x128xf32, #tpu.memory_space<vmem_shared>>
    tpu.wait_indirect_dma semaphore(%arg17 : memref<!tpu.dma_semaphore, #tpu.memory_space<semaphore_mem>>) src(%dma_wait3A_47 : memref<88x128xf32, #tpu.memory_space<vmem>>) dst(%dma_wait3A_53 : memref<10112x128xf32, #tpu.memory_space<vmem_shared>>)
    %dma_wait3A_54 = arith.constant 3 : i32
    %dma_wait3A_55 = arith.constant 0 : i32
    %dma_wait3A_56 = arith.constant 0 : i32
    %dma_wait3A_57 = arith.constant 0 : i32
    %dma_wait3A_58 = arith.constant 0 : i32
    %dma_wait3A_59 = tpu.memref_slice %arg10[%dma_wait3A_54, %dma_wait3A_57, %dma_wait3A_58] : memref<4x88x128xf32, #tpu.memory_space<vmem>> -> memref<1x88x128xf32, #tpu.memory_space<vmem>>
    %dma_wait3A_60 = tpu.memref_squeeze %dma_wait3A_59 : memref<1x88x128xf32, #tpu.memory_space<vmem>> -> memref<88x128xf32, #tpu.memory_space<vmem>>
    %dma_wait3A_61 = arith.constant 0 : i32
    %dma_wait3A_62 = tpu.memref_slice %arg9[%dma_wait3A_55, %dma_wait3A_56, %dma_wait3A_61] : memref<2x4x88xi32, #tpu.memory_space<vmem>> -> memref<1x1x88xi32, #tpu.memory_space<vmem>>
    %dma_wait3A_63 = tpu.memref_squeeze %dma_wait3A_62 : memref<1x1x88xi32, #tpu.memory_space<vmem>> -> memref<88xi32, #tpu.memory_space<vmem>>
    %dma_wait3A_64 = arith.constant 0 : i32
    %dma_wait3A_65 = arith.constant 0 : i32
    %dma_wait3A_66 = tpu.memref_slice %arg7[%dma_wait3A_64, %dma_wait3A_65] : memref<10112x128xf32, #tpu.memory_space<vmem_shared>> -> memref<10112x128xf32, #tpu.memory_space<vmem_shared>>
    tpu.wait_indirect_dma semaphore(%arg18 : memref<!tpu.dma_semaphore, #tpu.memory_space<semaphore_mem>>) src(%dma_wait3A_60 : memref<88x128xf32, #tpu.memory_space<vmem>>) dst(%dma_wait3A_66 : memref<10112x128xf32, #tpu.memory_space<vmem_shared>>)
    %barrier3A_67 = arith.constant 0 : index
    tpu.barrier barrier_id(%barrier3A_67)
    %mul3A_68 = arith.constant 128 : i32
    %mul3A_69 = arith.muli %add3A_1, %mul3A_68 : i32
    "tpu.region"() ({
      %run_scoped3A_149 = tpu.sem_alloc : memref<!tpu.dma_semaphore, #tpu.memory_space<semaphore_mem>>
      %dma_start3A_150 = tpu.memref_slice %arg6[%mul3A_3, %mul3A_69] : memref<10112x512xf32, #tpu.memory_space<hbm>> -> memref<632x128xf32, #tpu.memory_space<hbm>>
      %dma_start3A_151 = arith.constant 0 : i32
      %dma_start3A_152 = tpu.memref_slice %arg7[%mul3A_3, %dma_start3A_151] : memref<10112x128xf32, #tpu.memory_space<vmem_shared>> -> memref<632x128xf32, #tpu.memory_space<vmem_shared>>
      tpu.enqueue_dma source(%dma_start3A_152 : memref<632x128xf32, #tpu.memory_space<vmem_shared>>) target(%dma_start3A_150 : memref<632x128xf32, #tpu.memory_space<hbm>>) target_semaphore(%run_scoped3A_149 : memref<!tpu.dma_semaphore, #tpu.memory_space<semaphore_mem>>)
      %dma_wait3A_153 = tpu.memref_slice %arg6[%mul3A_3, %mul3A_69] : memref<10112x512xf32, #tpu.memory_space<hbm>> -> memref<632x128xf32, #tpu.memory_space<hbm>>
      %dma_wait3A_154 = arith.constant 0 : i32
      %dma_wait3A_155 = tpu.memref_slice %arg7[%mul3A_3, %dma_wait3A_154] : memref<10112x128xf32, #tpu.memory_space<vmem_shared>> -> memref<632x128xf32, #tpu.memory_space<vmem_shared>>
      tpu.wait_dma2 semaphore(%run_scoped3A_149 : memref<!tpu.dma_semaphore, #tpu.memory_space<semaphore_mem>>) src(%dma_wait3A_155 : memref<632x128xf32, #tpu.memory_space<vmem_shared>>) dst(%dma_wait3A_153 : memref<632x128xf32, #tpu.memory_space<hbm>>)
      tpu.yield
    }) : () -> ()
    %barrier3A_70 = arith.constant 0 : index
    tpu.barrier barrier_id(%barrier3A_70)
    %mul3A_71 = arith.constant 2 : i32
    %mul3A_72 = arith.muli %arg0, %mul3A_71 : i32
    %add3A_73 = arith.constant 1 : i32
    %add3A_74 = arith.addi %mul3A_72, %add3A_73 : i32
    %mul3A_75 = arith.constant 632 : i32
    %mul3A_76 = arith.muli %arg1, %mul3A_75 : i32
    %mul3A_77 = arith.constant 58 : i32
    %mul3A_78 = arith.muli %arg1, %mul3A_77 : i32
    %add3A_79 = arith.constant 0 : i32
    %add3A_80 = arith.addi %add3A_79, %mul3A_78 : i32
    %mul3A_81 = arith.constant 928 : i32
    %mul3A_82 = arith.muli %add3A_74, %mul3A_81 : i32
    %add3A_83 = arith.addi %mul3A_82, %add3A_80 : i32
    %run_scoped3A_84 = arith.constant 0 : i32
    "tpu.region"() ({
      %run_scoped3A_149 = tpu.sem_alloc : memref<!tpu.dma_semaphore, #tpu.memory_space<semaphore_mem>>
      %dma_start3A_150 = arith.constant 0 : i32
      %dma_start3A_151 = arith.constant 0 : i32
      %dma_start3A_152 = tpu.memref_slice %arg8[%run_scoped3A_84, %dma_start3A_150, %dma_start3A_151] : memref<2x4x88xi32, #tpu.memory_space<vmem>> -> memref<1x4x88xi32, #tpu.memory_space<vmem>>
      %dma_start3A_153 = tpu.memref_squeeze %dma_start3A_152 : memref<1x4x88xi32, #tpu.memory_space<vmem>> -> memref<4x88xi32, #tpu.memory_space<vmem>>
      %dma_start3A_154 = arith.constant 0 : i32
      %dma_start3A_155 = arith.constant 0 : i32
      %dma_start3A_156 = tpu.memref_slice %arg3[%add3A_83, %dma_start3A_154, %dma_start3A_155] : memref<3712x4x88xi32, #tpu.memory_space<hbm>> -> memref<1x4x88xi32, #tpu.memory_space<hbm>>
      %dma_start3A_157 = tpu.memref_squeeze %dma_start3A_156 : memref<1x4x88xi32, #tpu.memory_space<hbm>> -> memref<4x88xi32, #tpu.memory_space<hbm>>
      %dma_start3A_158 = arith.constant 0 : i32
      %dma_start3A_159 = arith.constant 0 : i32
      %dma_start3A_160 = tpu.memref_slice %arg8[%run_scoped3A_84, %dma_start3A_158, %dma_start3A_159] : memref<2x4x88xi32, #tpu.memory_space<vmem>> -> memref<1x4x88xi32, #tpu.memory_space<vmem>>
      %dma_start3A_161 = tpu.memref_squeeze %dma_start3A_160 : memref<1x4x88xi32, #tpu.memory_space<vmem>> -> memref<4x88xi32, #tpu.memory_space<vmem>>
      %dma_start3A_162 = arith.constant 0 : i32
      %dma_start3A_163 = arith.constant 0 : i32
      %dma_start3A_164 = tpu.memref_slice %arg3[%add3A_83, %dma_start3A_162, %dma_start3A_163] : memref<3712x4x88xi32, #tpu.memory_space<hbm>> -> memref<1x4x88xi32, #tpu.memory_space<hbm>>
      %dma_start3A_165 = tpu.memref_squeeze %dma_start3A_164 : memref<1x4x88xi32, #tpu.memory_space<hbm>> -> memref<4x88xi32, #tpu.memory_space<hbm>>
      tpu.enqueue_dma source(%dma_start3A_165 : memref<4x88xi32, #tpu.memory_space<hbm>>) target(%dma_start3A_161 : memref<4x88xi32, #tpu.memory_space<vmem>>) target_semaphore(%run_scoped3A_149 : memref<!tpu.dma_semaphore, #tpu.memory_space<semaphore_mem>>)
      %dma_wait3A_166 = arith.constant 0 : i32
      %dma_wait3A_167 = arith.constant 0 : i32
      %dma_wait3A_168 = tpu.memref_slice %arg8[%run_scoped3A_84, %dma_wait3A_166, %dma_wait3A_167] : memref<2x4x88xi32, #tpu.memory_space<vmem>> -> memref<1x4x88xi32, #tpu.memory_space<vmem>>
      %dma_wait3A_169 = tpu.memref_squeeze %dma_wait3A_168 : memref<1x4x88xi32, #tpu.memory_space<vmem>> -> memref<4x88xi32, #tpu.memory_space<vmem>>
      %dma_wait3A_170 = arith.constant 0 : i32
      %dma_wait3A_171 = arith.constant 0 : i32
      %dma_wait3A_172 = tpu.memref_slice %arg3[%add3A_83, %dma_wait3A_170, %dma_wait3A_171] : memref<3712x4x88xi32, #tpu.memory_space<hbm>> -> memref<1x4x88xi32, #tpu.memory_space<hbm>>
      %dma_wait3A_173 = tpu.memref_squeeze %dma_wait3A_172 : memref<1x4x88xi32, #tpu.memory_space<hbm>> -> memref<4x88xi32, #tpu.memory_space<hbm>>
      %dma_wait3A_174 = arith.constant 0 : i32
      %dma_wait3A_175 = arith.constant 0 : i32
      %dma_wait3A_176 = tpu.memref_slice %arg8[%run_scoped3A_84, %dma_wait3A_174, %dma_wait3A_175] : memref<2x4x88xi32, #tpu.memory_space<vmem>> -> memref<1x4x88xi32, #tpu.memory_space<vmem>>
      %dma_wait3A_177 = tpu.memref_squeeze %dma_wait3A_176 : memref<1x4x88xi32, #tpu.memory_space<vmem>> -> memref<4x88xi32, #tpu.memory_space<vmem>>
      %dma_wait3A_178 = arith.constant 0 : i32
      %dma_wait3A_179 = arith.constant 0 : i32
      %dma_wait3A_180 = tpu.memref_slice %arg3[%add3A_83, %dma_wait3A_178, %dma_wait3A_179] : memref<3712x4x88xi32, #tpu.memory_space<hbm>> -> memref<1x4x88xi32, #tpu.memory_space<hbm>>
      %dma_wait3A_181 = tpu.memref_squeeze %dma_wait3A_180 : memref<1x4x88xi32, #tpu.memory_space<hbm>> -> memref<4x88xi32, #tpu.memory_space<hbm>>
      tpu.wait_dma2 semaphore(%run_scoped3A_149 : memref<!tpu.dma_semaphore, #tpu.memory_space<semaphore_mem>>) src(%dma_wait3A_181 : memref<4x88xi32, #tpu.memory_space<hbm>>) dst(%dma_wait3A_177 : memref<4x88xi32, #tpu.memory_space<vmem>>)
      tpu.yield
    }) : () -> ()
    %run_scoped3A_85 = arith.constant 0 : i32
    "tpu.region"() ({
      %run_scoped3A_149 = tpu.sem_alloc : memref<!tpu.dma_semaphore, #tpu.memory_space<semaphore_mem>>
      %dma_start3A_150 = arith.constant 0 : i32
      %dma_start3A_151 = arith.constant 0 : i32
      %dma_start3A_152 = tpu.memref_slice %arg9[%run_scoped3A_85, %dma_start3A_150, %dma_start3A_151] : memref<2x4x88xi32, #tpu.memory_space<vmem>> -> memref<1x4x88xi32, #tpu.memory_space<vmem>>
      %dma_start3A_153 = tpu.memref_squeeze %dma_start3A_152 : memref<1x4x88xi32, #tpu.memory_space<vmem>> -> memref<4x88xi32, #tpu.memory_space<vmem>>
      %dma_start3A_154 = arith.constant 0 : i32
      %dma_start3A_155 = arith.constant 0 : i32
      %dma_start3A_156 = tpu.memref_slice %arg4[%add3A_80, %dma_start3A_154, %dma_start3A_155] : memref<928x4x88xi32, #tpu.memory_space<hbm>> -> memref<1x4x88xi32, #tpu.memory_space<hbm>>
      %dma_start3A_157 = tpu.memref_squeeze %dma_start3A_156 : memref<1x4x88xi32, #tpu.memory_space<hbm>> -> memref<4x88xi32, #tpu.memory_space<hbm>>
      %dma_start3A_158 = arith.constant 0 : i32
      %dma_start3A_159 = arith.constant 0 : i32
      %dma_start3A_160 = tpu.memref_slice %arg9[%run_scoped3A_85, %dma_start3A_158, %dma_start3A_159] : memref<2x4x88xi32, #tpu.memory_space<vmem>> -> memref<1x4x88xi32, #tpu.memory_space<vmem>>
      %dma_start3A_161 = tpu.memref_squeeze %dma_start3A_160 : memref<1x4x88xi32, #tpu.memory_space<vmem>> -> memref<4x88xi32, #tpu.memory_space<vmem>>
      %dma_start3A_162 = arith.constant 0 : i32
      %dma_start3A_163 = arith.constant 0 : i32
      %dma_start3A_164 = tpu.memref_slice %arg4[%add3A_80, %dma_start3A_162, %dma_start3A_163] : memref<928x4x88xi32, #tpu.memory_space<hbm>> -> memref<1x4x88xi32, #tpu.memory_space<hbm>>
      %dma_start3A_165 = tpu.memref_squeeze %dma_start3A_164 : memref<1x4x88xi32, #tpu.memory_space<hbm>> -> memref<4x88xi32, #tpu.memory_space<hbm>>
      tpu.enqueue_dma source(%dma_start3A_165 : memref<4x88xi32, #tpu.memory_space<hbm>>) target(%dma_start3A_161 : memref<4x88xi32, #tpu.memory_space<vmem>>) target_semaphore(%run_scoped3A_149 : memref<!tpu.dma_semaphore, #tpu.memory_space<semaphore_mem>>)
      %dma_wait3A_166 = arith.constant 0 : i32
      %dma_wait3A_167 = arith.constant 0 : i32
      %dma_wait3A_168 = tpu.memref_slice %arg9[%run_scoped3A_85, %dma_wait3A_166, %dma_wait3A_167] : memref<2x4x88xi32, #tpu.memory_space<vmem>> -> memref<1x4x88xi32, #tpu.memory_space<vmem>>
      %dma_wait3A_169 = tpu.memref_squeeze %dma_wait3A_168 : memref<1x4x88xi32, #tpu.memory_space<vmem>> -> memref<4x88xi32, #tpu.memory_space<vmem>>
      %dma_wait3A_170 = arith.constant 0 : i32
      %dma_wait3A_171 = arith.constant 0 : i32
      %dma_wait3A_172 = tpu.memref_slice %arg4[%add3A_80, %dma_wait3A_170, %dma_wait3A_171] : memref<928x4x88xi32, #tpu.memory_space<hbm>> -> memref<1x4x88xi32, #tpu.memory_space<hbm>>
      %dma_wait3A_173 = tpu.memref_squeeze %dma_wait3A_172 : memref<1x4x88xi32, #tpu.memory_space<hbm>> -> memref<4x88xi32, #tpu.memory_space<hbm>>
      %dma_wait3A_174 = arith.constant 0 : i32
      %dma_wait3A_175 = arith.constant 0 : i32
      %dma_wait3A_176 = tpu.memref_slice %arg9[%run_scoped3A_85, %dma_wait3A_174, %dma_wait3A_175] : memref<2x4x88xi32, #tpu.memory_space<vmem>> -> memref<1x4x88xi32, #tpu.memory_space<vmem>>
      %dma_wait3A_177 = tpu.memref_squeeze %dma_wait3A_176 : memref<1x4x88xi32, #tpu.memory_space<vmem>> -> memref<4x88xi32, #tpu.memory_space<vmem>>
      %dma_wait3A_178 = arith.constant 0 : i32
      %dma_wait3A_179 = arith.constant 0 : i32
      %dma_wait3A_180 = tpu.memref_slice %arg4[%add3A_80, %dma_wait3A_178, %dma_wait3A_179] : memref<928x4x88xi32, #tpu.memory_space<hbm>> -> memref<1x4x88xi32, #tpu.memory_space<hbm>>
      %dma_wait3A_181 = tpu.memref_squeeze %dma_wait3A_180 : memref<1x4x88xi32, #tpu.memory_space<hbm>> -> memref<4x88xi32, #tpu.memory_space<hbm>>
      tpu.wait_dma2 semaphore(%run_scoped3A_149 : memref<!tpu.dma_semaphore, #tpu.memory_space<semaphore_mem>>) src(%dma_wait3A_181 : memref<4x88xi32, #tpu.memory_space<hbm>>) dst(%dma_wait3A_177 : memref<4x88xi32, #tpu.memory_space<vmem>>)
      tpu.yield
    }) : () -> ()
    %dma_start3A_86 = arith.constant 0 : i32
    %dma_start3A_87 = arith.constant 0 : i32
    %dma_start3A_88 = arith.constant 0 : i32
    %dma_start3A_89 = arith.constant 0 : i32
    %dma_start3A_90 = arith.constant 0 : i32
    %dma_start3A_91 = tpu.memref_slice %arg10[%dma_start3A_88, %dma_start3A_89, %dma_start3A_90] : memref<4x88x128xf32, #tpu.memory_space<vmem>> -> memref<1x88x128xf32, #tpu.memory_space<vmem>>
    %dma_start3A_92 = tpu.memref_squeeze %dma_start3A_91 : memref<1x88x128xf32, #tpu.memory_space<vmem>> -> memref<88x128xf32, #tpu.memory_space<vmem>>
    %dma_start3A_93 = arith.constant 0 : i32
    %dma_start3A_94 = tpu.memref_slice %arg8[%dma_start3A_86, %dma_start3A_87, %dma_start3A_93] : memref<2x4x88xi32, #tpu.memory_space<vmem>> -> memref<1x1x88xi32, #tpu.memory_space<vmem>>
    %dma_start3A_95 = tpu.memref_squeeze %dma_start3A_94 : memref<1x1x88xi32, #tpu.memory_space<vmem>> -> memref<88xi32, #tpu.memory_space<vmem>>
    %dma_start3A_96 = arith.constant 0 : i32
    %dma_start3A_97 = arith.constant 0 : i32
    %dma_start3A_98 = tpu.memref_slice %arg2[%dma_start3A_96, %dma_start3A_97] : memref<40000x128xf32, #tpu.memory_space<hbm>> -> memref<40000x128xf32, #tpu.memory_space<hbm>>
    tpu.enqueue_indirect_dma source(%dma_start3A_98 : memref<40000x128xf32, #tpu.memory_space<hbm>>) target(%dma_start3A_92 : memref<88x128xf32, #tpu.memory_space<vmem>>) offsets(%dma_start3A_95 : memref<88xi32, #tpu.memory_space<vmem>>) semaphore(%arg11 : memref<!tpu.dma_semaphore, #tpu.memory_space<semaphore_mem>>)
    %dma_start3A_99 = arith.constant 0 : i32
    %dma_start3A_100 = arith.constant 1 : i32
    %dma_start3A_101 = arith.constant 1 : i32
    %dma_start3A_102 = arith.constant 0 : i32
    %dma_start3A_103 = arith.constant 0 : i32
    %dma_start3A_104 = tpu.memref_slice %arg10[%dma_start3A_101, %dma_start3A_102, %dma_start3A_103] : memref<4x88x128xf32, #tpu.memory_space<vmem>> -> memref<1x88x128xf32, #tpu.memory_space<vmem>>
    %dma_start3A_105 = tpu.memref_squeeze %dma_start3A_104 : memref<1x88x128xf32, #tpu.memory_space<vmem>> -> memref<88x128xf32, #tpu.memory_space<vmem>>
    %dma_start3A_106 = arith.constant 0 : i32
    %dma_start3A_107 = tpu.memref_slice %arg8[%dma_start3A_99, %dma_start3A_100, %dma_start3A_106] : memref<2x4x88xi32, #tpu.memory_space<vmem>> -> memref<1x1x88xi32, #tpu.memory_space<vmem>>
    %dma_start3A_108 = tpu.memref_squeeze %dma_start3A_107 : memref<1x1x88xi32, #tpu.memory_space<vmem>> -> memref<88xi32, #tpu.memory_space<vmem>>
    %dma_start3A_109 = arith.constant 0 : i32
    %dma_start3A_110 = arith.constant 0 : i32
    %dma_start3A_111 = tpu.memref_slice %arg2[%dma_start3A_109, %dma_start3A_110] : memref<40000x128xf32, #tpu.memory_space<hbm>> -> memref<40000x128xf32, #tpu.memory_space<hbm>>
    tpu.enqueue_indirect_dma source(%dma_start3A_111 : memref<40000x128xf32, #tpu.memory_space<hbm>>) target(%dma_start3A_105 : memref<88x128xf32, #tpu.memory_space<vmem>>) offsets(%dma_start3A_108 : memref<88xi32, #tpu.memory_space<vmem>>) semaphore(%arg12 : memref<!tpu.dma_semaphore, #tpu.memory_space<semaphore_mem>>)
    "tpu.region"() ({
      %run_scoped3A_149 = tpu.sem_alloc : memref<!tpu.dma_semaphore, #tpu.memory_space<semaphore_mem>>
      %dma_start3A_150 = arith.constant 0 : i32
      %dma_start3A_151 = tpu.memref_slice %arg7[%mul3A_76, %dma_start3A_150] : memref<10112x128xf32, #tpu.memory_space<vmem_shared>> -> memref<632x128xf32, #tpu.memory_space<vmem_shared>>
      %dma_start3A_152 = arith.constant 0 : i32
      %dma_start3A_153 = tpu.memref_slice %arg5[%mul3A_76, %dma_start3A_152] : memref<10112x128xf32, #tpu.memory_space<hbm>> -> memref<632x128xf32, #tpu.memory_space<hbm>>
      tpu.enqueue_dma source(%dma_start3A_153 : memref<632x128xf32, #tpu.memory_space<hbm>>) target(%dma_start3A_151 : memref<632x128xf32, #tpu.memory_space<vmem_shared>>) target_semaphore(%run_scoped3A_149 : memref<!tpu.dma_semaphore, #tpu.memory_space<semaphore_mem>>)
      %dma_wait3A_154 = arith.constant 0 : i32
      %dma_wait3A_155 = tpu.memref_slice %arg7[%mul3A_76, %dma_wait3A_154] : memref<10112x128xf32, #tpu.memory_space<vmem_shared>> -> memref<632x128xf32, #tpu.memory_space<vmem_shared>>
      %dma_wait3A_156 = arith.constant 0 : i32
      %dma_wait3A_157 = tpu.memref_slice %arg5[%mul3A_76, %dma_wait3A_156] : memref<10112x128xf32, #tpu.memory_space<hbm>> -> memref<632x128xf32, #tpu.memory_space<hbm>>
      tpu.wait_dma2 semaphore(%run_scoped3A_149 : memref<!tpu.dma_semaphore, #tpu.memory_space<semaphore_mem>>) src(%dma_wait3A_157 : memref<632x128xf32, #tpu.memory_space<hbm>>) dst(%dma_wait3A_155 : memref<632x128xf32, #tpu.memory_space<vmem_shared>>)
      tpu.yield
    }) : () -> ()
    %barrier3A_112 = arith.constant 0 : index
    tpu.barrier barrier_id(%barrier3A_112)
    %scan3A_113 = arith.constant 0 : i32
    %scan3A_114 = arith.constant 0 : i32
    %scan3A_115 = arith.constant 58 : i32
    %scan3A_116 = arith.addi %scan3A_114, %scan3A_115 : i32
    %scan3A_117 = arith.constant 1 : i32
    scf.for %scan3A_149 = %scan3A_114 to %scan3A_116 step %scan3A_117  : i32 {
      %rem3A = arith.constant 2 : i32
      %rem3A_150 = arith.remsi %scan3A_149, %rem3A : i32
      %add3A_151 = arith.constant 1 : i32
      %add3A_152 = arith.addi %scan3A_149, %add3A_151 : i32
      %rem3A_153 = arith.constant 2 : i32
      %rem3A_154 = arith.remsi %add3A_152, %rem3A_153 : i32
      %add3A_155 = arith.addi %add3A_80, %scan3A_149 : i32
      %add3A_156 = arith.constant 1 : i32
      %add3A_157 = arith.addi %scan3A_149, %add3A_156 : i32
      %lt3A = arith.constant 58 : i32
      %lt3A_158 = arith.cmpi slt, %add3A_157, %lt3A : i32
      %convert_element_type3A = arith.extui %lt3A_158 : i1 to i32
      %cond3A = arith.constant 0 : i32
      %cond3A_159 = arith.cmpi ne, %convert_element_type3A, %cond3A : i32
      scf.if %cond3A_159 {
        %mul3A_327 = arith.constant 928 : i32
        %mul3A_328 = arith.muli %add3A_74, %mul3A_327 : i32
        %add3A_329 = arith.addi %mul3A_328, %add3A_155 : i32
        %add3A_330 = arith.constant 1 : i32
        %add3A_331 = arith.addi %add3A_329, %add3A_330 : i32
        %dma_start3A_332 = arith.constant 0 : i32
        %dma_start3A_333 = arith.constant 0 : i32
        %dma_start3A_334 = tpu.memref_slice %arg8[%rem3A_154, %dma_start3A_332, %dma_start3A_333] : memref<2x4x88xi32, #tpu.memory_space<vmem>> -> memref<1x4x88xi32, #tpu.memory_space<vmem>>
        %dma_start3A_335 = tpu.memref_squeeze %dma_start3A_334 : memref<1x4x88xi32, #tpu.memory_space<vmem>> -> memref<4x88xi32, #tpu.memory_space<vmem>>
        %dma_start3A_336 = arith.constant 0 : i32
        %dma_start3A_337 = arith.constant 0 : i32
        %dma_start3A_338 = tpu.memref_slice %arg3[%add3A_331, %dma_start3A_336, %dma_start3A_337] : memref<3712x4x88xi32, #tpu.memory_space<hbm>> -> memref<1x4x88xi32, #tpu.memory_space<hbm>>
        %dma_start3A_339 = tpu.memref_squeeze %dma_start3A_338 : memref<1x4x88xi32, #tpu.memory_space<hbm>> -> memref<4x88xi32, #tpu.memory_space<hbm>>
        %dma_start3A_340 = arith.constant 0 : i32
        %dma_start3A_341 = arith.constant 0 : i32
        %dma_start3A_342 = tpu.memref_slice %arg8[%rem3A_154, %dma_start3A_340, %dma_start3A_341] : memref<2x4x88xi32, #tpu.memory_space<vmem>> -> memref<1x4x88xi32, #tpu.memory_space<vmem>>
        %dma_start3A_343 = tpu.memref_squeeze %dma_start3A_342 : memref<1x4x88xi32, #tpu.memory_space<vmem>> -> memref<4x88xi32, #tpu.memory_space<vmem>>
        %dma_start3A_344 = arith.constant 0 : i32
        %dma_start3A_345 = arith.constant 0 : i32
        %dma_start3A_346 = tpu.memref_slice %arg3[%add3A_331, %dma_start3A_344, %dma_start3A_345] : memref<3712x4x88xi32, #tpu.memory_space<hbm>> -> memref<1x4x88xi32, #tpu.memory_space<hbm>>
        %dma_start3A_347 = tpu.memref_squeeze %dma_start3A_346 : memref<1x4x88xi32, #tpu.memory_space<hbm>> -> memref<4x88xi32, #tpu.memory_space<hbm>>
        tpu.enqueue_dma source(%dma_start3A_347 : memref<4x88xi32, #tpu.memory_space<hbm>>) target(%dma_start3A_343 : memref<4x88xi32, #tpu.memory_space<vmem>>) target_semaphore(%arg19 : memref<!tpu.dma_semaphore, #tpu.memory_space<semaphore_mem>>)
        %add3A_348 = arith.constant 1 : i32
        %add3A_349 = arith.addi %add3A_155, %add3A_348 : i32
        %dma_start3A_350 = arith.constant 0 : i32
        %dma_start3A_351 = arith.constant 0 : i32
        %dma_start3A_352 = tpu.memref_slice %arg9[%rem3A_154, %dma_start3A_350, %dma_start3A_351] : memref<2x4x88xi32, #tpu.memory_space<vmem>> -> memref<1x4x88xi32, #tpu.memory_space<vmem>>
        %dma_start3A_353 = tpu.memref_squeeze %dma_start3A_352 : memref<1x4x88xi32, #tpu.memory_space<vmem>> -> memref<4x88xi32, #tpu.memory_space<vmem>>
        %dma_start3A_354 = arith.constant 0 : i32
        %dma_start3A_355 = arith.constant 0 : i32
        %dma_start3A_356 = tpu.memref_slice %arg4[%add3A_349, %dma_start3A_354, %dma_start3A_355] : memref<928x4x88xi32, #tpu.memory_space<hbm>> -> memref<1x4x88xi32, #tpu.memory_space<hbm>>
        %dma_start3A_357 = tpu.memref_squeeze %dma_start3A_356 : memref<1x4x88xi32, #tpu.memory_space<hbm>> -> memref<4x88xi32, #tpu.memory_space<hbm>>
        %dma_start3A_358 = arith.constant 0 : i32
        %dma_start3A_359 = arith.constant 0 : i32
        %dma_start3A_360 = tpu.memref_slice %arg9[%rem3A_154, %dma_start3A_358, %dma_start3A_359] : memref<2x4x88xi32, #tpu.memory_space<vmem>> -> memref<1x4x88xi32, #tpu.memory_space<vmem>>
        %dma_start3A_361 = tpu.memref_squeeze %dma_start3A_360 : memref<1x4x88xi32, #tpu.memory_space<vmem>> -> memref<4x88xi32, #tpu.memory_space<vmem>>
        %dma_start3A_362 = arith.constant 0 : i32
        %dma_start3A_363 = arith.constant 0 : i32
        %dma_start3A_364 = tpu.memref_slice %arg4[%add3A_349, %dma_start3A_362, %dma_start3A_363] : memref<928x4x88xi32, #tpu.memory_space<hbm>> -> memref<1x4x88xi32, #tpu.memory_space<hbm>>
        %dma_start3A_365 = tpu.memref_squeeze %dma_start3A_364 : memref<1x4x88xi32, #tpu.memory_space<hbm>> -> memref<4x88xi32, #tpu.memory_space<hbm>>
        tpu.enqueue_dma source(%dma_start3A_365 : memref<4x88xi32, #tpu.memory_space<hbm>>) target(%dma_start3A_361 : memref<4x88xi32, #tpu.memory_space<vmem>>) target_semaphore(%arg19 : memref<!tpu.dma_semaphore, #tpu.memory_space<semaphore_mem>>)
      } else {
      }
      %dma_wait3A_160 = arith.constant 0 : i32
      %dma_wait3A_161 = arith.constant 0 : i32
      %dma_wait3A_162 = arith.constant 0 : i32
      %dma_wait3A_163 = arith.constant 0 : i32
      %dma_wait3A_164 = tpu.memref_slice %arg10[%dma_wait3A_161, %dma_wait3A_162, %dma_wait3A_163] : memref<4x88x128xf32, #tpu.memory_space<vmem>> -> memref<1x88x128xf32, #tpu.memory_space<vmem>>
      %dma_wait3A_165 = tpu.memref_squeeze %dma_wait3A_164 : memref<1x88x128xf32, #tpu.memory_space<vmem>> -> memref<88x128xf32, #tpu.memory_space<vmem>>
      %dma_wait3A_166 = arith.constant 0 : i32
      %dma_wait3A_167 = tpu.memref_slice %arg8[%rem3A_150, %dma_wait3A_160, %dma_wait3A_166] : memref<2x4x88xi32, #tpu.memory_space<vmem>> -> memref<1x1x88xi32, #tpu.memory_space<vmem>>
      %dma_wait3A_168 = tpu.memref_squeeze %dma_wait3A_167 : memref<1x1x88xi32, #tpu.memory_space<vmem>> -> memref<88xi32, #tpu.memory_space<vmem>>
      %dma_wait3A_169 = arith.constant 0 : i32
      %dma_wait3A_170 = arith.constant 0 : i32
      %dma_wait3A_171 = tpu.memref_slice %arg2[%dma_wait3A_169, %dma_wait3A_170] : memref<40000x128xf32, #tpu.memory_space<hbm>> -> memref<40000x128xf32, #tpu.memory_space<hbm>>
      tpu.wait_indirect_dma semaphore(%arg11 : memref<!tpu.dma_semaphore, #tpu.memory_space<semaphore_mem>>) src(%dma_wait3A_171 : memref<40000x128xf32, #tpu.memory_space<hbm>>) dst(%dma_wait3A_165 : memref<88x128xf32, #tpu.memory_space<vmem>>)
      %gt3A = arith.constant 0 : i32
      %gt3A_172 = arith.cmpi sgt, %scan3A_149, %gt3A : i32
      %convert_element_type3A_173 = arith.extui %gt3A_172 : i1 to i32
      %cond3A_174 = arith.constant 0 : i32
      %cond3A_175 = arith.cmpi ne, %convert_element_type3A_173, %cond3A_174 : i32
      scf.if %cond3A_175 {
        %dma_wait3A_327 = arith.constant 2 : i32
        %dma_wait3A_328 = arith.constant 0 : i32
        %dma_wait3A_329 = arith.constant 0 : i32
        %dma_wait3A_330 = arith.constant 0 : i32
        %dma_wait3A_331 = tpu.memref_slice %arg10[%dma_wait3A_327, %dma_wait3A_329, %dma_wait3A_330] : memref<4x88x128xf32, #tpu.memory_space<vmem>> -> memref<1x88x128xf32, #tpu.memory_space<vmem>>
        %dma_wait3A_332 = tpu.memref_squeeze %dma_wait3A_331 : memref<1x88x128xf32, #tpu.memory_space<vmem>> -> memref<88x128xf32, #tpu.memory_space<vmem>>
        %dma_wait3A_333 = arith.constant 0 : i32
        %dma_wait3A_334 = tpu.memref_slice %arg9[%rem3A_150, %dma_wait3A_328, %dma_wait3A_333] : memref<2x4x88xi32, #tpu.memory_space<vmem>> -> memref<1x1x88xi32, #tpu.memory_space<vmem>>
        %dma_wait3A_335 = tpu.memref_squeeze %dma_wait3A_334 : memref<1x1x88xi32, #tpu.memory_space<vmem>> -> memref<88xi32, #tpu.memory_space<vmem>>
        %dma_wait3A_336 = arith.constant 0 : i32
        %dma_wait3A_337 = arith.constant 0 : i32
        %dma_wait3A_338 = tpu.memref_slice %arg7[%dma_wait3A_336, %dma_wait3A_337] : memref<10112x128xf32, #tpu.memory_space<vmem_shared>> -> memref<10112x128xf32, #tpu.memory_space<vmem_shared>>
        tpu.wait_indirect_dma semaphore(%arg17 : memref<!tpu.dma_semaphore, #tpu.memory_space<semaphore_mem>>) src(%dma_wait3A_332 : memref<88x128xf32, #tpu.memory_space<vmem>>) dst(%dma_wait3A_338 : memref<10112x128xf32, #tpu.memory_space<vmem_shared>>)
      } else {
      }
      %dma_start3A_176 = arith.constant 0 : i32
      %dma_start3A_177 = arith.constant 0 : i32
      %dma_start3A_178 = arith.constant 0 : i32
      %dma_start3A_179 = arith.constant 0 : i32
      %dma_start3A_180 = tpu.memref_slice %arg10[%dma_start3A_176, %dma_start3A_178, %dma_start3A_179] : memref<4x88x128xf32, #tpu.memory_space<vmem>> -> memref<1x88x128xf32, #tpu.memory_space<vmem>>
      %dma_start3A_181 = tpu.memref_squeeze %dma_start3A_180 : memref<1x88x128xf32, #tpu.memory_space<vmem>> -> memref<88x128xf32, #tpu.memory_space<vmem>>
      %dma_start3A_182 = arith.constant 0 : i32
      %dma_start3A_183 = tpu.memref_slice %arg9[%rem3A_150, %dma_start3A_177, %dma_start3A_182] : memref<2x4x88xi32, #tpu.memory_space<vmem>> -> memref<1x1x88xi32, #tpu.memory_space<vmem>>
      %dma_start3A_184 = tpu.memref_squeeze %dma_start3A_183 : memref<1x1x88xi32, #tpu.memory_space<vmem>> -> memref<88xi32, #tpu.memory_space<vmem>>
      %dma_start3A_185 = arith.constant 0 : i32
      %dma_start3A_186 = arith.constant 0 : i32
      %dma_start3A_187 = tpu.memref_slice %arg7[%dma_start3A_185, %dma_start3A_186] : memref<10112x128xf32, #tpu.memory_space<vmem_shared>> -> memref<10112x128xf32, #tpu.memory_space<vmem_shared>>
      tpu.enqueue_indirect_dma source(%dma_start3A_181 : memref<88x128xf32, #tpu.memory_space<vmem>>) target(%dma_start3A_187 : memref<10112x128xf32, #tpu.memory_space<vmem_shared>>) offsets(%dma_start3A_184 : memref<88xi32, #tpu.memory_space<vmem>>) semaphore(%arg15 : memref<!tpu.dma_semaphore, #tpu.memory_space<semaphore_mem>>) {add = true}
      %dma_start3A_188 = arith.constant 2 : i32
      %dma_start3A_189 = arith.constant 2 : i32
      %dma_start3A_190 = arith.constant 0 : i32
      %dma_start3A_191 = arith.constant 0 : i32
      %dma_start3A_192 = tpu.memref_slice %arg10[%dma_start3A_189, %dma_start3A_190, %dma_start3A_191] : memref<4x88x128xf32, #tpu.memory_space<vmem>> -> memref<1x88x128xf32, #tpu.memory_space<vmem>>
      %dma_start3A_193 = tpu.memref_squeeze %dma_start3A_192 : memref<1x88x128xf32, #tpu.memory_space<vmem>> -> memref<88x128xf32, #tpu.memory_space<vmem>>
      %dma_start3A_194 = arith.constant 0 : i32
      %dma_start3A_195 = tpu.memref_slice %arg8[%rem3A_150, %dma_start3A_188, %dma_start3A_194] : memref<2x4x88xi32, #tpu.memory_space<vmem>> -> memref<1x1x88xi32, #tpu.memory_space<vmem>>
      %dma_start3A_196 = tpu.memref_squeeze %dma_start3A_195 : memref<1x1x88xi32, #tpu.memory_space<vmem>> -> memref<88xi32, #tpu.memory_space<vmem>>
      %dma_start3A_197 = arith.constant 0 : i32
      %dma_start3A_198 = arith.constant 0 : i32
      %dma_start3A_199 = tpu.memref_slice %arg2[%dma_start3A_197, %dma_start3A_198] : memref<40000x128xf32, #tpu.memory_space<hbm>> -> memref<40000x128xf32, #tpu.memory_space<hbm>>
      tpu.enqueue_indirect_dma source(%dma_start3A_199 : memref<40000x128xf32, #tpu.memory_space<hbm>>) target(%dma_start3A_193 : memref<88x128xf32, #tpu.memory_space<vmem>>) offsets(%dma_start3A_196 : memref<88xi32, #tpu.memory_space<vmem>>) semaphore(%arg13 : memref<!tpu.dma_semaphore, #tpu.memory_space<semaphore_mem>>)
      %dma_wait3A_200 = arith.constant 1 : i32
      %dma_wait3A_201 = arith.constant 1 : i32
      %dma_wait3A_202 = arith.constant 0 : i32
      %dma_wait3A_203 = arith.constant 0 : i32
      %dma_wait3A_204 = tpu.memref_slice %arg10[%dma_wait3A_201, %dma_wait3A_202, %dma_wait3A_203] : memref<4x88x128xf32, #tpu.memory_space<vmem>> -> memref<1x88x128xf32, #tpu.memory_space<vmem>>
      %dma_wait3A_205 = tpu.memref_squeeze %dma_wait3A_204 : memref<1x88x128xf32, #tpu.memory_space<vmem>> -> memref<88x128xf32, #tpu.memory_space<vmem>>
      %dma_wait3A_206 = arith.constant 0 : i32
      %dma_wait3A_207 = tpu.memref_slice %arg8[%rem3A_150, %dma_wait3A_200, %dma_wait3A_206] : memref<2x4x88xi32, #tpu.memory_space<vmem>> -> memref<1x1x88xi32, #tpu.memory_space<vmem>>
      %dma_wait3A_208 = tpu.memref_squeeze %dma_wait3A_207 : memref<1x1x88xi32, #tpu.memory_space<vmem>> -> memref<88xi32, #tpu.memory_space<vmem>>
      %dma_wait3A_209 = arith.constant 0 : i32
      %dma_wait3A_210 = arith.constant 0 : i32
      %dma_wait3A_211 = tpu.memref_slice %arg2[%dma_wait3A_209, %dma_wait3A_210] : memref<40000x128xf32, #tpu.memory_space<hbm>> -> memref<40000x128xf32, #tpu.memory_space<hbm>>
      tpu.wait_indirect_dma semaphore(%arg12 : memref<!tpu.dma_semaphore, #tpu.memory_space<semaphore_mem>>) src(%dma_wait3A_211 : memref<40000x128xf32, #tpu.memory_space<hbm>>) dst(%dma_wait3A_205 : memref<88x128xf32, #tpu.memory_space<vmem>>)
      %gt3A_212 = arith.constant 0 : i32
      %gt3A_213 = arith.cmpi sgt, %scan3A_149, %gt3A_212 : i32
      %convert_element_type3A_214 = arith.extui %gt3A_213 : i1 to i32
      %cond3A_215 = arith.constant 0 : i32
      %cond3A_216 = arith.cmpi ne, %convert_element_type3A_214, %cond3A_215 : i32
      scf.if %cond3A_216 {
        %dma_wait3A_327 = arith.constant 3 : i32
        %dma_wait3A_328 = arith.constant 1 : i32
        %dma_wait3A_329 = arith.constant 0 : i32
        %dma_wait3A_330 = arith.constant 0 : i32
        %dma_wait3A_331 = tpu.memref_slice %arg10[%dma_wait3A_327, %dma_wait3A_329, %dma_wait3A_330] : memref<4x88x128xf32, #tpu.memory_space<vmem>> -> memref<1x88x128xf32, #tpu.memory_space<vmem>>
        %dma_wait3A_332 = tpu.memref_squeeze %dma_wait3A_331 : memref<1x88x128xf32, #tpu.memory_space<vmem>> -> memref<88x128xf32, #tpu.memory_space<vmem>>
        %dma_wait3A_333 = arith.constant 0 : i32
        %dma_wait3A_334 = tpu.memref_slice %arg9[%rem3A_150, %dma_wait3A_328, %dma_wait3A_333] : memref<2x4x88xi32, #tpu.memory_space<vmem>> -> memref<1x1x88xi32, #tpu.memory_space<vmem>>
        %dma_wait3A_335 = tpu.memref_squeeze %dma_wait3A_334 : memref<1x1x88xi32, #tpu.memory_space<vmem>> -> memref<88xi32, #tpu.memory_space<vmem>>
        %dma_wait3A_336 = arith.constant 0 : i32
        %dma_wait3A_337 = arith.constant 0 : i32
        %dma_wait3A_338 = tpu.memref_slice %arg7[%dma_wait3A_336, %dma_wait3A_337] : memref<10112x128xf32, #tpu.memory_space<vmem_shared>> -> memref<10112x128xf32, #tpu.memory_space<vmem_shared>>
        tpu.wait_indirect_dma semaphore(%arg18 : memref<!tpu.dma_semaphore, #tpu.memory_space<semaphore_mem>>) src(%dma_wait3A_332 : memref<88x128xf32, #tpu.memory_space<vmem>>) dst(%dma_wait3A_338 : memref<10112x128xf32, #tpu.memory_space<vmem_shared>>)
      } else {
      }
      %dma_start3A_217 = arith.constant 1 : i32
      %dma_start3A_218 = arith.constant 1 : i32
      %dma_start3A_219 = arith.constant 0 : i32
      %dma_start3A_220 = arith.constant 0 : i32
      %dma_start3A_221 = tpu.memref_slice %arg10[%dma_start3A_217, %dma_start3A_219, %dma_start3A_220] : memref<4x88x128xf32, #tpu.memory_space<vmem>> -> memref<1x88x128xf32, #tpu.memory_space<vmem>>
      %dma_start3A_222 = tpu.memref_squeeze %dma_start3A_221 : memref<1x88x128xf32, #tpu.memory_space<vmem>> -> memref<88x128xf32, #tpu.memory_space<vmem>>
      %dma_start3A_223 = arith.constant 0 : i32
      %dma_start3A_224 = tpu.memref_slice %arg9[%rem3A_150, %dma_start3A_218, %dma_start3A_223] : memref<2x4x88xi32, #tpu.memory_space<vmem>> -> memref<1x1x88xi32, #tpu.memory_space<vmem>>
      %dma_start3A_225 = tpu.memref_squeeze %dma_start3A_224 : memref<1x1x88xi32, #tpu.memory_space<vmem>> -> memref<88xi32, #tpu.memory_space<vmem>>
      %dma_start3A_226 = arith.constant 0 : i32
      %dma_start3A_227 = arith.constant 0 : i32
      %dma_start3A_228 = tpu.memref_slice %arg7[%dma_start3A_226, %dma_start3A_227] : memref<10112x128xf32, #tpu.memory_space<vmem_shared>> -> memref<10112x128xf32, #tpu.memory_space<vmem_shared>>
      tpu.enqueue_indirect_dma source(%dma_start3A_222 : memref<88x128xf32, #tpu.memory_space<vmem>>) target(%dma_start3A_228 : memref<10112x128xf32, #tpu.memory_space<vmem_shared>>) offsets(%dma_start3A_225 : memref<88xi32, #tpu.memory_space<vmem>>) semaphore(%arg16 : memref<!tpu.dma_semaphore, #tpu.memory_space<semaphore_mem>>) {add = true}
      %dma_start3A_229 = arith.constant 3 : i32
      %dma_start3A_230 = arith.constant 3 : i32
      %dma_start3A_231 = arith.constant 0 : i32
      %dma_start3A_232 = arith.constant 0 : i32
      %dma_start3A_233 = tpu.memref_slice %arg10[%dma_start3A_230, %dma_start3A_231, %dma_start3A_232] : memref<4x88x128xf32, #tpu.memory_space<vmem>> -> memref<1x88x128xf32, #tpu.memory_space<vmem>>
      %dma_start3A_234 = tpu.memref_squeeze %dma_start3A_233 : memref<1x88x128xf32, #tpu.memory_space<vmem>> -> memref<88x128xf32, #tpu.memory_space<vmem>>
      %dma_start3A_235 = arith.constant 0 : i32
      %dma_start3A_236 = tpu.memref_slice %arg8[%rem3A_150, %dma_start3A_229, %dma_start3A_235] : memref<2x4x88xi32, #tpu.memory_space<vmem>> -> memref<1x1x88xi32, #tpu.memory_space<vmem>>
      %dma_start3A_237 = tpu.memref_squeeze %dma_start3A_236 : memref<1x1x88xi32, #tpu.memory_space<vmem>> -> memref<88xi32, #tpu.memory_space<vmem>>
      %dma_start3A_238 = arith.constant 0 : i32
      %dma_start3A_239 = arith.constant 0 : i32
      %dma_start3A_240 = tpu.memref_slice %arg2[%dma_start3A_238, %dma_start3A_239] : memref<40000x128xf32, #tpu.memory_space<hbm>> -> memref<40000x128xf32, #tpu.memory_space<hbm>>
      tpu.enqueue_indirect_dma source(%dma_start3A_240 : memref<40000x128xf32, #tpu.memory_space<hbm>>) target(%dma_start3A_234 : memref<88x128xf32, #tpu.memory_space<vmem>>) offsets(%dma_start3A_237 : memref<88xi32, #tpu.memory_space<vmem>>) semaphore(%arg14 : memref<!tpu.dma_semaphore, #tpu.memory_space<semaphore_mem>>)
      %dma_wait3A_241 = arith.constant 2 : i32
      %dma_wait3A_242 = arith.constant 2 : i32
      %dma_wait3A_243 = arith.constant 0 : i32
      %dma_wait3A_244 = arith.constant 0 : i32
      %dma_wait3A_245 = tpu.memref_slice %arg10[%dma_wait3A_242, %dma_wait3A_243, %dma_wait3A_244] : memref<4x88x128xf32, #tpu.memory_space<vmem>> -> memref<1x88x128xf32, #tpu.memory_space<vmem>>
      %dma_wait3A_246 = tpu.memref_squeeze %dma_wait3A_245 : memref<1x88x128xf32, #tpu.memory_space<vmem>> -> memref<88x128xf32, #tpu.memory_space<vmem>>
      %dma_wait3A_247 = arith.constant 0 : i32
      %dma_wait3A_248 = tpu.memref_slice %arg8[%rem3A_150, %dma_wait3A_241, %dma_wait3A_247] : memref<2x4x88xi32, #tpu.memory_space<vmem>> -> memref<1x1x88xi32, #tpu.memory_space<vmem>>
      %dma_wait3A_249 = tpu.memref_squeeze %dma_wait3A_248 : memref<1x1x88xi32, #tpu.memory_space<vmem>> -> memref<88xi32, #tpu.memory_space<vmem>>
      %dma_wait3A_250 = arith.constant 0 : i32
      %dma_wait3A_251 = arith.constant 0 : i32
      %dma_wait3A_252 = tpu.memref_slice %arg2[%dma_wait3A_250, %dma_wait3A_251] : memref<40000x128xf32, #tpu.memory_space<hbm>> -> memref<40000x128xf32, #tpu.memory_space<hbm>>
      tpu.wait_indirect_dma semaphore(%arg13 : memref<!tpu.dma_semaphore, #tpu.memory_space<semaphore_mem>>) src(%dma_wait3A_252 : memref<40000x128xf32, #tpu.memory_space<hbm>>) dst(%dma_wait3A_246 : memref<88x128xf32, #tpu.memory_space<vmem>>)
      %dma_wait3A_253 = arith.constant 0 : i32
      %dma_wait3A_254 = arith.constant 2 : i32
      %dma_wait3A_255 = arith.constant 0 : i32
      %dma_wait3A_256 = arith.constant 0 : i32
      %dma_wait3A_257 = tpu.memref_slice %arg10[%dma_wait3A_253, %dma_wait3A_255, %dma_wait3A_256] : memref<4x88x128xf32, #tpu.memory_space<vmem>> -> memref<1x88x128xf32, #tpu.memory_space<vmem>>
      %dma_wait3A_258 = tpu.memref_squeeze %dma_wait3A_257 : memref<1x88x128xf32, #tpu.memory_space<vmem>> -> memref<88x128xf32, #tpu.memory_space<vmem>>
      %dma_wait3A_259 = arith.constant 0 : i32
      %dma_wait3A_260 = tpu.memref_slice %arg9[%rem3A_150, %dma_wait3A_254, %dma_wait3A_259] : memref<2x4x88xi32, #tpu.memory_space<vmem>> -> memref<1x1x88xi32, #tpu.memory_space<vmem>>
      %dma_wait3A_261 = tpu.memref_squeeze %dma_wait3A_260 : memref<1x1x88xi32, #tpu.memory_space<vmem>> -> memref<88xi32, #tpu.memory_space<vmem>>
      %dma_wait3A_262 = arith.constant 0 : i32
      %dma_wait3A_263 = arith.constant 0 : i32
      %dma_wait3A_264 = tpu.memref_slice %arg7[%dma_wait3A_262, %dma_wait3A_263] : memref<10112x128xf32, #tpu.memory_space<vmem_shared>> -> memref<10112x128xf32, #tpu.memory_space<vmem_shared>>
      tpu.wait_indirect_dma semaphore(%arg15 : memref<!tpu.dma_semaphore, #tpu.memory_space<semaphore_mem>>) src(%dma_wait3A_258 : memref<88x128xf32, #tpu.memory_space<vmem>>) dst(%dma_wait3A_264 : memref<10112x128xf32, #tpu.memory_space<vmem_shared>>)
      %dma_start3A_265 = arith.constant 2 : i32
      %dma_start3A_266 = arith.constant 2 : i32
      %dma_start3A_267 = arith.constant 0 : i32
      %dma_start3A_268 = arith.constant 0 : i32
      %dma_start3A_269 = tpu.memref_slice %arg10[%dma_start3A_265, %dma_start3A_267, %dma_start3A_268] : memref<4x88x128xf32, #tpu.memory_space<vmem>> -> memref<1x88x128xf32, #tpu.memory_space<vmem>>
      %dma_start3A_270 = tpu.memref_squeeze %dma_start3A_269 : memref<1x88x128xf32, #tpu.memory_space<vmem>> -> memref<88x128xf32, #tpu.memory_space<vmem>>
      %dma_start3A_271 = arith.constant 0 : i32
      %dma_start3A_272 = tpu.memref_slice %arg9[%rem3A_150, %dma_start3A_266, %dma_start3A_271] : memref<2x4x88xi32, #tpu.memory_space<vmem>> -> memref<1x1x88xi32, #tpu.memory_space<vmem>>
      %dma_start3A_273 = tpu.memref_squeeze %dma_start3A_272 : memref<1x1x88xi32, #tpu.memory_space<vmem>> -> memref<88xi32, #tpu.memory_space<vmem>>
      %dma_start3A_274 = arith.constant 0 : i32
      %dma_start3A_275 = arith.constant 0 : i32
      %dma_start3A_276 = tpu.memref_slice %arg7[%dma_start3A_274, %dma_start3A_275] : memref<10112x128xf32, #tpu.memory_space<vmem_shared>> -> memref<10112x128xf32, #tpu.memory_space<vmem_shared>>
      tpu.enqueue_indirect_dma source(%dma_start3A_270 : memref<88x128xf32, #tpu.memory_space<vmem>>) target(%dma_start3A_276 : memref<10112x128xf32, #tpu.memory_space<vmem_shared>>) offsets(%dma_start3A_273 : memref<88xi32, #tpu.memory_space<vmem>>) semaphore(%arg17 : memref<!tpu.dma_semaphore, #tpu.memory_space<semaphore_mem>>) {add = true}
      %add3A_277 = arith.constant 1 : i32
      %add3A_278 = arith.addi %scan3A_149, %add3A_277 : i32
      %lt3A_279 = arith.constant 58 : i32
      %lt3A_280 = arith.cmpi slt, %add3A_278, %lt3A_279 : i32
      %convert_element_type3A_281 = arith.extui %lt3A_280 : i1 to i32
      %cond3A_282 = arith.constant 0 : i32
      %cond3A_283 = arith.cmpi ne, %convert_element_type3A_281, %cond3A_282 : i32
      scf.if %cond3A_283 {
        %dma_wait3A_327 = arith.constant 0 : i32
        %dma_wait3A_328 = arith.constant 0 : i32
        %dma_wait3A_329 = arith.constant 0 : i32
        %dma_wait3A_330 = tpu.memref_slice %arg8[%rem3A_154, %dma_wait3A_328, %dma_wait3A_329] : memref<2x4x88xi32, #tpu.memory_space<vmem>> -> memref<1x4x88xi32, #tpu.memory_space<vmem>>
        %dma_wait3A_331 = tpu.memref_squeeze %dma_wait3A_330 : memref<1x4x88xi32, #tpu.memory_space<vmem>> -> memref<4x88xi32, #tpu.memory_space<vmem>>
        %dma_wait3A_332 = arith.constant 0 : i32
        %dma_wait3A_333 = arith.constant 0 : i32
        %dma_wait3A_334 = tpu.memref_slice %arg3[%dma_wait3A_327, %dma_wait3A_332, %dma_wait3A_333] : memref<3712x4x88xi32, #tpu.memory_space<hbm>> -> memref<1x4x88xi32, #tpu.memory_space<hbm>>
        %dma_wait3A_335 = tpu.memref_squeeze %dma_wait3A_334 : memref<1x4x88xi32, #tpu.memory_space<hbm>> -> memref<4x88xi32, #tpu.memory_space<hbm>>
        %dma_wait3A_336 = arith.constant 0 : i32
        %dma_wait3A_337 = arith.constant 0 : i32
        %dma_wait3A_338 = tpu.memref_slice %arg8[%rem3A_154, %dma_wait3A_336, %dma_wait3A_337] : memref<2x4x88xi32, #tpu.memory_space<vmem>> -> memref<1x4x88xi32, #tpu.memory_space<vmem>>
        %dma_wait3A_339 = tpu.memref_squeeze %dma_wait3A_338 : memref<1x4x88xi32, #tpu.memory_space<vmem>> -> memref<4x88xi32, #tpu.memory_space<vmem>>
        %dma_wait3A_340 = arith.constant 0 : i32
        %dma_wait3A_341 = arith.constant 0 : i32
        %dma_wait3A_342 = tpu.memref_slice %arg3[%dma_wait3A_327, %dma_wait3A_340, %dma_wait3A_341] : memref<3712x4x88xi32, #tpu.memory_space<hbm>> -> memref<1x4x88xi32, #tpu.memory_space<hbm>>
        %dma_wait3A_343 = tpu.memref_squeeze %dma_wait3A_342 : memref<1x4x88xi32, #tpu.memory_space<hbm>> -> memref<4x88xi32, #tpu.memory_space<hbm>>
        tpu.wait_dma2 semaphore(%arg19 : memref<!tpu.dma_semaphore, #tpu.memory_space<semaphore_mem>>) src(%dma_wait3A_343 : memref<4x88xi32, #tpu.memory_space<hbm>>) dst(%dma_wait3A_339 : memref<4x88xi32, #tpu.memory_space<vmem>>)
        %dma_wait3A_344 = arith.constant 0 : i32
        %dma_wait3A_345 = arith.constant 0 : i32
        %dma_wait3A_346 = arith.constant 0 : i32
        %dma_wait3A_347 = tpu.memref_slice %arg9[%rem3A_154, %dma_wait3A_345, %dma_wait3A_346] : memref<2x4x88xi32, #tpu.memory_space<vmem>> -> memref<1x4x88xi32, #tpu.memory_space<vmem>>
        %dma_wait3A_348 = tpu.memref_squeeze %dma_wait3A_347 : memref<1x4x88xi32, #tpu.memory_space<vmem>> -> memref<4x88xi32, #tpu.memory_space<vmem>>
        %dma_wait3A_349 = arith.constant 0 : i32
        %dma_wait3A_350 = arith.constant 0 : i32
        %dma_wait3A_351 = tpu.memref_slice %arg4[%dma_wait3A_344, %dma_wait3A_349, %dma_wait3A_350] : memref<928x4x88xi32, #tpu.memory_space<hbm>> -> memref<1x4x88xi32, #tpu.memory_space<hbm>>
        %dma_wait3A_352 = tpu.memref_squeeze %dma_wait3A_351 : memref<1x4x88xi32, #tpu.memory_space<hbm>> -> memref<4x88xi32, #tpu.memory_space<hbm>>
        %dma_wait3A_353 = arith.constant 0 : i32
        %dma_wait3A_354 = arith.constant 0 : i32
        %dma_wait3A_355 = tpu.memref_slice %arg9[%rem3A_154, %dma_wait3A_353, %dma_wait3A_354] : memref<2x4x88xi32, #tpu.memory_space<vmem>> -> memref<1x4x88xi32, #tpu.memory_space<vmem>>
        %dma_wait3A_356 = tpu.memref_squeeze %dma_wait3A_355 : memref<1x4x88xi32, #tpu.memory_space<vmem>> -> memref<4x88xi32, #tpu.memory_space<vmem>>
        %dma_wait3A_357 = arith.constant 0 : i32
        %dma_wait3A_358 = arith.constant 0 : i32
        %dma_wait3A_359 = tpu.memref_slice %arg4[%dma_wait3A_344, %dma_wait3A_357, %dma_wait3A_358] : memref<928x4x88xi32, #tpu.memory_space<hbm>> -> memref<1x4x88xi32, #tpu.memory_space<hbm>>
        %dma_wait3A_360 = tpu.memref_squeeze %dma_wait3A_359 : memref<1x4x88xi32, #tpu.memory_space<hbm>> -> memref<4x88xi32, #tpu.memory_space<hbm>>
        tpu.wait_dma2 semaphore(%arg19 : memref<!tpu.dma_semaphore, #tpu.memory_space<semaphore_mem>>) src(%dma_wait3A_360 : memref<4x88xi32, #tpu.memory_space<hbm>>) dst(%dma_wait3A_356 : memref<4x88xi32, #tpu.memory_space<vmem>>)
        %dma_start3A_361 = arith.constant 0 : i32
        %dma_start3A_362 = arith.constant 0 : i32
        %dma_start3A_363 = arith.constant 0 : i32
        %dma_start3A_364 = arith.constant 0 : i32
        %dma_start3A_365 = tpu.memref_slice %arg10[%dma_start3A_362, %dma_start3A_363, %dma_start3A_364] : memref<4x88x128xf32, #tpu.memory_space<vmem>> -> memref<1x88x128xf32, #tpu.memory_space<vmem>>
        %dma_start3A_366 = tpu.memref_squeeze %dma_start3A_365 : memref<1x88x128xf32, #tpu.memory_space<vmem>> -> memref<88x128xf32, #tpu.memory_space<vmem>>
        %dma_start3A_367 = arith.constant 0 : i32
        %dma_start3A_368 = tpu.memref_slice %arg8[%rem3A_154, %dma_start3A_361, %dma_start3A_367] : memref<2x4x88xi32, #tpu.memory_space<vmem>> -> memref<1x1x88xi32, #tpu.memory_space<vmem>>
        %dma_start3A_369 = tpu.memref_squeeze %dma_start3A_368 : memref<1x1x88xi32, #tpu.memory_space<vmem>> -> memref<88xi32, #tpu.memory_space<vmem>>
        %dma_start3A_370 = arith.constant 0 : i32
        %dma_start3A_371 = arith.constant 0 : i32
        %dma_start3A_372 = tpu.memref_slice %arg2[%dma_start3A_370, %dma_start3A_371] : memref<40000x128xf32, #tpu.memory_space<hbm>> -> memref<40000x128xf32, #tpu.memory_space<hbm>>
        tpu.enqueue_indirect_dma source(%dma_start3A_372 : memref<40000x128xf32, #tpu.memory_space<hbm>>) target(%dma_start3A_366 : memref<88x128xf32, #tpu.memory_space<vmem>>) offsets(%dma_start3A_369 : memref<88xi32, #tpu.memory_space<vmem>>) semaphore(%arg11 : memref<!tpu.dma_semaphore, #tpu.memory_space<semaphore_mem>>)
      } else {
      }
      %dma_wait3A_284 = arith.constant 3 : i32
      %dma_wait3A_285 = arith.constant 3 : i32
      %dma_wait3A_286 = arith.constant 0 : i32
      %dma_wait3A_287 = arith.constant 0 : i32
      %dma_wait3A_288 = tpu.memref_slice %arg10[%dma_wait3A_285, %dma_wait3A_286, %dma_wait3A_287] : memref<4x88x128xf32, #tpu.memory_space<vmem>> -> memref<1x88x128xf32, #tpu.memory_space<vmem>>
      %dma_wait3A_289 = tpu.memref_squeeze %dma_wait3A_288 : memref<1x88x128xf32, #tpu.memory_space<vmem>> -> memref<88x128xf32, #tpu.memory_space<vmem>>
      %dma_wait3A_290 = arith.constant 0 : i32
      %dma_wait3A_291 = tpu.memref_slice %arg8[%rem3A_150, %dma_wait3A_284, %dma_wait3A_290] : memref<2x4x88xi32, #tpu.memory_space<vmem>> -> memref<1x1x88xi32, #tpu.memory_space<vmem>>
      %dma_wait3A_292 = tpu.memref_squeeze %dma_wait3A_291 : memref<1x1x88xi32, #tpu.memory_space<vmem>> -> memref<88xi32, #tpu.memory_space<vmem>>
      %dma_wait3A_293 = arith.constant 0 : i32
      %dma_wait3A_294 = arith.constant 0 : i32
      %dma_wait3A_295 = tpu.memref_slice %arg2[%dma_wait3A_293, %dma_wait3A_294] : memref<40000x128xf32, #tpu.memory_space<hbm>> -> memref<40000x128xf32, #tpu.memory_space<hbm>>
      tpu.wait_indirect_dma semaphore(%arg14 : memref<!tpu.dma_semaphore, #tpu.memory_space<semaphore_mem>>) src(%dma_wait3A_295 : memref<40000x128xf32, #tpu.memory_space<hbm>>) dst(%dma_wait3A_289 : memref<88x128xf32, #tpu.memory_space<vmem>>)
      %dma_wait3A_296 = arith.constant 1 : i32
      %dma_wait3A_297 = arith.constant 3 : i32
      %dma_wait3A_298 = arith.constant 0 : i32
      %dma_wait3A_299 = arith.constant 0 : i32
      %dma_wait3A_300 = tpu.memref_slice %arg10[%dma_wait3A_296, %dma_wait3A_298, %dma_wait3A_299] : memref<4x88x128xf32, #tpu.memory_space<vmem>> -> memref<1x88x128xf32, #tpu.memory_space<vmem>>
      %dma_wait3A_301 = tpu.memref_squeeze %dma_wait3A_300 : memref<1x88x128xf32, #tpu.memory_space<vmem>> -> memref<88x128xf32, #tpu.memory_space<vmem>>
      %dma_wait3A_302 = arith.constant 0 : i32
      %dma_wait3A_303 = tpu.memref_slice %arg9[%rem3A_150, %dma_wait3A_297, %dma_wait3A_302] : memref<2x4x88xi32, #tpu.memory_space<vmem>> -> memref<1x1x88xi32, #tpu.memory_space<vmem>>
      %dma_wait3A_304 = tpu.memref_squeeze %dma_wait3A_303 : memref<1x1x88xi32, #tpu.memory_space<vmem>> -> memref<88xi32, #tpu.memory_space<vmem>>
      %dma_wait3A_305 = arith.constant 0 : i32
      %dma_wait3A_306 = arith.constant 0 : i32
      %dma_wait3A_307 = tpu.memref_slice %arg7[%dma_wait3A_305, %dma_wait3A_306] : memref<10112x128xf32, #tpu.memory_space<vmem_shared>> -> memref<10112x128xf32, #tpu.memory_space<vmem_shared>>
      tpu.wait_indirect_dma semaphore(%arg16 : memref<!tpu.dma_semaphore, #tpu.memory_space<semaphore_mem>>) src(%dma_wait3A_301 : memref<88x128xf32, #tpu.memory_space<vmem>>) dst(%dma_wait3A_307 : memref<10112x128xf32, #tpu.memory_space<vmem_shared>>)
      %dma_start3A_308 = arith.constant 3 : i32
      %dma_start3A_309 = arith.constant 3 : i32
      %dma_start3A_310 = arith.constant 0 : i32
      %dma_start3A_311 = arith.constant 0 : i32
      %dma_start3A_312 = tpu.memref_slice %arg10[%dma_start3A_308, %dma_start3A_310, %dma_start3A_311] : memref<4x88x128xf32, #tpu.memory_space<vmem>> -> memref<1x88x128xf32, #tpu.memory_space<vmem>>
      %dma_start3A_313 = tpu.memref_squeeze %dma_start3A_312 : memref<1x88x128xf32, #tpu.memory_space<vmem>> -> memref<88x128xf32, #tpu.memory_space<vmem>>
      %dma_start3A_314 = arith.constant 0 : i32
      %dma_start3A_315 = tpu.memref_slice %arg9[%rem3A_150, %dma_start3A_309, %dma_start3A_314] : memref<2x4x88xi32, #tpu.memory_space<vmem>> -> memref<1x1x88xi32, #tpu.memory_space<vmem>>
      %dma_start3A_316 = tpu.memref_squeeze %dma_start3A_315 : memref<1x1x88xi32, #tpu.memory_space<vmem>> -> memref<88xi32, #tpu.memory_space<vmem>>
      %dma_start3A_317 = arith.constant 0 : i32
      %dma_start3A_318 = arith.constant 0 : i32
      %dma_start3A_319 = tpu.memref_slice %arg7[%dma_start3A_317, %dma_start3A_318] : memref<10112x128xf32, #tpu.memory_space<vmem_shared>> -> memref<10112x128xf32, #tpu.memory_space<vmem_shared>>
      tpu.enqueue_indirect_dma source(%dma_start3A_313 : memref<88x128xf32, #tpu.memory_space<vmem>>) target(%dma_start3A_319 : memref<10112x128xf32, #tpu.memory_space<vmem_shared>>) offsets(%dma_start3A_316 : memref<88xi32, #tpu.memory_space<vmem>>) semaphore(%arg18 : memref<!tpu.dma_semaphore, #tpu.memory_space<semaphore_mem>>) {add = true}
      %add3A_320 = arith.constant 1 : i32
      %add3A_321 = arith.addi %scan3A_149, %add3A_320 : i32
      %lt3A_322 = arith.constant 58 : i32
      %lt3A_323 = arith.cmpi slt, %add3A_321, %lt3A_322 : i32
      %convert_element_type3A_324 = arith.extui %lt3A_323 : i1 to i32
      %cond3A_325 = arith.constant 0 : i32
      %cond3A_326 = arith.cmpi ne, %convert_element_type3A_324, %cond3A_325 : i32
      scf.if %cond3A_326 {
        %dma_start3A_327 = arith.constant 1 : i32
        %dma_start3A_328 = arith.constant 1 : i32
        %dma_start3A_329 = arith.constant 0 : i32
        %dma_start3A_330 = arith.constant 0 : i32
        %dma_start3A_331 = tpu.memref_slice %arg10[%dma_start3A_328, %dma_start3A_329, %dma_start3A_330] : memref<4x88x128xf32, #tpu.memory_space<vmem>> -> memref<1x88x128xf32, #tpu.memory_space<vmem>>
        %dma_start3A_332 = tpu.memref_squeeze %dma_start3A_331 : memref<1x88x128xf32, #tpu.memory_space<vmem>> -> memref<88x128xf32, #tpu.memory_space<vmem>>
        %dma_start3A_333 = arith.constant 0 : i32
        %dma_start3A_334 = tpu.memref_slice %arg8[%rem3A_154, %dma_start3A_327, %dma_start3A_333] : memref<2x4x88xi32, #tpu.memory_space<vmem>> -> memref<1x1x88xi32, #tpu.memory_space<vmem>>
        %dma_start3A_335 = tpu.memref_squeeze %dma_start3A_334 : memref<1x1x88xi32, #tpu.memory_space<vmem>> -> memref<88xi32, #tpu.memory_space<vmem>>
        %dma_start3A_336 = arith.constant 0 : i32
        %dma_start3A_337 = arith.constant 0 : i32
        %dma_start3A_338 = tpu.memref_slice %arg2[%dma_start3A_336, %dma_start3A_337] : memref<40000x128xf32, #tpu.memory_space<hbm>> -> memref<40000x128xf32, #tpu.memory_space<hbm>>
        tpu.enqueue_indirect_dma source(%dma_start3A_338 : memref<40000x128xf32, #tpu.memory_space<hbm>>) target(%dma_start3A_332 : memref<88x128xf32, #tpu.memory_space<vmem>>) offsets(%dma_start3A_335 : memref<88xi32, #tpu.memory_space<vmem>>) semaphore(%arg12 : memref<!tpu.dma_semaphore, #tpu.memory_space<semaphore_mem>>)
      } else {
      }
    }
    %scan3A_118 = arith.constant 58 : i32
    %dma_wait3A_119 = arith.constant 2 : i32
    %dma_wait3A_120 = arith.constant 0 : i32
    %dma_wait3A_121 = arith.constant 0 : i32
    %dma_wait3A_122 = arith.constant 0 : i32
    %dma_wait3A_123 = arith.constant 0 : i32
    %dma_wait3A_124 = tpu.memref_slice %arg10[%dma_wait3A_119, %dma_wait3A_122, %dma_wait3A_123] : memref<4x88x128xf32, #tpu.memory_space<vmem>> -> memref<1x88x128xf32, #tpu.memory_space<vmem>>
    %dma_wait3A_125 = tpu.memref_squeeze %dma_wait3A_124 : memref<1x88x128xf32, #tpu.memory_space<vmem>> -> memref<88x128xf32, #tpu.memory_space<vmem>>
    %dma_wait3A_126 = arith.constant 0 : i32
    %dma_wait3A_127 = tpu.memref_slice %arg9[%dma_wait3A_120, %dma_wait3A_121, %dma_wait3A_126] : memref<2x4x88xi32, #tpu.memory_space<vmem>> -> memref<1x1x88xi32, #tpu.memory_space<vmem>>
    %dma_wait3A_128 = tpu.memref_squeeze %dma_wait3A_127 : memref<1x1x88xi32, #tpu.memory_space<vmem>> -> memref<88xi32, #tpu.memory_space<vmem>>
    %dma_wait3A_129 = arith.constant 0 : i32
    %dma_wait3A_130 = arith.constant 0 : i32
    %dma_wait3A_131 = tpu.memref_slice %arg7[%dma_wait3A_129, %dma_wait3A_130] : memref<10112x128xf32, #tpu.memory_space<vmem_shared>> -> memref<10112x128xf32, #tpu.memory_space<vmem_shared>>
    tpu.wait_indirect_dma semaphore(%arg17 : memref<!tpu.dma_semaphore, #tpu.memory_space<semaphore_mem>>) src(%dma_wait3A_125 : memref<88x128xf32, #tpu.memory_space<vmem>>) dst(%dma_wait3A_131 : memref<10112x128xf32, #tpu.memory_space<vmem_shared>>)
    %dma_wait3A_132 = arith.constant 3 : i32
    %dma_wait3A_133 = arith.constant 0 : i32
    %dma_wait3A_134 = arith.constant 0 : i32
    %dma_wait3A_135 = arith.constant 0 : i32
    %dma_wait3A_136 = arith.constant 0 : i32
    %dma_wait3A_137 = tpu.memref_slice %arg10[%dma_wait3A_132, %dma_wait3A_135, %dma_wait3A_136] : memref<4x88x128xf32, #tpu.memory_space<vmem>> -> memref<1x88x128xf32, #tpu.memory_space<vmem>>
    %dma_wait3A_138 = tpu.memref_squeeze %dma_wait3A_137 : memref<1x88x128xf32, #tpu.memory_space<vmem>> -> memref<88x128xf32, #tpu.memory_space<vmem>>
    %dma_wait3A_139 = arith.constant 0 : i32
    %dma_wait3A_140 = tpu.memref_slice %arg9[%dma_wait3A_133, %dma_wait3A_134, %dma_wait3A_139] : memref<2x4x88xi32, #tpu.memory_space<vmem>> -> memref<1x1x88xi32, #tpu.memory_space<vmem>>
    %dma_wait3A_141 = tpu.memref_squeeze %dma_wait3A_140 : memref<1x1x88xi32, #tpu.memory_space<vmem>> -> memref<88xi32, #tpu.memory_space<vmem>>
    %dma_wait3A_142 = arith.constant 0 : i32
    %dma_wait3A_143 = arith.constant 0 : i32
    %dma_wait3A_144 = tpu.memref_slice %arg7[%dma_wait3A_142, %dma_wait3A_143] : memref<10112x128xf32, #tpu.memory_space<vmem_shared>> -> memref<10112x128xf32, #tpu.memory_space<vmem_shared>>
    tpu.wait_indirect_dma semaphore(%arg18 : memref<!tpu.dma_semaphore, #tpu.memory_space<semaphore_mem>>) src(%dma_wait3A_138 : memref<88x128xf32, #tpu.memory_space<vmem>>) dst(%dma_wait3A_144 : memref<10112x128xf32, #tpu.memory_space<vmem_shared>>)
    %barrier3A_145 = arith.constant 0 : index
    tpu.barrier barrier_id(%barrier3A_145)
    %mul3A_146 = arith.constant 128 : i32
    %mul3A_147 = arith.muli %add3A_74, %mul3A_146 : i32
    "tpu.region"() ({
      %run_scoped3A_149 = tpu.sem_alloc : memref<!tpu.dma_semaphore, #tpu.memory_space<semaphore_mem>>
      %dma_start3A_150 = tpu.memref_slice %arg6[%mul3A_76, %mul3A_147] : memref<10112x512xf32, #tpu.memory_space<hbm>> -> memref<632x128xf32, #tpu.memory_space<hbm>>
      %dma_start3A_151 = arith.constant 0 : i32
      %dma_start3A_152 = tpu.memref_slice %arg7[%mul3A_76, %dma_start3A_151] : memref<10112x128xf32, #tpu.memory_space<vmem_shared>> -> memref<632x128xf32, #tpu.memory_space<vmem_shared>>
      tpu.enqueue_dma source(%dma_start3A_152 : memref<632x128xf32, #tpu.memory_space<vmem_shared>>) target(%dma_start3A_150 : memref<632x128xf32, #tpu.memory_space<hbm>>) target_semaphore(%run_scoped3A_149 : memref<!tpu.dma_semaphore, #tpu.memory_space<semaphore_mem>>)
      %dma_wait3A_153 = tpu.memref_slice %arg6[%mul3A_76, %mul3A_147] : memref<10112x512xf32, #tpu.memory_space<hbm>> -> memref<632x128xf32, #tpu.memory_space<hbm>>
      %dma_wait3A_154 = arith.constant 0 : i32
      %dma_wait3A_155 = tpu.memref_slice %arg7[%mul3A_76, %dma_wait3A_154] : memref<10112x128xf32, #tpu.memory_space<vmem_shared>> -> memref<632x128xf32, #tpu.memory_space<vmem_shared>>
      tpu.wait_dma2 semaphore(%run_scoped3A_149 : memref<!tpu.dma_semaphore, #tpu.memory_space<semaphore_mem>>) src(%dma_wait3A_155 : memref<632x128xf32, #tpu.memory_space<vmem_shared>>) dst(%dma_wait3A_153 : memref<632x128xf32, #tpu.memory_space<hbm>>)
      tpu.yield
    }) : () -> ()
    %barrier3A_148 = arith.constant 0 : index
    tpu.barrier barrier_id(%barrier3A_148)
    return
  }
}

#map = affine_map<(d0, d1) -> (0, 0)>
#map1 = affine_map<(d0, d1) -> (0, 0, 0)>
module attributes {stable_mosaic.version = 14 : i64} {
  func.func @_aggr_body(%arg0: i32, %arg1: i32, %arg2: memref<10000x128xf32, #tpu.memory_space<hbm>>, %arg3: memref<928x4x88xi32, #tpu.memory_space<hbm>>, %arg4: memref<928x4x88xi32, #tpu.memory_space<hbm>>, %arg5: memref<10112x128xf32, #tpu.memory_space<hbm>>, %arg6: memref<10112x256xf32, #tpu.memory_space<hbm>>, %arg7: memref<10112x128xf32, #tpu.memory_space<vmem_shared>>, %arg8: memref<2x4x88xi32, #tpu.memory_space<vmem>>, %arg9: memref<2x4x88xi32, #tpu.memory_space<vmem>>, %arg10: memref<4x88x128xf32, #tpu.memory_space<vmem>>, %arg11: memref<!tpu.dma_semaphore, #tpu.memory_space<semaphore_mem>>, %arg12: memref<!tpu.dma_semaphore, #tpu.memory_space<semaphore_mem>>, %arg13: memref<!tpu.dma_semaphore, #tpu.memory_space<semaphore_mem>>, %arg14: memref<!tpu.dma_semaphore, #tpu.memory_space<semaphore_mem>>, %arg15: memref<!tpu.dma_semaphore, #tpu.memory_space<semaphore_mem>>, %arg16: memref<!tpu.dma_semaphore, #tpu.memory_space<semaphore_mem>>, %arg17: memref<!tpu.dma_semaphore, #tpu.memory_space<semaphore_mem>>, %arg18: memref<!tpu.dma_semaphore, #tpu.memory_space<semaphore_mem>>, %arg19: memref<!tpu.dma_semaphore, #tpu.memory_space<semaphore_mem>>) attributes {dimension_semantics = [#tpu.dimension_semantics<core_parallel>, #tpu.dimension_semantics<subcore_parallel>], iteration_bounds = array<i64: 2, 16>, scalar_prefetch = 0 : i64, scratch_operands = 13 : i64, tpu.core_type = #tpu.core_type<sc_vector_subcore>, window_params = [{transform_indices = #map}, {transform_indices = #map1}, {transform_indices = #map1}, {transform_indices = #map}, {transform_indices = #map}]} {
    %mul3A = arith.constant 464 : i32
    %mul3A_0 = arith.muli %arg0, %mul3A : i32
    %mul3A_1 = arith.constant 632 : i32
    %mul3A_2 = arith.muli %arg1, %mul3A_1 : i32
    %mul3A_3 = arith.constant 29 : i32
    %mul3A_4 = arith.muli %arg1, %mul3A_3 : i32
    %add3A = arith.addi %mul3A_0, %mul3A_4 : i32
    %add3A_5 = arith.constant 0 : i32
    %add3A_6 = arith.addi %add3A_5, %add3A : i32
    %run_scoped3A = arith.constant 0 : i32
    "tpu.region"() ({
      %run_scoped3A_67 = tpu.sem_alloc : memref<!tpu.dma_semaphore, #tpu.memory_space<semaphore_mem>>
      %dma_start3A_68 = arith.constant 0 : i32
      %dma_start3A_69 = arith.constant 0 : i32
      %dma_start3A_70 = tpu.memref_slice %arg8[%run_scoped3A, %dma_start3A_68, %dma_start3A_69] : memref<2x4x88xi32, #tpu.memory_space<vmem>> -> memref<1x4x88xi32, #tpu.memory_space<vmem>>
      %dma_start3A_71 = tpu.memref_squeeze %dma_start3A_70 : memref<1x4x88xi32, #tpu.memory_space<vmem>> -> memref<4x88xi32, #tpu.memory_space<vmem>>
      %dma_start3A_72 = arith.constant 0 : i32
      %dma_start3A_73 = arith.constant 0 : i32
      %dma_start3A_74 = tpu.memref_slice %arg3[%add3A_6, %dma_start3A_72, %dma_start3A_73] : memref<928x4x88xi32, #tpu.memory_space<hbm>> -> memref<1x4x88xi32, #tpu.memory_space<hbm>>
      %dma_start3A_75 = tpu.memref_squeeze %dma_start3A_74 : memref<1x4x88xi32, #tpu.memory_space<hbm>> -> memref<4x88xi32, #tpu.memory_space<hbm>>
      %dma_start3A_76 = arith.constant 0 : i32
      %dma_start3A_77 = arith.constant 0 : i32
      %dma_start3A_78 = tpu.memref_slice %arg8[%run_scoped3A, %dma_start3A_76, %dma_start3A_77] : memref<2x4x88xi32, #tpu.memory_space<vmem>> -> memref<1x4x88xi32, #tpu.memory_space<vmem>>
      %dma_start3A_79 = tpu.memref_squeeze %dma_start3A_78 : memref<1x4x88xi32, #tpu.memory_space<vmem>> -> memref<4x88xi32, #tpu.memory_space<vmem>>
      %dma_start3A_80 = arith.constant 0 : i32
      %dma_start3A_81 = arith.constant 0 : i32
      %dma_start3A_82 = tpu.memref_slice %arg3[%add3A_6, %dma_start3A_80, %dma_start3A_81] : memref<928x4x88xi32, #tpu.memory_space<hbm>> -> memref<1x4x88xi32, #tpu.memory_space<hbm>>
      %dma_start3A_83 = tpu.memref_squeeze %dma_start3A_82 : memref<1x4x88xi32, #tpu.memory_space<hbm>> -> memref<4x88xi32, #tpu.memory_space<hbm>>
      tpu.enqueue_dma source(%dma_start3A_83 : memref<4x88xi32, #tpu.memory_space<hbm>>) target(%dma_start3A_79 : memref<4x88xi32, #tpu.memory_space<vmem>>) target_semaphore(%run_scoped3A_67 : memref<!tpu.dma_semaphore, #tpu.memory_space<semaphore_mem>>)
      %dma_wait3A_84 = arith.constant 0 : i32
      %dma_wait3A_85 = arith.constant 0 : i32
      %dma_wait3A_86 = tpu.memref_slice %arg8[%run_scoped3A, %dma_wait3A_84, %dma_wait3A_85] : memref<2x4x88xi32, #tpu.memory_space<vmem>> -> memref<1x4x88xi32, #tpu.memory_space<vmem>>
      %dma_wait3A_87 = tpu.memref_squeeze %dma_wait3A_86 : memref<1x4x88xi32, #tpu.memory_space<vmem>> -> memref<4x88xi32, #tpu.memory_space<vmem>>
      %dma_wait3A_88 = arith.constant 0 : i32
      %dma_wait3A_89 = arith.constant 0 : i32
      %dma_wait3A_90 = tpu.memref_slice %arg3[%add3A_6, %dma_wait3A_88, %dma_wait3A_89] : memref<928x4x88xi32, #tpu.memory_space<hbm>> -> memref<1x4x88xi32, #tpu.memory_space<hbm>>
      %dma_wait3A_91 = tpu.memref_squeeze %dma_wait3A_90 : memref<1x4x88xi32, #tpu.memory_space<hbm>> -> memref<4x88xi32, #tpu.memory_space<hbm>>
      %dma_wait3A_92 = arith.constant 0 : i32
      %dma_wait3A_93 = arith.constant 0 : i32
      %dma_wait3A_94 = tpu.memref_slice %arg8[%run_scoped3A, %dma_wait3A_92, %dma_wait3A_93] : memref<2x4x88xi32, #tpu.memory_space<vmem>> -> memref<1x4x88xi32, #tpu.memory_space<vmem>>
      %dma_wait3A_95 = tpu.memref_squeeze %dma_wait3A_94 : memref<1x4x88xi32, #tpu.memory_space<vmem>> -> memref<4x88xi32, #tpu.memory_space<vmem>>
      %dma_wait3A_96 = arith.constant 0 : i32
      %dma_wait3A_97 = arith.constant 0 : i32
      %dma_wait3A_98 = tpu.memref_slice %arg3[%add3A_6, %dma_wait3A_96, %dma_wait3A_97] : memref<928x4x88xi32, #tpu.memory_space<hbm>> -> memref<1x4x88xi32, #tpu.memory_space<hbm>>
      %dma_wait3A_99 = tpu.memref_squeeze %dma_wait3A_98 : memref<1x4x88xi32, #tpu.memory_space<hbm>> -> memref<4x88xi32, #tpu.memory_space<hbm>>
      tpu.wait_dma2 semaphore(%run_scoped3A_67 : memref<!tpu.dma_semaphore, #tpu.memory_space<semaphore_mem>>) src(%dma_wait3A_99 : memref<4x88xi32, #tpu.memory_space<hbm>>) dst(%dma_wait3A_95 : memref<4x88xi32, #tpu.memory_space<vmem>>)
      tpu.yield
    }) : () -> ()
    %run_scoped3A_7 = arith.constant 0 : i32
    "tpu.region"() ({
      %run_scoped3A_67 = tpu.sem_alloc : memref<!tpu.dma_semaphore, #tpu.memory_space<semaphore_mem>>
      %dma_start3A_68 = arith.constant 0 : i32
      %dma_start3A_69 = arith.constant 0 : i32
      %dma_start3A_70 = tpu.memref_slice %arg9[%run_scoped3A_7, %dma_start3A_68, %dma_start3A_69] : memref<2x4x88xi32, #tpu.memory_space<vmem>> -> memref<1x4x88xi32, #tpu.memory_space<vmem>>
      %dma_start3A_71 = tpu.memref_squeeze %dma_start3A_70 : memref<1x4x88xi32, #tpu.memory_space<vmem>> -> memref<4x88xi32, #tpu.memory_space<vmem>>
      %dma_start3A_72 = arith.constant 0 : i32
      %dma_start3A_73 = arith.constant 0 : i32
      %dma_start3A_74 = tpu.memref_slice %arg4[%add3A, %dma_start3A_72, %dma_start3A_73] : memref<928x4x88xi32, #tpu.memory_space<hbm>> -> memref<1x4x88xi32, #tpu.memory_space<hbm>>
      %dma_start3A_75 = tpu.memref_squeeze %dma_start3A_74 : memref<1x4x88xi32, #tpu.memory_space<hbm>> -> memref<4x88xi32, #tpu.memory_space<hbm>>
      %dma_start3A_76 = arith.constant 0 : i32
      %dma_start3A_77 = arith.constant 0 : i32
      %dma_start3A_78 = tpu.memref_slice %arg9[%run_scoped3A_7, %dma_start3A_76, %dma_start3A_77] : memref<2x4x88xi32, #tpu.memory_space<vmem>> -> memref<1x4x88xi32, #tpu.memory_space<vmem>>
      %dma_start3A_79 = tpu.memref_squeeze %dma_start3A_78 : memref<1x4x88xi32, #tpu.memory_space<vmem>> -> memref<4x88xi32, #tpu.memory_space<vmem>>
      %dma_start3A_80 = arith.constant 0 : i32
      %dma_start3A_81 = arith.constant 0 : i32
      %dma_start3A_82 = tpu.memref_slice %arg4[%add3A, %dma_start3A_80, %dma_start3A_81] : memref<928x4x88xi32, #tpu.memory_space<hbm>> -> memref<1x4x88xi32, #tpu.memory_space<hbm>>
      %dma_start3A_83 = tpu.memref_squeeze %dma_start3A_82 : memref<1x4x88xi32, #tpu.memory_space<hbm>> -> memref<4x88xi32, #tpu.memory_space<hbm>>
      tpu.enqueue_dma source(%dma_start3A_83 : memref<4x88xi32, #tpu.memory_space<hbm>>) target(%dma_start3A_79 : memref<4x88xi32, #tpu.memory_space<vmem>>) target_semaphore(%run_scoped3A_67 : memref<!tpu.dma_semaphore, #tpu.memory_space<semaphore_mem>>)
      %dma_wait3A_84 = arith.constant 0 : i32
      %dma_wait3A_85 = arith.constant 0 : i32
      %dma_wait3A_86 = tpu.memref_slice %arg9[%run_scoped3A_7, %dma_wait3A_84, %dma_wait3A_85] : memref<2x4x88xi32, #tpu.memory_space<vmem>> -> memref<1x4x88xi32, #tpu.memory_space<vmem>>
      %dma_wait3A_87 = tpu.memref_squeeze %dma_wait3A_86 : memref<1x4x88xi32, #tpu.memory_space<vmem>> -> memref<4x88xi32, #tpu.memory_space<vmem>>
      %dma_wait3A_88 = arith.constant 0 : i32
      %dma_wait3A_89 = arith.constant 0 : i32
      %dma_wait3A_90 = tpu.memref_slice %arg4[%add3A, %dma_wait3A_88, %dma_wait3A_89] : memref<928x4x88xi32, #tpu.memory_space<hbm>> -> memref<1x4x88xi32, #tpu.memory_space<hbm>>
      %dma_wait3A_91 = tpu.memref_squeeze %dma_wait3A_90 : memref<1x4x88xi32, #tpu.memory_space<hbm>> -> memref<4x88xi32, #tpu.memory_space<hbm>>
      %dma_wait3A_92 = arith.constant 0 : i32
      %dma_wait3A_93 = arith.constant 0 : i32
      %dma_wait3A_94 = tpu.memref_slice %arg9[%run_scoped3A_7, %dma_wait3A_92, %dma_wait3A_93] : memref<2x4x88xi32, #tpu.memory_space<vmem>> -> memref<1x4x88xi32, #tpu.memory_space<vmem>>
      %dma_wait3A_95 = tpu.memref_squeeze %dma_wait3A_94 : memref<1x4x88xi32, #tpu.memory_space<vmem>> -> memref<4x88xi32, #tpu.memory_space<vmem>>
      %dma_wait3A_96 = arith.constant 0 : i32
      %dma_wait3A_97 = arith.constant 0 : i32
      %dma_wait3A_98 = tpu.memref_slice %arg4[%add3A, %dma_wait3A_96, %dma_wait3A_97] : memref<928x4x88xi32, #tpu.memory_space<hbm>> -> memref<1x4x88xi32, #tpu.memory_space<hbm>>
      %dma_wait3A_99 = tpu.memref_squeeze %dma_wait3A_98 : memref<1x4x88xi32, #tpu.memory_space<hbm>> -> memref<4x88xi32, #tpu.memory_space<hbm>>
      tpu.wait_dma2 semaphore(%run_scoped3A_67 : memref<!tpu.dma_semaphore, #tpu.memory_space<semaphore_mem>>) src(%dma_wait3A_99 : memref<4x88xi32, #tpu.memory_space<hbm>>) dst(%dma_wait3A_95 : memref<4x88xi32, #tpu.memory_space<vmem>>)
      tpu.yield
    }) : () -> ()
    %dma_start3A = arith.constant 0 : i32
    %dma_start3A_8 = arith.constant 0 : i32
    %dma_start3A_9 = arith.constant 0 : i32
    %dma_start3A_10 = arith.constant 0 : i32
    %dma_start3A_11 = arith.constant 0 : i32
    %dma_start3A_12 = tpu.memref_slice %arg10[%dma_start3A_9, %dma_start3A_10, %dma_start3A_11] : memref<4x88x128xf32, #tpu.memory_space<vmem>> -> memref<1x88x128xf32, #tpu.memory_space<vmem>>
    %dma_start3A_13 = tpu.memref_squeeze %dma_start3A_12 : memref<1x88x128xf32, #tpu.memory_space<vmem>> -> memref<88x128xf32, #tpu.memory_space<vmem>>
    %dma_start3A_14 = arith.constant 0 : i32
    %dma_start3A_15 = tpu.memref_slice %arg8[%dma_start3A, %dma_start3A_8, %dma_start3A_14] : memref<2x4x88xi32, #tpu.memory_space<vmem>> -> memref<1x1x88xi32, #tpu.memory_space<vmem>>
    %dma_start3A_16 = tpu.memref_squeeze %dma_start3A_15 : memref<1x1x88xi32, #tpu.memory_space<vmem>> -> memref<88xi32, #tpu.memory_space<vmem>>
    %dma_start3A_17 = arith.constant 0 : i32
    %dma_start3A_18 = arith.constant 0 : i32
    %dma_start3A_19 = tpu.memref_slice %arg2[%dma_start3A_17, %dma_start3A_18] : memref<10000x128xf32, #tpu.memory_space<hbm>> -> memref<10000x128xf32, #tpu.memory_space<hbm>>
    tpu.enqueue_indirect_dma source(%dma_start3A_19 : memref<10000x128xf32, #tpu.memory_space<hbm>>) target(%dma_start3A_13 : memref<88x128xf32, #tpu.memory_space<vmem>>) offsets(%dma_start3A_16 : memref<88xi32, #tpu.memory_space<vmem>>) semaphore(%arg11 : memref<!tpu.dma_semaphore, #tpu.memory_space<semaphore_mem>>)
    %dma_start3A_20 = arith.constant 0 : i32
    %dma_start3A_21 = arith.constant 1 : i32
    %dma_start3A_22 = arith.constant 1 : i32
    %dma_start3A_23 = arith.constant 0 : i32
    %dma_start3A_24 = arith.constant 0 : i32
    %dma_start3A_25 = tpu.memref_slice %arg10[%dma_start3A_22, %dma_start3A_23, %dma_start3A_24] : memref<4x88x128xf32, #tpu.memory_space<vmem>> -> memref<1x88x128xf32, #tpu.memory_space<vmem>>
    %dma_start3A_26 = tpu.memref_squeeze %dma_start3A_25 : memref<1x88x128xf32, #tpu.memory_space<vmem>> -> memref<88x128xf32, #tpu.memory_space<vmem>>
    %dma_start3A_27 = arith.constant 0 : i32
    %dma_start3A_28 = tpu.memref_slice %arg8[%dma_start3A_20, %dma_start3A_21, %dma_start3A_27] : memref<2x4x88xi32, #tpu.memory_space<vmem>> -> memref<1x1x88xi32, #tpu.memory_space<vmem>>
    %dma_start3A_29 = tpu.memref_squeeze %dma_start3A_28 : memref<1x1x88xi32, #tpu.memory_space<vmem>> -> memref<88xi32, #tpu.memory_space<vmem>>
    %dma_start3A_30 = arith.constant 0 : i32
    %dma_start3A_31 = arith.constant 0 : i32
    %dma_start3A_32 = tpu.memref_slice %arg2[%dma_start3A_30, %dma_start3A_31] : memref<10000x128xf32, #tpu.memory_space<hbm>> -> memref<10000x128xf32, #tpu.memory_space<hbm>>
    tpu.enqueue_indirect_dma source(%dma_start3A_32 : memref<10000x128xf32, #tpu.memory_space<hbm>>) target(%dma_start3A_26 : memref<88x128xf32, #tpu.memory_space<vmem>>) offsets(%dma_start3A_29 : memref<88xi32, #tpu.memory_space<vmem>>) semaphore(%arg12 : memref<!tpu.dma_semaphore, #tpu.memory_space<semaphore_mem>>)
    "tpu.region"() ({
      %run_scoped3A_67 = tpu.sem_alloc : memref<!tpu.dma_semaphore, #tpu.memory_space<semaphore_mem>>
      %dma_start3A_68 = arith.constant 0 : i32
      %dma_start3A_69 = tpu.memref_slice %arg7[%mul3A_2, %dma_start3A_68] : memref<10112x128xf32, #tpu.memory_space<vmem_shared>> -> memref<632x128xf32, #tpu.memory_space<vmem_shared>>
      %dma_start3A_70 = arith.constant 0 : i32
      %dma_start3A_71 = tpu.memref_slice %arg5[%mul3A_2, %dma_start3A_70] : memref<10112x128xf32, #tpu.memory_space<hbm>> -> memref<632x128xf32, #tpu.memory_space<hbm>>
      tpu.enqueue_dma source(%dma_start3A_71 : memref<632x128xf32, #tpu.memory_space<hbm>>) target(%dma_start3A_69 : memref<632x128xf32, #tpu.memory_space<vmem_shared>>) target_semaphore(%run_scoped3A_67 : memref<!tpu.dma_semaphore, #tpu.memory_space<semaphore_mem>>)
      %dma_wait3A_72 = arith.constant 0 : i32
      %dma_wait3A_73 = tpu.memref_slice %arg7[%mul3A_2, %dma_wait3A_72] : memref<10112x128xf32, #tpu.memory_space<vmem_shared>> -> memref<632x128xf32, #tpu.memory_space<vmem_shared>>
      %dma_wait3A_74 = arith.constant 0 : i32
      %dma_wait3A_75 = tpu.memref_slice %arg5[%mul3A_2, %dma_wait3A_74] : memref<10112x128xf32, #tpu.memory_space<hbm>> -> memref<632x128xf32, #tpu.memory_space<hbm>>
      tpu.wait_dma2 semaphore(%run_scoped3A_67 : memref<!tpu.dma_semaphore, #tpu.memory_space<semaphore_mem>>) src(%dma_wait3A_75 : memref<632x128xf32, #tpu.memory_space<hbm>>) dst(%dma_wait3A_73 : memref<632x128xf32, #tpu.memory_space<vmem_shared>>)
      tpu.yield
    }) : () -> ()
    %barrier3A = arith.constant 0 : index
    tpu.barrier barrier_id(%barrier3A)
    %scan3A = arith.constant 0 : i32
    %scan3A_33 = arith.constant 0 : i32
    %scan3A_34 = arith.constant 29 : i32
    %scan3A_35 = arith.addi %scan3A_33, %scan3A_34 : i32
    %scan3A_36 = arith.constant 1 : i32
    scf.for %scan3A_67 = %scan3A_33 to %scan3A_35 step %scan3A_36  : i32 {
      %rem3A = arith.constant 2 : i32
      %rem3A_68 = arith.remsi %scan3A_67, %rem3A : i32
      %add3A_69 = arith.constant 1 : i32
      %add3A_70 = arith.addi %scan3A_67, %add3A_69 : i32
      %rem3A_71 = arith.constant 2 : i32
      %rem3A_72 = arith.remsi %add3A_70, %rem3A_71 : i32
      %add3A_73 = arith.addi %add3A, %scan3A_67 : i32
      %add3A_74 = arith.constant 1 : i32
      %add3A_75 = arith.addi %scan3A_67, %add3A_74 : i32
      %lt3A = arith.constant 29 : i32
      %lt3A_76 = arith.cmpi slt, %add3A_75, %lt3A : i32
      %convert_element_type3A = arith.extui %lt3A_76 : i1 to i32
      %cond3A = arith.constant 0 : i32
      %cond3A_77 = arith.cmpi ne, %convert_element_type3A, %cond3A : i32
      scf.if %cond3A_77 {
        %add3A_245 = arith.constant 0 : i32
        %add3A_246 = arith.addi %add3A_245, %add3A_73 : i32
        %add3A_247 = arith.constant 1 : i32
        %add3A_248 = arith.addi %add3A_246, %add3A_247 : i32
        %dma_start3A_249 = arith.constant 0 : i32
        %dma_start3A_250 = arith.constant 0 : i32
        %dma_start3A_251 = tpu.memref_slice %arg8[%rem3A_72, %dma_start3A_249, %dma_start3A_250] : memref<2x4x88xi32, #tpu.memory_space<vmem>> -> memref<1x4x88xi32, #tpu.memory_space<vmem>>
        %dma_start3A_252 = tpu.memref_squeeze %dma_start3A_251 : memref<1x4x88xi32, #tpu.memory_space<vmem>> -> memref<4x88xi32, #tpu.memory_space<vmem>>
        %dma_start3A_253 = arith.constant 0 : i32
        %dma_start3A_254 = arith.constant 0 : i32
        %dma_start3A_255 = tpu.memref_slice %arg3[%add3A_248, %dma_start3A_253, %dma_start3A_254] : memref<928x4x88xi32, #tpu.memory_space<hbm>> -> memref<1x4x88xi32, #tpu.memory_space<hbm>>
        %dma_start3A_256 = tpu.memref_squeeze %dma_start3A_255 : memref<1x4x88xi32, #tpu.memory_space<hbm>> -> memref<4x88xi32, #tpu.memory_space<hbm>>
        %dma_start3A_257 = arith.constant 0 : i32
        %dma_start3A_258 = arith.constant 0 : i32
        %dma_start3A_259 = tpu.memref_slice %arg8[%rem3A_72, %dma_start3A_257, %dma_start3A_258] : memref<2x4x88xi32, #tpu.memory_space<vmem>> -> memref<1x4x88xi32, #tpu.memory_space<vmem>>
        %dma_start3A_260 = tpu.memref_squeeze %dma_start3A_259 : memref<1x4x88xi32, #tpu.memory_space<vmem>> -> memref<4x88xi32, #tpu.memory_space<vmem>>
        %dma_start3A_261 = arith.constant 0 : i32
        %dma_start3A_262 = arith.constant 0 : i32
        %dma_start3A_263 = tpu.memref_slice %arg3[%add3A_248, %dma_start3A_261, %dma_start3A_262] : memref<928x4x88xi32, #tpu.memory_space<hbm>> -> memref<1x4x88xi32, #tpu.memory_space<hbm>>
        %dma_start3A_264 = tpu.memref_squeeze %dma_start3A_263 : memref<1x4x88xi32, #tpu.memory_space<hbm>> -> memref<4x88xi32, #tpu.memory_space<hbm>>
        tpu.enqueue_dma source(%dma_start3A_264 : memref<4x88xi32, #tpu.memory_space<hbm>>) target(%dma_start3A_260 : memref<4x88xi32, #tpu.memory_space<vmem>>) target_semaphore(%arg19 : memref<!tpu.dma_semaphore, #tpu.memory_space<semaphore_mem>>)
        %add3A_265 = arith.constant 1 : i32
        %add3A_266 = arith.addi %add3A_73, %add3A_265 : i32
        %dma_start3A_267 = arith.constant 0 : i32
        %dma_start3A_268 = arith.constant 0 : i32
        %dma_start3A_269 = tpu.memref_slice %arg9[%rem3A_72, %dma_start3A_267, %dma_start3A_268] : memref<2x4x88xi32, #tpu.memory_space<vmem>> -> memref<1x4x88xi32, #tpu.memory_space<vmem>>
        %dma_start3A_270 = tpu.memref_squeeze %dma_start3A_269 : memref<1x4x88xi32, #tpu.memory_space<vmem>> -> memref<4x88xi32, #tpu.memory_space<vmem>>
        %dma_start3A_271 = arith.constant 0 : i32
        %dma_start3A_272 = arith.constant 0 : i32
        %dma_start3A_273 = tpu.memref_slice %arg4[%add3A_266, %dma_start3A_271, %dma_start3A_272] : memref<928x4x88xi32, #tpu.memory_space<hbm>> -> memref<1x4x88xi32, #tpu.memory_space<hbm>>
        %dma_start3A_274 = tpu.memref_squeeze %dma_start3A_273 : memref<1x4x88xi32, #tpu.memory_space<hbm>> -> memref<4x88xi32, #tpu.memory_space<hbm>>
        %dma_start3A_275 = arith.constant 0 : i32
        %dma_start3A_276 = arith.constant 0 : i32
        %dma_start3A_277 = tpu.memref_slice %arg9[%rem3A_72, %dma_start3A_275, %dma_start3A_276] : memref<2x4x88xi32, #tpu.memory_space<vmem>> -> memref<1x4x88xi32, #tpu.memory_space<vmem>>
        %dma_start3A_278 = tpu.memref_squeeze %dma_start3A_277 : memref<1x4x88xi32, #tpu.memory_space<vmem>> -> memref<4x88xi32, #tpu.memory_space<vmem>>
        %dma_start3A_279 = arith.constant 0 : i32
        %dma_start3A_280 = arith.constant 0 : i32
        %dma_start3A_281 = tpu.memref_slice %arg4[%add3A_266, %dma_start3A_279, %dma_start3A_280] : memref<928x4x88xi32, #tpu.memory_space<hbm>> -> memref<1x4x88xi32, #tpu.memory_space<hbm>>
        %dma_start3A_282 = tpu.memref_squeeze %dma_start3A_281 : memref<1x4x88xi32, #tpu.memory_space<hbm>> -> memref<4x88xi32, #tpu.memory_space<hbm>>
        tpu.enqueue_dma source(%dma_start3A_282 : memref<4x88xi32, #tpu.memory_space<hbm>>) target(%dma_start3A_278 : memref<4x88xi32, #tpu.memory_space<vmem>>) target_semaphore(%arg19 : memref<!tpu.dma_semaphore, #tpu.memory_space<semaphore_mem>>)
      } else {
      }
      %dma_wait3A_78 = arith.constant 0 : i32
      %dma_wait3A_79 = arith.constant 0 : i32
      %dma_wait3A_80 = arith.constant 0 : i32
      %dma_wait3A_81 = arith.constant 0 : i32
      %dma_wait3A_82 = tpu.memref_slice %arg10[%dma_wait3A_79, %dma_wait3A_80, %dma_wait3A_81] : memref<4x88x128xf32, #tpu.memory_space<vmem>> -> memref<1x88x128xf32, #tpu.memory_space<vmem>>
      %dma_wait3A_83 = tpu.memref_squeeze %dma_wait3A_82 : memref<1x88x128xf32, #tpu.memory_space<vmem>> -> memref<88x128xf32, #tpu.memory_space<vmem>>
      %dma_wait3A_84 = arith.constant 0 : i32
      %dma_wait3A_85 = tpu.memref_slice %arg8[%rem3A_68, %dma_wait3A_78, %dma_wait3A_84] : memref<2x4x88xi32, #tpu.memory_space<vmem>> -> memref<1x1x88xi32, #tpu.memory_space<vmem>>
      %dma_wait3A_86 = tpu.memref_squeeze %dma_wait3A_85 : memref<1x1x88xi32, #tpu.memory_space<vmem>> -> memref<88xi32, #tpu.memory_space<vmem>>
      %dma_wait3A_87 = arith.constant 0 : i32
      %dma_wait3A_88 = arith.constant 0 : i32
      %dma_wait3A_89 = tpu.memref_slice %arg2[%dma_wait3A_87, %dma_wait3A_88] : memref<10000x128xf32, #tpu.memory_space<hbm>> -> memref<10000x128xf32, #tpu.memory_space<hbm>>
      tpu.wait_indirect_dma semaphore(%arg11 : memref<!tpu.dma_semaphore, #tpu.memory_space<semaphore_mem>>) src(%dma_wait3A_89 : memref<10000x128xf32, #tpu.memory_space<hbm>>) dst(%dma_wait3A_83 : memref<88x128xf32, #tpu.memory_space<vmem>>)
      %gt3A = arith.constant 0 : i32
      %gt3A_90 = arith.cmpi sgt, %scan3A_67, %gt3A : i32
      %convert_element_type3A_91 = arith.extui %gt3A_90 : i1 to i32
      %cond3A_92 = arith.constant 0 : i32
      %cond3A_93 = arith.cmpi ne, %convert_element_type3A_91, %cond3A_92 : i32
      scf.if %cond3A_93 {
        %dma_wait3A_245 = arith.constant 2 : i32
        %dma_wait3A_246 = arith.constant 0 : i32
        %dma_wait3A_247 = arith.constant 0 : i32
        %dma_wait3A_248 = arith.constant 0 : i32
        %dma_wait3A_249 = tpu.memref_slice %arg10[%dma_wait3A_245, %dma_wait3A_247, %dma_wait3A_248] : memref<4x88x128xf32, #tpu.memory_space<vmem>> -> memref<1x88x128xf32, #tpu.memory_space<vmem>>
        %dma_wait3A_250 = tpu.memref_squeeze %dma_wait3A_249 : memref<1x88x128xf32, #tpu.memory_space<vmem>> -> memref<88x128xf32, #tpu.memory_space<vmem>>
        %dma_wait3A_251 = arith.constant 0 : i32
        %dma_wait3A_252 = tpu.memref_slice %arg9[%rem3A_68, %dma_wait3A_246, %dma_wait3A_251] : memref<2x4x88xi32, #tpu.memory_space<vmem>> -> memref<1x1x88xi32, #tpu.memory_space<vmem>>
        %dma_wait3A_253 = tpu.memref_squeeze %dma_wait3A_252 : memref<1x1x88xi32, #tpu.memory_space<vmem>> -> memref<88xi32, #tpu.memory_space<vmem>>
        %dma_wait3A_254 = arith.constant 0 : i32
        %dma_wait3A_255 = arith.constant 0 : i32
        %dma_wait3A_256 = tpu.memref_slice %arg7[%dma_wait3A_254, %dma_wait3A_255] : memref<10112x128xf32, #tpu.memory_space<vmem_shared>> -> memref<10112x128xf32, #tpu.memory_space<vmem_shared>>
        tpu.wait_indirect_dma semaphore(%arg17 : memref<!tpu.dma_semaphore, #tpu.memory_space<semaphore_mem>>) src(%dma_wait3A_250 : memref<88x128xf32, #tpu.memory_space<vmem>>) dst(%dma_wait3A_256 : memref<10112x128xf32, #tpu.memory_space<vmem_shared>>)
      } else {
      }
      %dma_start3A_94 = arith.constant 0 : i32
      %dma_start3A_95 = arith.constant 0 : i32
      %dma_start3A_96 = arith.constant 0 : i32
      %dma_start3A_97 = arith.constant 0 : i32
      %dma_start3A_98 = tpu.memref_slice %arg10[%dma_start3A_94, %dma_start3A_96, %dma_start3A_97] : memref<4x88x128xf32, #tpu.memory_space<vmem>> -> memref<1x88x128xf32, #tpu.memory_space<vmem>>
      %dma_start3A_99 = tpu.memref_squeeze %dma_start3A_98 : memref<1x88x128xf32, #tpu.memory_space<vmem>> -> memref<88x128xf32, #tpu.memory_space<vmem>>
      %dma_start3A_100 = arith.constant 0 : i32
      %dma_start3A_101 = tpu.memref_slice %arg9[%rem3A_68, %dma_start3A_95, %dma_start3A_100] : memref<2x4x88xi32, #tpu.memory_space<vmem>> -> memref<1x1x88xi32, #tpu.memory_space<vmem>>
      %dma_start3A_102 = tpu.memref_squeeze %dma_start3A_101 : memref<1x1x88xi32, #tpu.memory_space<vmem>> -> memref<88xi32, #tpu.memory_space<vmem>>
      %dma_start3A_103 = arith.constant 0 : i32
      %dma_start3A_104 = arith.constant 0 : i32
      %dma_start3A_105 = tpu.memref_slice %arg7[%dma_start3A_103, %dma_start3A_104] : memref<10112x128xf32, #tpu.memory_space<vmem_shared>> -> memref<10112x128xf32, #tpu.memory_space<vmem_shared>>
      tpu.enqueue_indirect_dma source(%dma_start3A_99 : memref<88x128xf32, #tpu.memory_space<vmem>>) target(%dma_start3A_105 : memref<10112x128xf32, #tpu.memory_space<vmem_shared>>) offsets(%dma_start3A_102 : memref<88xi32, #tpu.memory_space<vmem>>) semaphore(%arg15 : memref<!tpu.dma_semaphore, #tpu.memory_space<semaphore_mem>>) {add = true}
      %dma_start3A_106 = arith.constant 2 : i32
      %dma_start3A_107 = arith.constant 2 : i32
      %dma_start3A_108 = arith.constant 0 : i32
      %dma_start3A_109 = arith.constant 0 : i32
      %dma_start3A_110 = tpu.memref_slice %arg10[%dma_start3A_107, %dma_start3A_108, %dma_start3A_109] : memref<4x88x128xf32, #tpu.memory_space<vmem>> -> memref<1x88x128xf32, #tpu.memory_space<vmem>>
      %dma_start3A_111 = tpu.memref_squeeze %dma_start3A_110 : memref<1x88x128xf32, #tpu.memory_space<vmem>> -> memref<88x128xf32, #tpu.memory_space<vmem>>
      %dma_start3A_112 = arith.constant 0 : i32
      %dma_start3A_113 = tpu.memref_slice %arg8[%rem3A_68, %dma_start3A_106, %dma_start3A_112] : memref<2x4x88xi32, #tpu.memory_space<vmem>> -> memref<1x1x88xi32, #tpu.memory_space<vmem>>
      %dma_start3A_114 = tpu.memref_squeeze %dma_start3A_113 : memref<1x1x88xi32, #tpu.memory_space<vmem>> -> memref<88xi32, #tpu.memory_space<vmem>>
      %dma_start3A_115 = arith.constant 0 : i32
      %dma_start3A_116 = arith.constant 0 : i32
      %dma_start3A_117 = tpu.memref_slice %arg2[%dma_start3A_115, %dma_start3A_116] : memref<10000x128xf32, #tpu.memory_space<hbm>> -> memref<10000x128xf32, #tpu.memory_space<hbm>>
      tpu.enqueue_indirect_dma source(%dma_start3A_117 : memref<10000x128xf32, #tpu.memory_space<hbm>>) target(%dma_start3A_111 : memref<88x128xf32, #tpu.memory_space<vmem>>) offsets(%dma_start3A_114 : memref<88xi32, #tpu.memory_space<vmem>>) semaphore(%arg13 : memref<!tpu.dma_semaphore, #tpu.memory_space<semaphore_mem>>)
      %dma_wait3A_118 = arith.constant 1 : i32
      %dma_wait3A_119 = arith.constant 1 : i32
      %dma_wait3A_120 = arith.constant 0 : i32
      %dma_wait3A_121 = arith.constant 0 : i32
      %dma_wait3A_122 = tpu.memref_slice %arg10[%dma_wait3A_119, %dma_wait3A_120, %dma_wait3A_121] : memref<4x88x128xf32, #tpu.memory_space<vmem>> -> memref<1x88x128xf32, #tpu.memory_space<vmem>>
      %dma_wait3A_123 = tpu.memref_squeeze %dma_wait3A_122 : memref<1x88x128xf32, #tpu.memory_space<vmem>> -> memref<88x128xf32, #tpu.memory_space<vmem>>
      %dma_wait3A_124 = arith.constant 0 : i32
      %dma_wait3A_125 = tpu.memref_slice %arg8[%rem3A_68, %dma_wait3A_118, %dma_wait3A_124] : memref<2x4x88xi32, #tpu.memory_space<vmem>> -> memref<1x1x88xi32, #tpu.memory_space<vmem>>
      %dma_wait3A_126 = tpu.memref_squeeze %dma_wait3A_125 : memref<1x1x88xi32, #tpu.memory_space<vmem>> -> memref<88xi32, #tpu.memory_space<vmem>>
      %dma_wait3A_127 = arith.constant 0 : i32
      %dma_wait3A_128 = arith.constant 0 : i32
      %dma_wait3A_129 = tpu.memref_slice %arg2[%dma_wait3A_127, %dma_wait3A_128] : memref<10000x128xf32, #tpu.memory_space<hbm>> -> memref<10000x128xf32, #tpu.memory_space<hbm>>
      tpu.wait_indirect_dma semaphore(%arg12 : memref<!tpu.dma_semaphore, #tpu.memory_space<semaphore_mem>>) src(%dma_wait3A_129 : memref<10000x128xf32, #tpu.memory_space<hbm>>) dst(%dma_wait3A_123 : memref<88x128xf32, #tpu.memory_space<vmem>>)
      %gt3A_130 = arith.constant 0 : i32
      %gt3A_131 = arith.cmpi sgt, %scan3A_67, %gt3A_130 : i32
      %convert_element_type3A_132 = arith.extui %gt3A_131 : i1 to i32
      %cond3A_133 = arith.constant 0 : i32
      %cond3A_134 = arith.cmpi ne, %convert_element_type3A_132, %cond3A_133 : i32
      scf.if %cond3A_134 {
        %dma_wait3A_245 = arith.constant 3 : i32
        %dma_wait3A_246 = arith.constant 1 : i32
        %dma_wait3A_247 = arith.constant 0 : i32
        %dma_wait3A_248 = arith.constant 0 : i32
        %dma_wait3A_249 = tpu.memref_slice %arg10[%dma_wait3A_245, %dma_wait3A_247, %dma_wait3A_248] : memref<4x88x128xf32, #tpu.memory_space<vmem>> -> memref<1x88x128xf32, #tpu.memory_space<vmem>>
        %dma_wait3A_250 = tpu.memref_squeeze %dma_wait3A_249 : memref<1x88x128xf32, #tpu.memory_space<vmem>> -> memref<88x128xf32, #tpu.memory_space<vmem>>
        %dma_wait3A_251 = arith.constant 0 : i32
        %dma_wait3A_252 = tpu.memref_slice %arg9[%rem3A_68, %dma_wait3A_246, %dma_wait3A_251] : memref<2x4x88xi32, #tpu.memory_space<vmem>> -> memref<1x1x88xi32, #tpu.memory_space<vmem>>
        %dma_wait3A_253 = tpu.memref_squeeze %dma_wait3A_252 : memref<1x1x88xi32, #tpu.memory_space<vmem>> -> memref<88xi32, #tpu.memory_space<vmem>>
        %dma_wait3A_254 = arith.constant 0 : i32
        %dma_wait3A_255 = arith.constant 0 : i32
        %dma_wait3A_256 = tpu.memref_slice %arg7[%dma_wait3A_254, %dma_wait3A_255] : memref<10112x128xf32, #tpu.memory_space<vmem_shared>> -> memref<10112x128xf32, #tpu.memory_space<vmem_shared>>
        tpu.wait_indirect_dma semaphore(%arg18 : memref<!tpu.dma_semaphore, #tpu.memory_space<semaphore_mem>>) src(%dma_wait3A_250 : memref<88x128xf32, #tpu.memory_space<vmem>>) dst(%dma_wait3A_256 : memref<10112x128xf32, #tpu.memory_space<vmem_shared>>)
      } else {
      }
      %dma_start3A_135 = arith.constant 1 : i32
      %dma_start3A_136 = arith.constant 1 : i32
      %dma_start3A_137 = arith.constant 0 : i32
      %dma_start3A_138 = arith.constant 0 : i32
      %dma_start3A_139 = tpu.memref_slice %arg10[%dma_start3A_135, %dma_start3A_137, %dma_start3A_138] : memref<4x88x128xf32, #tpu.memory_space<vmem>> -> memref<1x88x128xf32, #tpu.memory_space<vmem>>
      %dma_start3A_140 = tpu.memref_squeeze %dma_start3A_139 : memref<1x88x128xf32, #tpu.memory_space<vmem>> -> memref<88x128xf32, #tpu.memory_space<vmem>>
      %dma_start3A_141 = arith.constant 0 : i32
      %dma_start3A_142 = tpu.memref_slice %arg9[%rem3A_68, %dma_start3A_136, %dma_start3A_141] : memref<2x4x88xi32, #tpu.memory_space<vmem>> -> memref<1x1x88xi32, #tpu.memory_space<vmem>>
      %dma_start3A_143 = tpu.memref_squeeze %dma_start3A_142 : memref<1x1x88xi32, #tpu.memory_space<vmem>> -> memref<88xi32, #tpu.memory_space<vmem>>
      %dma_start3A_144 = arith.constant 0 : i32
      %dma_start3A_145 = arith.constant 0 : i32
      %dma_start3A_146 = tpu.memref_slice %arg7[%dma_start3A_144, %dma_start3A_145] : memref<10112x128xf32, #tpu.memory_space<vmem_shared>> -> memref<10112x128xf32, #tpu.memory_space<vmem_shared>>
      tpu.enqueue_indirect_dma source(%dma_start3A_140 : memref<88x128xf32, #tpu.memory_space<vmem>>) target(%dma_start3A_146 : memref<10112x128xf32, #tpu.memory_space<vmem_shared>>) offsets(%dma_start3A_143 : memref<88xi32, #tpu.memory_space<vmem>>) semaphore(%arg16 : memref<!tpu.dma_semaphore, #tpu.memory_space<semaphore_mem>>) {add = true}
      %dma_start3A_147 = arith.constant 3 : i32
      %dma_start3A_148 = arith.constant 3 : i32
      %dma_start3A_149 = arith.constant 0 : i32
      %dma_start3A_150 = arith.constant 0 : i32
      %dma_start3A_151 = tpu.memref_slice %arg10[%dma_start3A_148, %dma_start3A_149, %dma_start3A_150] : memref<4x88x128xf32, #tpu.memory_space<vmem>> -> memref<1x88x128xf32, #tpu.memory_space<vmem>>
      %dma_start3A_152 = tpu.memref_squeeze %dma_start3A_151 : memref<1x88x128xf32, #tpu.memory_space<vmem>> -> memref<88x128xf32, #tpu.memory_space<vmem>>
      %dma_start3A_153 = arith.constant 0 : i32
      %dma_start3A_154 = tpu.memref_slice %arg8[%rem3A_68, %dma_start3A_147, %dma_start3A_153] : memref<2x4x88xi32, #tpu.memory_space<vmem>> -> memref<1x1x88xi32, #tpu.memory_space<vmem>>
      %dma_start3A_155 = tpu.memref_squeeze %dma_start3A_154 : memref<1x1x88xi32, #tpu.memory_space<vmem>> -> memref<88xi32, #tpu.memory_space<vmem>>
      %dma_start3A_156 = arith.constant 0 : i32
      %dma_start3A_157 = arith.constant 0 : i32
      %dma_start3A_158 = tpu.memref_slice %arg2[%dma_start3A_156, %dma_start3A_157] : memref<10000x128xf32, #tpu.memory_space<hbm>> -> memref<10000x128xf32, #tpu.memory_space<hbm>>
      tpu.enqueue_indirect_dma source(%dma_start3A_158 : memref<10000x128xf32, #tpu.memory_space<hbm>>) target(%dma_start3A_152 : memref<88x128xf32, #tpu.memory_space<vmem>>) offsets(%dma_start3A_155 : memref<88xi32, #tpu.memory_space<vmem>>) semaphore(%arg14 : memref<!tpu.dma_semaphore, #tpu.memory_space<semaphore_mem>>)
      %dma_wait3A_159 = arith.constant 2 : i32
      %dma_wait3A_160 = arith.constant 2 : i32
      %dma_wait3A_161 = arith.constant 0 : i32
      %dma_wait3A_162 = arith.constant 0 : i32
      %dma_wait3A_163 = tpu.memref_slice %arg10[%dma_wait3A_160, %dma_wait3A_161, %dma_wait3A_162] : memref<4x88x128xf32, #tpu.memory_space<vmem>> -> memref<1x88x128xf32, #tpu.memory_space<vmem>>
      %dma_wait3A_164 = tpu.memref_squeeze %dma_wait3A_163 : memref<1x88x128xf32, #tpu.memory_space<vmem>> -> memref<88x128xf32, #tpu.memory_space<vmem>>
      %dma_wait3A_165 = arith.constant 0 : i32
      %dma_wait3A_166 = tpu.memref_slice %arg8[%rem3A_68, %dma_wait3A_159, %dma_wait3A_165] : memref<2x4x88xi32, #tpu.memory_space<vmem>> -> memref<1x1x88xi32, #tpu.memory_space<vmem>>
      %dma_wait3A_167 = tpu.memref_squeeze %dma_wait3A_166 : memref<1x1x88xi32, #tpu.memory_space<vmem>> -> memref<88xi32, #tpu.memory_space<vmem>>
      %dma_wait3A_168 = arith.constant 0 : i32
      %dma_wait3A_169 = arith.constant 0 : i32
      %dma_wait3A_170 = tpu.memref_slice %arg2[%dma_wait3A_168, %dma_wait3A_169] : memref<10000x128xf32, #tpu.memory_space<hbm>> -> memref<10000x128xf32, #tpu.memory_space<hbm>>
      tpu.wait_indirect_dma semaphore(%arg13 : memref<!tpu.dma_semaphore, #tpu.memory_space<semaphore_mem>>) src(%dma_wait3A_170 : memref<10000x128xf32, #tpu.memory_space<hbm>>) dst(%dma_wait3A_164 : memref<88x128xf32, #tpu.memory_space<vmem>>)
      %dma_wait3A_171 = arith.constant 0 : i32
      %dma_wait3A_172 = arith.constant 2 : i32
      %dma_wait3A_173 = arith.constant 0 : i32
      %dma_wait3A_174 = arith.constant 0 : i32
      %dma_wait3A_175 = tpu.memref_slice %arg10[%dma_wait3A_171, %dma_wait3A_173, %dma_wait3A_174] : memref<4x88x128xf32, #tpu.memory_space<vmem>> -> memref<1x88x128xf32, #tpu.memory_space<vmem>>
      %dma_wait3A_176 = tpu.memref_squeeze %dma_wait3A_175 : memref<1x88x128xf32, #tpu.memory_space<vmem>> -> memref<88x128xf32, #tpu.memory_space<vmem>>
      %dma_wait3A_177 = arith.constant 0 : i32
      %dma_wait3A_178 = tpu.memref_slice %arg9[%rem3A_68, %dma_wait3A_172, %dma_wait3A_177] : memref<2x4x88xi32, #tpu.memory_space<vmem>> -> memref<1x1x88xi32, #tpu.memory_space<vmem>>
      %dma_wait3A_179 = tpu.memref_squeeze %dma_wait3A_178 : memref<1x1x88xi32, #tpu.memory_space<vmem>> -> memref<88xi32, #tpu.memory_space<vmem>>
      %dma_wait3A_180 = arith.constant 0 : i32
      %dma_wait3A_181 = arith.constant 0 : i32
      %dma_wait3A_182 = tpu.memref_slice %arg7[%dma_wait3A_180, %dma_wait3A_181] : memref<10112x128xf32, #tpu.memory_space<vmem_shared>> -> memref<10112x128xf32, #tpu.memory_space<vmem_shared>>
      tpu.wait_indirect_dma semaphore(%arg15 : memref<!tpu.dma_semaphore, #tpu.memory_space<semaphore_mem>>) src(%dma_wait3A_176 : memref<88x128xf32, #tpu.memory_space<vmem>>) dst(%dma_wait3A_182 : memref<10112x128xf32, #tpu.memory_space<vmem_shared>>)
      %dma_start3A_183 = arith.constant 2 : i32
      %dma_start3A_184 = arith.constant 2 : i32
      %dma_start3A_185 = arith.constant 0 : i32
      %dma_start3A_186 = arith.constant 0 : i32
      %dma_start3A_187 = tpu.memref_slice %arg10[%dma_start3A_183, %dma_start3A_185, %dma_start3A_186] : memref<4x88x128xf32, #tpu.memory_space<vmem>> -> memref<1x88x128xf32, #tpu.memory_space<vmem>>
      %dma_start3A_188 = tpu.memref_squeeze %dma_start3A_187 : memref<1x88x128xf32, #tpu.memory_space<vmem>> -> memref<88x128xf32, #tpu.memory_space<vmem>>
      %dma_start3A_189 = arith.constant 0 : i32
      %dma_start3A_190 = tpu.memref_slice %arg9[%rem3A_68, %dma_start3A_184, %dma_start3A_189] : memref<2x4x88xi32, #tpu.memory_space<vmem>> -> memref<1x1x88xi32, #tpu.memory_space<vmem>>
      %dma_start3A_191 = tpu.memref_squeeze %dma_start3A_190 : memref<1x1x88xi32, #tpu.memory_space<vmem>> -> memref<88xi32, #tpu.memory_space<vmem>>
      %dma_start3A_192 = arith.constant 0 : i32
      %dma_start3A_193 = arith.constant 0 : i32
      %dma_start3A_194 = tpu.memref_slice %arg7[%dma_start3A_192, %dma_start3A_193] : memref<10112x128xf32, #tpu.memory_space<vmem_shared>> -> memref<10112x128xf32, #tpu.memory_space<vmem_shared>>
      tpu.enqueue_indirect_dma source(%dma_start3A_188 : memref<88x128xf32, #tpu.memory_space<vmem>>) target(%dma_start3A_194 : memref<10112x128xf32, #tpu.memory_space<vmem_shared>>) offsets(%dma_start3A_191 : memref<88xi32, #tpu.memory_space<vmem>>) semaphore(%arg17 : memref<!tpu.dma_semaphore, #tpu.memory_space<semaphore_mem>>) {add = true}
      %add3A_195 = arith.constant 1 : i32
      %add3A_196 = arith.addi %scan3A_67, %add3A_195 : i32
      %lt3A_197 = arith.constant 29 : i32
      %lt3A_198 = arith.cmpi slt, %add3A_196, %lt3A_197 : i32
      %convert_element_type3A_199 = arith.extui %lt3A_198 : i1 to i32
      %cond3A_200 = arith.constant 0 : i32
      %cond3A_201 = arith.cmpi ne, %convert_element_type3A_199, %cond3A_200 : i32
      scf.if %cond3A_201 {
        %dma_wait3A_245 = arith.constant 0 : i32
        %dma_wait3A_246 = arith.constant 0 : i32
        %dma_wait3A_247 = arith.constant 0 : i32
        %dma_wait3A_248 = tpu.memref_slice %arg8[%rem3A_72, %dma_wait3A_246, %dma_wait3A_247] : memref<2x4x88xi32, #tpu.memory_space<vmem>> -> memref<1x4x88xi32, #tpu.memory_space<vmem>>
        %dma_wait3A_249 = tpu.memref_squeeze %dma_wait3A_248 : memref<1x4x88xi32, #tpu.memory_space<vmem>> -> memref<4x88xi32, #tpu.memory_space<vmem>>
        %dma_wait3A_250 = arith.constant 0 : i32
        %dma_wait3A_251 = arith.constant 0 : i32
        %dma_wait3A_252 = tpu.memref_slice %arg3[%dma_wait3A_245, %dma_wait3A_250, %dma_wait3A_251] : memref<928x4x88xi32, #tpu.memory_space<hbm>> -> memref<1x4x88xi32, #tpu.memory_space<hbm>>
        %dma_wait3A_253 = tpu.memref_squeeze %dma_wait3A_252 : memref<1x4x88xi32, #tpu.memory_space<hbm>> -> memref<4x88xi32, #tpu.memory_space<hbm>>
        %dma_wait3A_254 = arith.constant 0 : i32
        %dma_wait3A_255 = arith.constant 0 : i32
        %dma_wait3A_256 = tpu.memref_slice %arg8[%rem3A_72, %dma_wait3A_254, %dma_wait3A_255] : memref<2x4x88xi32, #tpu.memory_space<vmem>> -> memref<1x4x88xi32, #tpu.memory_space<vmem>>
        %dma_wait3A_257 = tpu.memref_squeeze %dma_wait3A_256 : memref<1x4x88xi32, #tpu.memory_space<vmem>> -> memref<4x88xi32, #tpu.memory_space<vmem>>
        %dma_wait3A_258 = arith.constant 0 : i32
        %dma_wait3A_259 = arith.constant 0 : i32
        %dma_wait3A_260 = tpu.memref_slice %arg3[%dma_wait3A_245, %dma_wait3A_258, %dma_wait3A_259] : memref<928x4x88xi32, #tpu.memory_space<hbm>> -> memref<1x4x88xi32, #tpu.memory_space<hbm>>
        %dma_wait3A_261 = tpu.memref_squeeze %dma_wait3A_260 : memref<1x4x88xi32, #tpu.memory_space<hbm>> -> memref<4x88xi32, #tpu.memory_space<hbm>>
        tpu.wait_dma2 semaphore(%arg19 : memref<!tpu.dma_semaphore, #tpu.memory_space<semaphore_mem>>) src(%dma_wait3A_261 : memref<4x88xi32, #tpu.memory_space<hbm>>) dst(%dma_wait3A_257 : memref<4x88xi32, #tpu.memory_space<vmem>>)
        %dma_wait3A_262 = arith.constant 0 : i32
        %dma_wait3A_263 = arith.constant 0 : i32
        %dma_wait3A_264 = arith.constant 0 : i32
        %dma_wait3A_265 = tpu.memref_slice %arg9[%rem3A_72, %dma_wait3A_263, %dma_wait3A_264] : memref<2x4x88xi32, #tpu.memory_space<vmem>> -> memref<1x4x88xi32, #tpu.memory_space<vmem>>
        %dma_wait3A_266 = tpu.memref_squeeze %dma_wait3A_265 : memref<1x4x88xi32, #tpu.memory_space<vmem>> -> memref<4x88xi32, #tpu.memory_space<vmem>>
        %dma_wait3A_267 = arith.constant 0 : i32
        %dma_wait3A_268 = arith.constant 0 : i32
        %dma_wait3A_269 = tpu.memref_slice %arg4[%dma_wait3A_262, %dma_wait3A_267, %dma_wait3A_268] : memref<928x4x88xi32, #tpu.memory_space<hbm>> -> memref<1x4x88xi32, #tpu.memory_space<hbm>>
        %dma_wait3A_270 = tpu.memref_squeeze %dma_wait3A_269 : memref<1x4x88xi32, #tpu.memory_space<hbm>> -> memref<4x88xi32, #tpu.memory_space<hbm>>
        %dma_wait3A_271 = arith.constant 0 : i32
        %dma_wait3A_272 = arith.constant 0 : i32
        %dma_wait3A_273 = tpu.memref_slice %arg9[%rem3A_72, %dma_wait3A_271, %dma_wait3A_272] : memref<2x4x88xi32, #tpu.memory_space<vmem>> -> memref<1x4x88xi32, #tpu.memory_space<vmem>>
        %dma_wait3A_274 = tpu.memref_squeeze %dma_wait3A_273 : memref<1x4x88xi32, #tpu.memory_space<vmem>> -> memref<4x88xi32, #tpu.memory_space<vmem>>
        %dma_wait3A_275 = arith.constant 0 : i32
        %dma_wait3A_276 = arith.constant 0 : i32
        %dma_wait3A_277 = tpu.memref_slice %arg4[%dma_wait3A_262, %dma_wait3A_275, %dma_wait3A_276] : memref<928x4x88xi32, #tpu.memory_space<hbm>> -> memref<1x4x88xi32, #tpu.memory_space<hbm>>
        %dma_wait3A_278 = tpu.memref_squeeze %dma_wait3A_277 : memref<1x4x88xi32, #tpu.memory_space<hbm>> -> memref<4x88xi32, #tpu.memory_space<hbm>>
        tpu.wait_dma2 semaphore(%arg19 : memref<!tpu.dma_semaphore, #tpu.memory_space<semaphore_mem>>) src(%dma_wait3A_278 : memref<4x88xi32, #tpu.memory_space<hbm>>) dst(%dma_wait3A_274 : memref<4x88xi32, #tpu.memory_space<vmem>>)
        %dma_start3A_279 = arith.constant 0 : i32
        %dma_start3A_280 = arith.constant 0 : i32
        %dma_start3A_281 = arith.constant 0 : i32
        %dma_start3A_282 = arith.constant 0 : i32
        %dma_start3A_283 = tpu.memref_slice %arg10[%dma_start3A_280, %dma_start3A_281, %dma_start3A_282] : memref<4x88x128xf32, #tpu.memory_space<vmem>> -> memref<1x88x128xf32, #tpu.memory_space<vmem>>
        %dma_start3A_284 = tpu.memref_squeeze %dma_start3A_283 : memref<1x88x128xf32, #tpu.memory_space<vmem>> -> memref<88x128xf32, #tpu.memory_space<vmem>>
        %dma_start3A_285 = arith.constant 0 : i32
        %dma_start3A_286 = tpu.memref_slice %arg8[%rem3A_72, %dma_start3A_279, %dma_start3A_285] : memref<2x4x88xi32, #tpu.memory_space<vmem>> -> memref<1x1x88xi32, #tpu.memory_space<vmem>>
        %dma_start3A_287 = tpu.memref_squeeze %dma_start3A_286 : memref<1x1x88xi32, #tpu.memory_space<vmem>> -> memref<88xi32, #tpu.memory_space<vmem>>
        %dma_start3A_288 = arith.constant 0 : i32
        %dma_start3A_289 = arith.constant 0 : i32
        %dma_start3A_290 = tpu.memref_slice %arg2[%dma_start3A_288, %dma_start3A_289] : memref<10000x128xf32, #tpu.memory_space<hbm>> -> memref<10000x128xf32, #tpu.memory_space<hbm>>
        tpu.enqueue_indirect_dma source(%dma_start3A_290 : memref<10000x128xf32, #tpu.memory_space<hbm>>) target(%dma_start3A_284 : memref<88x128xf32, #tpu.memory_space<vmem>>) offsets(%dma_start3A_287 : memref<88xi32, #tpu.memory_space<vmem>>) semaphore(%arg11 : memref<!tpu.dma_semaphore, #tpu.memory_space<semaphore_mem>>)
      } else {
      }
      %dma_wait3A_202 = arith.constant 3 : i32
      %dma_wait3A_203 = arith.constant 3 : i32
      %dma_wait3A_204 = arith.constant 0 : i32
      %dma_wait3A_205 = arith.constant 0 : i32
      %dma_wait3A_206 = tpu.memref_slice %arg10[%dma_wait3A_203, %dma_wait3A_204, %dma_wait3A_205] : memref<4x88x128xf32, #tpu.memory_space<vmem>> -> memref<1x88x128xf32, #tpu.memory_space<vmem>>
      %dma_wait3A_207 = tpu.memref_squeeze %dma_wait3A_206 : memref<1x88x128xf32, #tpu.memory_space<vmem>> -> memref<88x128xf32, #tpu.memory_space<vmem>>
      %dma_wait3A_208 = arith.constant 0 : i32
      %dma_wait3A_209 = tpu.memref_slice %arg8[%rem3A_68, %dma_wait3A_202, %dma_wait3A_208] : memref<2x4x88xi32, #tpu.memory_space<vmem>> -> memref<1x1x88xi32, #tpu.memory_space<vmem>>
      %dma_wait3A_210 = tpu.memref_squeeze %dma_wait3A_209 : memref<1x1x88xi32, #tpu.memory_space<vmem>> -> memref<88xi32, #tpu.memory_space<vmem>>
      %dma_wait3A_211 = arith.constant 0 : i32
      %dma_wait3A_212 = arith.constant 0 : i32
      %dma_wait3A_213 = tpu.memref_slice %arg2[%dma_wait3A_211, %dma_wait3A_212] : memref<10000x128xf32, #tpu.memory_space<hbm>> -> memref<10000x128xf32, #tpu.memory_space<hbm>>
      tpu.wait_indirect_dma semaphore(%arg14 : memref<!tpu.dma_semaphore, #tpu.memory_space<semaphore_mem>>) src(%dma_wait3A_213 : memref<10000x128xf32, #tpu.memory_space<hbm>>) dst(%dma_wait3A_207 : memref<88x128xf32, #tpu.memory_space<vmem>>)
      %dma_wait3A_214 = arith.constant 1 : i32
      %dma_wait3A_215 = arith.constant 3 : i32
      %dma_wait3A_216 = arith.constant 0 : i32
      %dma_wait3A_217 = arith.constant 0 : i32
      %dma_wait3A_218 = tpu.memref_slice %arg10[%dma_wait3A_214, %dma_wait3A_216, %dma_wait3A_217] : memref<4x88x128xf32, #tpu.memory_space<vmem>> -> memref<1x88x128xf32, #tpu.memory_space<vmem>>
      %dma_wait3A_219 = tpu.memref_squeeze %dma_wait3A_218 : memref<1x88x128xf32, #tpu.memory_space<vmem>> -> memref<88x128xf32, #tpu.memory_space<vmem>>
      %dma_wait3A_220 = arith.constant 0 : i32
      %dma_wait3A_221 = tpu.memref_slice %arg9[%rem3A_68, %dma_wait3A_215, %dma_wait3A_220] : memref<2x4x88xi32, #tpu.memory_space<vmem>> -> memref<1x1x88xi32, #tpu.memory_space<vmem>>
      %dma_wait3A_222 = tpu.memref_squeeze %dma_wait3A_221 : memref<1x1x88xi32, #tpu.memory_space<vmem>> -> memref<88xi32, #tpu.memory_space<vmem>>
      %dma_wait3A_223 = arith.constant 0 : i32
      %dma_wait3A_224 = arith.constant 0 : i32
      %dma_wait3A_225 = tpu.memref_slice %arg7[%dma_wait3A_223, %dma_wait3A_224] : memref<10112x128xf32, #tpu.memory_space<vmem_shared>> -> memref<10112x128xf32, #tpu.memory_space<vmem_shared>>
      tpu.wait_indirect_dma semaphore(%arg16 : memref<!tpu.dma_semaphore, #tpu.memory_space<semaphore_mem>>) src(%dma_wait3A_219 : memref<88x128xf32, #tpu.memory_space<vmem>>) dst(%dma_wait3A_225 : memref<10112x128xf32, #tpu.memory_space<vmem_shared>>)
      %dma_start3A_226 = arith.constant 3 : i32
      %dma_start3A_227 = arith.constant 3 : i32
      %dma_start3A_228 = arith.constant 0 : i32
      %dma_start3A_229 = arith.constant 0 : i32
      %dma_start3A_230 = tpu.memref_slice %arg10[%dma_start3A_226, %dma_start3A_228, %dma_start3A_229] : memref<4x88x128xf32, #tpu.memory_space<vmem>> -> memref<1x88x128xf32, #tpu.memory_space<vmem>>
      %dma_start3A_231 = tpu.memref_squeeze %dma_start3A_230 : memref<1x88x128xf32, #tpu.memory_space<vmem>> -> memref<88x128xf32, #tpu.memory_space<vmem>>
      %dma_start3A_232 = arith.constant 0 : i32
      %dma_start3A_233 = tpu.memref_slice %arg9[%rem3A_68, %dma_start3A_227, %dma_start3A_232] : memref<2x4x88xi32, #tpu.memory_space<vmem>> -> memref<1x1x88xi32, #tpu.memory_space<vmem>>
      %dma_start3A_234 = tpu.memref_squeeze %dma_start3A_233 : memref<1x1x88xi32, #tpu.memory_space<vmem>> -> memref<88xi32, #tpu.memory_space<vmem>>
      %dma_start3A_235 = arith.constant 0 : i32
      %dma_start3A_236 = arith.constant 0 : i32
      %dma_start3A_237 = tpu.memref_slice %arg7[%dma_start3A_235, %dma_start3A_236] : memref<10112x128xf32, #tpu.memory_space<vmem_shared>> -> memref<10112x128xf32, #tpu.memory_space<vmem_shared>>
      tpu.enqueue_indirect_dma source(%dma_start3A_231 : memref<88x128xf32, #tpu.memory_space<vmem>>) target(%dma_start3A_237 : memref<10112x128xf32, #tpu.memory_space<vmem_shared>>) offsets(%dma_start3A_234 : memref<88xi32, #tpu.memory_space<vmem>>) semaphore(%arg18 : memref<!tpu.dma_semaphore, #tpu.memory_space<semaphore_mem>>) {add = true}
      %add3A_238 = arith.constant 1 : i32
      %add3A_239 = arith.addi %scan3A_67, %add3A_238 : i32
      %lt3A_240 = arith.constant 29 : i32
      %lt3A_241 = arith.cmpi slt, %add3A_239, %lt3A_240 : i32
      %convert_element_type3A_242 = arith.extui %lt3A_241 : i1 to i32
      %cond3A_243 = arith.constant 0 : i32
      %cond3A_244 = arith.cmpi ne, %convert_element_type3A_242, %cond3A_243 : i32
      scf.if %cond3A_244 {
        %dma_start3A_245 = arith.constant 1 : i32
        %dma_start3A_246 = arith.constant 1 : i32
        %dma_start3A_247 = arith.constant 0 : i32
        %dma_start3A_248 = arith.constant 0 : i32
        %dma_start3A_249 = tpu.memref_slice %arg10[%dma_start3A_246, %dma_start3A_247, %dma_start3A_248] : memref<4x88x128xf32, #tpu.memory_space<vmem>> -> memref<1x88x128xf32, #tpu.memory_space<vmem>>
        %dma_start3A_250 = tpu.memref_squeeze %dma_start3A_249 : memref<1x88x128xf32, #tpu.memory_space<vmem>> -> memref<88x128xf32, #tpu.memory_space<vmem>>
        %dma_start3A_251 = arith.constant 0 : i32
        %dma_start3A_252 = tpu.memref_slice %arg8[%rem3A_72, %dma_start3A_245, %dma_start3A_251] : memref<2x4x88xi32, #tpu.memory_space<vmem>> -> memref<1x1x88xi32, #tpu.memory_space<vmem>>
        %dma_start3A_253 = tpu.memref_squeeze %dma_start3A_252 : memref<1x1x88xi32, #tpu.memory_space<vmem>> -> memref<88xi32, #tpu.memory_space<vmem>>
        %dma_start3A_254 = arith.constant 0 : i32
        %dma_start3A_255 = arith.constant 0 : i32
        %dma_start3A_256 = tpu.memref_slice %arg2[%dma_start3A_254, %dma_start3A_255] : memref<10000x128xf32, #tpu.memory_space<hbm>> -> memref<10000x128xf32, #tpu.memory_space<hbm>>
        tpu.enqueue_indirect_dma source(%dma_start3A_256 : memref<10000x128xf32, #tpu.memory_space<hbm>>) target(%dma_start3A_250 : memref<88x128xf32, #tpu.memory_space<vmem>>) offsets(%dma_start3A_253 : memref<88xi32, #tpu.memory_space<vmem>>) semaphore(%arg12 : memref<!tpu.dma_semaphore, #tpu.memory_space<semaphore_mem>>)
      } else {
      }
    }
    %scan3A_37 = arith.constant 29 : i32
    %dma_wait3A = arith.constant 2 : i32
    %dma_wait3A_38 = arith.constant 0 : i32
    %dma_wait3A_39 = arith.constant 0 : i32
    %dma_wait3A_40 = arith.constant 0 : i32
    %dma_wait3A_41 = arith.constant 0 : i32
    %dma_wait3A_42 = tpu.memref_slice %arg10[%dma_wait3A, %dma_wait3A_40, %dma_wait3A_41] : memref<4x88x128xf32, #tpu.memory_space<vmem>> -> memref<1x88x128xf32, #tpu.memory_space<vmem>>
    %dma_wait3A_43 = tpu.memref_squeeze %dma_wait3A_42 : memref<1x88x128xf32, #tpu.memory_space<vmem>> -> memref<88x128xf32, #tpu.memory_space<vmem>>
    %dma_wait3A_44 = arith.constant 0 : i32
    %dma_wait3A_45 = tpu.memref_slice %arg9[%dma_wait3A_38, %dma_wait3A_39, %dma_wait3A_44] : memref<2x4x88xi32, #tpu.memory_space<vmem>> -> memref<1x1x88xi32, #tpu.memory_space<vmem>>
    %dma_wait3A_46 = tpu.memref_squeeze %dma_wait3A_45 : memref<1x1x88xi32, #tpu.memory_space<vmem>> -> memref<88xi32, #tpu.memory_space<vmem>>
    %dma_wait3A_47 = arith.constant 0 : i32
    %dma_wait3A_48 = arith.constant 0 : i32
    %dma_wait3A_49 = tpu.memref_slice %arg7[%dma_wait3A_47, %dma_wait3A_48] : memref<10112x128xf32, #tpu.memory_space<vmem_shared>> -> memref<10112x128xf32, #tpu.memory_space<vmem_shared>>
    tpu.wait_indirect_dma semaphore(%arg17 : memref<!tpu.dma_semaphore, #tpu.memory_space<semaphore_mem>>) src(%dma_wait3A_43 : memref<88x128xf32, #tpu.memory_space<vmem>>) dst(%dma_wait3A_49 : memref<10112x128xf32, #tpu.memory_space<vmem_shared>>)
    %dma_wait3A_50 = arith.constant 3 : i32
    %dma_wait3A_51 = arith.constant 0 : i32
    %dma_wait3A_52 = arith.constant 0 : i32
    %dma_wait3A_53 = arith.constant 0 : i32
    %dma_wait3A_54 = arith.constant 0 : i32
    %dma_wait3A_55 = tpu.memref_slice %arg10[%dma_wait3A_50, %dma_wait3A_53, %dma_wait3A_54] : memref<4x88x128xf32, #tpu.memory_space<vmem>> -> memref<1x88x128xf32, #tpu.memory_space<vmem>>
    %dma_wait3A_56 = tpu.memref_squeeze %dma_wait3A_55 : memref<1x88x128xf32, #tpu.memory_space<vmem>> -> memref<88x128xf32, #tpu.memory_space<vmem>>
    %dma_wait3A_57 = arith.constant 0 : i32
    %dma_wait3A_58 = tpu.memref_slice %arg9[%dma_wait3A_51, %dma_wait3A_52, %dma_wait3A_57] : memref<2x4x88xi32, #tpu.memory_space<vmem>> -> memref<1x1x88xi32, #tpu.memory_space<vmem>>
    %dma_wait3A_59 = tpu.memref_squeeze %dma_wait3A_58 : memref<1x1x88xi32, #tpu.memory_space<vmem>> -> memref<88xi32, #tpu.memory_space<vmem>>
    %dma_wait3A_60 = arith.constant 0 : i32
    %dma_wait3A_61 = arith.constant 0 : i32
    %dma_wait3A_62 = tpu.memref_slice %arg7[%dma_wait3A_60, %dma_wait3A_61] : memref<10112x128xf32, #tpu.memory_space<vmem_shared>> -> memref<10112x128xf32, #tpu.memory_space<vmem_shared>>
    tpu.wait_indirect_dma semaphore(%arg18 : memref<!tpu.dma_semaphore, #tpu.memory_space<semaphore_mem>>) src(%dma_wait3A_56 : memref<88x128xf32, #tpu.memory_space<vmem>>) dst(%dma_wait3A_62 : memref<10112x128xf32, #tpu.memory_space<vmem_shared>>)
    %barrier3A_63 = arith.constant 0 : index
    tpu.barrier barrier_id(%barrier3A_63)
    %mul3A_64 = arith.constant 128 : i32
    %mul3A_65 = arith.muli %arg0, %mul3A_64 : i32
    "tpu.region"() ({
      %run_scoped3A_67 = tpu.sem_alloc : memref<!tpu.dma_semaphore, #tpu.memory_space<semaphore_mem>>
      %dma_start3A_68 = tpu.memref_slice %arg6[%mul3A_2, %mul3A_65] : memref<10112x256xf32, #tpu.memory_space<hbm>> -> memref<632x128xf32, #tpu.memory_space<hbm>>
      %dma_start3A_69 = arith.constant 0 : i32
      %dma_start3A_70 = tpu.memref_slice %arg7[%mul3A_2, %dma_start3A_69] : memref<10112x128xf32, #tpu.memory_space<vmem_shared>> -> memref<632x128xf32, #tpu.memory_space<vmem_shared>>
      tpu.enqueue_dma source(%dma_start3A_70 : memref<632x128xf32, #tpu.memory_space<vmem_shared>>) target(%dma_start3A_68 : memref<632x128xf32, #tpu.memory_space<hbm>>) target_semaphore(%run_scoped3A_67 : memref<!tpu.dma_semaphore, #tpu.memory_space<semaphore_mem>>)
      %dma_wait3A_71 = tpu.memref_slice %arg6[%mul3A_2, %mul3A_65] : memref<10112x256xf32, #tpu.memory_space<hbm>> -> memref<632x128xf32, #tpu.memory_space<hbm>>
      %dma_wait3A_72 = arith.constant 0 : i32
      %dma_wait3A_73 = tpu.memref_slice %arg7[%mul3A_2, %dma_wait3A_72] : memref<10112x128xf32, #tpu.memory_space<vmem_shared>> -> memref<632x128xf32, #tpu.memory_space<vmem_shared>>
      tpu.wait_dma2 semaphore(%run_scoped3A_67 : memref<!tpu.dma_semaphore, #tpu.memory_space<semaphore_mem>>) src(%dma_wait3A_73 : memref<632x128xf32, #tpu.memory_space<vmem_shared>>) dst(%dma_wait3A_71 : memref<632x128xf32, #tpu.memory_space<hbm>>)
      tpu.yield
    }) : () -> ()
    %barrier3A_66 = arith.constant 0 : index
    tpu.barrier barrier_id(%barrier3A_66)
    return
  }
}

#map = affine_map<(d0, d1) -> (0, 0)>
#map1 = affine_map<(d0, d1) -> (0, 0, 0)>
module attributes {stable_mosaic.version = 14 : i64} {
  func.func @_aggr_body(%arg0: i32, %arg1: i32, %arg2: memref<40000x128xf32, #tpu.memory_space<hbm>>, %arg3: memref<3712x4x88xi32, #tpu.memory_space<hbm>>, %arg4: memref<928x4x88xi32, #tpu.memory_space<hbm>>, %arg5: memref<10112x128xf32, #tpu.memory_space<hbm>>, %arg6: memref<10112x512xf32, #tpu.memory_space<hbm>>, %arg7: memref<10112x128xf32, #tpu.memory_space<vmem_shared>>, %arg8: memref<2x4x88xi32, #tpu.memory_space<vmem>>, %arg9: memref<2x4x88xi32, #tpu.memory_space<vmem>>, %arg10: memref<4x88x128xf32, #tpu.memory_space<vmem>>, %arg11: memref<!tpu.dma_semaphore, #tpu.memory_space<semaphore_mem>>, %arg12: memref<!tpu.dma_semaphore, #tpu.memory_space<semaphore_mem>>, %arg13: memref<!tpu.dma_semaphore, #tpu.memory_space<semaphore_mem>>, %arg14: memref<!tpu.dma_semaphore, #tpu.memory_space<semaphore_mem>>, %arg15: memref<!tpu.dma_semaphore, #tpu.memory_space<semaphore_mem>>, %arg16: memref<!tpu.dma_semaphore, #tpu.memory_space<semaphore_mem>>, %arg17: memref<!tpu.dma_semaphore, #tpu.memory_space<semaphore_mem>>, %arg18: memref<!tpu.dma_semaphore, #tpu.memory_space<semaphore_mem>>, %arg19: memref<!tpu.dma_semaphore, #tpu.memory_space<semaphore_mem>>) attributes {dimension_semantics = [#tpu.dimension_semantics<core_parallel>, #tpu.dimension_semantics<subcore_parallel>], iteration_bounds = array<i64: 2, 16>, scalar_prefetch = 0 : i64, scratch_operands = 13 : i64, tpu.core_type = #tpu.core_type<sc_vector_subcore>, window_params = [{transform_indices = #map}, {transform_indices = #map1}, {transform_indices = #map1}, {transform_indices = #map}, {transform_indices = #map}]} {
    %mul3A = arith.constant 2 : i32
    %mul3A_0 = arith.muli %arg0, %mul3A : i32
    %add3A = arith.constant 0 : i32
    %add3A_1 = arith.addi %mul3A_0, %add3A : i32
    %mul3A_2 = arith.constant 632 : i32
    %mul3A_3 = arith.muli %arg1, %mul3A_2 : i32
    %mul3A_4 = arith.constant 58 : i32
    %mul3A_5 = arith.muli %arg1, %mul3A_4 : i32
    %add3A_6 = arith.constant 0 : i32
    %add3A_7 = arith.addi %add3A_6, %mul3A_5 : i32
    %mul3A_8 = arith.constant 928 : i32
    %mul3A_9 = arith.muli %add3A_1, %mul3A_8 : i32
    %add3A_10 = arith.addi %mul3A_9, %add3A_7 : i32
    %run_scoped3A = arith.constant 0 : i32
    "tpu.region"() ({
      %run_scoped3A_149 = tpu.sem_alloc : memref<!tpu.dma_semaphore, #tpu.memory_space<semaphore_mem>>
      %dma_start3A_150 = arith.constant 0 : i32
      %dma_start3A_151 = arith.constant 0 : i32
      %dma_start3A_152 = tpu.memref_slice %arg8[%run_scoped3A, %dma_start3A_150, %dma_start3A_151] : memref<2x4x88xi32, #tpu.memory_space<vmem>> -> memref<1x4x88xi32, #tpu.memory_space<vmem>>
      %dma_start3A_153 = tpu.memref_squeeze %dma_start3A_152 : memref<1x4x88xi32, #tpu.memory_space<vmem>> -> memref<4x88xi32, #tpu.memory_space<vmem>>
      %dma_start3A_154 = arith.constant 0 : i32
      %dma_start3A_155 = arith.constant 0 : i32
      %dma_start3A_156 = tpu.memref_slice %arg3[%add3A_10, %dma_start3A_154, %dma_start3A_155] : memref<3712x4x88xi32, #tpu.memory_space<hbm>> -> memref<1x4x88xi32, #tpu.memory_space<hbm>>
      %dma_start3A_157 = tpu.memref_squeeze %dma_start3A_156 : memref<1x4x88xi32, #tpu.memory_space<hbm>> -> memref<4x88xi32, #tpu.memory_space<hbm>>
      %dma_start3A_158 = arith.constant 0 : i32
      %dma_start3A_159 = arith.constant 0 : i32
      %dma_start3A_160 = tpu.memref_slice %arg8[%run_scoped3A, %dma_start3A_158, %dma_start3A_159] : memref<2x4x88xi32, #tpu.memory_space<vmem>> -> memref<1x4x88xi32, #tpu.memory_space<vmem>>
      %dma_start3A_161 = tpu.memref_squeeze %dma_start3A_160 : memref<1x4x88xi32, #tpu.memory_space<vmem>> -> memref<4x88xi32, #tpu.memory_space<vmem>>
      %dma_start3A_162 = arith.constant 0 : i32
      %dma_start3A_163 = arith.constant 0 : i32
      %dma_start3A_164 = tpu.memref_slice %arg3[%add3A_10, %dma_start3A_162, %dma_start3A_163] : memref<3712x4x88xi32, #tpu.memory_space<hbm>> -> memref<1x4x88xi32, #tpu.memory_space<hbm>>
      %dma_start3A_165 = tpu.memref_squeeze %dma_start3A_164 : memref<1x4x88xi32, #tpu.memory_space<hbm>> -> memref<4x88xi32, #tpu.memory_space<hbm>>
      tpu.enqueue_dma source(%dma_start3A_165 : memref<4x88xi32, #tpu.memory_space<hbm>>) target(%dma_start3A_161 : memref<4x88xi32, #tpu.memory_space<vmem>>) target_semaphore(%run_scoped3A_149 : memref<!tpu.dma_semaphore, #tpu.memory_space<semaphore_mem>>)
      %dma_wait3A_166 = arith.constant 0 : i32
      %dma_wait3A_167 = arith.constant 0 : i32
      %dma_wait3A_168 = tpu.memref_slice %arg8[%run_scoped3A, %dma_wait3A_166, %dma_wait3A_167] : memref<2x4x88xi32, #tpu.memory_space<vmem>> -> memref<1x4x88xi32, #tpu.memory_space<vmem>>
      %dma_wait3A_169 = tpu.memref_squeeze %dma_wait3A_168 : memref<1x4x88xi32, #tpu.memory_space<vmem>> -> memref<4x88xi32, #tpu.memory_space<vmem>>
      %dma_wait3A_170 = arith.constant 0 : i32
      %dma_wait3A_171 = arith.constant 0 : i32
      %dma_wait3A_172 = tpu.memref_slice %arg3[%add3A_10, %dma_wait3A_170, %dma_wait3A_171] : memref<3712x4x88xi32, #tpu.memory_space<hbm>> -> memref<1x4x88xi32, #tpu.memory_space<hbm>>
      %dma_wait3A_173 = tpu.memref_squeeze %dma_wait3A_172 : memref<1x4x88xi32, #tpu.memory_space<hbm>> -> memref<4x88xi32, #tpu.memory_space<hbm>>
      %dma_wait3A_174 = arith.constant 0 : i32
      %dma_wait3A_175 = arith.constant 0 : i32
      %dma_wait3A_176 = tpu.memref_slice %arg8[%run_scoped3A, %dma_wait3A_174, %dma_wait3A_175] : memref<2x4x88xi32, #tpu.memory_space<vmem>> -> memref<1x4x88xi32, #tpu.memory_space<vmem>>
      %dma_wait3A_177 = tpu.memref_squeeze %dma_wait3A_176 : memref<1x4x88xi32, #tpu.memory_space<vmem>> -> memref<4x88xi32, #tpu.memory_space<vmem>>
      %dma_wait3A_178 = arith.constant 0 : i32
      %dma_wait3A_179 = arith.constant 0 : i32
      %dma_wait3A_180 = tpu.memref_slice %arg3[%add3A_10, %dma_wait3A_178, %dma_wait3A_179] : memref<3712x4x88xi32, #tpu.memory_space<hbm>> -> memref<1x4x88xi32, #tpu.memory_space<hbm>>
      %dma_wait3A_181 = tpu.memref_squeeze %dma_wait3A_180 : memref<1x4x88xi32, #tpu.memory_space<hbm>> -> memref<4x88xi32, #tpu.memory_space<hbm>>
      tpu.wait_dma2 semaphore(%run_scoped3A_149 : memref<!tpu.dma_semaphore, #tpu.memory_space<semaphore_mem>>) src(%dma_wait3A_181 : memref<4x88xi32, #tpu.memory_space<hbm>>) dst(%dma_wait3A_177 : memref<4x88xi32, #tpu.memory_space<vmem>>)
      tpu.yield
    }) : () -> ()
    %run_scoped3A_11 = arith.constant 0 : i32
    "tpu.region"() ({
      %run_scoped3A_149 = tpu.sem_alloc : memref<!tpu.dma_semaphore, #tpu.memory_space<semaphore_mem>>
      %dma_start3A_150 = arith.constant 0 : i32
      %dma_start3A_151 = arith.constant 0 : i32
      %dma_start3A_152 = tpu.memref_slice %arg9[%run_scoped3A_11, %dma_start3A_150, %dma_start3A_151] : memref<2x4x88xi32, #tpu.memory_space<vmem>> -> memref<1x4x88xi32, #tpu.memory_space<vmem>>
      %dma_start3A_153 = tpu.memref_squeeze %dma_start3A_152 : memref<1x4x88xi32, #tpu.memory_space<vmem>> -> memref<4x88xi32, #tpu.memory_space<vmem>>
      %dma_start3A_154 = arith.constant 0 : i32
      %dma_start3A_155 = arith.constant 0 : i32
      %dma_start3A_156 = tpu.memref_slice %arg4[%add3A_7, %dma_start3A_154, %dma_start3A_155] : memref<928x4x88xi32, #tpu.memory_space<hbm>> -> memref<1x4x88xi32, #tpu.memory_space<hbm>>
      %dma_start3A_157 = tpu.memref_squeeze %dma_start3A_156 : memref<1x4x88xi32, #tpu.memory_space<hbm>> -> memref<4x88xi32, #tpu.memory_space<hbm>>
      %dma_start3A_158 = arith.constant 0 : i32
      %dma_start3A_159 = arith.constant 0 : i32
      %dma_start3A_160 = tpu.memref_slice %arg9[%run_scoped3A_11, %dma_start3A_158, %dma_start3A_159] : memref<2x4x88xi32, #tpu.memory_space<vmem>> -> memref<1x4x88xi32, #tpu.memory_space<vmem>>
      %dma_start3A_161 = tpu.memref_squeeze %dma_start3A_160 : memref<1x4x88xi32, #tpu.memory_space<vmem>> -> memref<4x88xi32, #tpu.memory_space<vmem>>
      %dma_start3A_162 = arith.constant 0 : i32
      %dma_start3A_163 = arith.constant 0 : i32
      %dma_start3A_164 = tpu.memref_slice %arg4[%add3A_7, %dma_start3A_162, %dma_start3A_163] : memref<928x4x88xi32, #tpu.memory_space<hbm>> -> memref<1x4x88xi32, #tpu.memory_space<hbm>>
      %dma_start3A_165 = tpu.memref_squeeze %dma_start3A_164 : memref<1x4x88xi32, #tpu.memory_space<hbm>> -> memref<4x88xi32, #tpu.memory_space<hbm>>
      tpu.enqueue_dma source(%dma_start3A_165 : memref<4x88xi32, #tpu.memory_space<hbm>>) target(%dma_start3A_161 : memref<4x88xi32, #tpu.memory_space<vmem>>) target_semaphore(%run_scoped3A_149 : memref<!tpu.dma_semaphore, #tpu.memory_space<semaphore_mem>>)
      %dma_wait3A_166 = arith.constant 0 : i32
      %dma_wait3A_167 = arith.constant 0 : i32
      %dma_wait3A_168 = tpu.memref_slice %arg9[%run_scoped3A_11, %dma_wait3A_166, %dma_wait3A_167] : memref<2x4x88xi32, #tpu.memory_space<vmem>> -> memref<1x4x88xi32, #tpu.memory_space<vmem>>
      %dma_wait3A_169 = tpu.memref_squeeze %dma_wait3A_168 : memref<1x4x88xi32, #tpu.memory_space<vmem>> -> memref<4x88xi32, #tpu.memory_space<vmem>>
      %dma_wait3A_170 = arith.constant 0 : i32
      %dma_wait3A_171 = arith.constant 0 : i32
      %dma_wait3A_172 = tpu.memref_slice %arg4[%add3A_7, %dma_wait3A_170, %dma_wait3A_171] : memref<928x4x88xi32, #tpu.memory_space<hbm>> -> memref<1x4x88xi32, #tpu.memory_space<hbm>>
      %dma_wait3A_173 = tpu.memref_squeeze %dma_wait3A_172 : memref<1x4x88xi32, #tpu.memory_space<hbm>> -> memref<4x88xi32, #tpu.memory_space<hbm>>
      %dma_wait3A_174 = arith.constant 0 : i32
      %dma_wait3A_175 = arith.constant 0 : i32
      %dma_wait3A_176 = tpu.memref_slice %arg9[%run_scoped3A_11, %dma_wait3A_174, %dma_wait3A_175] : memref<2x4x88xi32, #tpu.memory_space<vmem>> -> memref<1x4x88xi32, #tpu.memory_space<vmem>>
      %dma_wait3A_177 = tpu.memref_squeeze %dma_wait3A_176 : memref<1x4x88xi32, #tpu.memory_space<vmem>> -> memref<4x88xi32, #tpu.memory_space<vmem>>
      %dma_wait3A_178 = arith.constant 0 : i32
      %dma_wait3A_179 = arith.constant 0 : i32
      %dma_wait3A_180 = tpu.memref_slice %arg4[%add3A_7, %dma_wait3A_178, %dma_wait3A_179] : memref<928x4x88xi32, #tpu.memory_space<hbm>> -> memref<1x4x88xi32, #tpu.memory_space<hbm>>
      %dma_wait3A_181 = tpu.memref_squeeze %dma_wait3A_180 : memref<1x4x88xi32, #tpu.memory_space<hbm>> -> memref<4x88xi32, #tpu.memory_space<hbm>>
      tpu.wait_dma2 semaphore(%run_scoped3A_149 : memref<!tpu.dma_semaphore, #tpu.memory_space<semaphore_mem>>) src(%dma_wait3A_181 : memref<4x88xi32, #tpu.memory_space<hbm>>) dst(%dma_wait3A_177 : memref<4x88xi32, #tpu.memory_space<vmem>>)
      tpu.yield
    }) : () -> ()
    %dma_start3A = arith.constant 0 : i32
    %dma_start3A_12 = arith.constant 0 : i32
    %dma_start3A_13 = arith.constant 0 : i32
    %dma_start3A_14 = arith.constant 0 : i32
    %dma_start3A_15 = arith.constant 0 : i32
    %dma_start3A_16 = tpu.memref_slice %arg10[%dma_start3A_13, %dma_start3A_14, %dma_start3A_15] : memref<4x88x128xf32, #tpu.memory_space<vmem>> -> memref<1x88x128xf32, #tpu.memory_space<vmem>>
    %dma_start3A_17 = tpu.memref_squeeze %dma_start3A_16 : memref<1x88x128xf32, #tpu.memory_space<vmem>> -> memref<88x128xf32, #tpu.memory_space<vmem>>
    %dma_start3A_18 = arith.constant 0 : i32
    %dma_start3A_19 = tpu.memref_slice %arg8[%dma_start3A, %dma_start3A_12, %dma_start3A_18] : memref<2x4x88xi32, #tpu.memory_space<vmem>> -> memref<1x1x88xi32, #tpu.memory_space<vmem>>
    %dma_start3A_20 = tpu.memref_squeeze %dma_start3A_19 : memref<1x1x88xi32, #tpu.memory_space<vmem>> -> memref<88xi32, #tpu.memory_space<vmem>>
    %dma_start3A_21 = arith.constant 0 : i32
    %dma_start3A_22 = arith.constant 0 : i32
    %dma_start3A_23 = tpu.memref_slice %arg2[%dma_start3A_21, %dma_start3A_22] : memref<40000x128xf32, #tpu.memory_space<hbm>> -> memref<40000x128xf32, #tpu.memory_space<hbm>>
    tpu.enqueue_indirect_dma source(%dma_start3A_23 : memref<40000x128xf32, #tpu.memory_space<hbm>>) target(%dma_start3A_17 : memref<88x128xf32, #tpu.memory_space<vmem>>) offsets(%dma_start3A_20 : memref<88xi32, #tpu.memory_space<vmem>>) semaphore(%arg11 : memref<!tpu.dma_semaphore, #tpu.memory_space<semaphore_mem>>)
    %dma_start3A_24 = arith.constant 0 : i32
    %dma_start3A_25 = arith.constant 1 : i32
    %dma_start3A_26 = arith.constant 1 : i32
    %dma_start3A_27 = arith.constant 0 : i32
    %dma_start3A_28 = arith.constant 0 : i32
    %dma_start3A_29 = tpu.memref_slice %arg10[%dma_start3A_26, %dma_start3A_27, %dma_start3A_28] : memref<4x88x128xf32, #tpu.memory_space<vmem>> -> memref<1x88x128xf32, #tpu.memory_space<vmem>>
    %dma_start3A_30 = tpu.memref_squeeze %dma_start3A_29 : memref<1x88x128xf32, #tpu.memory_space<vmem>> -> memref<88x128xf32, #tpu.memory_space<vmem>>
    %dma_start3A_31 = arith.constant 0 : i32
    %dma_start3A_32 = tpu.memref_slice %arg8[%dma_start3A_24, %dma_start3A_25, %dma_start3A_31] : memref<2x4x88xi32, #tpu.memory_space<vmem>> -> memref<1x1x88xi32, #tpu.memory_space<vmem>>
    %dma_start3A_33 = tpu.memref_squeeze %dma_start3A_32 : memref<1x1x88xi32, #tpu.memory_space<vmem>> -> memref<88xi32, #tpu.memory_space<vmem>>
    %dma_start3A_34 = arith.constant 0 : i32
    %dma_start3A_35 = arith.constant 0 : i32
    %dma_start3A_36 = tpu.memref_slice %arg2[%dma_start3A_34, %dma_start3A_35] : memref<40000x128xf32, #tpu.memory_space<hbm>> -> memref<40000x128xf32, #tpu.memory_space<hbm>>
    tpu.enqueue_indirect_dma source(%dma_start3A_36 : memref<40000x128xf32, #tpu.memory_space<hbm>>) target(%dma_start3A_30 : memref<88x128xf32, #tpu.memory_space<vmem>>) offsets(%dma_start3A_33 : memref<88xi32, #tpu.memory_space<vmem>>) semaphore(%arg12 : memref<!tpu.dma_semaphore, #tpu.memory_space<semaphore_mem>>)
    "tpu.region"() ({
      %run_scoped3A_149 = tpu.sem_alloc : memref<!tpu.dma_semaphore, #tpu.memory_space<semaphore_mem>>
      %dma_start3A_150 = arith.constant 0 : i32
      %dma_start3A_151 = tpu.memref_slice %arg7[%mul3A_3, %dma_start3A_150] : memref<10112x128xf32, #tpu.memory_space<vmem_shared>> -> memref<632x128xf32, #tpu.memory_space<vmem_shared>>
      %dma_start3A_152 = arith.constant 0 : i32
      %dma_start3A_153 = tpu.memref_slice %arg5[%mul3A_3, %dma_start3A_152] : memref<10112x128xf32, #tpu.memory_space<hbm>> -> memref<632x128xf32, #tpu.memory_space<hbm>>
      tpu.enqueue_dma source(%dma_start3A_153 : memref<632x128xf32, #tpu.memory_space<hbm>>) target(%dma_start3A_151 : memref<632x128xf32, #tpu.memory_space<vmem_shared>>) target_semaphore(%run_scoped3A_149 : memref<!tpu.dma_semaphore, #tpu.memory_space<semaphore_mem>>)
      %dma_wait3A_154 = arith.constant 0 : i32
      %dma_wait3A_155 = tpu.memref_slice %arg7[%mul3A_3, %dma_wait3A_154] : memref<10112x128xf32, #tpu.memory_space<vmem_shared>> -> memref<632x128xf32, #tpu.memory_space<vmem_shared>>
      %dma_wait3A_156 = arith.constant 0 : i32
      %dma_wait3A_157 = tpu.memref_slice %arg5[%mul3A_3, %dma_wait3A_156] : memref<10112x128xf32, #tpu.memory_space<hbm>> -> memref<632x128xf32, #tpu.memory_space<hbm>>
      tpu.wait_dma2 semaphore(%run_scoped3A_149 : memref<!tpu.dma_semaphore, #tpu.memory_space<semaphore_mem>>) src(%dma_wait3A_157 : memref<632x128xf32, #tpu.memory_space<hbm>>) dst(%dma_wait3A_155 : memref<632x128xf32, #tpu.memory_space<vmem_shared>>)
      tpu.yield
    }) : () -> ()
    %barrier3A = arith.constant 0 : index
    tpu.barrier barrier_id(%barrier3A)
    %scan3A = arith.constant 0 : i32
    %scan3A_37 = arith.constant 0 : i32
    %scan3A_38 = arith.constant 58 : i32
    %scan3A_39 = arith.addi %scan3A_37, %scan3A_38 : i32
    %scan3A_40 = arith.constant 1 : i32
    scf.for %scan3A_149 = %scan3A_37 to %scan3A_39 step %scan3A_40  : i32 {
      %rem3A = arith.constant 2 : i32
      %rem3A_150 = arith.remsi %scan3A_149, %rem3A : i32
      %add3A_151 = arith.constant 1 : i32
      %add3A_152 = arith.addi %scan3A_149, %add3A_151 : i32
      %rem3A_153 = arith.constant 2 : i32
      %rem3A_154 = arith.remsi %add3A_152, %rem3A_153 : i32
      %add3A_155 = arith.addi %add3A_7, %scan3A_149 : i32
      %add3A_156 = arith.constant 1 : i32
      %add3A_157 = arith.addi %scan3A_149, %add3A_156 : i32
      %lt3A = arith.constant 58 : i32
      %lt3A_158 = arith.cmpi slt, %add3A_157, %lt3A : i32
      %convert_element_type3A = arith.extui %lt3A_158 : i1 to i32
      %cond3A = arith.constant 0 : i32
      %cond3A_159 = arith.cmpi ne, %convert_element_type3A, %cond3A : i32
      scf.if %cond3A_159 {
        %mul3A_327 = arith.constant 928 : i32
        %mul3A_328 = arith.muli %add3A_1, %mul3A_327 : i32
        %add3A_329 = arith.addi %mul3A_328, %add3A_155 : i32
        %add3A_330 = arith.constant 1 : i32
        %add3A_331 = arith.addi %add3A_329, %add3A_330 : i32
        %dma_start3A_332 = arith.constant 0 : i32
        %dma_start3A_333 = arith.constant 0 : i32
        %dma_start3A_334 = tpu.memref_slice %arg8[%rem3A_154, %dma_start3A_332, %dma_start3A_333] : memref<2x4x88xi32, #tpu.memory_space<vmem>> -> memref<1x4x88xi32, #tpu.memory_space<vmem>>
        %dma_start3A_335 = tpu.memref_squeeze %dma_start3A_334 : memref<1x4x88xi32, #tpu.memory_space<vmem>> -> memref<4x88xi32, #tpu.memory_space<vmem>>
        %dma_start3A_336 = arith.constant 0 : i32
        %dma_start3A_337 = arith.constant 0 : i32
        %dma_start3A_338 = tpu.memref_slice %arg3[%add3A_331, %dma_start3A_336, %dma_start3A_337] : memref<3712x4x88xi32, #tpu.memory_space<hbm>> -> memref<1x4x88xi32, #tpu.memory_space<hbm>>
        %dma_start3A_339 = tpu.memref_squeeze %dma_start3A_338 : memref<1x4x88xi32, #tpu.memory_space<hbm>> -> memref<4x88xi32, #tpu.memory_space<hbm>>
        %dma_start3A_340 = arith.constant 0 : i32
        %dma_start3A_341 = arith.constant 0 : i32
        %dma_start3A_342 = tpu.memref_slice %arg8[%rem3A_154, %dma_start3A_340, %dma_start3A_341] : memref<2x4x88xi32, #tpu.memory_space<vmem>> -> memref<1x4x88xi32, #tpu.memory_space<vmem>>
        %dma_start3A_343 = tpu.memref_squeeze %dma_start3A_342 : memref<1x4x88xi32, #tpu.memory_space<vmem>> -> memref<4x88xi32, #tpu.memory_space<vmem>>
        %dma_start3A_344 = arith.constant 0 : i32
        %dma_start3A_345 = arith.constant 0 : i32
        %dma_start3A_346 = tpu.memref_slice %arg3[%add3A_331, %dma_start3A_344, %dma_start3A_345] : memref<3712x4x88xi32, #tpu.memory_space<hbm>> -> memref<1x4x88xi32, #tpu.memory_space<hbm>>
        %dma_start3A_347 = tpu.memref_squeeze %dma_start3A_346 : memref<1x4x88xi32, #tpu.memory_space<hbm>> -> memref<4x88xi32, #tpu.memory_space<hbm>>
        tpu.enqueue_dma source(%dma_start3A_347 : memref<4x88xi32, #tpu.memory_space<hbm>>) target(%dma_start3A_343 : memref<4x88xi32, #tpu.memory_space<vmem>>) target_semaphore(%arg19 : memref<!tpu.dma_semaphore, #tpu.memory_space<semaphore_mem>>)
        %add3A_348 = arith.constant 1 : i32
        %add3A_349 = arith.addi %add3A_155, %add3A_348 : i32
        %dma_start3A_350 = arith.constant 0 : i32
        %dma_start3A_351 = arith.constant 0 : i32
        %dma_start3A_352 = tpu.memref_slice %arg9[%rem3A_154, %dma_start3A_350, %dma_start3A_351] : memref<2x4x88xi32, #tpu.memory_space<vmem>> -> memref<1x4x88xi32, #tpu.memory_space<vmem>>
        %dma_start3A_353 = tpu.memref_squeeze %dma_start3A_352 : memref<1x4x88xi32, #tpu.memory_space<vmem>> -> memref<4x88xi32, #tpu.memory_space<vmem>>
        %dma_start3A_354 = arith.constant 0 : i32
        %dma_start3A_355 = arith.constant 0 : i32
        %dma_start3A_356 = tpu.memref_slice %arg4[%add3A_349, %dma_start3A_354, %dma_start3A_355] : memref<928x4x88xi32, #tpu.memory_space<hbm>> -> memref<1x4x88xi32, #tpu.memory_space<hbm>>
        %dma_start3A_357 = tpu.memref_squeeze %dma_start3A_356 : memref<1x4x88xi32, #tpu.memory_space<hbm>> -> memref<4x88xi32, #tpu.memory_space<hbm>>
        %dma_start3A_358 = arith.constant 0 : i32
        %dma_start3A_359 = arith.constant 0 : i32
        %dma_start3A_360 = tpu.memref_slice %arg9[%rem3A_154, %dma_start3A_358, %dma_start3A_359] : memref<2x4x88xi32, #tpu.memory_space<vmem>> -> memref<1x4x88xi32, #tpu.memory_space<vmem>>
        %dma_start3A_361 = tpu.memref_squeeze %dma_start3A_360 : memref<1x4x88xi32, #tpu.memory_space<vmem>> -> memref<4x88xi32, #tpu.memory_space<vmem>>
        %dma_start3A_362 = arith.constant 0 : i32
        %dma_start3A_363 = arith.constant 0 : i32
        %dma_start3A_364 = tpu.memref_slice %arg4[%add3A_349, %dma_start3A_362, %dma_start3A_363] : memref<928x4x88xi32, #tpu.memory_space<hbm>> -> memref<1x4x88xi32, #tpu.memory_space<hbm>>
        %dma_start3A_365 = tpu.memref_squeeze %dma_start3A_364 : memref<1x4x88xi32, #tpu.memory_space<hbm>> -> memref<4x88xi32, #tpu.memory_space<hbm>>
        tpu.enqueue_dma source(%dma_start3A_365 : memref<4x88xi32, #tpu.memory_space<hbm>>) target(%dma_start3A_361 : memref<4x88xi32, #tpu.memory_space<vmem>>) target_semaphore(%arg19 : memref<!tpu.dma_semaphore, #tpu.memory_space<semaphore_mem>>)
      } else {
      }
      %dma_wait3A_160 = arith.constant 0 : i32
      %dma_wait3A_161 = arith.constant 0 : i32
      %dma_wait3A_162 = arith.constant 0 : i32
      %dma_wait3A_163 = arith.constant 0 : i32
      %dma_wait3A_164 = tpu.memref_slice %arg10[%dma_wait3A_161, %dma_wait3A_162, %dma_wait3A_163] : memref<4x88x128xf32, #tpu.memory_space<vmem>> -> memref<1x88x128xf32, #tpu.memory_space<vmem>>
      %dma_wait3A_165 = tpu.memref_squeeze %dma_wait3A_164 : memref<1x88x128xf32, #tpu.memory_space<vmem>> -> memref<88x128xf32, #tpu.memory_space<vmem>>
      %dma_wait3A_166 = arith.constant 0 : i32
      %dma_wait3A_167 = tpu.memref_slice %arg8[%rem3A_150, %dma_wait3A_160, %dma_wait3A_166] : memref<2x4x88xi32, #tpu.memory_space<vmem>> -> memref<1x1x88xi32, #tpu.memory_space<vmem>>
      %dma_wait3A_168 = tpu.memref_squeeze %dma_wait3A_167 : memref<1x1x88xi32, #tpu.memory_space<vmem>> -> memref<88xi32, #tpu.memory_space<vmem>>
      %dma_wait3A_169 = arith.constant 0 : i32
      %dma_wait3A_170 = arith.constant 0 : i32
      %dma_wait3A_171 = tpu.memref_slice %arg2[%dma_wait3A_169, %dma_wait3A_170] : memref<40000x128xf32, #tpu.memory_space<hbm>> -> memref<40000x128xf32, #tpu.memory_space<hbm>>
      tpu.wait_indirect_dma semaphore(%arg11 : memref<!tpu.dma_semaphore, #tpu.memory_space<semaphore_mem>>) src(%dma_wait3A_171 : memref<40000x128xf32, #tpu.memory_space<hbm>>) dst(%dma_wait3A_165 : memref<88x128xf32, #tpu.memory_space<vmem>>)
      %gt3A = arith.constant 0 : i32
      %gt3A_172 = arith.cmpi sgt, %scan3A_149, %gt3A : i32
      %convert_element_type3A_173 = arith.extui %gt3A_172 : i1 to i32
      %cond3A_174 = arith.constant 0 : i32
      %cond3A_175 = arith.cmpi ne, %convert_element_type3A_173, %cond3A_174 : i32
      scf.if %cond3A_175 {
        %dma_wait3A_327 = arith.constant 2 : i32
        %dma_wait3A_328 = arith.constant 0 : i32
        %dma_wait3A_329 = arith.constant 0 : i32
        %dma_wait3A_330 = arith.constant 0 : i32
        %dma_wait3A_331 = tpu.memref_slice %arg10[%dma_wait3A_327, %dma_wait3A_329, %dma_wait3A_330] : memref<4x88x128xf32, #tpu.memory_space<vmem>> -> memref<1x88x128xf32, #tpu.memory_space<vmem>>
        %dma_wait3A_332 = tpu.memref_squeeze %dma_wait3A_331 : memref<1x88x128xf32, #tpu.memory_space<vmem>> -> memref<88x128xf32, #tpu.memory_space<vmem>>
        %dma_wait3A_333 = arith.constant 0 : i32
        %dma_wait3A_334 = tpu.memref_slice %arg9[%rem3A_150, %dma_wait3A_328, %dma_wait3A_333] : memref<2x4x88xi32, #tpu.memory_space<vmem>> -> memref<1x1x88xi32, #tpu.memory_space<vmem>>
        %dma_wait3A_335 = tpu.memref_squeeze %dma_wait3A_334 : memref<1x1x88xi32, #tpu.memory_space<vmem>> -> memref<88xi32, #tpu.memory_space<vmem>>
        %dma_wait3A_336 = arith.constant 0 : i32
        %dma_wait3A_337 = arith.constant 0 : i32
        %dma_wait3A_338 = tpu.memref_slice %arg7[%dma_wait3A_336, %dma_wait3A_337] : memref<10112x128xf32, #tpu.memory_space<vmem_shared>> -> memref<10112x128xf32, #tpu.memory_space<vmem_shared>>
        tpu.wait_indirect_dma semaphore(%arg17 : memref<!tpu.dma_semaphore, #tpu.memory_space<semaphore_mem>>) src(%dma_wait3A_332 : memref<88x128xf32, #tpu.memory_space<vmem>>) dst(%dma_wait3A_338 : memref<10112x128xf32, #tpu.memory_space<vmem_shared>>)
      } else {
      }
      %dma_start3A_176 = arith.constant 0 : i32
      %dma_start3A_177 = arith.constant 0 : i32
      %dma_start3A_178 = arith.constant 0 : i32
      %dma_start3A_179 = arith.constant 0 : i32
      %dma_start3A_180 = tpu.memref_slice %arg10[%dma_start3A_176, %dma_start3A_178, %dma_start3A_179] : memref<4x88x128xf32, #tpu.memory_space<vmem>> -> memref<1x88x128xf32, #tpu.memory_space<vmem>>
      %dma_start3A_181 = tpu.memref_squeeze %dma_start3A_180 : memref<1x88x128xf32, #tpu.memory_space<vmem>> -> memref<88x128xf32, #tpu.memory_space<vmem>>
      %dma_start3A_182 = arith.constant 0 : i32
      %dma_start3A_183 = tpu.memref_slice %arg9[%rem3A_150, %dma_start3A_177, %dma_start3A_182] : memref<2x4x88xi32, #tpu.memory_space<vmem>> -> memref<1x1x88xi32, #tpu.memory_space<vmem>>
      %dma_start3A_184 = tpu.memref_squeeze %dma_start3A_183 : memref<1x1x88xi32, #tpu.memory_space<vmem>> -> memref<88xi32, #tpu.memory_space<vmem>>
      %dma_start3A_185 = arith.constant 0 : i32
      %dma_start3A_186 = arith.constant 0 : i32
      %dma_start3A_187 = tpu.memref_slice %arg7[%dma_start3A_185, %dma_start3A_186] : memref<10112x128xf32, #tpu.memory_space<vmem_shared>> -> memref<10112x128xf32, #tpu.memory_space<vmem_shared>>
      tpu.enqueue_indirect_dma source(%dma_start3A_181 : memref<88x128xf32, #tpu.memory_space<vmem>>) target(%dma_start3A_187 : memref<10112x128xf32, #tpu.memory_space<vmem_shared>>) offsets(%dma_start3A_184 : memref<88xi32, #tpu.memory_space<vmem>>) semaphore(%arg15 : memref<!tpu.dma_semaphore, #tpu.memory_space<semaphore_mem>>) {add = true}
      %dma_start3A_188 = arith.constant 2 : i32
      %dma_start3A_189 = arith.constant 2 : i32
      %dma_start3A_190 = arith.constant 0 : i32
      %dma_start3A_191 = arith.constant 0 : i32
      %dma_start3A_192 = tpu.memref_slice %arg10[%dma_start3A_189, %dma_start3A_190, %dma_start3A_191] : memref<4x88x128xf32, #tpu.memory_space<vmem>> -> memref<1x88x128xf32, #tpu.memory_space<vmem>>
      %dma_start3A_193 = tpu.memref_squeeze %dma_start3A_192 : memref<1x88x128xf32, #tpu.memory_space<vmem>> -> memref<88x128xf32, #tpu.memory_space<vmem>>
      %dma_start3A_194 = arith.constant 0 : i32
      %dma_start3A_195 = tpu.memref_slice %arg8[%rem3A_150, %dma_start3A_188, %dma_start3A_194] : memref<2x4x88xi32, #tpu.memory_space<vmem>> -> memref<1x1x88xi32, #tpu.memory_space<vmem>>
      %dma_start3A_196 = tpu.memref_squeeze %dma_start3A_195 : memref<1x1x88xi32, #tpu.memory_space<vmem>> -> memref<88xi32, #tpu.memory_space<vmem>>
      %dma_start3A_197 = arith.constant 0 : i32
      %dma_start3A_198 = arith.constant 0 : i32
      %dma_start3A_199 = tpu.memref_slice %arg2[%dma_start3A_197, %dma_start3A_198] : memref<40000x128xf32, #tpu.memory_space<hbm>> -> memref<40000x128xf32, #tpu.memory_space<hbm>>
      tpu.enqueue_indirect_dma source(%dma_start3A_199 : memref<40000x128xf32, #tpu.memory_space<hbm>>) target(%dma_start3A_193 : memref<88x128xf32, #tpu.memory_space<vmem>>) offsets(%dma_start3A_196 : memref<88xi32, #tpu.memory_space<vmem>>) semaphore(%arg13 : memref<!tpu.dma_semaphore, #tpu.memory_space<semaphore_mem>>)
      %dma_wait3A_200 = arith.constant 1 : i32
      %dma_wait3A_201 = arith.constant 1 : i32
      %dma_wait3A_202 = arith.constant 0 : i32
      %dma_wait3A_203 = arith.constant 0 : i32
      %dma_wait3A_204 = tpu.memref_slice %arg10[%dma_wait3A_201, %dma_wait3A_202, %dma_wait3A_203] : memref<4x88x128xf32, #tpu.memory_space<vmem>> -> memref<1x88x128xf32, #tpu.memory_space<vmem>>
      %dma_wait3A_205 = tpu.memref_squeeze %dma_wait3A_204 : memref<1x88x128xf32, #tpu.memory_space<vmem>> -> memref<88x128xf32, #tpu.memory_space<vmem>>
      %dma_wait3A_206 = arith.constant 0 : i32
      %dma_wait3A_207 = tpu.memref_slice %arg8[%rem3A_150, %dma_wait3A_200, %dma_wait3A_206] : memref<2x4x88xi32, #tpu.memory_space<vmem>> -> memref<1x1x88xi32, #tpu.memory_space<vmem>>
      %dma_wait3A_208 = tpu.memref_squeeze %dma_wait3A_207 : memref<1x1x88xi32, #tpu.memory_space<vmem>> -> memref<88xi32, #tpu.memory_space<vmem>>
      %dma_wait3A_209 = arith.constant 0 : i32
      %dma_wait3A_210 = arith.constant 0 : i32
      %dma_wait3A_211 = tpu.memref_slice %arg2[%dma_wait3A_209, %dma_wait3A_210] : memref<40000x128xf32, #tpu.memory_space<hbm>> -> memref<40000x128xf32, #tpu.memory_space<hbm>>
      tpu.wait_indirect_dma semaphore(%arg12 : memref<!tpu.dma_semaphore, #tpu.memory_space<semaphore_mem>>) src(%dma_wait3A_211 : memref<40000x128xf32, #tpu.memory_space<hbm>>) dst(%dma_wait3A_205 : memref<88x128xf32, #tpu.memory_space<vmem>>)
      %gt3A_212 = arith.constant 0 : i32
      %gt3A_213 = arith.cmpi sgt, %scan3A_149, %gt3A_212 : i32
      %convert_element_type3A_214 = arith.extui %gt3A_213 : i1 to i32
      %cond3A_215 = arith.constant 0 : i32
      %cond3A_216 = arith.cmpi ne, %convert_element_type3A_214, %cond3A_215 : i32
      scf.if %cond3A_216 {
        %dma_wait3A_327 = arith.constant 3 : i32
        %dma_wait3A_328 = arith.constant 1 : i32
        %dma_wait3A_329 = arith.constant 0 : i32
        %dma_wait3A_330 = arith.constant 0 : i32
        %dma_wait3A_331 = tpu.memref_slice %arg10[%dma_wait3A_327, %dma_wait3A_329, %dma_wait3A_330] : memref<4x88x128xf32, #tpu.memory_space<vmem>> -> memref<1x88x128xf32, #tpu.memory_space<vmem>>
        %dma_wait3A_332 = tpu.memref_squeeze %dma_wait3A_331 : memref<1x88x128xf32, #tpu.memory_space<vmem>> -> memref<88x128xf32, #tpu.memory_space<vmem>>
        %dma_wait3A_333 = arith.constant 0 : i32
        %dma_wait3A_334 = tpu.memref_slice %arg9[%rem3A_150, %dma_wait3A_328, %dma_wait3A_333] : memref<2x4x88xi32, #tpu.memory_space<vmem>> -> memref<1x1x88xi32, #tpu.memory_space<vmem>>
        %dma_wait3A_335 = tpu.memref_squeeze %dma_wait3A_334 : memref<1x1x88xi32, #tpu.memory_space<vmem>> -> memref<88xi32, #tpu.memory_space<vmem>>
        %dma_wait3A_336 = arith.constant 0 : i32
        %dma_wait3A_337 = arith.constant 0 : i32
        %dma_wait3A_338 = tpu.memref_slice %arg7[%dma_wait3A_336, %dma_wait3A_337] : memref<10112x128xf32, #tpu.memory_space<vmem_shared>> -> memref<10112x128xf32, #tpu.memory_space<vmem_shared>>
        tpu.wait_indirect_dma semaphore(%arg18 : memref<!tpu.dma_semaphore, #tpu.memory_space<semaphore_mem>>) src(%dma_wait3A_332 : memref<88x128xf32, #tpu.memory_space<vmem>>) dst(%dma_wait3A_338 : memref<10112x128xf32, #tpu.memory_space<vmem_shared>>)
      } else {
      }
      %dma_start3A_217 = arith.constant 1 : i32
      %dma_start3A_218 = arith.constant 1 : i32
      %dma_start3A_219 = arith.constant 0 : i32
      %dma_start3A_220 = arith.constant 0 : i32
      %dma_start3A_221 = tpu.memref_slice %arg10[%dma_start3A_217, %dma_start3A_219, %dma_start3A_220] : memref<4x88x128xf32, #tpu.memory_space<vmem>> -> memref<1x88x128xf32, #tpu.memory_space<vmem>>
      %dma_start3A_222 = tpu.memref_squeeze %dma_start3A_221 : memref<1x88x128xf32, #tpu.memory_space<vmem>> -> memref<88x128xf32, #tpu.memory_space<vmem>>
      %dma_start3A_223 = arith.constant 0 : i32
      %dma_start3A_224 = tpu.memref_slice %arg9[%rem3A_150, %dma_start3A_218, %dma_start3A_223] : memref<2x4x88xi32, #tpu.memory_space<vmem>> -> memref<1x1x88xi32, #tpu.memory_space<vmem>>
      %dma_start3A_225 = tpu.memref_squeeze %dma_start3A_224 : memref<1x1x88xi32, #tpu.memory_space<vmem>> -> memref<88xi32, #tpu.memory_space<vmem>>
      %dma_start3A_226 = arith.constant 0 : i32
      %dma_start3A_227 = arith.constant 0 : i32
      %dma_start3A_228 = tpu.memref_slice %arg7[%dma_start3A_226, %dma_start3A_227] : memref<10112x128xf32, #tpu.memory_space<vmem_shared>> -> memref<10112x128xf32, #tpu.memory_space<vmem_shared>>
      tpu.enqueue_indirect_dma source(%dma_start3A_222 : memref<88x128xf32, #tpu.memory_space<vmem>>) target(%dma_start3A_228 : memref<10112x128xf32, #tpu.memory_space<vmem_shared>>) offsets(%dma_start3A_225 : memref<88xi32, #tpu.memory_space<vmem>>) semaphore(%arg16 : memref<!tpu.dma_semaphore, #tpu.memory_space<semaphore_mem>>) {add = true}
      %dma_start3A_229 = arith.constant 3 : i32
      %dma_start3A_230 = arith.constant 3 : i32
      %dma_start3A_231 = arith.constant 0 : i32
      %dma_start3A_232 = arith.constant 0 : i32
      %dma_start3A_233 = tpu.memref_slice %arg10[%dma_start3A_230, %dma_start3A_231, %dma_start3A_232] : memref<4x88x128xf32, #tpu.memory_space<vmem>> -> memref<1x88x128xf32, #tpu.memory_space<vmem>>
      %dma_start3A_234 = tpu.memref_squeeze %dma_start3A_233 : memref<1x88x128xf32, #tpu.memory_space<vmem>> -> memref<88x128xf32, #tpu.memory_space<vmem>>
      %dma_start3A_235 = arith.constant 0 : i32
      %dma_start3A_236 = tpu.memref_slice %arg8[%rem3A_150, %dma_start3A_229, %dma_start3A_235] : memref<2x4x88xi32, #tpu.memory_space<vmem>> -> memref<1x1x88xi32, #tpu.memory_space<vmem>>
      %dma_start3A_237 = tpu.memref_squeeze %dma_start3A_236 : memref<1x1x88xi32, #tpu.memory_space<vmem>> -> memref<88xi32, #tpu.memory_space<vmem>>
      %dma_start3A_238 = arith.constant 0 : i32
      %dma_start3A_239 = arith.constant 0 : i32
      %dma_start3A_240 = tpu.memref_slice %arg2[%dma_start3A_238, %dma_start3A_239] : memref<40000x128xf32, #tpu.memory_space<hbm>> -> memref<40000x128xf32, #tpu.memory_space<hbm>>
      tpu.enqueue_indirect_dma source(%dma_start3A_240 : memref<40000x128xf32, #tpu.memory_space<hbm>>) target(%dma_start3A_234 : memref<88x128xf32, #tpu.memory_space<vmem>>) offsets(%dma_start3A_237 : memref<88xi32, #tpu.memory_space<vmem>>) semaphore(%arg14 : memref<!tpu.dma_semaphore, #tpu.memory_space<semaphore_mem>>)
      %dma_wait3A_241 = arith.constant 2 : i32
      %dma_wait3A_242 = arith.constant 2 : i32
      %dma_wait3A_243 = arith.constant 0 : i32
      %dma_wait3A_244 = arith.constant 0 : i32
      %dma_wait3A_245 = tpu.memref_slice %arg10[%dma_wait3A_242, %dma_wait3A_243, %dma_wait3A_244] : memref<4x88x128xf32, #tpu.memory_space<vmem>> -> memref<1x88x128xf32, #tpu.memory_space<vmem>>
      %dma_wait3A_246 = tpu.memref_squeeze %dma_wait3A_245 : memref<1x88x128xf32, #tpu.memory_space<vmem>> -> memref<88x128xf32, #tpu.memory_space<vmem>>
      %dma_wait3A_247 = arith.constant 0 : i32
      %dma_wait3A_248 = tpu.memref_slice %arg8[%rem3A_150, %dma_wait3A_241, %dma_wait3A_247] : memref<2x4x88xi32, #tpu.memory_space<vmem>> -> memref<1x1x88xi32, #tpu.memory_space<vmem>>
      %dma_wait3A_249 = tpu.memref_squeeze %dma_wait3A_248 : memref<1x1x88xi32, #tpu.memory_space<vmem>> -> memref<88xi32, #tpu.memory_space<vmem>>
      %dma_wait3A_250 = arith.constant 0 : i32
      %dma_wait3A_251 = arith.constant 0 : i32
      %dma_wait3A_252 = tpu.memref_slice %arg2[%dma_wait3A_250, %dma_wait3A_251] : memref<40000x128xf32, #tpu.memory_space<hbm>> -> memref<40000x128xf32, #tpu.memory_space<hbm>>
      tpu.wait_indirect_dma semaphore(%arg13 : memref<!tpu.dma_semaphore, #tpu.memory_space<semaphore_mem>>) src(%dma_wait3A_252 : memref<40000x128xf32, #tpu.memory_space<hbm>>) dst(%dma_wait3A_246 : memref<88x128xf32, #tpu.memory_space<vmem>>)
      %dma_wait3A_253 = arith.constant 0 : i32
      %dma_wait3A_254 = arith.constant 2 : i32
      %dma_wait3A_255 = arith.constant 0 : i32
      %dma_wait3A_256 = arith.constant 0 : i32
      %dma_wait3A_257 = tpu.memref_slice %arg10[%dma_wait3A_253, %dma_wait3A_255, %dma_wait3A_256] : memref<4x88x128xf32, #tpu.memory_space<vmem>> -> memref<1x88x128xf32, #tpu.memory_space<vmem>>
      %dma_wait3A_258 = tpu.memref_squeeze %dma_wait3A_257 : memref<1x88x128xf32, #tpu.memory_space<vmem>> -> memref<88x128xf32, #tpu.memory_space<vmem>>
      %dma_wait3A_259 = arith.constant 0 : i32
      %dma_wait3A_260 = tpu.memref_slice %arg9[%rem3A_150, %dma_wait3A_254, %dma_wait3A_259] : memref<2x4x88xi32, #tpu.memory_space<vmem>> -> memref<1x1x88xi32, #tpu.memory_space<vmem>>
      %dma_wait3A_261 = tpu.memref_squeeze %dma_wait3A_260 : memref<1x1x88xi32, #tpu.memory_space<vmem>> -> memref<88xi32, #tpu.memory_space<vmem>>
      %dma_wait3A_262 = arith.constant 0 : i32
      %dma_wait3A_263 = arith.constant 0 : i32
      %dma_wait3A_264 = tpu.memref_slice %arg7[%dma_wait3A_262, %dma_wait3A_263] : memref<10112x128xf32, #tpu.memory_space<vmem_shared>> -> memref<10112x128xf32, #tpu.memory_space<vmem_shared>>
      tpu.wait_indirect_dma semaphore(%arg15 : memref<!tpu.dma_semaphore, #tpu.memory_space<semaphore_mem>>) src(%dma_wait3A_258 : memref<88x128xf32, #tpu.memory_space<vmem>>) dst(%dma_wait3A_264 : memref<10112x128xf32, #tpu.memory_space<vmem_shared>>)
      %dma_start3A_265 = arith.constant 2 : i32
      %dma_start3A_266 = arith.constant 2 : i32
      %dma_start3A_267 = arith.constant 0 : i32
      %dma_start3A_268 = arith.constant 0 : i32
      %dma_start3A_269 = tpu.memref_slice %arg10[%dma_start3A_265, %dma_start3A_267, %dma_start3A_268] : memref<4x88x128xf32, #tpu.memory_space<vmem>> -> memref<1x88x128xf32, #tpu.memory_space<vmem>>
      %dma_start3A_270 = tpu.memref_squeeze %dma_start3A_269 : memref<1x88x128xf32, #tpu.memory_space<vmem>> -> memref<88x128xf32, #tpu.memory_space<vmem>>
      %dma_start3A_271 = arith.constant 0 : i32
      %dma_start3A_272 = tpu.memref_slice %arg9[%rem3A_150, %dma_start3A_266, %dma_start3A_271] : memref<2x4x88xi32, #tpu.memory_space<vmem>> -> memref<1x1x88xi32, #tpu.memory_space<vmem>>
      %dma_start3A_273 = tpu.memref_squeeze %dma_start3A_272 : memref<1x1x88xi32, #tpu.memory_space<vmem>> -> memref<88xi32, #tpu.memory_space<vmem>>
      %dma_start3A_274 = arith.constant 0 : i32
      %dma_start3A_275 = arith.constant 0 : i32
      %dma_start3A_276 = tpu.memref_slice %arg7[%dma_start3A_274, %dma_start3A_275] : memref<10112x128xf32, #tpu.memory_space<vmem_shared>> -> memref<10112x128xf32, #tpu.memory_space<vmem_shared>>
      tpu.enqueue_indirect_dma source(%dma_start3A_270 : memref<88x128xf32, #tpu.memory_space<vmem>>) target(%dma_start3A_276 : memref<10112x128xf32, #tpu.memory_space<vmem_shared>>) offsets(%dma_start3A_273 : memref<88xi32, #tpu.memory_space<vmem>>) semaphore(%arg17 : memref<!tpu.dma_semaphore, #tpu.memory_space<semaphore_mem>>) {add = true}
      %add3A_277 = arith.constant 1 : i32
      %add3A_278 = arith.addi %scan3A_149, %add3A_277 : i32
      %lt3A_279 = arith.constant 58 : i32
      %lt3A_280 = arith.cmpi slt, %add3A_278, %lt3A_279 : i32
      %convert_element_type3A_281 = arith.extui %lt3A_280 : i1 to i32
      %cond3A_282 = arith.constant 0 : i32
      %cond3A_283 = arith.cmpi ne, %convert_element_type3A_281, %cond3A_282 : i32
      scf.if %cond3A_283 {
        %dma_wait3A_327 = arith.constant 0 : i32
        %dma_wait3A_328 = arith.constant 0 : i32
        %dma_wait3A_329 = arith.constant 0 : i32
        %dma_wait3A_330 = tpu.memref_slice %arg8[%rem3A_154, %dma_wait3A_328, %dma_wait3A_329] : memref<2x4x88xi32, #tpu.memory_space<vmem>> -> memref<1x4x88xi32, #tpu.memory_space<vmem>>
        %dma_wait3A_331 = tpu.memref_squeeze %dma_wait3A_330 : memref<1x4x88xi32, #tpu.memory_space<vmem>> -> memref<4x88xi32, #tpu.memory_space<vmem>>
        %dma_wait3A_332 = arith.constant 0 : i32
        %dma_wait3A_333 = arith.constant 0 : i32
        %dma_wait3A_334 = tpu.memref_slice %arg3[%dma_wait3A_327, %dma_wait3A_332, %dma_wait3A_333] : memref<3712x4x88xi32, #tpu.memory_space<hbm>> -> memref<1x4x88xi32, #tpu.memory_space<hbm>>
        %dma_wait3A_335 = tpu.memref_squeeze %dma_wait3A_334 : memref<1x4x88xi32, #tpu.memory_space<hbm>> -> memref<4x88xi32, #tpu.memory_space<hbm>>
        %dma_wait3A_336 = arith.constant 0 : i32
        %dma_wait3A_337 = arith.constant 0 : i32
        %dma_wait3A_338 = tpu.memref_slice %arg8[%rem3A_154, %dma_wait3A_336, %dma_wait3A_337] : memref<2x4x88xi32, #tpu.memory_space<vmem>> -> memref<1x4x88xi32, #tpu.memory_space<vmem>>
        %dma_wait3A_339 = tpu.memref_squeeze %dma_wait3A_338 : memref<1x4x88xi32, #tpu.memory_space<vmem>> -> memref<4x88xi32, #tpu.memory_space<vmem>>
        %dma_wait3A_340 = arith.constant 0 : i32
        %dma_wait3A_341 = arith.constant 0 : i32
        %dma_wait3A_342 = tpu.memref_slice %arg3[%dma_wait3A_327, %dma_wait3A_340, %dma_wait3A_341] : memref<3712x4x88xi32, #tpu.memory_space<hbm>> -> memref<1x4x88xi32, #tpu.memory_space<hbm>>
        %dma_wait3A_343 = tpu.memref_squeeze %dma_wait3A_342 : memref<1x4x88xi32, #tpu.memory_space<hbm>> -> memref<4x88xi32, #tpu.memory_space<hbm>>
        tpu.wait_dma2 semaphore(%arg19 : memref<!tpu.dma_semaphore, #tpu.memory_space<semaphore_mem>>) src(%dma_wait3A_343 : memref<4x88xi32, #tpu.memory_space<hbm>>) dst(%dma_wait3A_339 : memref<4x88xi32, #tpu.memory_space<vmem>>)
        %dma_wait3A_344 = arith.constant 0 : i32
        %dma_wait3A_345 = arith.constant 0 : i32
        %dma_wait3A_346 = arith.constant 0 : i32
        %dma_wait3A_347 = tpu.memref_slice %arg9[%rem3A_154, %dma_wait3A_345, %dma_wait3A_346] : memref<2x4x88xi32, #tpu.memory_space<vmem>> -> memref<1x4x88xi32, #tpu.memory_space<vmem>>
        %dma_wait3A_348 = tpu.memref_squeeze %dma_wait3A_347 : memref<1x4x88xi32, #tpu.memory_space<vmem>> -> memref<4x88xi32, #tpu.memory_space<vmem>>
        %dma_wait3A_349 = arith.constant 0 : i32
        %dma_wait3A_350 = arith.constant 0 : i32
        %dma_wait3A_351 = tpu.memref_slice %arg4[%dma_wait3A_344, %dma_wait3A_349, %dma_wait3A_350] : memref<928x4x88xi32, #tpu.memory_space<hbm>> -> memref<1x4x88xi32, #tpu.memory_space<hbm>>
        %dma_wait3A_352 = tpu.memref_squeeze %dma_wait3A_351 : memref<1x4x88xi32, #tpu.memory_space<hbm>> -> memref<4x88xi32, #tpu.memory_space<hbm>>
        %dma_wait3A_353 = arith.constant 0 : i32
        %dma_wait3A_354 = arith.constant 0 : i32
        %dma_wait3A_355 = tpu.memref_slice %arg9[%rem3A_154, %dma_wait3A_353, %dma_wait3A_354] : memref<2x4x88xi32, #tpu.memory_space<vmem>> -> memref<1x4x88xi32, #tpu.memory_space<vmem>>
        %dma_wait3A_356 = tpu.memref_squeeze %dma_wait3A_355 : memref<1x4x88xi32, #tpu.memory_space<vmem>> -> memref<4x88xi32, #tpu.memory_space<vmem>>
        %dma_wait3A_357 = arith.constant 0 : i32
        %dma_wait3A_358 = arith.constant 0 : i32
        %dma_wait3A_359 = tpu.memref_slice %arg4[%dma_wait3A_344, %dma_wait3A_357, %dma_wait3A_358] : memref<928x4x88xi32, #tpu.memory_space<hbm>> -> memref<1x4x88xi32, #tpu.memory_space<hbm>>
        %dma_wait3A_360 = tpu.memref_squeeze %dma_wait3A_359 : memref<1x4x88xi32, #tpu.memory_space<hbm>> -> memref<4x88xi32, #tpu.memory_space<hbm>>
        tpu.wait_dma2 semaphore(%arg19 : memref<!tpu.dma_semaphore, #tpu.memory_space<semaphore_mem>>) src(%dma_wait3A_360 : memref<4x88xi32, #tpu.memory_space<hbm>>) dst(%dma_wait3A_356 : memref<4x88xi32, #tpu.memory_space<vmem>>)
        %dma_start3A_361 = arith.constant 0 : i32
        %dma_start3A_362 = arith.constant 0 : i32
        %dma_start3A_363 = arith.constant 0 : i32
        %dma_start3A_364 = arith.constant 0 : i32
        %dma_start3A_365 = tpu.memref_slice %arg10[%dma_start3A_362, %dma_start3A_363, %dma_start3A_364] : memref<4x88x128xf32, #tpu.memory_space<vmem>> -> memref<1x88x128xf32, #tpu.memory_space<vmem>>
        %dma_start3A_366 = tpu.memref_squeeze %dma_start3A_365 : memref<1x88x128xf32, #tpu.memory_space<vmem>> -> memref<88x128xf32, #tpu.memory_space<vmem>>
        %dma_start3A_367 = arith.constant 0 : i32
        %dma_start3A_368 = tpu.memref_slice %arg8[%rem3A_154, %dma_start3A_361, %dma_start3A_367] : memref<2x4x88xi32, #tpu.memory_space<vmem>> -> memref<1x1x88xi32, #tpu.memory_space<vmem>>
        %dma_start3A_369 = tpu.memref_squeeze %dma_start3A_368 : memref<1x1x88xi32, #tpu.memory_space<vmem>> -> memref<88xi32, #tpu.memory_space<vmem>>
        %dma_start3A_370 = arith.constant 0 : i32
        %dma_start3A_371 = arith.constant 0 : i32
        %dma_start3A_372 = tpu.memref_slice %arg2[%dma_start3A_370, %dma_start3A_371] : memref<40000x128xf32, #tpu.memory_space<hbm>> -> memref<40000x128xf32, #tpu.memory_space<hbm>>
        tpu.enqueue_indirect_dma source(%dma_start3A_372 : memref<40000x128xf32, #tpu.memory_space<hbm>>) target(%dma_start3A_366 : memref<88x128xf32, #tpu.memory_space<vmem>>) offsets(%dma_start3A_369 : memref<88xi32, #tpu.memory_space<vmem>>) semaphore(%arg11 : memref<!tpu.dma_semaphore, #tpu.memory_space<semaphore_mem>>)
      } else {
      }
      %dma_wait3A_284 = arith.constant 3 : i32
      %dma_wait3A_285 = arith.constant 3 : i32
      %dma_wait3A_286 = arith.constant 0 : i32
      %dma_wait3A_287 = arith.constant 0 : i32
      %dma_wait3A_288 = tpu.memref_slice %arg10[%dma_wait3A_285, %dma_wait3A_286, %dma_wait3A_287] : memref<4x88x128xf32, #tpu.memory_space<vmem>> -> memref<1x88x128xf32, #tpu.memory_space<vmem>>
      %dma_wait3A_289 = tpu.memref_squeeze %dma_wait3A_288 : memref<1x88x128xf32, #tpu.memory_space<vmem>> -> memref<88x128xf32, #tpu.memory_space<vmem>>
      %dma_wait3A_290 = arith.constant 0 : i32
      %dma_wait3A_291 = tpu.memref_slice %arg8[%rem3A_150, %dma_wait3A_284, %dma_wait3A_290] : memref<2x4x88xi32, #tpu.memory_space<vmem>> -> memref<1x1x88xi32, #tpu.memory_space<vmem>>
      %dma_wait3A_292 = tpu.memref_squeeze %dma_wait3A_291 : memref<1x1x88xi32, #tpu.memory_space<vmem>> -> memref<88xi32, #tpu.memory_space<vmem>>
      %dma_wait3A_293 = arith.constant 0 : i32
      %dma_wait3A_294 = arith.constant 0 : i32
      %dma_wait3A_295 = tpu.memref_slice %arg2[%dma_wait3A_293, %dma_wait3A_294] : memref<40000x128xf32, #tpu.memory_space<hbm>> -> memref<40000x128xf32, #tpu.memory_space<hbm>>
      tpu.wait_indirect_dma semaphore(%arg14 : memref<!tpu.dma_semaphore, #tpu.memory_space<semaphore_mem>>) src(%dma_wait3A_295 : memref<40000x128xf32, #tpu.memory_space<hbm>>) dst(%dma_wait3A_289 : memref<88x128xf32, #tpu.memory_space<vmem>>)
      %dma_wait3A_296 = arith.constant 1 : i32
      %dma_wait3A_297 = arith.constant 3 : i32
      %dma_wait3A_298 = arith.constant 0 : i32
      %dma_wait3A_299 = arith.constant 0 : i32
      %dma_wait3A_300 = tpu.memref_slice %arg10[%dma_wait3A_296, %dma_wait3A_298, %dma_wait3A_299] : memref<4x88x128xf32, #tpu.memory_space<vmem>> -> memref<1x88x128xf32, #tpu.memory_space<vmem>>
      %dma_wait3A_301 = tpu.memref_squeeze %dma_wait3A_300 : memref<1x88x128xf32, #tpu.memory_space<vmem>> -> memref<88x128xf32, #tpu.memory_space<vmem>>
      %dma_wait3A_302 = arith.constant 0 : i32
      %dma_wait3A_303 = tpu.memref_slice %arg9[%rem3A_150, %dma_wait3A_297, %dma_wait3A_302] : memref<2x4x88xi32, #tpu.memory_space<vmem>> -> memref<1x1x88xi32, #tpu.memory_space<vmem>>
      %dma_wait3A_304 = tpu.memref_squeeze %dma_wait3A_303 : memref<1x1x88xi32, #tpu.memory_space<vmem>> -> memref<88xi32, #tpu.memory_space<vmem>>
      %dma_wait3A_305 = arith.constant 0 : i32
      %dma_wait3A_306 = arith.constant 0 : i32
      %dma_wait3A_307 = tpu.memref_slice %arg7[%dma_wait3A_305, %dma_wait3A_306] : memref<10112x128xf32, #tpu.memory_space<vmem_shared>> -> memref<10112x128xf32, #tpu.memory_space<vmem_shared>>
      tpu.wait_indirect_dma semaphore(%arg16 : memref<!tpu.dma_semaphore, #tpu.memory_space<semaphore_mem>>) src(%dma_wait3A_301 : memref<88x128xf32, #tpu.memory_space<vmem>>) dst(%dma_wait3A_307 : memref<10112x128xf32, #tpu.memory_space<vmem_shared>>)
      %dma_start3A_308 = arith.constant 3 : i32
      %dma_start3A_309 = arith.constant 3 : i32
      %dma_start3A_310 = arith.constant 0 : i32
      %dma_start3A_311 = arith.constant 0 : i32
      %dma_start3A_312 = tpu.memref_slice %arg10[%dma_start3A_308, %dma_start3A_310, %dma_start3A_311] : memref<4x88x128xf32, #tpu.memory_space<vmem>> -> memref<1x88x128xf32, #tpu.memory_space<vmem>>
      %dma_start3A_313 = tpu.memref_squeeze %dma_start3A_312 : memref<1x88x128xf32, #tpu.memory_space<vmem>> -> memref<88x128xf32, #tpu.memory_space<vmem>>
      %dma_start3A_314 = arith.constant 0 : i32
      %dma_start3A_315 = tpu.memref_slice %arg9[%rem3A_150, %dma_start3A_309, %dma_start3A_314] : memref<2x4x88xi32, #tpu.memory_space<vmem>> -> memref<1x1x88xi32, #tpu.memory_space<vmem>>
      %dma_start3A_316 = tpu.memref_squeeze %dma_start3A_315 : memref<1x1x88xi32, #tpu.memory_space<vmem>> -> memref<88xi32, #tpu.memory_space<vmem>>
      %dma_start3A_317 = arith.constant 0 : i32
      %dma_start3A_318 = arith.constant 0 : i32
      %dma_start3A_319 = tpu.memref_slice %arg7[%dma_start3A_317, %dma_start3A_318] : memref<10112x128xf32, #tpu.memory_space<vmem_shared>> -> memref<10112x128xf32, #tpu.memory_space<vmem_shared>>
      tpu.enqueue_indirect_dma source(%dma_start3A_313 : memref<88x128xf32, #tpu.memory_space<vmem>>) target(%dma_start3A_319 : memref<10112x128xf32, #tpu.memory_space<vmem_shared>>) offsets(%dma_start3A_316 : memref<88xi32, #tpu.memory_space<vmem>>) semaphore(%arg18 : memref<!tpu.dma_semaphore, #tpu.memory_space<semaphore_mem>>) {add = true}
      %add3A_320 = arith.constant 1 : i32
      %add3A_321 = arith.addi %scan3A_149, %add3A_320 : i32
      %lt3A_322 = arith.constant 58 : i32
      %lt3A_323 = arith.cmpi slt, %add3A_321, %lt3A_322 : i32
      %convert_element_type3A_324 = arith.extui %lt3A_323 : i1 to i32
      %cond3A_325 = arith.constant 0 : i32
      %cond3A_326 = arith.cmpi ne, %convert_element_type3A_324, %cond3A_325 : i32
      scf.if %cond3A_326 {
        %dma_start3A_327 = arith.constant 1 : i32
        %dma_start3A_328 = arith.constant 1 : i32
        %dma_start3A_329 = arith.constant 0 : i32
        %dma_start3A_330 = arith.constant 0 : i32
        %dma_start3A_331 = tpu.memref_slice %arg10[%dma_start3A_328, %dma_start3A_329, %dma_start3A_330] : memref<4x88x128xf32, #tpu.memory_space<vmem>> -> memref<1x88x128xf32, #tpu.memory_space<vmem>>
        %dma_start3A_332 = tpu.memref_squeeze %dma_start3A_331 : memref<1x88x128xf32, #tpu.memory_space<vmem>> -> memref<88x128xf32, #tpu.memory_space<vmem>>
        %dma_start3A_333 = arith.constant 0 : i32
        %dma_start3A_334 = tpu.memref_slice %arg8[%rem3A_154, %dma_start3A_327, %dma_start3A_333] : memref<2x4x88xi32, #tpu.memory_space<vmem>> -> memref<1x1x88xi32, #tpu.memory_space<vmem>>
        %dma_start3A_335 = tpu.memref_squeeze %dma_start3A_334 : memref<1x1x88xi32, #tpu.memory_space<vmem>> -> memref<88xi32, #tpu.memory_space<vmem>>
        %dma_start3A_336 = arith.constant 0 : i32
        %dma_start3A_337 = arith.constant 0 : i32
        %dma_start3A_338 = tpu.memref_slice %arg2[%dma_start3A_336, %dma_start3A_337] : memref<40000x128xf32, #tpu.memory_space<hbm>> -> memref<40000x128xf32, #tpu.memory_space<hbm>>
        tpu.enqueue_indirect_dma source(%dma_start3A_338 : memref<40000x128xf32, #tpu.memory_space<hbm>>) target(%dma_start3A_332 : memref<88x128xf32, #tpu.memory_space<vmem>>) offsets(%dma_start3A_335 : memref<88xi32, #tpu.memory_space<vmem>>) semaphore(%arg12 : memref<!tpu.dma_semaphore, #tpu.memory_space<semaphore_mem>>)
      } else {
      }
    }
    %scan3A_41 = arith.constant 58 : i32
    %dma_wait3A = arith.constant 2 : i32
    %dma_wait3A_42 = arith.constant 0 : i32
    %dma_wait3A_43 = arith.constant 0 : i32
    %dma_wait3A_44 = arith.constant 0 : i32
    %dma_wait3A_45 = arith.constant 0 : i32
    %dma_wait3A_46 = tpu.memref_slice %arg10[%dma_wait3A, %dma_wait3A_44, %dma_wait3A_45] : memref<4x88x128xf32, #tpu.memory_space<vmem>> -> memref<1x88x128xf32, #tpu.memory_space<vmem>>
    %dma_wait3A_47 = tpu.memref_squeeze %dma_wait3A_46 : memref<1x88x128xf32, #tpu.memory_space<vmem>> -> memref<88x128xf32, #tpu.memory_space<vmem>>
    %dma_wait3A_48 = arith.constant 0 : i32
    %dma_wait3A_49 = tpu.memref_slice %arg9[%dma_wait3A_42, %dma_wait3A_43, %dma_wait3A_48] : memref<2x4x88xi32, #tpu.memory_space<vmem>> -> memref<1x1x88xi32, #tpu.memory_space<vmem>>
    %dma_wait3A_50 = tpu.memref_squeeze %dma_wait3A_49 : memref<1x1x88xi32, #tpu.memory_space<vmem>> -> memref<88xi32, #tpu.memory_space<vmem>>
    %dma_wait3A_51 = arith.constant 0 : i32
    %dma_wait3A_52 = arith.constant 0 : i32
    %dma_wait3A_53 = tpu.memref_slice %arg7[%dma_wait3A_51, %dma_wait3A_52] : memref<10112x128xf32, #tpu.memory_space<vmem_shared>> -> memref<10112x128xf32, #tpu.memory_space<vmem_shared>>
    tpu.wait_indirect_dma semaphore(%arg17 : memref<!tpu.dma_semaphore, #tpu.memory_space<semaphore_mem>>) src(%dma_wait3A_47 : memref<88x128xf32, #tpu.memory_space<vmem>>) dst(%dma_wait3A_53 : memref<10112x128xf32, #tpu.memory_space<vmem_shared>>)
    %dma_wait3A_54 = arith.constant 3 : i32
    %dma_wait3A_55 = arith.constant 0 : i32
    %dma_wait3A_56 = arith.constant 0 : i32
    %dma_wait3A_57 = arith.constant 0 : i32
    %dma_wait3A_58 = arith.constant 0 : i32
    %dma_wait3A_59 = tpu.memref_slice %arg10[%dma_wait3A_54, %dma_wait3A_57, %dma_wait3A_58] : memref<4x88x128xf32, #tpu.memory_space<vmem>> -> memref<1x88x128xf32, #tpu.memory_space<vmem>>
    %dma_wait3A_60 = tpu.memref_squeeze %dma_wait3A_59 : memref<1x88x128xf32, #tpu.memory_space<vmem>> -> memref<88x128xf32, #tpu.memory_space<vmem>>
    %dma_wait3A_61 = arith.constant 0 : i32
    %dma_wait3A_62 = tpu.memref_slice %arg9[%dma_wait3A_55, %dma_wait3A_56, %dma_wait3A_61] : memref<2x4x88xi32, #tpu.memory_space<vmem>> -> memref<1x1x88xi32, #tpu.memory_space<vmem>>
    %dma_wait3A_63 = tpu.memref_squeeze %dma_wait3A_62 : memref<1x1x88xi32, #tpu.memory_space<vmem>> -> memref<88xi32, #tpu.memory_space<vmem>>
    %dma_wait3A_64 = arith.constant 0 : i32
    %dma_wait3A_65 = arith.constant 0 : i32
    %dma_wait3A_66 = tpu.memref_slice %arg7[%dma_wait3A_64, %dma_wait3A_65] : memref<10112x128xf32, #tpu.memory_space<vmem_shared>> -> memref<10112x128xf32, #tpu.memory_space<vmem_shared>>
    tpu.wait_indirect_dma semaphore(%arg18 : memref<!tpu.dma_semaphore, #tpu.memory_space<semaphore_mem>>) src(%dma_wait3A_60 : memref<88x128xf32, #tpu.memory_space<vmem>>) dst(%dma_wait3A_66 : memref<10112x128xf32, #tpu.memory_space<vmem_shared>>)
    %barrier3A_67 = arith.constant 0 : index
    tpu.barrier barrier_id(%barrier3A_67)
    %mul3A_68 = arith.constant 128 : i32
    %mul3A_69 = arith.muli %add3A_1, %mul3A_68 : i32
    "tpu.region"() ({
      %run_scoped3A_149 = tpu.sem_alloc : memref<!tpu.dma_semaphore, #tpu.memory_space<semaphore_mem>>
      %dma_start3A_150 = tpu.memref_slice %arg6[%mul3A_3, %mul3A_69] : memref<10112x512xf32, #tpu.memory_space<hbm>> -> memref<632x128xf32, #tpu.memory_space<hbm>>
      %dma_start3A_151 = arith.constant 0 : i32
      %dma_start3A_152 = tpu.memref_slice %arg7[%mul3A_3, %dma_start3A_151] : memref<10112x128xf32, #tpu.memory_space<vmem_shared>> -> memref<632x128xf32, #tpu.memory_space<vmem_shared>>
      tpu.enqueue_dma source(%dma_start3A_152 : memref<632x128xf32, #tpu.memory_space<vmem_shared>>) target(%dma_start3A_150 : memref<632x128xf32, #tpu.memory_space<hbm>>) target_semaphore(%run_scoped3A_149 : memref<!tpu.dma_semaphore, #tpu.memory_space<semaphore_mem>>)
      %dma_wait3A_153 = tpu.memref_slice %arg6[%mul3A_3, %mul3A_69] : memref<10112x512xf32, #tpu.memory_space<hbm>> -> memref<632x128xf32, #tpu.memory_space<hbm>>
      %dma_wait3A_154 = arith.constant 0 : i32
      %dma_wait3A_155 = tpu.memref_slice %arg7[%mul3A_3, %dma_wait3A_154] : memref<10112x128xf32, #tpu.memory_space<vmem_shared>> -> memref<632x128xf32, #tpu.memory_space<vmem_shared>>
      tpu.wait_dma2 semaphore(%run_scoped3A_149 : memref<!tpu.dma_semaphore, #tpu.memory_space<semaphore_mem>>) src(%dma_wait3A_155 : memref<632x128xf32, #tpu.memory_space<vmem_shared>>) dst(%dma_wait3A_153 : memref<632x128xf32, #tpu.memory_space<hbm>>)
      tpu.yield
    }) : () -> ()
    %barrier3A_70 = arith.constant 0 : index
    tpu.barrier barrier_id(%barrier3A_70)
    %mul3A_71 = arith.constant 2 : i32
    %mul3A_72 = arith.muli %arg0, %mul3A_71 : i32
    %add3A_73 = arith.constant 1 : i32
    %add3A_74 = arith.addi %mul3A_72, %add3A_73 : i32
    %mul3A_75 = arith.constant 632 : i32
    %mul3A_76 = arith.muli %arg1, %mul3A_75 : i32
    %mul3A_77 = arith.constant 58 : i32
    %mul3A_78 = arith.muli %arg1, %mul3A_77 : i32
    %add3A_79 = arith.constant 0 : i32
    %add3A_80 = arith.addi %add3A_79, %mul3A_78 : i32
    %mul3A_81 = arith.constant 928 : i32
    %mul3A_82 = arith.muli %add3A_74, %mul3A_81 : i32
    %add3A_83 = arith.addi %mul3A_82, %add3A_80 : i32
    %run_scoped3A_84 = arith.constant 0 : i32
    "tpu.region"() ({
      %run_scoped3A_149 = tpu.sem_alloc : memref<!tpu.dma_semaphore, #tpu.memory_space<semaphore_mem>>
      %dma_start3A_150 = arith.constant 0 : i32
      %dma_start3A_151 = arith.constant 0 : i32
      %dma_start3A_152 = tpu.memref_slice %arg8[%run_scoped3A_84, %dma_start3A_150, %dma_start3A_151] : memref<2x4x88xi32, #tpu.memory_space<vmem>> -> memref<1x4x88xi32, #tpu.memory_space<vmem>>
      %dma_start3A_153 = tpu.memref_squeeze %dma_start3A_152 : memref<1x4x88xi32, #tpu.memory_space<vmem>> -> memref<4x88xi32, #tpu.memory_space<vmem>>
      %dma_start3A_154 = arith.constant 0 : i32
      %dma_start3A_155 = arith.constant 0 : i32
      %dma_start3A_156 = tpu.memref_slice %arg3[%add3A_83, %dma_start3A_154, %dma_start3A_155] : memref<3712x4x88xi32, #tpu.memory_space<hbm>> -> memref<1x4x88xi32, #tpu.memory_space<hbm>>
      %dma_start3A_157 = tpu.memref_squeeze %dma_start3A_156 : memref<1x4x88xi32, #tpu.memory_space<hbm>> -> memref<4x88xi32, #tpu.memory_space<hbm>>
      %dma_start3A_158 = arith.constant 0 : i32
      %dma_start3A_159 = arith.constant 0 : i32
      %dma_start3A_160 = tpu.memref_slice %arg8[%run_scoped3A_84, %dma_start3A_158, %dma_start3A_159] : memref<2x4x88xi32, #tpu.memory_space<vmem>> -> memref<1x4x88xi32, #tpu.memory_space<vmem>>
      %dma_start3A_161 = tpu.memref_squeeze %dma_start3A_160 : memref<1x4x88xi32, #tpu.memory_space<vmem>> -> memref<4x88xi32, #tpu.memory_space<vmem>>
      %dma_start3A_162 = arith.constant 0 : i32
      %dma_start3A_163 = arith.constant 0 : i32
      %dma_start3A_164 = tpu.memref_slice %arg3[%add3A_83, %dma_start3A_162, %dma_start3A_163] : memref<3712x4x88xi32, #tpu.memory_space<hbm>> -> memref<1x4x88xi32, #tpu.memory_space<hbm>>
      %dma_start3A_165 = tpu.memref_squeeze %dma_start3A_164 : memref<1x4x88xi32, #tpu.memory_space<hbm>> -> memref<4x88xi32, #tpu.memory_space<hbm>>
      tpu.enqueue_dma source(%dma_start3A_165 : memref<4x88xi32, #tpu.memory_space<hbm>>) target(%dma_start3A_161 : memref<4x88xi32, #tpu.memory_space<vmem>>) target_semaphore(%run_scoped3A_149 : memref<!tpu.dma_semaphore, #tpu.memory_space<semaphore_mem>>)
      %dma_wait3A_166 = arith.constant 0 : i32
      %dma_wait3A_167 = arith.constant 0 : i32
      %dma_wait3A_168 = tpu.memref_slice %arg8[%run_scoped3A_84, %dma_wait3A_166, %dma_wait3A_167] : memref<2x4x88xi32, #tpu.memory_space<vmem>> -> memref<1x4x88xi32, #tpu.memory_space<vmem>>
      %dma_wait3A_169 = tpu.memref_squeeze %dma_wait3A_168 : memref<1x4x88xi32, #tpu.memory_space<vmem>> -> memref<4x88xi32, #tpu.memory_space<vmem>>
      %dma_wait3A_170 = arith.constant 0 : i32
      %dma_wait3A_171 = arith.constant 0 : i32
      %dma_wait3A_172 = tpu.memref_slice %arg3[%add3A_83, %dma_wait3A_170, %dma_wait3A_171] : memref<3712x4x88xi32, #tpu.memory_space<hbm>> -> memref<1x4x88xi32, #tpu.memory_space<hbm>>
      %dma_wait3A_173 = tpu.memref_squeeze %dma_wait3A_172 : memref<1x4x88xi32, #tpu.memory_space<hbm>> -> memref<4x88xi32, #tpu.memory_space<hbm>>
      %dma_wait3A_174 = arith.constant 0 : i32
      %dma_wait3A_175 = arith.constant 0 : i32
      %dma_wait3A_176 = tpu.memref_slice %arg8[%run_scoped3A_84, %dma_wait3A_174, %dma_wait3A_175] : memref<2x4x88xi32, #tpu.memory_space<vmem>> -> memref<1x4x88xi32, #tpu.memory_space<vmem>>
      %dma_wait3A_177 = tpu.memref_squeeze %dma_wait3A_176 : memref<1x4x88xi32, #tpu.memory_space<vmem>> -> memref<4x88xi32, #tpu.memory_space<vmem>>
      %dma_wait3A_178 = arith.constant 0 : i32
      %dma_wait3A_179 = arith.constant 0 : i32
      %dma_wait3A_180 = tpu.memref_slice %arg3[%add3A_83, %dma_wait3A_178, %dma_wait3A_179] : memref<3712x4x88xi32, #tpu.memory_space<hbm>> -> memref<1x4x88xi32, #tpu.memory_space<hbm>>
      %dma_wait3A_181 = tpu.memref_squeeze %dma_wait3A_180 : memref<1x4x88xi32, #tpu.memory_space<hbm>> -> memref<4x88xi32, #tpu.memory_space<hbm>>
      tpu.wait_dma2 semaphore(%run_scoped3A_149 : memref<!tpu.dma_semaphore, #tpu.memory_space<semaphore_mem>>) src(%dma_wait3A_181 : memref<4x88xi32, #tpu.memory_space<hbm>>) dst(%dma_wait3A_177 : memref<4x88xi32, #tpu.memory_space<vmem>>)
      tpu.yield
    }) : () -> ()
    %run_scoped3A_85 = arith.constant 0 : i32
    "tpu.region"() ({
      %run_scoped3A_149 = tpu.sem_alloc : memref<!tpu.dma_semaphore, #tpu.memory_space<semaphore_mem>>
      %dma_start3A_150 = arith.constant 0 : i32
      %dma_start3A_151 = arith.constant 0 : i32
      %dma_start3A_152 = tpu.memref_slice %arg9[%run_scoped3A_85, %dma_start3A_150, %dma_start3A_151] : memref<2x4x88xi32, #tpu.memory_space<vmem>> -> memref<1x4x88xi32, #tpu.memory_space<vmem>>
      %dma_start3A_153 = tpu.memref_squeeze %dma_start3A_152 : memref<1x4x88xi32, #tpu.memory_space<vmem>> -> memref<4x88xi32, #tpu.memory_space<vmem>>
      %dma_start3A_154 = arith.constant 0 : i32
      %dma_start3A_155 = arith.constant 0 : i32
      %dma_start3A_156 = tpu.memref_slice %arg4[%add3A_80, %dma_start3A_154, %dma_start3A_155] : memref<928x4x88xi32, #tpu.memory_space<hbm>> -> memref<1x4x88xi32, #tpu.memory_space<hbm>>
      %dma_start3A_157 = tpu.memref_squeeze %dma_start3A_156 : memref<1x4x88xi32, #tpu.memory_space<hbm>> -> memref<4x88xi32, #tpu.memory_space<hbm>>
      %dma_start3A_158 = arith.constant 0 : i32
      %dma_start3A_159 = arith.constant 0 : i32
      %dma_start3A_160 = tpu.memref_slice %arg9[%run_scoped3A_85, %dma_start3A_158, %dma_start3A_159] : memref<2x4x88xi32, #tpu.memory_space<vmem>> -> memref<1x4x88xi32, #tpu.memory_space<vmem>>
      %dma_start3A_161 = tpu.memref_squeeze %dma_start3A_160 : memref<1x4x88xi32, #tpu.memory_space<vmem>> -> memref<4x88xi32, #tpu.memory_space<vmem>>
      %dma_start3A_162 = arith.constant 0 : i32
      %dma_start3A_163 = arith.constant 0 : i32
      %dma_start3A_164 = tpu.memref_slice %arg4[%add3A_80, %dma_start3A_162, %dma_start3A_163] : memref<928x4x88xi32, #tpu.memory_space<hbm>> -> memref<1x4x88xi32, #tpu.memory_space<hbm>>
      %dma_start3A_165 = tpu.memref_squeeze %dma_start3A_164 : memref<1x4x88xi32, #tpu.memory_space<hbm>> -> memref<4x88xi32, #tpu.memory_space<hbm>>
      tpu.enqueue_dma source(%dma_start3A_165 : memref<4x88xi32, #tpu.memory_space<hbm>>) target(%dma_start3A_161 : memref<4x88xi32, #tpu.memory_space<vmem>>) target_semaphore(%run_scoped3A_149 : memref<!tpu.dma_semaphore, #tpu.memory_space<semaphore_mem>>)
      %dma_wait3A_166 = arith.constant 0 : i32
      %dma_wait3A_167 = arith.constant 0 : i32
      %dma_wait3A_168 = tpu.memref_slice %arg9[%run_scoped3A_85, %dma_wait3A_166, %dma_wait3A_167] : memref<2x4x88xi32, #tpu.memory_space<vmem>> -> memref<1x4x88xi32, #tpu.memory_space<vmem>>
      %dma_wait3A_169 = tpu.memref_squeeze %dma_wait3A_168 : memref<1x4x88xi32, #tpu.memory_space<vmem>> -> memref<4x88xi32, #tpu.memory_space<vmem>>
      %dma_wait3A_170 = arith.constant 0 : i32
      %dma_wait3A_171 = arith.constant 0 : i32
      %dma_wait3A_172 = tpu.memref_slice %arg4[%add3A_80, %dma_wait3A_170, %dma_wait3A_171] : memref<928x4x88xi32, #tpu.memory_space<hbm>> -> memref<1x4x88xi32, #tpu.memory_space<hbm>>
      %dma_wait3A_173 = tpu.memref_squeeze %dma_wait3A_172 : memref<1x4x88xi32, #tpu.memory_space<hbm>> -> memref<4x88xi32, #tpu.memory_space<hbm>>
      %dma_wait3A_174 = arith.constant 0 : i32
      %dma_wait3A_175 = arith.constant 0 : i32
      %dma_wait3A_176 = tpu.memref_slice %arg9[%run_scoped3A_85, %dma_wait3A_174, %dma_wait3A_175] : memref<2x4x88xi32, #tpu.memory_space<vmem>> -> memref<1x4x88xi32, #tpu.memory_space<vmem>>
      %dma_wait3A_177 = tpu.memref_squeeze %dma_wait3A_176 : memref<1x4x88xi32, #tpu.memory_space<vmem>> -> memref<4x88xi32, #tpu.memory_space<vmem>>
      %dma_wait3A_178 = arith.constant 0 : i32
      %dma_wait3A_179 = arith.constant 0 : i32
      %dma_wait3A_180 = tpu.memref_slice %arg4[%add3A_80, %dma_wait3A_178, %dma_wait3A_179] : memref<928x4x88xi32, #tpu.memory_space<hbm>> -> memref<1x4x88xi32, #tpu.memory_space<hbm>>
      %dma_wait3A_181 = tpu.memref_squeeze %dma_wait3A_180 : memref<1x4x88xi32, #tpu.memory_space<hbm>> -> memref<4x88xi32, #tpu.memory_space<hbm>>
      tpu.wait_dma2 semaphore(%run_scoped3A_149 : memref<!tpu.dma_semaphore, #tpu.memory_space<semaphore_mem>>) src(%dma_wait3A_181 : memref<4x88xi32, #tpu.memory_space<hbm>>) dst(%dma_wait3A_177 : memref<4x88xi32, #tpu.memory_space<vmem>>)
      tpu.yield
    }) : () -> ()
    %dma_start3A_86 = arith.constant 0 : i32
    %dma_start3A_87 = arith.constant 0 : i32
    %dma_start3A_88 = arith.constant 0 : i32
    %dma_start3A_89 = arith.constant 0 : i32
    %dma_start3A_90 = arith.constant 0 : i32
    %dma_start3A_91 = tpu.memref_slice %arg10[%dma_start3A_88, %dma_start3A_89, %dma_start3A_90] : memref<4x88x128xf32, #tpu.memory_space<vmem>> -> memref<1x88x128xf32, #tpu.memory_space<vmem>>
    %dma_start3A_92 = tpu.memref_squeeze %dma_start3A_91 : memref<1x88x128xf32, #tpu.memory_space<vmem>> -> memref<88x128xf32, #tpu.memory_space<vmem>>
    %dma_start3A_93 = arith.constant 0 : i32
    %dma_start3A_94 = tpu.memref_slice %arg8[%dma_start3A_86, %dma_start3A_87, %dma_start3A_93] : memref<2x4x88xi32, #tpu.memory_space<vmem>> -> memref<1x1x88xi32, #tpu.memory_space<vmem>>
    %dma_start3A_95 = tpu.memref_squeeze %dma_start3A_94 : memref<1x1x88xi32, #tpu.memory_space<vmem>> -> memref<88xi32, #tpu.memory_space<vmem>>
    %dma_start3A_96 = arith.constant 0 : i32
    %dma_start3A_97 = arith.constant 0 : i32
    %dma_start3A_98 = tpu.memref_slice %arg2[%dma_start3A_96, %dma_start3A_97] : memref<40000x128xf32, #tpu.memory_space<hbm>> -> memref<40000x128xf32, #tpu.memory_space<hbm>>
    tpu.enqueue_indirect_dma source(%dma_start3A_98 : memref<40000x128xf32, #tpu.memory_space<hbm>>) target(%dma_start3A_92 : memref<88x128xf32, #tpu.memory_space<vmem>>) offsets(%dma_start3A_95 : memref<88xi32, #tpu.memory_space<vmem>>) semaphore(%arg11 : memref<!tpu.dma_semaphore, #tpu.memory_space<semaphore_mem>>)
    %dma_start3A_99 = arith.constant 0 : i32
    %dma_start3A_100 = arith.constant 1 : i32
    %dma_start3A_101 = arith.constant 1 : i32
    %dma_start3A_102 = arith.constant 0 : i32
    %dma_start3A_103 = arith.constant 0 : i32
    %dma_start3A_104 = tpu.memref_slice %arg10[%dma_start3A_101, %dma_start3A_102, %dma_start3A_103] : memref<4x88x128xf32, #tpu.memory_space<vmem>> -> memref<1x88x128xf32, #tpu.memory_space<vmem>>
    %dma_start3A_105 = tpu.memref_squeeze %dma_start3A_104 : memref<1x88x128xf32, #tpu.memory_space<vmem>> -> memref<88x128xf32, #tpu.memory_space<vmem>>
    %dma_start3A_106 = arith.constant 0 : i32
    %dma_start3A_107 = tpu.memref_slice %arg8[%dma_start3A_99, %dma_start3A_100, %dma_start3A_106] : memref<2x4x88xi32, #tpu.memory_space<vmem>> -> memref<1x1x88xi32, #tpu.memory_space<vmem>>
    %dma_start3A_108 = tpu.memref_squeeze %dma_start3A_107 : memref<1x1x88xi32, #tpu.memory_space<vmem>> -> memref<88xi32, #tpu.memory_space<vmem>>
    %dma_start3A_109 = arith.constant 0 : i32
    %dma_start3A_110 = arith.constant 0 : i32
    %dma_start3A_111 = tpu.memref_slice %arg2[%dma_start3A_109, %dma_start3A_110] : memref<40000x128xf32, #tpu.memory_space<hbm>> -> memref<40000x128xf32, #tpu.memory_space<hbm>>
    tpu.enqueue_indirect_dma source(%dma_start3A_111 : memref<40000x128xf32, #tpu.memory_space<hbm>>) target(%dma_start3A_105 : memref<88x128xf32, #tpu.memory_space<vmem>>) offsets(%dma_start3A_108 : memref<88xi32, #tpu.memory_space<vmem>>) semaphore(%arg12 : memref<!tpu.dma_semaphore, #tpu.memory_space<semaphore_mem>>)
    "tpu.region"() ({
      %run_scoped3A_149 = tpu.sem_alloc : memref<!tpu.dma_semaphore, #tpu.memory_space<semaphore_mem>>
      %dma_start3A_150 = arith.constant 0 : i32
      %dma_start3A_151 = tpu.memref_slice %arg7[%mul3A_76, %dma_start3A_150] : memref<10112x128xf32, #tpu.memory_space<vmem_shared>> -> memref<632x128xf32, #tpu.memory_space<vmem_shared>>
      %dma_start3A_152 = arith.constant 0 : i32
      %dma_start3A_153 = tpu.memref_slice %arg5[%mul3A_76, %dma_start3A_152] : memref<10112x128xf32, #tpu.memory_space<hbm>> -> memref<632x128xf32, #tpu.memory_space<hbm>>
      tpu.enqueue_dma source(%dma_start3A_153 : memref<632x128xf32, #tpu.memory_space<hbm>>) target(%dma_start3A_151 : memref<632x128xf32, #tpu.memory_space<vmem_shared>>) target_semaphore(%run_scoped3A_149 : memref<!tpu.dma_semaphore, #tpu.memory_space<semaphore_mem>>)
      %dma_wait3A_154 = arith.constant 0 : i32
      %dma_wait3A_155 = tpu.memref_slice %arg7[%mul3A_76, %dma_wait3A_154] : memref<10112x128xf32, #tpu.memory_space<vmem_shared>> -> memref<632x128xf32, #tpu.memory_space<vmem_shared>>
      %dma_wait3A_156 = arith.constant 0 : i32
      %dma_wait3A_157 = tpu.memref_slice %arg5[%mul3A_76, %dma_wait3A_156] : memref<10112x128xf32, #tpu.memory_space<hbm>> -> memref<632x128xf32, #tpu.memory_space<hbm>>
      tpu.wait_dma2 semaphore(%run_scoped3A_149 : memref<!tpu.dma_semaphore, #tpu.memory_space<semaphore_mem>>) src(%dma_wait3A_157 : memref<632x128xf32, #tpu.memory_space<hbm>>) dst(%dma_wait3A_155 : memref<632x128xf32, #tpu.memory_space<vmem_shared>>)
      tpu.yield
    }) : () -> ()
    %barrier3A_112 = arith.constant 0 : index
    tpu.barrier barrier_id(%barrier3A_112)
    %scan3A_113 = arith.constant 0 : i32
    %scan3A_114 = arith.constant 0 : i32
    %scan3A_115 = arith.constant 58 : i32
    %scan3A_116 = arith.addi %scan3A_114, %scan3A_115 : i32
    %scan3A_117 = arith.constant 1 : i32
    scf.for %scan3A_149 = %scan3A_114 to %scan3A_116 step %scan3A_117  : i32 {
      %rem3A = arith.constant 2 : i32
      %rem3A_150 = arith.remsi %scan3A_149, %rem3A : i32
      %add3A_151 = arith.constant 1 : i32
      %add3A_152 = arith.addi %scan3A_149, %add3A_151 : i32
      %rem3A_153 = arith.constant 2 : i32
      %rem3A_154 = arith.remsi %add3A_152, %rem3A_153 : i32
      %add3A_155 = arith.addi %add3A_80, %scan3A_149 : i32
      %add3A_156 = arith.constant 1 : i32
      %add3A_157 = arith.addi %scan3A_149, %add3A_156 : i32
      %lt3A = arith.constant 58 : i32
      %lt3A_158 = arith.cmpi slt, %add3A_157, %lt3A : i32
      %convert_element_type3A = arith.extui %lt3A_158 : i1 to i32
      %cond3A = arith.constant 0 : i32
      %cond3A_159 = arith.cmpi ne, %convert_element_type3A, %cond3A : i32
      scf.if %cond3A_159 {
        %mul3A_327 = arith.constant 928 : i32
        %mul3A_328 = arith.muli %add3A_74, %mul3A_327 : i32
        %add3A_329 = arith.addi %mul3A_328, %add3A_155 : i32
        %add3A_330 = arith.constant 1 : i32
        %add3A_331 = arith.addi %add3A_329, %add3A_330 : i32
        %dma_start3A_332 = arith.constant 0 : i32
        %dma_start3A_333 = arith.constant 0 : i32
        %dma_start3A_334 = tpu.memref_slice %arg8[%rem3A_154, %dma_start3A_332, %dma_start3A_333] : memref<2x4x88xi32, #tpu.memory_space<vmem>> -> memref<1x4x88xi32, #tpu.memory_space<vmem>>
        %dma_start3A_335 = tpu.memref_squeeze %dma_start3A_334 : memref<1x4x88xi32, #tpu.memory_space<vmem>> -> memref<4x88xi32, #tpu.memory_space<vmem>>
        %dma_start3A_336 = arith.constant 0 : i32
        %dma_start3A_337 = arith.constant 0 : i32
        %dma_start3A_338 = tpu.memref_slice %arg3[%add3A_331, %dma_start3A_336, %dma_start3A_337] : memref<3712x4x88xi32, #tpu.memory_space<hbm>> -> memref<1x4x88xi32, #tpu.memory_space<hbm>>
        %dma_start3A_339 = tpu.memref_squeeze %dma_start3A_338 : memref<1x4x88xi32, #tpu.memory_space<hbm>> -> memref<4x88xi32, #tpu.memory_space<hbm>>
        %dma_start3A_340 = arith.constant 0 : i32
        %dma_start3A_341 = arith.constant 0 : i32
        %dma_start3A_342 = tpu.memref_slice %arg8[%rem3A_154, %dma_start3A_340, %dma_start3A_341] : memref<2x4x88xi32, #tpu.memory_space<vmem>> -> memref<1x4x88xi32, #tpu.memory_space<vmem>>
        %dma_start3A_343 = tpu.memref_squeeze %dma_start3A_342 : memref<1x4x88xi32, #tpu.memory_space<vmem>> -> memref<4x88xi32, #tpu.memory_space<vmem>>
        %dma_start3A_344 = arith.constant 0 : i32
        %dma_start3A_345 = arith.constant 0 : i32
        %dma_start3A_346 = tpu.memref_slice %arg3[%add3A_331, %dma_start3A_344, %dma_start3A_345] : memref<3712x4x88xi32, #tpu.memory_space<hbm>> -> memref<1x4x88xi32, #tpu.memory_space<hbm>>
        %dma_start3A_347 = tpu.memref_squeeze %dma_start3A_346 : memref<1x4x88xi32, #tpu.memory_space<hbm>> -> memref<4x88xi32, #tpu.memory_space<hbm>>
        tpu.enqueue_dma source(%dma_start3A_347 : memref<4x88xi32, #tpu.memory_space<hbm>>) target(%dma_start3A_343 : memref<4x88xi32, #tpu.memory_space<vmem>>) target_semaphore(%arg19 : memref<!tpu.dma_semaphore, #tpu.memory_space<semaphore_mem>>)
        %add3A_348 = arith.constant 1 : i32
        %add3A_349 = arith.addi %add3A_155, %add3A_348 : i32
        %dma_start3A_350 = arith.constant 0 : i32
        %dma_start3A_351 = arith.constant 0 : i32
        %dma_start3A_352 = tpu.memref_slice %arg9[%rem3A_154, %dma_start3A_350, %dma_start3A_351] : memref<2x4x88xi32, #tpu.memory_space<vmem>> -> memref<1x4x88xi32, #tpu.memory_space<vmem>>
        %dma_start3A_353 = tpu.memref_squeeze %dma_start3A_352 : memref<1x4x88xi32, #tpu.memory_space<vmem>> -> memref<4x88xi32, #tpu.memory_space<vmem>>
        %dma_start3A_354 = arith.constant 0 : i32
        %dma_start3A_355 = arith.constant 0 : i32
        %dma_start3A_356 = tpu.memref_slice %arg4[%add3A_349, %dma_start3A_354, %dma_start3A_355] : memref<928x4x88xi32, #tpu.memory_space<hbm>> -> memref<1x4x88xi32, #tpu.memory_space<hbm>>
        %dma_start3A_357 = tpu.memref_squeeze %dma_start3A_356 : memref<1x4x88xi32, #tpu.memory_space<hbm>> -> memref<4x88xi32, #tpu.memory_space<hbm>>
        %dma_start3A_358 = arith.constant 0 : i32
        %dma_start3A_359 = arith.constant 0 : i32
        %dma_start3A_360 = tpu.memref_slice %arg9[%rem3A_154, %dma_start3A_358, %dma_start3A_359] : memref<2x4x88xi32, #tpu.memory_space<vmem>> -> memref<1x4x88xi32, #tpu.memory_space<vmem>>
        %dma_start3A_361 = tpu.memref_squeeze %dma_start3A_360 : memref<1x4x88xi32, #tpu.memory_space<vmem>> -> memref<4x88xi32, #tpu.memory_space<vmem>>
        %dma_start3A_362 = arith.constant 0 : i32
        %dma_start3A_363 = arith.constant 0 : i32
        %dma_start3A_364 = tpu.memref_slice %arg4[%add3A_349, %dma_start3A_362, %dma_start3A_363] : memref<928x4x88xi32, #tpu.memory_space<hbm>> -> memref<1x4x88xi32, #tpu.memory_space<hbm>>
        %dma_start3A_365 = tpu.memref_squeeze %dma_start3A_364 : memref<1x4x88xi32, #tpu.memory_space<hbm>> -> memref<4x88xi32, #tpu.memory_space<hbm>>
        tpu.enqueue_dma source(%dma_start3A_365 : memref<4x88xi32, #tpu.memory_space<hbm>>) target(%dma_start3A_361 : memref<4x88xi32, #tpu.memory_space<vmem>>) target_semaphore(%arg19 : memref<!tpu.dma_semaphore, #tpu.memory_space<semaphore_mem>>)
      } else {
      }
      %dma_wait3A_160 = arith.constant 0 : i32
      %dma_wait3A_161 = arith.constant 0 : i32
      %dma_wait3A_162 = arith.constant 0 : i32
      %dma_wait3A_163 = arith.constant 0 : i32
      %dma_wait3A_164 = tpu.memref_slice %arg10[%dma_wait3A_161, %dma_wait3A_162, %dma_wait3A_163] : memref<4x88x128xf32, #tpu.memory_space<vmem>> -> memref<1x88x128xf32, #tpu.memory_space<vmem>>
      %dma_wait3A_165 = tpu.memref_squeeze %dma_wait3A_164 : memref<1x88x128xf32, #tpu.memory_space<vmem>> -> memref<88x128xf32, #tpu.memory_space<vmem>>
      %dma_wait3A_166 = arith.constant 0 : i32
      %dma_wait3A_167 = tpu.memref_slice %arg8[%rem3A_150, %dma_wait3A_160, %dma_wait3A_166] : memref<2x4x88xi32, #tpu.memory_space<vmem>> -> memref<1x1x88xi32, #tpu.memory_space<vmem>>
      %dma_wait3A_168 = tpu.memref_squeeze %dma_wait3A_167 : memref<1x1x88xi32, #tpu.memory_space<vmem>> -> memref<88xi32, #tpu.memory_space<vmem>>
      %dma_wait3A_169 = arith.constant 0 : i32
      %dma_wait3A_170 = arith.constant 0 : i32
      %dma_wait3A_171 = tpu.memref_slice %arg2[%dma_wait3A_169, %dma_wait3A_170] : memref<40000x128xf32, #tpu.memory_space<hbm>> -> memref<40000x128xf32, #tpu.memory_space<hbm>>
      tpu.wait_indirect_dma semaphore(%arg11 : memref<!tpu.dma_semaphore, #tpu.memory_space<semaphore_mem>>) src(%dma_wait3A_171 : memref<40000x128xf32, #tpu.memory_space<hbm>>) dst(%dma_wait3A_165 : memref<88x128xf32, #tpu.memory_space<vmem>>)
      %gt3A = arith.constant 0 : i32
      %gt3A_172 = arith.cmpi sgt, %scan3A_149, %gt3A : i32
      %convert_element_type3A_173 = arith.extui %gt3A_172 : i1 to i32
      %cond3A_174 = arith.constant 0 : i32
      %cond3A_175 = arith.cmpi ne, %convert_element_type3A_173, %cond3A_174 : i32
      scf.if %cond3A_175 {
        %dma_wait3A_327 = arith.constant 2 : i32
        %dma_wait3A_328 = arith.constant 0 : i32
        %dma_wait3A_329 = arith.constant 0 : i32
        %dma_wait3A_330 = arith.constant 0 : i32
        %dma_wait3A_331 = tpu.memref_slice %arg10[%dma_wait3A_327, %dma_wait3A_329, %dma_wait3A_330] : memref<4x88x128xf32, #tpu.memory_space<vmem>> -> memref<1x88x128xf32, #tpu.memory_space<vmem>>
        %dma_wait3A_332 = tpu.memref_squeeze %dma_wait3A_331 : memref<1x88x128xf32, #tpu.memory_space<vmem>> -> memref<88x128xf32, #tpu.memory_space<vmem>>
        %dma_wait3A_333 = arith.constant 0 : i32
        %dma_wait3A_334 = tpu.memref_slice %arg9[%rem3A_150, %dma_wait3A_328, %dma_wait3A_333] : memref<2x4x88xi32, #tpu.memory_space<vmem>> -> memref<1x1x88xi32, #tpu.memory_space<vmem>>
        %dma_wait3A_335 = tpu.memref_squeeze %dma_wait3A_334 : memref<1x1x88xi32, #tpu.memory_space<vmem>> -> memref<88xi32, #tpu.memory_space<vmem>>
        %dma_wait3A_336 = arith.constant 0 : i32
        %dma_wait3A_337 = arith.constant 0 : i32
        %dma_wait3A_338 = tpu.memref_slice %arg7[%dma_wait3A_336, %dma_wait3A_337] : memref<10112x128xf32, #tpu.memory_space<vmem_shared>> -> memref<10112x128xf32, #tpu.memory_space<vmem_shared>>
        tpu.wait_indirect_dma semaphore(%arg17 : memref<!tpu.dma_semaphore, #tpu.memory_space<semaphore_mem>>) src(%dma_wait3A_332 : memref<88x128xf32, #tpu.memory_space<vmem>>) dst(%dma_wait3A_338 : memref<10112x128xf32, #tpu.memory_space<vmem_shared>>)
      } else {
      }
      %dma_start3A_176 = arith.constant 0 : i32
      %dma_start3A_177 = arith.constant 0 : i32
      %dma_start3A_178 = arith.constant 0 : i32
      %dma_start3A_179 = arith.constant 0 : i32
      %dma_start3A_180 = tpu.memref_slice %arg10[%dma_start3A_176, %dma_start3A_178, %dma_start3A_179] : memref<4x88x128xf32, #tpu.memory_space<vmem>> -> memref<1x88x128xf32, #tpu.memory_space<vmem>>
      %dma_start3A_181 = tpu.memref_squeeze %dma_start3A_180 : memref<1x88x128xf32, #tpu.memory_space<vmem>> -> memref<88x128xf32, #tpu.memory_space<vmem>>
      %dma_start3A_182 = arith.constant 0 : i32
      %dma_start3A_183 = tpu.memref_slice %arg9[%rem3A_150, %dma_start3A_177, %dma_start3A_182] : memref<2x4x88xi32, #tpu.memory_space<vmem>> -> memref<1x1x88xi32, #tpu.memory_space<vmem>>
      %dma_start3A_184 = tpu.memref_squeeze %dma_start3A_183 : memref<1x1x88xi32, #tpu.memory_space<vmem>> -> memref<88xi32, #tpu.memory_space<vmem>>
      %dma_start3A_185 = arith.constant 0 : i32
      %dma_start3A_186 = arith.constant 0 : i32
      %dma_start3A_187 = tpu.memref_slice %arg7[%dma_start3A_185, %dma_start3A_186] : memref<10112x128xf32, #tpu.memory_space<vmem_shared>> -> memref<10112x128xf32, #tpu.memory_space<vmem_shared>>
      tpu.enqueue_indirect_dma source(%dma_start3A_181 : memref<88x128xf32, #tpu.memory_space<vmem>>) target(%dma_start3A_187 : memref<10112x128xf32, #tpu.memory_space<vmem_shared>>) offsets(%dma_start3A_184 : memref<88xi32, #tpu.memory_space<vmem>>) semaphore(%arg15 : memref<!tpu.dma_semaphore, #tpu.memory_space<semaphore_mem>>) {add = true}
      %dma_start3A_188 = arith.constant 2 : i32
      %dma_start3A_189 = arith.constant 2 : i32
      %dma_start3A_190 = arith.constant 0 : i32
      %dma_start3A_191 = arith.constant 0 : i32
      %dma_start3A_192 = tpu.memref_slice %arg10[%dma_start3A_189, %dma_start3A_190, %dma_start3A_191] : memref<4x88x128xf32, #tpu.memory_space<vmem>> -> memref<1x88x128xf32, #tpu.memory_space<vmem>>
      %dma_start3A_193 = tpu.memref_squeeze %dma_start3A_192 : memref<1x88x128xf32, #tpu.memory_space<vmem>> -> memref<88x128xf32, #tpu.memory_space<vmem>>
      %dma_start3A_194 = arith.constant 0 : i32
      %dma_start3A_195 = tpu.memref_slice %arg8[%rem3A_150, %dma_start3A_188, %dma_start3A_194] : memref<2x4x88xi32, #tpu.memory_space<vmem>> -> memref<1x1x88xi32, #tpu.memory_space<vmem>>
      %dma_start3A_196 = tpu.memref_squeeze %dma_start3A_195 : memref<1x1x88xi32, #tpu.memory_space<vmem>> -> memref<88xi32, #tpu.memory_space<vmem>>
      %dma_start3A_197 = arith.constant 0 : i32
      %dma_start3A_198 = arith.constant 0 : i32
      %dma_start3A_199 = tpu.memref_slice %arg2[%dma_start3A_197, %dma_start3A_198] : memref<40000x128xf32, #tpu.memory_space<hbm>> -> memref<40000x128xf32, #tpu.memory_space<hbm>>
      tpu.enqueue_indirect_dma source(%dma_start3A_199 : memref<40000x128xf32, #tpu.memory_space<hbm>>) target(%dma_start3A_193 : memref<88x128xf32, #tpu.memory_space<vmem>>) offsets(%dma_start3A_196 : memref<88xi32, #tpu.memory_space<vmem>>) semaphore(%arg13 : memref<!tpu.dma_semaphore, #tpu.memory_space<semaphore_mem>>)
      %dma_wait3A_200 = arith.constant 1 : i32
      %dma_wait3A_201 = arith.constant 1 : i32
      %dma_wait3A_202 = arith.constant 0 : i32
      %dma_wait3A_203 = arith.constant 0 : i32
      %dma_wait3A_204 = tpu.memref_slice %arg10[%dma_wait3A_201, %dma_wait3A_202, %dma_wait3A_203] : memref<4x88x128xf32, #tpu.memory_space<vmem>> -> memref<1x88x128xf32, #tpu.memory_space<vmem>>
      %dma_wait3A_205 = tpu.memref_squeeze %dma_wait3A_204 : memref<1x88x128xf32, #tpu.memory_space<vmem>> -> memref<88x128xf32, #tpu.memory_space<vmem>>
      %dma_wait3A_206 = arith.constant 0 : i32
      %dma_wait3A_207 = tpu.memref_slice %arg8[%rem3A_150, %dma_wait3A_200, %dma_wait3A_206] : memref<2x4x88xi32, #tpu.memory_space<vmem>> -> memref<1x1x88xi32, #tpu.memory_space<vmem>>
      %dma_wait3A_208 = tpu.memref_squeeze %dma_wait3A_207 : memref<1x1x88xi32, #tpu.memory_space<vmem>> -> memref<88xi32, #tpu.memory_space<vmem>>
      %dma_wait3A_209 = arith.constant 0 : i32
      %dma_wait3A_210 = arith.constant 0 : i32
      %dma_wait3A_211 = tpu.memref_slice %arg2[%dma_wait3A_209, %dma_wait3A_210] : memref<40000x128xf32, #tpu.memory_space<hbm>> -> memref<40000x128xf32, #tpu.memory_space<hbm>>
      tpu.wait_indirect_dma semaphore(%arg12 : memref<!tpu.dma_semaphore, #tpu.memory_space<semaphore_mem>>) src(%dma_wait3A_211 : memref<40000x128xf32, #tpu.memory_space<hbm>>) dst(%dma_wait3A_205 : memref<88x128xf32, #tpu.memory_space<vmem>>)
      %gt3A_212 = arith.constant 0 : i32
      %gt3A_213 = arith.cmpi sgt, %scan3A_149, %gt3A_212 : i32
      %convert_element_type3A_214 = arith.extui %gt3A_213 : i1 to i32
      %cond3A_215 = arith.constant 0 : i32
      %cond3A_216 = arith.cmpi ne, %convert_element_type3A_214, %cond3A_215 : i32
      scf.if %cond3A_216 {
        %dma_wait3A_327 = arith.constant 3 : i32
        %dma_wait3A_328 = arith.constant 1 : i32
        %dma_wait3A_329 = arith.constant 0 : i32
        %dma_wait3A_330 = arith.constant 0 : i32
        %dma_wait3A_331 = tpu.memref_slice %arg10[%dma_wait3A_327, %dma_wait3A_329, %dma_wait3A_330] : memref<4x88x128xf32, #tpu.memory_space<vmem>> -> memref<1x88x128xf32, #tpu.memory_space<vmem>>
        %dma_wait3A_332 = tpu.memref_squeeze %dma_wait3A_331 : memref<1x88x128xf32, #tpu.memory_space<vmem>> -> memref<88x128xf32, #tpu.memory_space<vmem>>
        %dma_wait3A_333 = arith.constant 0 : i32
        %dma_wait3A_334 = tpu.memref_slice %arg9[%rem3A_150, %dma_wait3A_328, %dma_wait3A_333] : memref<2x4x88xi32, #tpu.memory_space<vmem>> -> memref<1x1x88xi32, #tpu.memory_space<vmem>>
        %dma_wait3A_335 = tpu.memref_squeeze %dma_wait3A_334 : memref<1x1x88xi32, #tpu.memory_space<vmem>> -> memref<88xi32, #tpu.memory_space<vmem>>
        %dma_wait3A_336 = arith.constant 0 : i32
        %dma_wait3A_337 = arith.constant 0 : i32
        %dma_wait3A_338 = tpu.memref_slice %arg7[%dma_wait3A_336, %dma_wait3A_337] : memref<10112x128xf32, #tpu.memory_space<vmem_shared>> -> memref<10112x128xf32, #tpu.memory_space<vmem_shared>>
        tpu.wait_indirect_dma semaphore(%arg18 : memref<!tpu.dma_semaphore, #tpu.memory_space<semaphore_mem>>) src(%dma_wait3A_332 : memref<88x128xf32, #tpu.memory_space<vmem>>) dst(%dma_wait3A_338 : memref<10112x128xf32, #tpu.memory_space<vmem_shared>>)
      } else {
      }
      %dma_start3A_217 = arith.constant 1 : i32
      %dma_start3A_218 = arith.constant 1 : i32
      %dma_start3A_219 = arith.constant 0 : i32
      %dma_start3A_220 = arith.constant 0 : i32
      %dma_start3A_221 = tpu.memref_slice %arg10[%dma_start3A_217, %dma_start3A_219, %dma_start3A_220] : memref<4x88x128xf32, #tpu.memory_space<vmem>> -> memref<1x88x128xf32, #tpu.memory_space<vmem>>
      %dma_start3A_222 = tpu.memref_squeeze %dma_start3A_221 : memref<1x88x128xf32, #tpu.memory_space<vmem>> -> memref<88x128xf32, #tpu.memory_space<vmem>>
      %dma_start3A_223 = arith.constant 0 : i32
      %dma_start3A_224 = tpu.memref_slice %arg9[%rem3A_150, %dma_start3A_218, %dma_start3A_223] : memref<2x4x88xi32, #tpu.memory_space<vmem>> -> memref<1x1x88xi32, #tpu.memory_space<vmem>>
      %dma_start3A_225 = tpu.memref_squeeze %dma_start3A_224 : memref<1x1x88xi32, #tpu.memory_space<vmem>> -> memref<88xi32, #tpu.memory_space<vmem>>
      %dma_start3A_226 = arith.constant 0 : i32
      %dma_start3A_227 = arith.constant 0 : i32
      %dma_start3A_228 = tpu.memref_slice %arg7[%dma_start3A_226, %dma_start3A_227] : memref<10112x128xf32, #tpu.memory_space<vmem_shared>> -> memref<10112x128xf32, #tpu.memory_space<vmem_shared>>
      tpu.enqueue_indirect_dma source(%dma_start3A_222 : memref<88x128xf32, #tpu.memory_space<vmem>>) target(%dma_start3A_228 : memref<10112x128xf32, #tpu.memory_space<vmem_shared>>) offsets(%dma_start3A_225 : memref<88xi32, #tpu.memory_space<vmem>>) semaphore(%arg16 : memref<!tpu.dma_semaphore, #tpu.memory_space<semaphore_mem>>) {add = true}
      %dma_start3A_229 = arith.constant 3 : i32
      %dma_start3A_230 = arith.constant 3 : i32
      %dma_start3A_231 = arith.constant 0 : i32
      %dma_start3A_232 = arith.constant 0 : i32
      %dma_start3A_233 = tpu.memref_slice %arg10[%dma_start3A_230, %dma_start3A_231, %dma_start3A_232] : memref<4x88x128xf32, #tpu.memory_space<vmem>> -> memref<1x88x128xf32, #tpu.memory_space<vmem>>
      %dma_start3A_234 = tpu.memref_squeeze %dma_start3A_233 : memref<1x88x128xf32, #tpu.memory_space<vmem>> -> memref<88x128xf32, #tpu.memory_space<vmem>>
      %dma_start3A_235 = arith.constant 0 : i32
      %dma_start3A_236 = tpu.memref_slice %arg8[%rem3A_150, %dma_start3A_229, %dma_start3A_235] : memref<2x4x88xi32, #tpu.memory_space<vmem>> -> memref<1x1x88xi32, #tpu.memory_space<vmem>>
      %dma_start3A_237 = tpu.memref_squeeze %dma_start3A_236 : memref<1x1x88xi32, #tpu.memory_space<vmem>> -> memref<88xi32, #tpu.memory_space<vmem>>
      %dma_start3A_238 = arith.constant 0 : i32
      %dma_start3A_239 = arith.constant 0 : i32
      %dma_start3A_240 = tpu.memref_slice %arg2[%dma_start3A_238, %dma_start3A_239] : memref<40000x128xf32, #tpu.memory_space<hbm>> -> memref<40000x128xf32, #tpu.memory_space<hbm>>
      tpu.enqueue_indirect_dma source(%dma_start3A_240 : memref<40000x128xf32, #tpu.memory_space<hbm>>) target(%dma_start3A_234 : memref<88x128xf32, #tpu.memory_space<vmem>>) offsets(%dma_start3A_237 : memref<88xi32, #tpu.memory_space<vmem>>) semaphore(%arg14 : memref<!tpu.dma_semaphore, #tpu.memory_space<semaphore_mem>>)
      %dma_wait3A_241 = arith.constant 2 : i32
      %dma_wait3A_242 = arith.constant 2 : i32
      %dma_wait3A_243 = arith.constant 0 : i32
      %dma_wait3A_244 = arith.constant 0 : i32
      %dma_wait3A_245 = tpu.memref_slice %arg10[%dma_wait3A_242, %dma_wait3A_243, %dma_wait3A_244] : memref<4x88x128xf32, #tpu.memory_space<vmem>> -> memref<1x88x128xf32, #tpu.memory_space<vmem>>
      %dma_wait3A_246 = tpu.memref_squeeze %dma_wait3A_245 : memref<1x88x128xf32, #tpu.memory_space<vmem>> -> memref<88x128xf32, #tpu.memory_space<vmem>>
      %dma_wait3A_247 = arith.constant 0 : i32
      %dma_wait3A_248 = tpu.memref_slice %arg8[%rem3A_150, %dma_wait3A_241, %dma_wait3A_247] : memref<2x4x88xi32, #tpu.memory_space<vmem>> -> memref<1x1x88xi32, #tpu.memory_space<vmem>>
      %dma_wait3A_249 = tpu.memref_squeeze %dma_wait3A_248 : memref<1x1x88xi32, #tpu.memory_space<vmem>> -> memref<88xi32, #tpu.memory_space<vmem>>
      %dma_wait3A_250 = arith.constant 0 : i32
      %dma_wait3A_251 = arith.constant 0 : i32
      %dma_wait3A_252 = tpu.memref_slice %arg2[%dma_wait3A_250, %dma_wait3A_251] : memref<40000x128xf32, #tpu.memory_space<hbm>> -> memref<40000x128xf32, #tpu.memory_space<hbm>>
      tpu.wait_indirect_dma semaphore(%arg13 : memref<!tpu.dma_semaphore, #tpu.memory_space<semaphore_mem>>) src(%dma_wait3A_252 : memref<40000x128xf32, #tpu.memory_space<hbm>>) dst(%dma_wait3A_246 : memref<88x128xf32, #tpu.memory_space<vmem>>)
      %dma_wait3A_253 = arith.constant 0 : i32
      %dma_wait3A_254 = arith.constant 2 : i32
      %dma_wait3A_255 = arith.constant 0 : i32
      %dma_wait3A_256 = arith.constant 0 : i32
      %dma_wait3A_257 = tpu.memref_slice %arg10[%dma_wait3A_253, %dma_wait3A_255, %dma_wait3A_256] : memref<4x88x128xf32, #tpu.memory_space<vmem>> -> memref<1x88x128xf32, #tpu.memory_space<vmem>>
      %dma_wait3A_258 = tpu.memref_squeeze %dma_wait3A_257 : memref<1x88x128xf32, #tpu.memory_space<vmem>> -> memref<88x128xf32, #tpu.memory_space<vmem>>
      %dma_wait3A_259 = arith.constant 0 : i32
      %dma_wait3A_260 = tpu.memref_slice %arg9[%rem3A_150, %dma_wait3A_254, %dma_wait3A_259] : memref<2x4x88xi32, #tpu.memory_space<vmem>> -> memref<1x1x88xi32, #tpu.memory_space<vmem>>
      %dma_wait3A_261 = tpu.memref_squeeze %dma_wait3A_260 : memref<1x1x88xi32, #tpu.memory_space<vmem>> -> memref<88xi32, #tpu.memory_space<vmem>>
      %dma_wait3A_262 = arith.constant 0 : i32
      %dma_wait3A_263 = arith.constant 0 : i32
      %dma_wait3A_264 = tpu.memref_slice %arg7[%dma_wait3A_262, %dma_wait3A_263] : memref<10112x128xf32, #tpu.memory_space<vmem_shared>> -> memref<10112x128xf32, #tpu.memory_space<vmem_shared>>
      tpu.wait_indirect_dma semaphore(%arg15 : memref<!tpu.dma_semaphore, #tpu.memory_space<semaphore_mem>>) src(%dma_wait3A_258 : memref<88x128xf32, #tpu.memory_space<vmem>>) dst(%dma_wait3A_264 : memref<10112x128xf32, #tpu.memory_space<vmem_shared>>)
      %dma_start3A_265 = arith.constant 2 : i32
      %dma_start3A_266 = arith.constant 2 : i32
      %dma_start3A_267 = arith.constant 0 : i32
      %dma_start3A_268 = arith.constant 0 : i32
      %dma_start3A_269 = tpu.memref_slice %arg10[%dma_start3A_265, %dma_start3A_267, %dma_start3A_268] : memref<4x88x128xf32, #tpu.memory_space<vmem>> -> memref<1x88x128xf32, #tpu.memory_space<vmem>>
      %dma_start3A_270 = tpu.memref_squeeze %dma_start3A_269 : memref<1x88x128xf32, #tpu.memory_space<vmem>> -> memref<88x128xf32, #tpu.memory_space<vmem>>
      %dma_start3A_271 = arith.constant 0 : i32
      %dma_start3A_272 = tpu.memref_slice %arg9[%rem3A_150, %dma_start3A_266, %dma_start3A_271] : memref<2x4x88xi32, #tpu.memory_space<vmem>> -> memref<1x1x88xi32, #tpu.memory_space<vmem>>
      %dma_start3A_273 = tpu.memref_squeeze %dma_start3A_272 : memref<1x1x88xi32, #tpu.memory_space<vmem>> -> memref<88xi32, #tpu.memory_space<vmem>>
      %dma_start3A_274 = arith.constant 0 : i32
      %dma_start3A_275 = arith.constant 0 : i32
      %dma_start3A_276 = tpu.memref_slice %arg7[%dma_start3A_274, %dma_start3A_275] : memref<10112x128xf32, #tpu.memory_space<vmem_shared>> -> memref<10112x128xf32, #tpu.memory_space<vmem_shared>>
      tpu.enqueue_indirect_dma source(%dma_start3A_270 : memref<88x128xf32, #tpu.memory_space<vmem>>) target(%dma_start3A_276 : memref<10112x128xf32, #tpu.memory_space<vmem_shared>>) offsets(%dma_start3A_273 : memref<88xi32, #tpu.memory_space<vmem>>) semaphore(%arg17 : memref<!tpu.dma_semaphore, #tpu.memory_space<semaphore_mem>>) {add = true}
      %add3A_277 = arith.constant 1 : i32
      %add3A_278 = arith.addi %scan3A_149, %add3A_277 : i32
      %lt3A_279 = arith.constant 58 : i32
      %lt3A_280 = arith.cmpi slt, %add3A_278, %lt3A_279 : i32
      %convert_element_type3A_281 = arith.extui %lt3A_280 : i1 to i32
      %cond3A_282 = arith.constant 0 : i32
      %cond3A_283 = arith.cmpi ne, %convert_element_type3A_281, %cond3A_282 : i32
      scf.if %cond3A_283 {
        %dma_wait3A_327 = arith.constant 0 : i32
        %dma_wait3A_328 = arith.constant 0 : i32
        %dma_wait3A_329 = arith.constant 0 : i32
        %dma_wait3A_330 = tpu.memref_slice %arg8[%rem3A_154, %dma_wait3A_328, %dma_wait3A_329] : memref<2x4x88xi32, #tpu.memory_space<vmem>> -> memref<1x4x88xi32, #tpu.memory_space<vmem>>
        %dma_wait3A_331 = tpu.memref_squeeze %dma_wait3A_330 : memref<1x4x88xi32, #tpu.memory_space<vmem>> -> memref<4x88xi32, #tpu.memory_space<vmem>>
        %dma_wait3A_332 = arith.constant 0 : i32
        %dma_wait3A_333 = arith.constant 0 : i32
        %dma_wait3A_334 = tpu.memref_slice %arg3[%dma_wait3A_327, %dma_wait3A_332, %dma_wait3A_333] : memref<3712x4x88xi32, #tpu.memory_space<hbm>> -> memref<1x4x88xi32, #tpu.memory_space<hbm>>
        %dma_wait3A_335 = tpu.memref_squeeze %dma_wait3A_334 : memref<1x4x88xi32, #tpu.memory_space<hbm>> -> memref<4x88xi32, #tpu.memory_space<hbm>>
        %dma_wait3A_336 = arith.constant 0 : i32
        %dma_wait3A_337 = arith.constant 0 : i32
        %dma_wait3A_338 = tpu.memref_slice %arg8[%rem3A_154, %dma_wait3A_336, %dma_wait3A_337] : memref<2x4x88xi32, #tpu.memory_space<vmem>> -> memref<1x4x88xi32, #tpu.memory_space<vmem>>
        %dma_wait3A_339 = tpu.memref_squeeze %dma_wait3A_338 : memref<1x4x88xi32, #tpu.memory_space<vmem>> -> memref<4x88xi32, #tpu.memory_space<vmem>>
        %dma_wait3A_340 = arith.constant 0 : i32
        %dma_wait3A_341 = arith.constant 0 : i32
        %dma_wait3A_342 = tpu.memref_slice %arg3[%dma_wait3A_327, %dma_wait3A_340, %dma_wait3A_341] : memref<3712x4x88xi32, #tpu.memory_space<hbm>> -> memref<1x4x88xi32, #tpu.memory_space<hbm>>
        %dma_wait3A_343 = tpu.memref_squeeze %dma_wait3A_342 : memref<1x4x88xi32, #tpu.memory_space<hbm>> -> memref<4x88xi32, #tpu.memory_space<hbm>>
        tpu.wait_dma2 semaphore(%arg19 : memref<!tpu.dma_semaphore, #tpu.memory_space<semaphore_mem>>) src(%dma_wait3A_343 : memref<4x88xi32, #tpu.memory_space<hbm>>) dst(%dma_wait3A_339 : memref<4x88xi32, #tpu.memory_space<vmem>>)
        %dma_wait3A_344 = arith.constant 0 : i32
        %dma_wait3A_345 = arith.constant 0 : i32
        %dma_wait3A_346 = arith.constant 0 : i32
        %dma_wait3A_347 = tpu.memref_slice %arg9[%rem3A_154, %dma_wait3A_345, %dma_wait3A_346] : memref<2x4x88xi32, #tpu.memory_space<vmem>> -> memref<1x4x88xi32, #tpu.memory_space<vmem>>
        %dma_wait3A_348 = tpu.memref_squeeze %dma_wait3A_347 : memref<1x4x88xi32, #tpu.memory_space<vmem>> -> memref<4x88xi32, #tpu.memory_space<vmem>>
        %dma_wait3A_349 = arith.constant 0 : i32
        %dma_wait3A_350 = arith.constant 0 : i32
        %dma_wait3A_351 = tpu.memref_slice %arg4[%dma_wait3A_344, %dma_wait3A_349, %dma_wait3A_350] : memref<928x4x88xi32, #tpu.memory_space<hbm>> -> memref<1x4x88xi32, #tpu.memory_space<hbm>>
        %dma_wait3A_352 = tpu.memref_squeeze %dma_wait3A_351 : memref<1x4x88xi32, #tpu.memory_space<hbm>> -> memref<4x88xi32, #tpu.memory_space<hbm>>
        %dma_wait3A_353 = arith.constant 0 : i32
        %dma_wait3A_354 = arith.constant 0 : i32
        %dma_wait3A_355 = tpu.memref_slice %arg9[%rem3A_154, %dma_wait3A_353, %dma_wait3A_354] : memref<2x4x88xi32, #tpu.memory_space<vmem>> -> memref<1x4x88xi32, #tpu.memory_space<vmem>>
        %dma_wait3A_356 = tpu.memref_squeeze %dma_wait3A_355 : memref<1x4x88xi32, #tpu.memory_space<vmem>> -> memref<4x88xi32, #tpu.memory_space<vmem>>
        %dma_wait3A_357 = arith.constant 0 : i32
        %dma_wait3A_358 = arith.constant 0 : i32
        %dma_wait3A_359 = tpu.memref_slice %arg4[%dma_wait3A_344, %dma_wait3A_357, %dma_wait3A_358] : memref<928x4x88xi32, #tpu.memory_space<hbm>> -> memref<1x4x88xi32, #tpu.memory_space<hbm>>
        %dma_wait3A_360 = tpu.memref_squeeze %dma_wait3A_359 : memref<1x4x88xi32, #tpu.memory_space<hbm>> -> memref<4x88xi32, #tpu.memory_space<hbm>>
        tpu.wait_dma2 semaphore(%arg19 : memref<!tpu.dma_semaphore, #tpu.memory_space<semaphore_mem>>) src(%dma_wait3A_360 : memref<4x88xi32, #tpu.memory_space<hbm>>) dst(%dma_wait3A_356 : memref<4x88xi32, #tpu.memory_space<vmem>>)
        %dma_start3A_361 = arith.constant 0 : i32
        %dma_start3A_362 = arith.constant 0 : i32
        %dma_start3A_363 = arith.constant 0 : i32
        %dma_start3A_364 = arith.constant 0 : i32
        %dma_start3A_365 = tpu.memref_slice %arg10[%dma_start3A_362, %dma_start3A_363, %dma_start3A_364] : memref<4x88x128xf32, #tpu.memory_space<vmem>> -> memref<1x88x128xf32, #tpu.memory_space<vmem>>
        %dma_start3A_366 = tpu.memref_squeeze %dma_start3A_365 : memref<1x88x128xf32, #tpu.memory_space<vmem>> -> memref<88x128xf32, #tpu.memory_space<vmem>>
        %dma_start3A_367 = arith.constant 0 : i32
        %dma_start3A_368 = tpu.memref_slice %arg8[%rem3A_154, %dma_start3A_361, %dma_start3A_367] : memref<2x4x88xi32, #tpu.memory_space<vmem>> -> memref<1x1x88xi32, #tpu.memory_space<vmem>>
        %dma_start3A_369 = tpu.memref_squeeze %dma_start3A_368 : memref<1x1x88xi32, #tpu.memory_space<vmem>> -> memref<88xi32, #tpu.memory_space<vmem>>
        %dma_start3A_370 = arith.constant 0 : i32
        %dma_start3A_371 = arith.constant 0 : i32
        %dma_start3A_372 = tpu.memref_slice %arg2[%dma_start3A_370, %dma_start3A_371] : memref<40000x128xf32, #tpu.memory_space<hbm>> -> memref<40000x128xf32, #tpu.memory_space<hbm>>
        tpu.enqueue_indirect_dma source(%dma_start3A_372 : memref<40000x128xf32, #tpu.memory_space<hbm>>) target(%dma_start3A_366 : memref<88x128xf32, #tpu.memory_space<vmem>>) offsets(%dma_start3A_369 : memref<88xi32, #tpu.memory_space<vmem>>) semaphore(%arg11 : memref<!tpu.dma_semaphore, #tpu.memory_space<semaphore_mem>>)
      } else {
      }
      %dma_wait3A_284 = arith.constant 3 : i32
      %dma_wait3A_285 = arith.constant 3 : i32
      %dma_wait3A_286 = arith.constant 0 : i32
      %dma_wait3A_287 = arith.constant 0 : i32
      %dma_wait3A_288 = tpu.memref_slice %arg10[%dma_wait3A_285, %dma_wait3A_286, %dma_wait3A_287] : memref<4x88x128xf32, #tpu.memory_space<vmem>> -> memref<1x88x128xf32, #tpu.memory_space<vmem>>
      %dma_wait3A_289 = tpu.memref_squeeze %dma_wait3A_288 : memref<1x88x128xf32, #tpu.memory_space<vmem>> -> memref<88x128xf32, #tpu.memory_space<vmem>>
      %dma_wait3A_290 = arith.constant 0 : i32
      %dma_wait3A_291 = tpu.memref_slice %arg8[%rem3A_150, %dma_wait3A_284, %dma_wait3A_290] : memref<2x4x88xi32, #tpu.memory_space<vmem>> -> memref<1x1x88xi32, #tpu.memory_space<vmem>>
      %dma_wait3A_292 = tpu.memref_squeeze %dma_wait3A_291 : memref<1x1x88xi32, #tpu.memory_space<vmem>> -> memref<88xi32, #tpu.memory_space<vmem>>
      %dma_wait3A_293 = arith.constant 0 : i32
      %dma_wait3A_294 = arith.constant 0 : i32
      %dma_wait3A_295 = tpu.memref_slice %arg2[%dma_wait3A_293, %dma_wait3A_294] : memref<40000x128xf32, #tpu.memory_space<hbm>> -> memref<40000x128xf32, #tpu.memory_space<hbm>>
      tpu.wait_indirect_dma semaphore(%arg14 : memref<!tpu.dma_semaphore, #tpu.memory_space<semaphore_mem>>) src(%dma_wait3A_295 : memref<40000x128xf32, #tpu.memory_space<hbm>>) dst(%dma_wait3A_289 : memref<88x128xf32, #tpu.memory_space<vmem>>)
      %dma_wait3A_296 = arith.constant 1 : i32
      %dma_wait3A_297 = arith.constant 3 : i32
      %dma_wait3A_298 = arith.constant 0 : i32
      %dma_wait3A_299 = arith.constant 0 : i32
      %dma_wait3A_300 = tpu.memref_slice %arg10[%dma_wait3A_296, %dma_wait3A_298, %dma_wait3A_299] : memref<4x88x128xf32, #tpu.memory_space<vmem>> -> memref<1x88x128xf32, #tpu.memory_space<vmem>>
      %dma_wait3A_301 = tpu.memref_squeeze %dma_wait3A_300 : memref<1x88x128xf32, #tpu.memory_space<vmem>> -> memref<88x128xf32, #tpu.memory_space<vmem>>
      %dma_wait3A_302 = arith.constant 0 : i32
      %dma_wait3A_303 = tpu.memref_slice %arg9[%rem3A_150, %dma_wait3A_297, %dma_wait3A_302] : memref<2x4x88xi32, #tpu.memory_space<vmem>> -> memref<1x1x88xi32, #tpu.memory_space<vmem>>
      %dma_wait3A_304 = tpu.memref_squeeze %dma_wait3A_303 : memref<1x1x88xi32, #tpu.memory_space<vmem>> -> memref<88xi32, #tpu.memory_space<vmem>>
      %dma_wait3A_305 = arith.constant 0 : i32
      %dma_wait3A_306 = arith.constant 0 : i32
      %dma_wait3A_307 = tpu.memref_slice %arg7[%dma_wait3A_305, %dma_wait3A_306] : memref<10112x128xf32, #tpu.memory_space<vmem_shared>> -> memref<10112x128xf32, #tpu.memory_space<vmem_shared>>
      tpu.wait_indirect_dma semaphore(%arg16 : memref<!tpu.dma_semaphore, #tpu.memory_space<semaphore_mem>>) src(%dma_wait3A_301 : memref<88x128xf32, #tpu.memory_space<vmem>>) dst(%dma_wait3A_307 : memref<10112x128xf32, #tpu.memory_space<vmem_shared>>)
      %dma_start3A_308 = arith.constant 3 : i32
      %dma_start3A_309 = arith.constant 3 : i32
      %dma_start3A_310 = arith.constant 0 : i32
      %dma_start3A_311 = arith.constant 0 : i32
      %dma_start3A_312 = tpu.memref_slice %arg10[%dma_start3A_308, %dma_start3A_310, %dma_start3A_311] : memref<4x88x128xf32, #tpu.memory_space<vmem>> -> memref<1x88x128xf32, #tpu.memory_space<vmem>>
      %dma_start3A_313 = tpu.memref_squeeze %dma_start3A_312 : memref<1x88x128xf32, #tpu.memory_space<vmem>> -> memref<88x128xf32, #tpu.memory_space<vmem>>
      %dma_start3A_314 = arith.constant 0 : i32
      %dma_start3A_315 = tpu.memref_slice %arg9[%rem3A_150, %dma_start3A_309, %dma_start3A_314] : memref<2x4x88xi32, #tpu.memory_space<vmem>> -> memref<1x1x88xi32, #tpu.memory_space<vmem>>
      %dma_start3A_316 = tpu.memref_squeeze %dma_start3A_315 : memref<1x1x88xi32, #tpu.memory_space<vmem>> -> memref<88xi32, #tpu.memory_space<vmem>>
      %dma_start3A_317 = arith.constant 0 : i32
      %dma_start3A_318 = arith.constant 0 : i32
      %dma_start3A_319 = tpu.memref_slice %arg7[%dma_start3A_317, %dma_start3A_318] : memref<10112x128xf32, #tpu.memory_space<vmem_shared>> -> memref<10112x128xf32, #tpu.memory_space<vmem_shared>>
      tpu.enqueue_indirect_dma source(%dma_start3A_313 : memref<88x128xf32, #tpu.memory_space<vmem>>) target(%dma_start3A_319 : memref<10112x128xf32, #tpu.memory_space<vmem_shared>>) offsets(%dma_start3A_316 : memref<88xi32, #tpu.memory_space<vmem>>) semaphore(%arg18 : memref<!tpu.dma_semaphore, #tpu.memory_space<semaphore_mem>>) {add = true}
      %add3A_320 = arith.constant 1 : i32
      %add3A_321 = arith.addi %scan3A_149, %add3A_320 : i32
      %lt3A_322 = arith.constant 58 : i32
      %lt3A_323 = arith.cmpi slt, %add3A_321, %lt3A_322 : i32
      %convert_element_type3A_324 = arith.extui %lt3A_323 : i1 to i32
      %cond3A_325 = arith.constant 0 : i32
      %cond3A_326 = arith.cmpi ne, %convert_element_type3A_324, %cond3A_325 : i32
      scf.if %cond3A_326 {
        %dma_start3A_327 = arith.constant 1 : i32
        %dma_start3A_328 = arith.constant 1 : i32
        %dma_start3A_329 = arith.constant 0 : i32
        %dma_start3A_330 = arith.constant 0 : i32
        %dma_start3A_331 = tpu.memref_slice %arg10[%dma_start3A_328, %dma_start3A_329, %dma_start3A_330] : memref<4x88x128xf32, #tpu.memory_space<vmem>> -> memref<1x88x128xf32, #tpu.memory_space<vmem>>
        %dma_start3A_332 = tpu.memref_squeeze %dma_start3A_331 : memref<1x88x128xf32, #tpu.memory_space<vmem>> -> memref<88x128xf32, #tpu.memory_space<vmem>>
        %dma_start3A_333 = arith.constant 0 : i32
        %dma_start3A_334 = tpu.memref_slice %arg8[%rem3A_154, %dma_start3A_327, %dma_start3A_333] : memref<2x4x88xi32, #tpu.memory_space<vmem>> -> memref<1x1x88xi32, #tpu.memory_space<vmem>>
        %dma_start3A_335 = tpu.memref_squeeze %dma_start3A_334 : memref<1x1x88xi32, #tpu.memory_space<vmem>> -> memref<88xi32, #tpu.memory_space<vmem>>
        %dma_start3A_336 = arith.constant 0 : i32
        %dma_start3A_337 = arith.constant 0 : i32
        %dma_start3A_338 = tpu.memref_slice %arg2[%dma_start3A_336, %dma_start3A_337] : memref<40000x128xf32, #tpu.memory_space<hbm>> -> memref<40000x128xf32, #tpu.memory_space<hbm>>
        tpu.enqueue_indirect_dma source(%dma_start3A_338 : memref<40000x128xf32, #tpu.memory_space<hbm>>) target(%dma_start3A_332 : memref<88x128xf32, #tpu.memory_space<vmem>>) offsets(%dma_start3A_335 : memref<88xi32, #tpu.memory_space<vmem>>) semaphore(%arg12 : memref<!tpu.dma_semaphore, #tpu.memory_space<semaphore_mem>>)
      } else {
      }
    }
    %scan3A_118 = arith.constant 58 : i32
    %dma_wait3A_119 = arith.constant 2 : i32
    %dma_wait3A_120 = arith.constant 0 : i32
    %dma_wait3A_121 = arith.constant 0 : i32
    %dma_wait3A_122 = arith.constant 0 : i32
    %dma_wait3A_123 = arith.constant 0 : i32
    %dma_wait3A_124 = tpu.memref_slice %arg10[%dma_wait3A_119, %dma_wait3A_122, %dma_wait3A_123] : memref<4x88x128xf32, #tpu.memory_space<vmem>> -> memref<1x88x128xf32, #tpu.memory_space<vmem>>
    %dma_wait3A_125 = tpu.memref_squeeze %dma_wait3A_124 : memref<1x88x128xf32, #tpu.memory_space<vmem>> -> memref<88x128xf32, #tpu.memory_space<vmem>>
    %dma_wait3A_126 = arith.constant 0 : i32
    %dma_wait3A_127 = tpu.memref_slice %arg9[%dma_wait3A_120, %dma_wait3A_121, %dma_wait3A_126] : memref<2x4x88xi32, #tpu.memory_space<vmem>> -> memref<1x1x88xi32, #tpu.memory_space<vmem>>
    %dma_wait3A_128 = tpu.memref_squeeze %dma_wait3A_127 : memref<1x1x88xi32, #tpu.memory_space<vmem>> -> memref<88xi32, #tpu.memory_space<vmem>>
    %dma_wait3A_129 = arith.constant 0 : i32
    %dma_wait3A_130 = arith.constant 0 : i32
    %dma_wait3A_131 = tpu.memref_slice %arg7[%dma_wait3A_129, %dma_wait3A_130] : memref<10112x128xf32, #tpu.memory_space<vmem_shared>> -> memref<10112x128xf32, #tpu.memory_space<vmem_shared>>
    tpu.wait_indirect_dma semaphore(%arg17 : memref<!tpu.dma_semaphore, #tpu.memory_space<semaphore_mem>>) src(%dma_wait3A_125 : memref<88x128xf32, #tpu.memory_space<vmem>>) dst(%dma_wait3A_131 : memref<10112x128xf32, #tpu.memory_space<vmem_shared>>)
    %dma_wait3A_132 = arith.constant 3 : i32
    %dma_wait3A_133 = arith.constant 0 : i32
    %dma_wait3A_134 = arith.constant 0 : i32
    %dma_wait3A_135 = arith.constant 0 : i32
    %dma_wait3A_136 = arith.constant 0 : i32
    %dma_wait3A_137 = tpu.memref_slice %arg10[%dma_wait3A_132, %dma_wait3A_135, %dma_wait3A_136] : memref<4x88x128xf32, #tpu.memory_space<vmem>> -> memref<1x88x128xf32, #tpu.memory_space<vmem>>
    %dma_wait3A_138 = tpu.memref_squeeze %dma_wait3A_137 : memref<1x88x128xf32, #tpu.memory_space<vmem>> -> memref<88x128xf32, #tpu.memory_space<vmem>>
    %dma_wait3A_139 = arith.constant 0 : i32
    %dma_wait3A_140 = tpu.memref_slice %arg9[%dma_wait3A_133, %dma_wait3A_134, %dma_wait3A_139] : memref<2x4x88xi32, #tpu.memory_space<vmem>> -> memref<1x1x88xi32, #tpu.memory_space<vmem>>
    %dma_wait3A_141 = tpu.memref_squeeze %dma_wait3A_140 : memref<1x1x88xi32, #tpu.memory_space<vmem>> -> memref<88xi32, #tpu.memory_space<vmem>>
    %dma_wait3A_142 = arith.constant 0 : i32
    %dma_wait3A_143 = arith.constant 0 : i32
    %dma_wait3A_144 = tpu.memref_slice %arg7[%dma_wait3A_142, %dma_wait3A_143] : memref<10112x128xf32, #tpu.memory_space<vmem_shared>> -> memref<10112x128xf32, #tpu.memory_space<vmem_shared>>
    tpu.wait_indirect_dma semaphore(%arg18 : memref<!tpu.dma_semaphore, #tpu.memory_space<semaphore_mem>>) src(%dma_wait3A_138 : memref<88x128xf32, #tpu.memory_space<vmem>>) dst(%dma_wait3A_144 : memref<10112x128xf32, #tpu.memory_space<vmem_shared>>)
    %barrier3A_145 = arith.constant 0 : index
    tpu.barrier barrier_id(%barrier3A_145)
    %mul3A_146 = arith.constant 128 : i32
    %mul3A_147 = arith.muli %add3A_74, %mul3A_146 : i32
    "tpu.region"() ({
      %run_scoped3A_149 = tpu.sem_alloc : memref<!tpu.dma_semaphore, #tpu.memory_space<semaphore_mem>>
      %dma_start3A_150 = tpu.memref_slice %arg6[%mul3A_76, %mul3A_147] : memref<10112x512xf32, #tpu.memory_space<hbm>> -> memref<632x128xf32, #tpu.memory_space<hbm>>
      %dma_start3A_151 = arith.constant 0 : i32
      %dma_start3A_152 = tpu.memref_slice %arg7[%mul3A_76, %dma_start3A_151] : memref<10112x128xf32, #tpu.memory_space<vmem_shared>> -> memref<632x128xf32, #tpu.memory_space<vmem_shared>>
      tpu.enqueue_dma source(%dma_start3A_152 : memref<632x128xf32, #tpu.memory_space<vmem_shared>>) target(%dma_start3A_150 : memref<632x128xf32, #tpu.memory_space<hbm>>) target_semaphore(%run_scoped3A_149 : memref<!tpu.dma_semaphore, #tpu.memory_space<semaphore_mem>>)
      %dma_wait3A_153 = tpu.memref_slice %arg6[%mul3A_76, %mul3A_147] : memref<10112x512xf32, #tpu.memory_space<hbm>> -> memref<632x128xf32, #tpu.memory_space<hbm>>
      %dma_wait3A_154 = arith.constant 0 : i32
      %dma_wait3A_155 = tpu.memref_slice %arg7[%mul3A_76, %dma_wait3A_154] : memref<10112x128xf32, #tpu.memory_space<vmem_shared>> -> memref<632x128xf32, #tpu.memory_space<vmem_shared>>
      tpu.wait_dma2 semaphore(%run_scoped3A_149 : memref<!tpu.dma_semaphore, #tpu.memory_space<semaphore_mem>>) src(%dma_wait3A_155 : memref<632x128xf32, #tpu.memory_space<vmem_shared>>) dst(%dma_wait3A_153 : memref<632x128xf32, #tpu.memory_space<hbm>>)
      tpu.yield
    }) : () -> ()
    %barrier3A_148 = arith.constant 0 : index
    tpu.barrier barrier_id(%barrier3A_148)
    return
  }
}

module attributes {stable_mosaic.version = 14 : i64} {
  func.func @_stage1_body(%arg0: i32, %arg1: memref<512x128xf32, #tpu.memory_space<vmem>>, %arg2: memref<512x256xf32, #tpu.memory_space<vmem>>, %arg3: memref<1xf32, #tpu.memory_space<smem>>, %arg4: memref<128x512xf32, #tpu.memory_space<vmem>>, %arg5: memref<1x512xf32, #tpu.memory_space<vmem>>, %arg6: memref<512x512xf32, #tpu.memory_space<vmem>>, %arg7: memref<1x512xf32, #tpu.memory_space<vmem>>, %arg8: memref<1x512xf32, #tpu.memory_space<vmem>>, %arg9: memref<1x512xf32, #tpu.memory_space<vmem>>, %arg10: memref<512x512xf32, #tpu.memory_space<vmem>>) attributes {dimension_semantics = [#tpu.dimension_semantics<arbitrary>], iteration_bounds = array<i64: 20>, scalar_prefetch = 0 : i64, scratch_operands = 0 : i64, tpu.core_type = #tpu.core_type<tc>, window_params = [{transform_indices = @transform_0, window_bounds = array<i64: 512, 128>}, {transform_indices = @transform_1, window_bounds = array<i64: 512, 256>}, {transform_indices = @transform_2, window_bounds = array<i64: 1>}, {pipeline_mode = #tpu.pipeline_mode<synchronous>, transform_indices = @transform_3, window_bounds = array<i64: 128, 512>}, {pipeline_mode = #tpu.pipeline_mode<synchronous>, transform_indices = @transform_4, window_bounds = array<i64: 1, 512>}, {pipeline_mode = #tpu.pipeline_mode<synchronous>, transform_indices = @transform_5, window_bounds = array<i64: 512, 512>}, {pipeline_mode = #tpu.pipeline_mode<synchronous>, transform_indices = @transform_6, window_bounds = array<i64: 1, 512>}, {pipeline_mode = #tpu.pipeline_mode<synchronous>, transform_indices = @transform_7, window_bounds = array<i64: 1, 512>}, {pipeline_mode = #tpu.pipeline_mode<synchronous>, transform_indices = @transform_8, window_bounds = array<i64: 1, 512>}, {transform_indices = @transform_9, window_bounds = array<i64: 512, 512>}]} {
    %get3A = arith.constant 0 : index
    %get3A_0 = memref.load %arg3[%get3A] : memref<1xf32, #tpu.memory_space<smem>>
    %get3A_1 = arith.constant 0 : index
    %get3A_2 = arith.constant 0 : index
    %get3A_3 = vector.load %arg2[%get3A_1, %get3A_2] : memref<512x256xf32, #tpu.memory_space<vmem>>, vector<512x256xf32>
    %get3A_4 = arith.constant 0 : index
    %get3A_5 = arith.constant 0 : index
    %get3A_6 = vector.load %arg1[%get3A_4, %get3A_5] : memref<512x128xf32, #tpu.memory_space<vmem>>, vector<512x128xf32>
    %mul3A = vector.broadcast %get3A_0 : f32 to vector<512x128xf32>
    %mul3A_7 = arith.mulf %get3A_6, %mul3A : vector<512x128xf32>
    %slice3A = vector.extract_strided_slice %get3A_3 {offsets = [0, 0], sizes = [512, 128], strides = [1, 1]} : vector<512x256xf32> to vector<512x128xf32>
    %add3A = arith.addf %mul3A_7, %slice3A : vector<512x128xf32>
    %slice3A_8 = vector.extract_strided_slice %get3A_3 {offsets = [0, 128], sizes = [512, 128], strides = [1, 1]} : vector<512x256xf32> to vector<512x128xf32>
    %add3A_9 = arith.addf %add3A, %slice3A_8 : vector<512x128xf32>
    %get3A_10 = arith.constant 0 : index
    %get3A_11 = arith.constant 0 : index
    %get3A_12 = vector.load %arg4[%get3A_10, %get3A_11] : memref<128x512xf32, #tpu.memory_space<vmem>>, vector<128x512xf32>
    %dot_general3A = arith.constant dense<0.000000e+00> : vector<512x512xf32>
    %dot_general3A_13 = tpu.matmul %add3A_9, %get3A_12, %dot_general3A {dimension_numbers = #tpu.dot_dimension_numbers<[1], [0], [0], [1], [0, 0, 1, 1], [], []>, transpose_lhs_hint = false} : vector<512x128xf32>, vector<128x512xf32>, vector<512x512xf32> -> vector<512x512xf32>
    %get3A_14 = arith.constant 0 : index
    %get3A_15 = arith.constant 0 : index
    %get3A_16 = vector.load %arg5[%get3A_14, %get3A_15] : memref<1x512xf32, #tpu.memory_space<vmem>>, vector<1x512xf32>
    %add3A_17 = vector.broadcast %get3A_16 : vector<1x512xf32> to vector<512x512xf32>
    %add3A_18 = arith.addf %dot_general3A_13, %add3A_17 : vector<512x512xf32>
    %max3A = arith.constant 0.000000e+00 : f32
    %max3A_19 = vector.broadcast %max3A : f32 to vector<512x512xf32>
    %max3A_20 = arith.maximumf %add3A_18, %max3A_19 : vector<512x512xf32>
    %get3A_21 = arith.constant 0 : index
    %get3A_22 = arith.constant 0 : index
    %get3A_23 = vector.load %arg6[%get3A_21, %get3A_22] : memref<512x512xf32, #tpu.memory_space<vmem>>, vector<512x512xf32>
    %dot_general3A_24 = arith.constant dense<0.000000e+00> : vector<512x512xf32>
    %dot_general3A_25 = tpu.matmul %max3A_20, %get3A_23, %dot_general3A_24 {dimension_numbers = #tpu.dot_dimension_numbers<[1], [0], [0], [1], [0, 0, 1, 1], [], []>, transpose_lhs_hint = false} : vector<512x512xf32>, vector<512x512xf32>, vector<512x512xf32> -> vector<512x512xf32>
    %get3A_26 = arith.constant 0 : index
    %get3A_27 = arith.constant 0 : index
    %get3A_28 = vector.load %arg7[%get3A_26, %get3A_27] : memref<1x512xf32, #tpu.memory_space<vmem>>, vector<1x512xf32>
    %add3A_29 = vector.broadcast %get3A_28 : vector<1x512xf32> to vector<512x512xf32>
    %add3A_30 = arith.addf %dot_general3A_25, %add3A_29 : vector<512x512xf32>
    %max3A_31 = arith.constant 0.000000e+00 : f32
    %max3A_32 = vector.broadcast %max3A_31 : f32 to vector<512x512xf32>
    %max3A_33 = arith.maximumf %add3A_30, %max3A_32 : vector<512x512xf32>
    %get3A_34 = arith.constant 0 : index
    %get3A_35 = arith.constant 0 : index
    %get3A_36 = vector.load %arg8[%get3A_34, %get3A_35] : memref<1x512xf32, #tpu.memory_space<vmem>>, vector<1x512xf32>
    %mul3A_37 = vector.broadcast %get3A_36 : vector<1x512xf32> to vector<512x512xf32>
    %mul3A_38 = arith.mulf %max3A_33, %mul3A_37 : vector<512x512xf32>
    %get3A_39 = arith.constant 0 : index
    %get3A_40 = arith.constant 0 : index
    %get3A_41 = vector.load %arg9[%get3A_39, %get3A_40] : memref<1x512xf32, #tpu.memory_space<vmem>>, vector<1x512xf32>
    %add3A_42 = vector.broadcast %get3A_41 : vector<1x512xf32> to vector<512x512xf32>
    %add3A_43 = arith.addf %mul3A_38, %add3A_42 : vector<512x512xf32>
    %swap3A = arith.constant 0 : index
    %swap3A_44 = arith.constant 0 : index
    %swap3A_45 = vector.load %arg10[%swap3A, %swap3A_44] : memref<512x512xf32, #tpu.memory_space<vmem>>, vector<512x512xf32>
    tpu.vector_store %arg10[%swap3A, %swap3A_44], %add3A_43 {strides = array<i32>} : memref<512x512xf32, #tpu.memory_space<vmem>>, vector<512x512xf32>,
    return
  }
  func.func @transform_0(%arg0: i32) -> (i32, i32) {
    %c0_i32 = arith.constant 0 : i32
    %c0_i32_0 = arith.constant 0 : i32
    return %arg0, %c0_i32 : i32, i32
  }
  func.func @transform_1(%arg0: i32) -> (i32, i32) {
    %c0_i32 = arith.constant 0 : i32
    %c0_i32_0 = arith.constant 0 : i32
    return %arg0, %c0_i32 : i32, i32
  }
  func.func @transform_2(%arg0: i32) -> i32 {
    %c0_i32 = arith.constant 0 : i32
    %c0_i32_0 = arith.constant 0 : i32
    return %c0_i32 : i32
  }
  func.func @transform_3(%arg0: i32) -> (i32, i32) {
    %c0_i32 = arith.constant 0 : i32
    %c0_i32_0 = arith.constant 0 : i32
    %c0_i32_1 = arith.constant 0 : i32
    return %c0_i32, %c0_i32_0 : i32, i32
  }
  func.func @transform_4(%arg0: i32) -> (i32, i32) {
    %c0_i32 = arith.constant 0 : i32
    %c0_i32_0 = arith.constant 0 : i32
    %c0_i32_1 = arith.constant 0 : i32
    return %c0_i32, %c0_i32_0 : i32, i32
  }
  func.func @transform_5(%arg0: i32) -> (i32, i32) {
    %c0_i32 = arith.constant 0 : i32
    %c0_i32_0 = arith.constant 0 : i32
    %c0_i32_1 = arith.constant 0 : i32
    return %c0_i32, %c0_i32_0 : i32, i32
  }
  func.func @transform_6(%arg0: i32) -> (i32, i32) {
    %c0_i32 = arith.constant 0 : i32
    %c0_i32_0 = arith.constant 0 : i32
    %c0_i32_1 = arith.constant 0 : i32
    return %c0_i32, %c0_i32_0 : i32, i32
  }
  func.func @transform_7(%arg0: i32) -> (i32, i32) {
    %c0_i32 = arith.constant 0 : i32
    %c0_i32_0 = arith.constant 0 : i32
    %c0_i32_1 = arith.constant 0 : i32
    return %c0_i32, %c0_i32_0 : i32, i32
  }
  func.func @transform_8(%arg0: i32) -> (i32, i32) {
    %c0_i32 = arith.constant 0 : i32
    %c0_i32_0 = arith.constant 0 : i32
    %c0_i32_1 = arith.constant 0 : i32
    return %c0_i32, %c0_i32_0 : i32, i32
  }
  func.func @transform_9(%arg0: i32) -> (i32, i32) {
    %c0_i32 = arith.constant 0 : i32
    %c0_i32_0 = arith.constant 0 : i32
    return %arg0, %c0_i32 : i32, i32
  }
}

module attributes {stable_mosaic.version = 14 : i64} {
  func.func @_stage2_body(%arg0: i32, %arg1: memref<512x512xf32, #tpu.memory_space<vmem>>, %arg2: memref<512x512xf32, #tpu.memory_space<vmem>>, %arg3: memref<1xf32, #tpu.memory_space<smem>>, %arg4: memref<512x512xf32, #tpu.memory_space<vmem>>, %arg5: memref<1x512xf32, #tpu.memory_space<vmem>>, %arg6: memref<1x512xf32, #tpu.memory_space<vmem>>, %arg7: memref<1x512xf32, #tpu.memory_space<vmem>>, %arg8: memref<512x512xf32, #tpu.memory_space<vmem>>) attributes {dimension_semantics = [#tpu.dimension_semantics<arbitrary>], iteration_bounds = array<i64: 20>, scalar_prefetch = 0 : i64, scratch_operands = 0 : i64, tpu.core_type = #tpu.core_type<tc>, window_params = [{transform_indices = @transform_0, window_bounds = array<i64: 512, 512>}, {transform_indices = @transform_1, window_bounds = array<i64: 512, 512>}, {transform_indices = @transform_2, window_bounds = array<i64: 1>}, {pipeline_mode = #tpu.pipeline_mode<synchronous>, transform_indices = @transform_3, window_bounds = array<i64: 512, 512>}, {pipeline_mode = #tpu.pipeline_mode<synchronous>, transform_indices = @transform_4, window_bounds = array<i64: 1, 512>}, {pipeline_mode = #tpu.pipeline_mode<synchronous>, transform_indices = @transform_5, window_bounds = array<i64: 1, 512>}, {pipeline_mode = #tpu.pipeline_mode<synchronous>, transform_indices = @transform_6, window_bounds = array<i64: 1, 512>}, {transform_indices = @transform_7, window_bounds = array<i64: 512, 512>}]} {
    %get3A = arith.constant 0 : index
    %get3A_0 = memref.load %arg3[%get3A] : memref<1xf32, #tpu.memory_space<smem>>
    %get3A_1 = arith.constant 0 : index
    %get3A_2 = arith.constant 0 : index
    %get3A_3 = vector.load %arg1[%get3A_1, %get3A_2] : memref<512x512xf32, #tpu.memory_space<vmem>>, vector<512x512xf32>
    %mul3A = vector.broadcast %get3A_0 : f32 to vector<512x512xf32>
    %mul3A_4 = arith.mulf %get3A_3, %mul3A : vector<512x512xf32>
    %get3A_5 = arith.constant 0 : index
    %get3A_6 = arith.constant 0 : index
    %get3A_7 = vector.load %arg2[%get3A_5, %get3A_6] : memref<512x512xf32, #tpu.memory_space<vmem>>, vector<512x512xf32>
    %add3A = arith.addf %mul3A_4, %get3A_7 : vector<512x512xf32>
    %get3A_8 = arith.constant 0 : index
    %get3A_9 = arith.constant 0 : index
    %get3A_10 = vector.load %arg4[%get3A_8, %get3A_9] : memref<512x512xf32, #tpu.memory_space<vmem>>, vector<512x512xf32>
    %dot_general3A = arith.constant dense<0.000000e+00> : vector<512x512xf32>
    %dot_general3A_11 = tpu.matmul %add3A, %get3A_10, %dot_general3A {dimension_numbers = #tpu.dot_dimension_numbers<[1], [0], [0], [1], [0, 0, 1, 1], [], []>, transpose_lhs_hint = false} : vector<512x512xf32>, vector<512x512xf32>, vector<512x512xf32> -> vector<512x512xf32>
    %get3A_12 = arith.constant 0 : index
    %get3A_13 = arith.constant 0 : index
    %get3A_14 = vector.load %arg5[%get3A_12, %get3A_13] : memref<1x512xf32, #tpu.memory_space<vmem>>, vector<1x512xf32>
    %add3A_15 = vector.broadcast %get3A_14 : vector<1x512xf32> to vector<512x512xf32>
    %add3A_16 = arith.addf %dot_general3A_11, %add3A_15 : vector<512x512xf32>
    %max3A = arith.constant 0.000000e+00 : f32
    %max3A_17 = vector.broadcast %max3A : f32 to vector<512x512xf32>
    %max3A_18 = arith.maximumf %add3A_16, %max3A_17 : vector<512x512xf32>
    %get3A_19 = arith.constant 0 : index
    %get3A_20 = arith.constant 0 : index
    %get3A_21 = vector.load %arg6[%get3A_19, %get3A_20] : memref<1x512xf32, #tpu.memory_space<vmem>>, vector<1x512xf32>
    %mul3A_22 = vector.broadcast %get3A_21 : vector<1x512xf32> to vector<512x512xf32>
    %mul3A_23 = arith.mulf %max3A_18, %mul3A_22 : vector<512x512xf32>
    %get3A_24 = arith.constant 0 : index
    %get3A_25 = arith.constant 0 : index
    %get3A_26 = vector.load %arg7[%get3A_24, %get3A_25] : memref<1x512xf32, #tpu.memory_space<vmem>>, vector<1x512xf32>
    %add3A_27 = vector.broadcast %get3A_26 : vector<1x512xf32> to vector<512x512xf32>
    %add3A_28 = arith.addf %mul3A_23, %add3A_27 : vector<512x512xf32>
    %swap3A = arith.constant 0 : index
    %swap3A_29 = arith.constant 0 : index
    %swap3A_30 = vector.load %arg8[%swap3A, %swap3A_29] : memref<512x512xf32, #tpu.memory_space<vmem>>, vector<512x512xf32>
    tpu.vector_store %arg8[%swap3A, %swap3A_29], %add3A_28 {strides = array<i32>} : memref<512x512xf32, #tpu.memory_space<vmem>>, vector<512x512xf32>,
    return
  }
  func.func @transform_0(%arg0: i32) -> (i32, i32) {
    %c0_i32 = arith.constant 0 : i32
    %c0_i32_0 = arith.constant 0 : i32
    return %arg0, %c0_i32 : i32, i32
  }
  func.func @transform_1(%arg0: i32) -> (i32, i32) {
    %c0_i32 = arith.constant 0 : i32
    %c0_i32_0 = arith.constant 0 : i32
    return %arg0, %c0_i32 : i32, i32
  }
  func.func @transform_2(%arg0: i32) -> i32 {
    %c0_i32 = arith.constant 0 : i32
    %c0_i32_0 = arith.constant 0 : i32
    return %c0_i32 : i32
  }
  func.func @transform_3(%arg0: i32) -> (i32, i32) {
    %c0_i32 = arith.constant 0 : i32
    %c0_i32_0 = arith.constant 0 : i32
    %c0_i32_1 = arith.constant 0 : i32
    return %c0_i32, %c0_i32_0 : i32, i32
  }
  func.func @transform_4(%arg0: i32) -> (i32, i32) {
    %c0_i32 = arith.constant 0 : i32
    %c0_i32_0 = arith.constant 0 : i32
    %c0_i32_1 = arith.constant 0 : i32
    return %c0_i32, %c0_i32_0 : i32, i32
  }
  func.func @transform_5(%arg0: i32) -> (i32, i32) {
    %c0_i32 = arith.constant 0 : i32
    %c0_i32_0 = arith.constant 0 : i32
    %c0_i32_1 = arith.constant 0 : i32
    return %c0_i32, %c0_i32_0 : i32, i32
  }
  func.func @transform_6(%arg0: i32) -> (i32, i32) {
    %c0_i32 = arith.constant 0 : i32
    %c0_i32_0 = arith.constant 0 : i32
    %c0_i32_1 = arith.constant 0 : i32
    return %c0_i32, %c0_i32_0 : i32, i32
  }
  func.func @transform_7(%arg0: i32) -> (i32, i32) {
    %c0_i32 = arith.constant 0 : i32
    %c0_i32_0 = arith.constant 0 : i32
    return %arg0, %c0_i32 : i32, i32
  }
}

module attributes {stable_mosaic.version = 14 : i64} {
  func.func @_stage3_body(%arg0: i32, %arg1: memref<512x512xf32, #tpu.memory_space<vmem>>, %arg2: memref<512x512xf32, #tpu.memory_space<vmem>>, %arg3: memref<1xf32, #tpu.memory_space<smem>>, %arg4: memref<512x512xf32, #tpu.memory_space<vmem>>, %arg5: memref<1x512xf32, #tpu.memory_space<vmem>>, %arg6: memref<512x512xf32, #tpu.memory_space<vmem>>, %arg7: memref<1x512xf32, #tpu.memory_space<vmem>>, %arg8: memref<1x512xf32, #tpu.memory_space<vmem>>, %arg9: memref<1x512xf32, #tpu.memory_space<vmem>>, %arg10: memref<512x512xf32, #tpu.memory_space<vmem>>, %arg11: memref<1x512xf32, #tpu.memory_space<vmem>>, %arg12: memref<512x2000xf32, #tpu.memory_space<vmem>>, %arg13: memref<1x2000xf32, #tpu.memory_space<vmem>>, %arg14: memref<512x2000xf32, #tpu.memory_space<vmem>>) attributes {dimension_semantics = [#tpu.dimension_semantics<arbitrary>], iteration_bounds = array<i64: 20>, scalar_prefetch = 0 : i64, scratch_operands = 0 : i64, tpu.core_type = #tpu.core_type<tc>, window_params = [{transform_indices = @transform_0, window_bounds = array<i64: 512, 512>}, {transform_indices = @transform_1, window_bounds = array<i64: 512, 512>}, {transform_indices = @transform_2, window_bounds = array<i64: 1>}, {pipeline_mode = #tpu.pipeline_mode<synchronous>, transform_indices = @transform_3, window_bounds = array<i64: 512, 512>}, {pipeline_mode = #tpu.pipeline_mode<synchronous>, transform_indices = @transform_4, window_bounds = array<i64: 1, 512>}, {pipeline_mode = #tpu.pipeline_mode<synchronous>, transform_indices = @transform_5, window_bounds = array<i64: 512, 512>}, {pipeline_mode = #tpu.pipeline_mode<synchronous>, transform_indices = @transform_6, window_bounds = array<i64: 1, 512>}, {pipeline_mode = #tpu.pipeline_mode<synchronous>, transform_indices = @transform_7, window_bounds = array<i64: 1, 512>}, {pipeline_mode = #tpu.pipeline_mode<synchronous>, transform_indices = @transform_8, window_bounds = array<i64: 1, 512>}, {pipeline_mode = #tpu.pipeline_mode<synchronous>, transform_indices = @transform_9, window_bounds = array<i64: 512, 512>}, {pipeline_mode = #tpu.pipeline_mode<synchronous>, transform_indices = @transform_10, window_bounds = array<i64: 1, 512>}, {pipeline_mode = #tpu.pipeline_mode<synchronous>, transform_indices = @transform_11, window_bounds = array<i64: 512, 2000>}, {pipeline_mode = #tpu.pipeline_mode<synchronous>, transform_indices = @transform_12, window_bounds = array<i64: 1, 2000>}, {transform_indices = @transform_13, window_bounds = array<i64: 512, 2000>}]} {
    %get3A = arith.constant 0 : index
    %get3A_0 = memref.load %arg3[%get3A] : memref<1xf32, #tpu.memory_space<smem>>
    %get3A_1 = arith.constant 0 : index
    %get3A_2 = arith.constant 0 : index
    %get3A_3 = vector.load %arg1[%get3A_1, %get3A_2] : memref<512x512xf32, #tpu.memory_space<vmem>>, vector<512x512xf32>
    %mul3A = vector.broadcast %get3A_0 : f32 to vector<512x512xf32>
    %mul3A_4 = arith.mulf %get3A_3, %mul3A : vector<512x512xf32>
    %get3A_5 = arith.constant 0 : index
    %get3A_6 = arith.constant 0 : index
    %get3A_7 = vector.load %arg2[%get3A_5, %get3A_6] : memref<512x512xf32, #tpu.memory_space<vmem>>, vector<512x512xf32>
    %add3A = arith.addf %mul3A_4, %get3A_7 : vector<512x512xf32>
    %get3A_8 = arith.constant 0 : index
    %get3A_9 = arith.constant 0 : index
    %get3A_10 = vector.load %arg4[%get3A_8, %get3A_9] : memref<512x512xf32, #tpu.memory_space<vmem>>, vector<512x512xf32>
    %dot_general3A = arith.constant dense<0.000000e+00> : vector<512x512xf32>
    %dot_general3A_11 = tpu.matmul %add3A, %get3A_10, %dot_general3A {dimension_numbers = #tpu.dot_dimension_numbers<[1], [0], [0], [1], [0, 0, 1, 1], [], []>, transpose_lhs_hint = false} : vector<512x512xf32>, vector<512x512xf32>, vector<512x512xf32> -> vector<512x512xf32>
    %get3A_12 = arith.constant 0 : index
    %get3A_13 = arith.constant 0 : index
    %get3A_14 = vector.load %arg5[%get3A_12, %get3A_13] : memref<1x512xf32, #tpu.memory_space<vmem>>, vector<1x512xf32>
    %add3A_15 = vector.broadcast %get3A_14 : vector<1x512xf32> to vector<512x512xf32>
    %add3A_16 = arith.addf %dot_general3A_11, %add3A_15 : vector<512x512xf32>
    %max3A = arith.constant 0.000000e+00 : f32
    %max3A_17 = vector.broadcast %max3A : f32 to vector<512x512xf32>
    %max3A_18 = arith.maximumf %add3A_16, %max3A_17 : vector<512x512xf32>
    %get3A_19 = arith.constant 0 : index
    %get3A_20 = arith.constant 0 : index
    %get3A_21 = vector.load %arg6[%get3A_19, %get3A_20] : memref<512x512xf32, #tpu.memory_space<vmem>>, vector<512x512xf32>
    %dot_general3A_22 = arith.constant dense<0.000000e+00> : vector<512x512xf32>
    %dot_general3A_23 = tpu.matmul %max3A_18, %get3A_21, %dot_general3A_22 {dimension_numbers = #tpu.dot_dimension_numbers<[1], [0], [0], [1], [0, 0, 1, 1], [], []>, transpose_lhs_hint = false} : vector<512x512xf32>, vector<512x512xf32>, vector<512x512xf32> -> vector<512x512xf32>
    %get3A_24 = arith.constant 0 : index
    %get3A_25 = arith.constant 0 : index
    %get3A_26 = vector.load %arg7[%get3A_24, %get3A_25] : memref<1x512xf32, #tpu.memory_space<vmem>>, vector<1x512xf32>
    %add3A_27 = vector.broadcast %get3A_26 : vector<1x512xf32> to vector<512x512xf32>
    %add3A_28 = arith.addf %dot_general3A_23, %add3A_27 : vector<512x512xf32>
    %max3A_29 = arith.constant 0.000000e+00 : f32
    %max3A_30 = vector.broadcast %max3A_29 : f32 to vector<512x512xf32>
    %max3A_31 = arith.maximumf %add3A_28, %max3A_30 : vector<512x512xf32>
    %get3A_32 = arith.constant 0 : index
    %get3A_33 = arith.constant 0 : index
    %get3A_34 = vector.load %arg8[%get3A_32, %get3A_33] : memref<1x512xf32, #tpu.memory_space<vmem>>, vector<1x512xf32>
    %mul3A_35 = vector.broadcast %get3A_34 : vector<1x512xf32> to vector<512x512xf32>
    %mul3A_36 = arith.mulf %max3A_31, %mul3A_35 : vector<512x512xf32>
    %get3A_37 = arith.constant 0 : index
    %get3A_38 = arith.constant 0 : index
    %get3A_39 = vector.load %arg9[%get3A_37, %get3A_38] : memref<1x512xf32, #tpu.memory_space<vmem>>, vector<1x512xf32>
    %add3A_40 = vector.broadcast %get3A_39 : vector<1x512xf32> to vector<512x512xf32>
    %add3A_41 = arith.addf %mul3A_36, %add3A_40 : vector<512x512xf32>
    %get3A_42 = arith.constant 0 : index
    %get3A_43 = arith.constant 0 : index
    %get3A_44 = vector.load %arg10[%get3A_42, %get3A_43] : memref<512x512xf32, #tpu.memory_space<vmem>>, vector<512x512xf32>
    %dot_general3A_45 = arith.constant dense<0.000000e+00> : vector<512x512xf32>
    %dot_general3A_46 = tpu.matmul %add3A_41, %get3A_44, %dot_general3A_45 {dimension_numbers = #tpu.dot_dimension_numbers<[1], [0], [0], [1], [0, 0, 1, 1], [], []>, transpose_lhs_hint = false} : vector<512x512xf32>, vector<512x512xf32>, vector<512x512xf32> -> vector<512x512xf32>
    %get3A_47 = arith.constant 0 : index
    %get3A_48 = arith.constant 0 : index
    %get3A_49 = vector.load %arg11[%get3A_47, %get3A_48] : memref<1x512xf32, #tpu.memory_space<vmem>>, vector<1x512xf32>
    %add3A_50 = vector.broadcast %get3A_49 : vector<1x512xf32> to vector<512x512xf32>
    %add3A_51 = arith.addf %dot_general3A_46, %add3A_50 : vector<512x512xf32>
    %max3A_52 = arith.constant 0.000000e+00 : f32
    %max3A_53 = vector.broadcast %max3A_52 : f32 to vector<512x512xf32>
    %max3A_54 = arith.maximumf %add3A_51, %max3A_53 : vector<512x512xf32>
    %convert_element_type3A = arith.truncf %max3A_54 : vector<512x512xf32> to vector<512x512xbf16>
    %get3A_55 = arith.constant 0 : index
    %get3A_56 = arith.constant 0 : index
    %get3A_57 = vector.load %arg12[%get3A_55, %get3A_56] : memref<512x2000xf32, #tpu.memory_space<vmem>>, vector<512x2000xf32>
    %convert_element_type3A_58 = arith.truncf %get3A_57 : vector<512x2000xf32> to vector<512x2000xbf16>
    %dot_general3A_59 = arith.constant dense<0.000000e+00> : vector<512x2000xf32>
    %dot_general3A_60 = tpu.matmul %convert_element_type3A, %convert_element_type3A_58, %dot_general3A_59 {dimension_numbers = #tpu.dot_dimension_numbers<[1], [0], [0], [1], [0, 0, 1, 1], [], []>, transpose_lhs_hint = false} : vector<512x512xbf16>, vector<512x2000xbf16>, vector<512x2000xf32> -> vector<512x2000xf32>
    %get3A_61 = arith.constant 0 : index
    %get3A_62 = arith.constant 0 : index
    %get3A_63 = vector.load %arg13[%get3A_61, %get3A_62] : memref<1x2000xf32, #tpu.memory_space<vmem>>, vector<1x2000xf32>
    %add3A_64 = vector.broadcast %get3A_63 : vector<1x2000xf32> to vector<512x2000xf32>
    %add3A_65 = arith.addf %dot_general3A_60, %add3A_64 : vector<512x2000xf32>
    %swap3A = arith.constant 0 : index
    %swap3A_66 = arith.constant 0 : index
    %swap3A_67 = vector.load %arg14[%swap3A, %swap3A_66] : memref<512x2000xf32, #tpu.memory_space<vmem>>, vector<512x2000xf32>
    tpu.vector_store %arg14[%swap3A, %swap3A_66], %add3A_65 {strides = array<i32>} : memref<512x2000xf32, #tpu.memory_space<vmem>>, vector<512x2000xf32>,
    return
  }
  func.func @transform_0(%arg0: i32) -> (i32, i32) {
    %c0_i32 = arith.constant 0 : i32
    %c0_i32_0 = arith.constant 0 : i32
    return %arg0, %c0_i32 : i32, i32
  }
  func.func @transform_1(%arg0: i32) -> (i32, i32) {
    %c0_i32 = arith.constant 0 : i32
    %c0_i32_0 = arith.constant 0 : i32
    return %arg0, %c0_i32 : i32, i32
  }
  func.func @transform_2(%arg0: i32) -> i32 {
    %c0_i32 = arith.constant 0 : i32
    %c0_i32_0 = arith.constant 0 : i32
    return %c0_i32 : i32
  }
  func.func @transform_3(%arg0: i32) -> (i32, i32) {
    %c0_i32 = arith.constant 0 : i32
    %c0_i32_0 = arith.constant 0 : i32
    %c0_i32_1 = arith.constant 0 : i32
    return %c0_i32, %c0_i32_0 : i32, i32
  }
  func.func @transform_4(%arg0: i32) -> (i32, i32) {
    %c0_i32 = arith.constant 0 : i32
    %c0_i32_0 = arith.constant 0 : i32
    %c0_i32_1 = arith.constant 0 : i32
    return %c0_i32, %c0_i32_0 : i32, i32
  }
  func.func @transform_5(%arg0: i32) -> (i32, i32) {
    %c0_i32 = arith.constant 0 : i32
    %c0_i32_0 = arith.constant 0 : i32
    %c0_i32_1 = arith.constant 0 : i32
    return %c0_i32, %c0_i32_0 : i32, i32
  }
  func.func @transform_6(%arg0: i32) -> (i32, i32) {
    %c0_i32 = arith.constant 0 : i32
    %c0_i32_0 = arith.constant 0 : i32
    %c0_i32_1 = arith.constant 0 : i32
    return %c0_i32, %c0_i32_0 : i32, i32
  }
  func.func @transform_7(%arg0: i32) -> (i32, i32) {
    %c0_i32 = arith.constant 0 : i32
    %c0_i32_0 = arith.constant 0 : i32
    %c0_i32_1 = arith.constant 0 : i32
    return %c0_i32, %c0_i32_0 : i32, i32
  }
  func.func @transform_8(%arg0: i32) -> (i32, i32) {
    %c0_i32 = arith.constant 0 : i32
    %c0_i32_0 = arith.constant 0 : i32
    %c0_i32_1 = arith.constant 0 : i32
    return %c0_i32, %c0_i32_0 : i32, i32
  }
  func.func @transform_9(%arg0: i32) -> (i32, i32) {
    %c0_i32 = arith.constant 0 : i32
    %c0_i32_0 = arith.constant 0 : i32
    %c0_i32_1 = arith.constant 0 : i32
    return %c0_i32, %c0_i32_0 : i32, i32
  }
  func.func @transform_10(%arg0: i32) -> (i32, i32) {
    %c0_i32 = arith.constant 0 : i32
    %c0_i32_0 = arith.constant 0 : i32
    %c0_i32_1 = arith.constant 0 : i32
    return %c0_i32, %c0_i32_0 : i32, i32
  }
  func.func @transform_11(%arg0: i32) -> (i32, i32) {
    %c0_i32 = arith.constant 0 : i32
    %c0_i32_0 = arith.constant 0 : i32
    %c0_i32_1 = arith.constant 0 : i32
    return %c0_i32, %c0_i32_0 : i32, i32
  }
  func.func @transform_12(%arg0: i32) -> (i32, i32) {
    %c0_i32 = arith.constant 0 : i32
    %c0_i32_0 = arith.constant 0 : i32
    %c0_i32_1 = arith.constant 0 : i32
    return %c0_i32, %c0_i32_0 : i32, i32
  }
  func.func @transform_13(%arg0: i32) -> (i32, i32) {
    %c0_i32 = arith.constant 0 : i32
    %c0_i32_0 = arith.constant 0 : i32
    return %arg0, %c0_i32 : i32, i32
  }
}

</mosaic_0001>

<sc_bundles>
// kernel: kernel.11.cloned.1.call-start
scs
__scs_entry_jumppad:
0x0: {  	(pc) =	sbr.rel $0x88, $3  }
0x1: {  	(tag) =	ssettag $0x0;
	lr =	simm.s32 $0x1  }
0x2: {  	[smem:$0x3F88] =	sst lr;
	_ =	strace $0xD0000000  }
0x3: {  	_ = 	snop  }
0x4: {  	_ = 	snop  }
0x5: {  	_ = 	snop  }
0x6: {  	_ = 	snop  }
0x7: {  	_ = 	snop  }
__scs_overlays_trampoline_lowered:
0x8: {  	[smem:$0x3F97] =	sst s0  }
0x9: {  	[smem:$0x3F98] =	sst s1  }
0xa: {  	[smem:$0x3F99] =	sst s2  }
0xb: {  	[smem:$0x3F9A] =	sst s3  }
0xc: {  	[smem:$0x3F9B] =	sst s4  }
0xd: {  	[smem:$0x3F9C] =	sst s5  }
0xe: {  	[smem:$0x3F9D] =	sst s6  }
0xf: {  	[smem:$0x3F9E] =	sst s7  }
0x10: {  	[smem:$0x3F9F] =	sst s8  }
0x11: {  	[smem:$0x3FA0] =	sst s9;
	s0 =	simm.s32 @!p0 $0x0  }
0x12: {  	s1 =	sld [smem:$0x3F86];
	s0 =	simm.s32 @p0 $0x1  }
0x13: {  	[smem:$0x3FA1] =	sst s0;
	s0 =	simm.s32 @!p1 $0x0  }
0x14: {  	s2 =	sld [smem:$0x3F85];
	s0 =	simm.s32 @p1 $0x1  }
0x15: {  	[smem:$0x3FA2] =	sst s0;
	s0 =	simm.s32 @!p2 $0x0  }
0x16: {  	s3 =	sld [smem:$0x3FDB];
	s0 =	simm.s32 @p2 $0x1  }
0x17: {  	s4 =	simm.s32 $0x1BF5;
	[smem:$0x3FA4] =	sst s0  }
0x18: {  	s0 =	sld [smem:$0x3F87];
	_ =	swait.ge [sflag:s4], $0x0  }
0x19: {  	s7 =	sld [smem:$0x3F88]  }
0x1a: {  	s8 =	sadd.s32 $0xFFFFE003, lr  }
0x1b: {  	s9 =	sadd.s32 $0xFFFFFEF7, lr;
	s5 =	simm.s32 $0xFFFFFFFF;
	p2 =	slt.u32 s8, $0xFFFFF086  }
0x1c: {  	p1 =	slt.u32 s9, $0xF7A;
	s5 =	simm.s32 @!p2 $0x0  }
0x1d: {  	s5 =	simm.s32 @p1 $0x1;
	p0 =	seq.s32 s7, s2  }
0x1e: {  	s7 =	smul.u32 @!p0 $0xF7A, s2;
	p2 =	seq.s32 @!p0 s5, $0x0  }
0x1f: {  	s9 =	smul.u32 $0xF7A, s1;
	s8 =	simm.s32 @!p0 $0x1BF5;
	p2 =	por !p2, p0  }
0x20: {  	[sflag:s8] =	ssyncset.s32 @!p0 $0xFFFFF086;
	s6 =	sadd.s32 @!p0 s3, s7;
	s7 =	simm.s32 @!p0 $0x108  }
0x21: {  	s3 =	sadd.s32 s3, s9;
	s6 =	sadd.s32 @!p0 $0x88, s6;
	s7 =	simm.s32 @p2 $0x1082  }
0x22: {  	[simem:s7], [sflag:s8] =	dma.local @!p0 [hbm:s6], $0xF7A  }
0x23: {  	s9 =	sor.u32 $0xD0000000, s2;
	s6 =	simm.s32 $0x108;
	_ =	swait.ge @!p0 [sflag:s8], $0x0  }
0x24: {  	s3 =	sadd.s32 $0x88, s3;
	s6 =	simm.s32 @!p1 $0x1082;
	[sflag:s4] =	ssyncset.s32 $0xFFFFF086  }
0x25: {  	[simem:s6], [sflag:s4] =	dma.local [hbm:s3], $0xF7A  }
0x26: {  	[smem:$0x3F88] =	sst s1;
	(tag) =	ssettag s2;
	_ =	strace s9  }
0x27: {  	s1 =	sld [smem:$0x3F98]  }
0x28: {  	s2 =	sld [smem:$0x3F99]  }
0x29: {  	s4 =	sld [smem:$0x3F9B]  }
0x2a: {  	p0 =	seq.s32 s5, $0x0;
	s5 =	sld [smem:$0x3F9C]  }
0x2b: {  	s6 =	sld [smem:$0x3F9D]  }
0x2c: {  	s7 =	sld [smem:$0x3F9E]  }
0x2d: {  	s3 =	simm.s32 $0x108;
	s8 =	sld [smem:$0x3F9F]  }
0x2e: {  	s3 =	simm.s32 @!p0 $0x1082;
	s9 =	sld [smem:$0x3FA0]  }
0x2f: {  	lr =	sadd.s32 s0, s3;
	s0 =	sld [smem:$0x3F97]  }
0x30: {  	s3 =	sld [smem:$0x3F9A]  }
0x31: {  	[smem:$0x3FA3] =	sst s10  }
0x32: {  	s10 =	sld [smem:$0x3FA1];
	_ =	sdelay $0x3  }
0x33: {  	p0 =	seq.s32 s10, $0x1;
	s10 =	sld [smem:$0x3FA3];
	_ =	sdelay $0x3  }
0x34: {  	[smem:$0x3FA3] =	sst s10  }
0x35: {  	s10 =	sld [smem:$0x3FA2];
	_ =	sdelay $0x3  }
0x36: {  	p1 =	seq.s32 s10, $0x1;
	s10 =	sld [smem:$0x3FA3];
	_ =	sdelay $0x3  }
0x37: {  	[smem:$0x3FA3] =	sst s10  }
0x38: {  	s10 =	sld [smem:$0x3FA4]  }
0x39: {  	_ = 	snop;
	(pc) =	sbr.ind lr, $3  }
0x3a: {  	_ = 	snop  }
0x3b: {  	_ = 	snop  }
0x3c: {  	p2 =	seq.s32 s10, $0x1;
	s10 =	sld [smem:$0x3FA3]  }
0x3d: {  	_ =	shalt  }
0x3e: {  	_ =	shalt  }
0x3f: {  	_ =	shalt  }
0x40: {  	_ =	shalt  }
0x41: {  	_ =	shalt  }
0x42: {  	_ =	shalt  }
0x43: {  	_ =	shalt  }
0x44: {  	_ =	shalt  }
0x45: {  	_ =	shalt  }
0x46: {  	_ =	shalt  }
0x47: {  	_ =	shalt  }
0x48: {  	_ =	shalt  }
0x49: {  	_ =	shalt  }
0x4a: {  	_ =	shalt  }
0x4b: {  	_ =	shalt  }
0x4c: {  	_ =	shalt  }
0x4d: {  	_ =	shalt  }
0x4e: {  	_ =	shalt  }
0x4f: {  	_ =	shalt  }
0x50: {  	_ =	shalt  }
0x51: {  	_ =	shalt  }
0x52: {  	_ =	shalt  }
0x53: {  	_ =	shalt  }
0x54: {  	_ =	shalt  }
0x55: {  	_ =	shalt  }
0x56: {  	_ =	shalt  }
0x57: {  	_ =	shalt  }
0x58: {  	_ =	shalt  }
0x59: {  	_ =	shalt  }
0x5a: {  	_ =	shalt  }
0x5b: {  	_ =	shalt  }
0x5c: {  	_ =	shalt  }
0x5d: {  	_ =	shalt  }
0x5e: {  	_ =	shalt  }
0x5f: {  	_ =	shalt  }
0x60: {  	_ =	shalt  }
0x61: {  	_ =	shalt  }
0x62: {  	_ =	shalt  }
0x63: {  	_ =	shalt  }
0x64: {  	_ =	shalt  }
0x65: {  	_ =	shalt  }
0x66: {  	_ =	shalt  }
0x67: {  	_ =	shalt  }
0x68: {  	_ =	shalt  }
0x69: {  	_ =	shalt  }
0x6a: {  	_ =	shalt  }
0x6b: {  	_ =	shalt  }
0x6c: {  	_ =	shalt  }
0x6d: {  	_ =	shalt  }
0x6e: {  	_ =	shalt  }
0x6f: {  	_ =	shalt  }
0x70: {  	_ =	shalt  }
0x71: {  	_ =	shalt  }
0x72: {  	_ =	shalt  }
0x73: {  	_ =	shalt  }
0x74: {  	_ =	shalt  }
0x75: {  	_ =	shalt  }
0x76: {  	_ =	shalt  }
0x77: {  	_ =	shalt  }
0x78: {  	_ =	shalt  }
0x79: {  	_ =	shalt  }
0x7a: {  	_ =	shalt  }
0x7b: {  	_ =	shalt  }
0x7c: {  	_ =	shalt  }
0x7d: {  	_ =	shalt  }
0x7e: {  	_ =	shalt  }
0x7f: {  	_ =	shalt  }
0x80: {  	_ =	shalt  }
0x81: {  	_ =	shalt  }
0x82: {  	_ =	shalt  }
0x83: {  	_ =	shalt  }
0x84: {  	_ =	shalt  }
0x85: {  	_ =	shalt  }
0x86: {  	_ =	shalt  }
0x87: {  	_ =	shalt  }
.Lfunc_end0:
.L_simem_size_0:
called_computation.1_lowered:
.L_overlay_start_0:
0x88: {  	s2 =	sld [smem:$0x3FD9]  }
0x89: {  	s3 =	sld [smem:$0x3FFE];
	_ =	sdelay $0x1  }
0x8a: {  	s1 =	srdreg.scid  }
0x8b: {  	s0 =	sand.u32 $0x1, s1  }
0x8c: {  	s17 =	sshll.u32 s0, $0xA;
	s2 =	sadd.s32 s3, s2  }
0x8d: {  	s2 =	sadd.s32 s2, s17  }
0x8e: {  	[smem:$0x3FAF] =	sst s2  }
0x8f: {  	_ = 	snop  }
0x90: {  	s2 =	sld [smem:$0x3FD0];
	(tm) =	ssettm $0x1  }
0x91: {  	s18 =	sld [smem:$0x3FFB];
	_ =	sdelay $0x3  }
0x92: {  	_ =	strace s18  }
0x93: {  	s3 =	sld [smem:$0x3FFC];
	_ =	sdelay $0x3  }
0x94: {  	_ =	strace s3  }
0x95: {  	s3 =	sld [smem:$0x3FFD];
	_ =	sdelay $0x3  }
0x96: {  	_ =	strace s3  }
0x97: {  	_ =	strace $0x8FFFFFFF  }
0x98: {  	s19 =	sld [smem:$0x3FDB];
	_ =	sdelay $0x1  }
0x99: {  	s4 =	simm.s32 $_scs_section_size  }
0x9a: {  	s5 =	simm.s32 $_size__tile_overlayer_lowered;
	s6 =	simm.s32 $_tile_overlayer_lowered  }
0x9b: {  	s22 =	simm.s32 $0x1BFF;
	s21 =	sshll.u32 s6, $0x1;
	s3 =	sadd.s32 s4, s19  }
0x9c: {  	s7 =	simm.s32 $0x0;
	s20 =	sshll.u32 s5, $0x1;
	s5 =	sadd.s32 s21, s3  }
0x9d: {  	[timem:s7], [sflag:s22] =	dma.local [hbm:s5], s20  }
0x9e: {  	_ =	swait.ge [sflag:s22], s20  }
0x9f: {  	s4 =	ssub.s32 $0x0, s20;
	[sflag:s22] =	ssyncset.done $0x0  }
0xa0: {  	[sflag:s22] =	ssyncadd.s32 s4;
	_ =	sdelay $0x1  }
0xa1: {  	s23 =	simm.s32 $0x1B8B  }
0xa2: {  	_ =	swait.ge [sflag:s23], $0x1  }
0xa3: {  	[sflag:s23] =	ssyncset.done $0x0  }
0xa4: {  	s25 =	simm.s32 $0x1B8E;
	s24 =	sld [smem:$0x3FFE];
	[sflag:s23] =	ssyncadd.s32 $0xFFFFFFFF  }
0xa5: {  	s26 =	simm.s32 $execute0_lowered;
	[smem:$0x3FD2] =	sst s25  }
0xa6: {  	s5 =	sshll.u32 s26, $0x1;
	_ =	strace $0x80000049;
	[dreg:$0x1] =	wrdreg $0xFFFFFFFF  }
0xa7: {  	s28 =	simm.s32 $_size_execute0_lowered;
	s3 =	sadd.s32 s3, s5;
	[dreg:$0x0] =	wrdreg $0x0  }
0xa8: {  	s5 =	sshll.u32 s28, $0x1;
	[dreg:$0x2] =	wrdreg s3  }
0xa9: {  	[dreg:$0x3] =	wrdreg s5  }
0xaa: {  	[dreg:$0x4] =	wrdreg $0xC0  }
0xab: {  	_ =	task [dreg:s7], $0x5FFFF  }
0xac: {  	[dreg:$0x1] =	wrdreg $0xFFFFFFFF  }
0xad: {  	[dreg:$0x0] =	wrdreg $0x60  }
0xae: {  	[dreg:$0x2] =	wrdreg s24  }
0xaf: {  	[dreg:$0x3] =	wrdreg s2  }
0xb0: {  	[dreg:$0x4] =	wrdreg $0x0  }
0xb1: {  	[dreg:$0x5] =	wrdreg $0x9  }
0xb2: {  	_ =	task.clear_ibuf [dreg:s7], $0x6FFFF;
	_ =	strace $0x90000049  }
0xb3: {  	s29 =	simm.s32 $0x9;
	_ =	strace $0x8000004B  }
0xb4: {  	_ =	swait.ge [sflag:s29], $0x1  }
0xb5: {  	[sflag:s29] =	ssyncadd.s32 $0xFFFFFFFF  }
0xb6: {  	_ =	strace $0x9000004B  }
0xb7: {  	_ =	sfence  }
0xb8: {  	s30 =	sld [smem:$0x0];
	_ =	sdelay $0x2  }
0xb9: {  	s31 =	sshll.u32 s1, $0xD;
	s1 =	sshrl.u32 s1, $0x2  }
0xba: {  	s3 =	sand.u32 $0x4000, s31;
	s1 =	sadd.s32 s1, s30  }
0xbb: {  	s0 =	sor.u32 s3, s0;
	s1 =	sshll.u32 s1, $0x11  }
0xbc: {  	s0 =	sor.u32 s1, s0  }
0xbd: {  	s0 =	sadd.s32 $0x8F2B, s0  }
0xbe: {  	[sflag:s0] =	ssyncadd.remote.s32 $0x1  }
0xbf: {  	_ =	sfence.sel $0xFFFF  }
0xc0: {  	[dreg:$0x0] =	wrdreg $0xFFFFFFFF;
	(pc) =	sbr.abs _section_cstart, $3  }
0xc1: {  	[dreg:$0x1] =	wrdreg $0xFFFFFFFF  }
0xc2: {  	_ =	task.clear_ibuf [dreg:s7], $0x2FFFF;
	_ =	strace $0x9FFFFFFF  }
0xc3: {  	(tm) =	ssettm $0x7FFFFFFF  }
tec
execute0_lowered:
.L_overlay_start_1:
0x0: {  	(tag) =	ssettag $0x1  }
0x1: {  	s0 =	rddreg [dreg:$0x0]  }
0x2: {  	s1 =	rddreg [dreg:$0x1]  }
0x3: {  	s2 =	rddreg [dreg:$0x2];
	s12 =	stileid.u32  }
0x4: {  	s5 =	simm.s32 $0x0;
	s4 =	srdreg.scid;
	s28 =	simm.s32 $0x3  }
0x5: {  	s29 =	simm.s32 $0x5;
	s30 =	simm.s32 $0x4;
	s3 =	smul.u32 $0xE80, s12  }
0x6: {  	s31 =	simm.s32 $0x6;
	[smem:$0x7FF] =	sst s5;
	s7 =	smul.u32 $0x3A, s12  }
0x7: {  	s26 =	sand.u32 $0x1, s4;
	s4 =	sadd.s32 $0x11E200, s0;
	s8 =	smul.u32 $0x2780, s12  }
0x8: {  	s9 =	sadd.s32 $0x47E00, s0;
	s12 =	smul.u32 $0x4F000, s12;
	_ =	strace $0x8000004A  }
0x9: {  	s6 =	smul.u32 $0x740, s26;
	s11 =	ssub.s32 $0x2, s26;
	s19 =	sshll.u32 s26, $0xB  }
0xa: {  	s13 =	sshllo.u32 s26, $0x1;
	s5 =	smul.u32 $0x1D000, s26;
	s10 =	sadd.s32 s3, s0  }
0xb: {  	s0 =	sadd.s32 s8, s0;
	s17 =	sshrl.u32 s11, $0x1;
	s14 =	sshrl.u32 s12, $0x2  }
0xc: {  	s15 =	sor.u32 s19, s12;
	s16 =	smul.u32 $0x3A0, s13;
	s13 =	sshll.u32 s13, $0xA  }
0xd: {  	s19 =	simm.s32 $0x58;
	s6 =	sadd.s32 s7, s6;
	s11 =	ssub.s32 s11, s17  }
0xe: {  	s18 =	sadd.s32 $0x11C00, s10;
	s20 =	sadd.s32 s14, s2;
	s0 =	sadd.s32 $0x20400, s0  }
0xf: {  	s21 =	sshrl.u32 s15, $0x3;
	s23 =	sor.u32 s12, s13;
	[dreg:$0x5] =	wrdreg s18  }
0x10: {  	s5 =	sadd.s32 s5, s9;
	s13 =	sadd.s32 $0x11C40, s10;
	[dreg:$0x6] =	wrdreg s20  }
0x11: {  	s17 =	simm.s32 $0xA;
	s6 =	sshll.u32 s6, $0x6;
	[dreg:$0x7] =	wrdreg s0  }
0x12: {  	s7 =	sadd.s32 s7, s16;
	s0 =	sadd.s32 s1, s21;
	s24 =	sshrl.u32 s23, $0x3  }
0x13: {  	s25 =	smax.u32 s11, $0x1;
	s26 =	sadd.s32 s3, s5;
	s20 =	simm.s32 $0x14400  }
0x14: {  	s23 =	simm.s32 $0x1;
	s6 =	sadd.s32 s9, s6;
	[dreg:$0x8] =	wrdreg s0  }
0x15: {  	s22 =	sshll.u32 s7, $0x6;
	[dreg:$0xb] =	wrdreg s25;
	s14 =	sadd.s32 $0x40, s26  }
.Ltmp0:
0x16: {  	s15 =	sadd.s32 $0xE840, s26;
	s25 =	simm.s32 $0x2;
	(pc) =	sbr.rel .LBB2_1-.Ltmp0, $4  }
0x17: {  	s26 =	simm.s32 $0x1C800;
	s7 =	simm.s32 $0x9;
	[dreg:$0x4] =	wrdreg s6  }
0x18: {  	s0 =	sadd.s32 s9, s22;
	s22 =	simm.s32 $0x17000;
	s9 =	simm.s32 $0x0  }
0x19: {  	[dreg:$0x9] =	wrdreg s0;
	s0 =	sadd.s32 s1, s24;
	s24 =	simm.s32 $0x19C00  }
0x1a: {  	s1 =	simm.s32 $0x8;
	[dreg:$0xa] =	wrdreg s0;
	s0 =	simm.s32 $0x7  }
.LBB2_7:
0x1b: {  	_ =	swait.ge [sflag:s30], $0x2C00  }
0x1c: {  	[sflag:s30] =	ssyncset.done $0x0  }
0x1d: {  	[sflag:s30] =	ssyncadd.s32 $0xFFFFD400  }
0x1e: {  	_ =	swait.ge [sflag:s31], $0x2C00  }
0x1f: {  	[sflag:s31] =	ssyncset.done $0x0  }
0x20: {  	s3 =	sor.u32 $0x14000, s5;
	[sflag:s31] =	ssyncadd.s32 $0xFFFFD400  }
0x21: {  	[spmem:s2] =	stream.indirect.scatter.add.f32 [tilespmem:s26], [sflag:$0x8], $0x80, s3, s19, $0xb8;
	[tilespmem:$0x1F400] =	vst v63  }
.LBB2_9:
0x22: {  	_ =	swait.ge [sflag:s0], $0x2C00  }
0x23: {  	[sflag:s0] =	ssyncset.done $0x0  }
0x24: {  	[sflag:s0] =	ssyncadd.s32 $0xFFFFD400  }
0x25: {  	_ =	swait.ge [sflag:s1], $0x2C00  }
0x26: {  	[sflag:s1] =	ssyncset.done $0x0  }
0x27: {  	[sflag:s1] =	ssyncadd.s32 $0xFFFFD400  }
0x28: {  	[bflag:$0x0] =	sbarrier.arrive $0xFFFF  }
0x29: {  	s5 =	simm.s32 $0x200;
	s6 =	simm.s32 $0x80;
	s3 =	rddreg [dreg:$0xa]  }
0x2a: {  	[hbm:s3@s5], [sflag:s10] =	dma.strided [spmem:s11@s6], $0x2780, s1, $0x10   }
0x2b: {  	_ =	swait.ge [sflag:s17], $0x2780  }
0x2c: {  	s9 =	sadd.s32 $0x1, s9;
	s21 =	rddreg [dreg:$0xb]  }
0x2d: {  	p0 =	sne.s32 s9, s21  }
.Ltmp1:
0x2e: {  	_ = 	snop;
	(pc) =	sbr.rel @!p0 .LBB2_10-.Ltmp1, $3  }
0x2f: {  	[sflag:s17] =	ssyncset.done $0x0  }
0x30: {  	[sflag:s17] =	ssyncadd.s32 $0xFFFFD880  }
0x31: {  	[bflag:$0x0] =	sbarrier.arrive $0xFFFF;
	_ =	sdelay $0x1  }
.LBB2_1:
0x32: {  	s3 =	simm.s32 $0x0;
	s5 =	rddreg [dreg:$0x4];
	s6 =	simm.s32 $0x13C00  }
0x33: {  	[tilespmem:s6], [sflag:$0xA] =	stream.linear.gather [hbm4b:s5+s3], $0x200, $0x38;
	[tilespmem:$0x1F400] =	vst v63  }
0x34: {  	_ =	swait.ge [sflag:s17], $0x200  }
0x35: {  	[sflag:s17] =	ssyncset.done $0x0  }
0x36: {  	s8 =	simm.s32 $0x14000;
	s11 =	rddreg [dreg:$0x5];
	[sflag:s17] =	ssyncadd.s32 $0xFFFFFE00  }
0x37: {  	[tilespmem:s8], [sflag:$0xA] =	stream.linear.gather [hbm4b:s11+s3], $0x200, $0x38;
	[tilespmem:$0x1F400] =	vst v63  }
0x38: {  	_ =	swait.ge [sflag:s17], $0x200  }
0x39: {  	s12 =	simm.s32 $0x13C80;
	s16 =	stileid.u32;
	[sflag:s17] =	ssyncset.done $0x0  }
0x3a: {  	s3 =	sshll.u32 s16, $0x6;
	s18 =	rddreg [dreg:$0x6];
	[sflag:s17] =	ssyncadd.s32 $0xFFFFFE00  }
0x3b: {  	[tilespmem:s20], [sflag:$0x1] =	stream.indirect.gather [hbm4b:s4+s19], $0x80, s6, s19, $0xb8;
	[tilespmem:$0x1F400] =	vst v63  }
0x3c: {  	s10 =	sor.u32 $0x1C0A, s3;
	s21 =	rddreg [dreg:$0x7];
	s11 =	sshrl.u32 s18, $0x3  }
0x3d: {  	[tilespmem:s22], [sflag:$0x2] =	stream.indirect.gather [hbm4b:s4+s19], $0x80, s12, s19, $0xb8;
	[tilespmem:$0x1F400] =	vst v63  }
0x3e: {  	[spmem:s11], [sflag:s10] =	dma.local [hbm:s21], $0x2780  }
0x3f: {  	_ =	swait.ge [sflag:s17], $0x2780  }
0x40: {  	[sflag:s17] =	ssyncset.done $0x0  }
0x41: {  	s18 =	simm.s32 $0x1;
	[sflag:s17] =	ssyncadd.s32 $0xFFFFD880  }
0x42: {  	s12 =	simm.s32 $0x0;
	s21 =	simm.s32 $0x0;
	[bflag:$0x0] =	sbarrier.arrive $0xFFFF  }
.LBB2_2:
0x43: {  	s3 =	sand.u32 $0x1, s18;
	p0 =	seq.s32 s21, $0xE40  }
0x44: {  	s5 =	sshll.u32 @!p0 s3, $0x9  }
0x45: {  	s8 =	sadd.s32 @!p0 s21, s14;
	s16 =	simm.s32 @!p0 $0x0;
	s6 =	sor.u32 @!p0 $0x13C00, s5  }
0x46: {  	[tilespmem:s6], [sflag:$0x9] =	stream.linear.gather @!p0 [hbm4b:s8+s16], $0x200, $0x38;
	[tilespmem:$0x1F400] =	vst v63  }
0x47: {  	s5 =	sor.u32 @!p0 $0x14000, s5;
	s6 =	sadd.s32 @!p0 s21, s13  }
0x48: {  	[tilespmem:s5], [sflag:$0x9] =	stream.linear.gather @!p0 [hbm4b:s6+s16], $0x200, $0x38;
	[tilespmem:$0x1F400] =	vst v63  }
0x49: {  	_ =	swait.ge [sflag:s23], $0x2C00  }
0x4a: {  	p0 =	seq.s32 s21, $0x0;
	[sflag:s23] =	ssyncset.done $0x0  }
0x4b: {  	s5 =	simm.s32 @!p0 $0x7;
	[sflag:s23] =	ssyncadd.s32 $0xFFFFD400  }
0x4c: {  	_ =	swait.ge @!p0 [sflag:s5], $0x2C00  }
0x4d: {  	s6 =	sand.u32 $0x200, s12;
	[sflag:s5] =	ssyncset.done @!p0 $0x0  }
0x4e: {  	s16 =	sor.u32 $0x14000, s6;
	[sflag:s5] =	ssyncadd.s32 @!p0 $0xFFFFD400  }
0x4f: {  	[spmem:s2] =	stream.indirect.scatter.add.f32 [tilespmem:s20], [sflag:$0x5], $0x80, s16, s19, $0xb8;
	[tilespmem:$0x1F400] =	vst v63  }
0x50: {  	s8 =	sor.u32 $0x13D00, s6  }
0x51: {  	[tilespmem:s24], [sflag:$0x3] =	stream.indirect.gather [hbm4b:s4+s19], $0x80, s8, s19, $0xb8;
	[tilespmem:$0x1F400] =	vst v63  }
0x52: {  	_ =	swait.ge [sflag:s25], $0x2C00  }
0x53: {  	[sflag:s25] =	ssyncset.done $0x0  }
0x54: {  	s5 =	simm.s32 @!p0 $0x8;
	[sflag:s25] =	ssyncadd.s32 $0xFFFFD400  }
0x55: {  	_ =	swait.ge @!p0 [sflag:s5], $0x2C00  }
0x56: {  	[sflag:s5] =	ssyncset.done @!p0 $0x0  }
0x57: {  	s16 =	sadd.s32 $0x14080, s6;
	[sflag:s5] =	ssyncadd.s32 @!p0 $0xFFFFD400  }
0x58: {  	[spmem:s2] =	stream.indirect.scatter.add.f32 [tilespmem:s22], [sflag:$0x6], $0x80, s16, s19, $0xb8;
	[tilespmem:$0x1F400] =	vst v63  }
0x59: {  	s8 =	sor.u32 $0x13D80, s6  }
0x5a: {  	[tilespmem:s26], [sflag:$0x4] =	stream.indirect.gather [hbm4b:s4+s19], $0x80, s8, s19, $0xb8;
	[tilespmem:$0x1F400] =	vst v63  }
0x5b: {  	_ =	swait.ge [sflag:s28], $0x2C00  }
0x5c: {  	[sflag:s28] =	ssyncset.done $0x0  }
0x5d: {  	p0 =	sne.s32 s21, $0xE40;
	[sflag:s28] =	ssyncadd.s32 $0xFFFFD400  }
.Ltmp2:
0x5e: {  	_ =	swait.ge [sflag:s29], $0x2C00;
	(pc) =	sbr.rel @!p0 .LBB2_3-.Ltmp2, $4  }
0x5f: {  	s16 =	sor.u32 $0x100, s6;
	[sflag:s29] =	ssyncset.done $0x0  }
0x60: {  	s5 =	sor.u32 $0x14000, s16;
	[sflag:s29] =	ssyncadd.s32 $0xFFFFD400  }
0x61: {  	[spmem:s2] =	stream.indirect.scatter.add.f32 [tilespmem:s24], [sflag:$0x7], $0x80, s5, s19, $0xb8;
	[tilespmem:$0x1F400] =	vst v63  }
0x62: {  	s5 =	sor.u32 $0x180, s6  }
0x63: {  	_ =	swait.ge [sflag:s7], $0x200  }
0x64: {  	[sflag:s7] =	ssyncset.done $0x0  }
0x65: {  	[sflag:s7] =	ssyncadd.s32 $0xFFFFFE00  }
0x66: {  	_ =	swait.ge [sflag:s7], $0x200  }
0x67: {  	s3 =	sshll.u32 s3, $0x9;
	[sflag:s7] =	ssyncset.done $0x0  }
0x68: {  	s6 =	sor.u32 $0x13C00, s3;
	[sflag:s7] =	ssyncadd.s32 $0xFFFFFE00  }
0x69: {  	[tilespmem:s20], [sflag:$0x1] =	stream.indirect.gather [hbm4b:s4+s19], $0x80, s6, s19, $0xb8;
	[tilespmem:$0x1F400] =	vst v63  }
0x6a: {  	_ =	swait.ge [sflag:s30], $0x2C00  }
0x6b: {  	[sflag:s30] =	ssyncset.done $0x0  }
0x6c: {  	s21 =	sadd.s32 $0x40, s21;
	[sflag:s30] =	ssyncadd.s32 $0xFFFFD400  }
0x6d: {  	p0 =	sne.s32 s21, $0xE80;
	_ =	swait.ge [sflag:s31], $0x2C00  }
.Ltmp3:
0x6e: {  	[sflag:s31] =	ssyncset.done $0x0;
	(pc) =	sbr.rel @p0 .LBB2_2-.Ltmp3, $4  }
.Ltmp4:
0x6f: {  	s5 =	sor.u32 $0x14000, s5;
	[sflag:s31] =	ssyncadd.s32 $0xFFFFD400;
	(pc) =	sbr.rel @!p0 .LBB2_5-.Ltmp4, $4  }
0x70: {  	[spmem:s2] =	stream.indirect.scatter.add.f32 [tilespmem:s26], [sflag:$0x8], $0x80, s5, s19, $0xb8;
	[tilespmem:$0x1F400] =	vst v63  }
0x71: {  	s18 =	sadd.s32 $0x1, s18;
	s12 =	sadd.s32 $0x200, s12;
	s3 =	sor.u32 $0x13C80, s3  }
0x72: {  	[tilespmem:s22], [sflag:$0x2] =	stream.indirect.gather [hbm4b:s4+s19], $0x80, s3, s19, $0xb8;
	[tilespmem:$0x1F400] =	vst v63  }
0x73: {  	_ = 	snop  }
.LBB2_3:
0x74: {  	_ =	swait.ge [sflag:s30], $0x2C00  }
0x75: {  	[sflag:s30] =	ssyncset.done $0x0  }
0x76: {  	[sflag:s30] =	ssyncadd.s32 $0xFFFFD400  }
0x77: {  	_ =	swait.ge [sflag:s31], $0x2C00  }
0x78: {  	[sflag:s31] =	ssyncset.done $0x0  }
0x79: {  	s3 =	sor.u32 $0x14000, s5;
	[sflag:s31] =	ssyncadd.s32 $0xFFFFD400  }
0x7a: {  	[spmem:s2] =	stream.indirect.scatter.add.f32 [tilespmem:s26], [sflag:$0x8], $0x80, s3, s19, $0xb8;
	[tilespmem:$0x1F400] =	vst v63  }
.LBB2_5:
0x7b: {  	_ =	swait.ge [sflag:s0], $0x2C00  }
0x7c: {  	[sflag:s0] =	ssyncset.done $0x0  }
0x7d: {  	[sflag:s0] =	ssyncadd.s32 $0xFFFFD400  }
0x7e: {  	_ =	swait.ge [sflag:s1], $0x2C00  }
0x7f: {  	[sflag:s1] =	ssyncset.done $0x0  }
0x80: {  	[sflag:s1] =	ssyncadd.s32 $0xFFFFD400  }
0x81: {  	[bflag:$0x0] =	sbarrier.arrive $0xFFFF  }
0x82: {  	s5 =	simm.s32 $0x200;
	s6 =	simm.s32 $0x80;
	s3 =	rddreg [dreg:$0x8]  }
0x83: {  	[hbm:s3@s5], [sflag:s10] =	dma.strided [spmem:s11@s6], $0x2780, s1, $0x10   }
0x84: {  	_ =	swait.ge [sflag:s17], $0x2780  }
0x85: {  	[sflag:s17] =	ssyncset.done $0x0  }
0x86: {  	[sflag:s17] =	ssyncadd.s32 $0xFFFFD880  }
0x87: {  	[bflag:$0x0] =	sbarrier.arrive $0xFFFF  }
0x88: {  	s12 =	simm.s32 $0x0;
	s21 =	simm.s32 $0x13C00;
	s18 =	rddreg [dreg:$0x9]  }
0x89: {  	[tilespmem:s21], [sflag:$0xA] =	stream.linear.gather [hbm4b:s18+s12], $0x200, $0x38;
	[tilespmem:$0x1F400] =	vst v63  }
0x8a: {  	_ =	swait.ge [sflag:s17], $0x200  }
0x8b: {  	[sflag:s17] =	ssyncset.done $0x0  }
0x8c: {  	s16 =	simm.s32 $0x14000;
	s8 =	rddreg [dreg:$0x5];
	[sflag:s17] =	ssyncadd.s32 $0xFFFFFE00  }
0x8d: {  	[tilespmem:s16], [sflag:$0xA] =	stream.linear.gather [hbm4b:s8+s12], $0x200, $0x38;
	[tilespmem:$0x1F400] =	vst v63  }
0x8e: {  	_ =	swait.ge [sflag:s17], $0x200  }
0x8f: {  	[sflag:s17] =	ssyncset.done $0x0  }
0x90: {  	[sflag:s17] =	ssyncadd.s32 $0xFFFFFE00  }
0x91: {  	[tilespmem:s20], [sflag:$0x1] =	stream.indirect.gather [hbm4b:s4+s19], $0x80, s21, s19, $0xb8;
	[tilespmem:$0x1F400] =	vst v63  }
0x92: {  	s18 =	simm.s32 $0x13C80;
	s21 =	rddreg [dreg:$0x7]  }
0x93: {  	[tilespmem:s22], [sflag:$0x2] =	stream.indirect.gather [hbm4b:s4+s19], $0x80, s18, s19, $0xb8;
	[tilespmem:$0x1F400] =	vst v63  }
0x94: {  	[spmem:s11], [sflag:s10] =	dma.local [hbm:s21], $0x2780  }
0x95: {  	_ =	swait.ge [sflag:s17], $0x2780  }
0x96: {  	[sflag:s17] =	ssyncset.done $0x0  }
0x97: {  	[sflag:s17] =	ssyncadd.s32 $0xFFFFD880  }
0x98: {  	s18 =	simm.s32 $0x1;
	s21 =	simm.s32 $0x0;
	[bflag:$0x0] =	sbarrier.arrive $0xFFFF  }
.LBB2_6:
0x99: {  	s3 =	sand.u32 $0x1, s18;
	p0 =	seq.s32 s21, $0xE40  }
0x9a: {  	s5 =	sshll.u32 @!p0 s3, $0x9  }
0x9b: {  	s8 =	sadd.s32 @!p0 s21, s15;
	s16 =	simm.s32 @!p0 $0x0;
	s6 =	sor.u32 @!p0 $0x13C00, s5  }
0x9c: {  	[tilespmem:s6], [sflag:$0x9] =	stream.linear.gather @!p0 [hbm4b:s8+s16], $0x200, $0x38;
	[tilespmem:$0x1F400] =	vst v63  }
0x9d: {  	s5 =	sor.u32 @!p0 $0x14000, s5;
	s6 =	sadd.s32 @!p0 s21, s13  }
0x9e: {  	[tilespmem:s5], [sflag:$0x9] =	stream.linear.gather @!p0 [hbm4b:s6+s16], $0x200, $0x38;
	[tilespmem:$0x1F400] =	vst v63  }
0x9f: {  	_ =	swait.ge [sflag:s23], $0x2C00  }
0xa0: {  	p0 =	seq.s32 s21, $0x0;
	[sflag:s23] =	ssyncset.done $0x0  }
0xa1: {  	s5 =	simm.s32 @!p0 $0x7;
	[sflag:s23] =	ssyncadd.s32 $0xFFFFD400  }
0xa2: {  	_ =	swait.ge @!p0 [sflag:s5], $0x2C00  }
0xa3: {  	s6 =	sand.u32 $0x200, s12;
	[sflag:s5] =	ssyncset.done @!p0 $0x0  }
0xa4: {  	s16 =	sor.u32 $0x14000, s6;
	[sflag:s5] =	ssyncadd.s32 @!p0 $0xFFFFD400  }
0xa5: {  	[spmem:s2] =	stream.indirect.scatter.add.f32 [tilespmem:s20], [sflag:$0x5], $0x80, s16, s19, $0xb8;
	[tilespmem:$0x1F400] =	vst v63  }
0xa6: {  	s8 =	sor.u32 $0x13D00, s6  }
0xa7: {  	[tilespmem:s24], [sflag:$0x3] =	stream.indirect.gather [hbm4b:s4+s19], $0x80, s8, s19, $0xb8;
	[tilespmem:$0x1F400] =	vst v63  }
0xa8: {  	_ =	swait.ge [sflag:s25], $0x2C00  }
0xa9: {  	[sflag:s25] =	ssyncset.done $0x0  }
0xaa: {  	s5 =	simm.s32 @!p0 $0x8;
	[sflag:s25] =	ssyncadd.s32 $0xFFFFD400  }
0xab: {  	_ =	swait.ge @!p0 [sflag:s5], $0x2C00  }
0xac: {  	[sflag:s5] =	ssyncset.done @!p0 $0x0  }
0xad: {  	s16 =	sadd.s32 $0x14080, s6;
	[sflag:s5] =	ssyncadd.s32 @!p0 $0xFFFFD400  }
0xae: {  	[spmem:s2] =	stream.indirect.scatter.add.f32 [tilespmem:s22], [sflag:$0x6], $0x80, s16, s19, $0xb8;
	[tilespmem:$0x1F400] =	vst v63  }
0xaf: {  	s8 =	sor.u32 $0x13D80, s6  }
0xb0: {  	[tilespmem:s26], [sflag:$0x4] =	stream.indirect.gather [hbm4b:s4+s19], $0x80, s8, s19, $0xb8;
	[tilespmem:$0x1F400] =	vst v63  }
0xb1: {  	_ =	swait.ge [sflag:s28], $0x2C00  }
0xb2: {  	[sflag:s28] =	ssyncset.done $0x0  }
0xb3: {  	p0 =	sne.s32 s21, $0xE40;
	[sflag:s28] =	ssyncadd.s32 $0xFFFFD400  }
.Ltmp5:
0xb4: {  	_ =	swait.ge [sflag:s29], $0x2C00;
	(pc) =	sbr.rel @!p0 .LBB2_7-.Ltmp5, $4  }
0xb5: {  	s16 =	sor.u32 $0x100, s6;
	[sflag:s29] =	ssyncset.done $0x0  }
0xb6: {  	s5 =	sor.u32 $0x14000, s16;
	[sflag:s29] =	ssyncadd.s32 $0xFFFFD400  }
0xb7: {  	[spmem:s2] =	stream.indirect.scatter.add.f32 [tilespmem:s24], [sflag:$0x7], $0x80, s5, s19, $0xb8;
	[tilespmem:$0x1F400] =	vst v63  }
0xb8: {  	s5 =	sor.u32 $0x180, s6  }
0xb9: {  	_ =	swait.ge [sflag:s7], $0x200  }
0xba: {  	[sflag:s7] =	ssyncset.done $0x0  }
0xbb: {  	[sflag:s7] =	ssyncadd.s32 $0xFFFFFE00  }
0xbc: {  	_ =	swait.ge [sflag:s7], $0x200  }
0xbd: {  	s3 =	sshll.u32 s3, $0x9;
	[sflag:s7] =	ssyncset.done $0x0  }
0xbe: {  	s6 =	sor.u32 $0x13C00, s3;
	[sflag:s7] =	ssyncadd.s32 $0xFFFFFE00  }
0xbf: {  	[tilespmem:s20], [sflag:$0x1] =	stream.indirect.gather [hbm4b:s4+s19], $0x80, s6, s19, $0xb8;
	[tilespmem:$0x1F400] =	vst v63  }
0xc0: {  	_ =	swait.ge [sflag:s30], $0x2C00  }
0xc1: {  	[sflag:s30] =	ssyncset.done $0x0  }
0xc2: {  	s21 =	sadd.s32 $0x40, s21;
	[sflag:s30] =	ssyncadd.s32 $0xFFFFD400  }
0xc3: {  	p0 =	sne.s32 s21, $0xE80;
	_ =	swait.ge [sflag:s31], $0x2C00  }
.Ltmp6:
0xc4: {  	[sflag:s31] =	ssyncset.done $0x0;
	(pc) =	sbr.rel @p0 .LBB2_6-.Ltmp6, $4  }
.Ltmp7:
0xc5: {  	s5 =	sor.u32 $0x14000, s5;
	[sflag:s31] =	ssyncadd.s32 $0xFFFFD400;
	(pc) =	sbr.rel @!p0 .LBB2_9-.Ltmp7, $4  }
0xc6: {  	[spmem:s2] =	stream.indirect.scatter.add.f32 [tilespmem:s26], [sflag:$0x8], $0x80, s5, s19, $0xb8;
	[tilespmem:$0x1F400] =	vst v63  }
0xc7: {  	s18 =	sadd.s32 $0x1, s18;
	s12 =	sadd.s32 $0x200, s12;
	s3 =	sor.u32 $0x13C80, s3  }
0xc8: {  	[tilespmem:s22], [sflag:$0x2] =	stream.indirect.gather [hbm4b:s4+s19], $0x80, s3, s19, $0xb8;
	[tilespmem:$0x1F400] =	vst v63  }
0xc9: {  	_ = 	snop  }
.LBB2_10:
0xca: {  	_ =	sfence.sel $0x180000  }
0xcb: {  	[bflag:$0x0] =	sbarrier.arrive $0xFFFF  }
0xcc: {  	_ =	strace $0x9000004A  }
0xcd: {  	s0 =	stileid.u32;
	[bflag:$0x2] =	sbarrier.arrive $0xFFFF  }
0xce: {  	p0 =	sne.s32 s0, $0x0;
	s0 =	rddreg [dreg:$0x3]  }
0xcf: {  	s0 =	sadd.s32 @!p0 $0x100000, s0  }
0xd0: {  	[sflag:s0] =	ssyncadd.tile.s32 @!p0 $0x1;
	_ =	shalt  }
.Lfunc_end2:
_tile_overlayer_lowered:
.L_overlay_start_2:
0xd1: {  	(tag) =	ssettag $0x2  }
0xd2: {  	s0 =	rddreg [dreg:$0x0];
	s2 =	stileid.u32  }
0xd3: {  	s1 =	rddreg [dreg:$0x1];
	p0 =	sne.s32 s2, $0x0  }
0xd4: {  	s3 =	rddreg [dreg:$0x2];
	[bflag:$0x3] =	sbarrier.arrive $0xFFFF;
	s2 =	simm.s32 @!p0 $0x1C0A  }
0xd5: {  	[timem:s3], [sflag:s2] =	dma.local @!p0 [hbm:s0], s1  }
0xd6: {  	s0 =	simm.s32 @!p0 $0xA  }
0xd7: {  	_ =	swait.ge @!p0 [sflag:s0], s1  }
0xd8: {  	s1 =	ssub.s32 @!p0 $0x0, s1;
	[sflag:s0] =	ssyncset.done @!p0 $0x0  }
0xd9: {  	[sflag:s0] =	ssyncadd.s32 @!p0 s1  }
0xda: {  	[bflag:$0x3] =	sbarrier.arrive $0xFFFF  }
0xdb: {  	_ =	shalt  }

// kernel: kernel.14.cloned.1.call-start
scs
__scs_entry_jumppad:
0x0: {  	(pc) =	sbr.rel $0x88, $3  }
0x1: {  	(tag) =	ssettag $0x0;
	lr =	simm.s32 $0x1  }
0x2: {  	[smem:$0x3F88] =	sst lr;
	_ =	strace $0xD0000000  }
0x3: {  	_ = 	snop  }
0x4: {  	_ = 	snop  }
0x5: {  	_ = 	snop  }
0x6: {  	_ = 	snop  }
0x7: {  	_ = 	snop  }
__scs_overlays_trampoline_lowered:
0x8: {  	[smem:$0x3F97] =	sst s0  }
0x9: {  	[smem:$0x3F98] =	sst s1  }
0xa: {  	[smem:$0x3F99] =	sst s2  }
0xb: {  	[smem:$0x3F9A] =	sst s3  }
0xc: {  	[smem:$0x3F9B] =	sst s4  }
0xd: {  	[smem:$0x3F9C] =	sst s5  }
0xe: {  	[smem:$0x3F9D] =	sst s6  }
0xf: {  	[smem:$0x3F9E] =	sst s7  }
0x10: {  	[smem:$0x3F9F] =	sst s8  }
0x11: {  	[smem:$0x3FA0] =	sst s9;
	s0 =	simm.s32 @!p0 $0x0  }
0x12: {  	s1 =	sld [smem:$0x3F86];
	s0 =	simm.s32 @p0 $0x1  }
0x13: {  	[smem:$0x3FA1] =	sst s0;
	s0 =	simm.s32 @!p1 $0x0  }
0x14: {  	s2 =	sld [smem:$0x3F85];
	s0 =	simm.s32 @p1 $0x1  }
0x15: {  	[smem:$0x3FA2] =	sst s0;
	s0 =	simm.s32 @!p2 $0x0  }
0x16: {  	s3 =	sld [smem:$0x3FDB];
	s0 =	simm.s32 @p2 $0x1  }
0x17: {  	s4 =	simm.s32 $0x1BF5;
	[smem:$0x3FA4] =	sst s0  }
0x18: {  	s0 =	sld [smem:$0x3F87];
	_ =	swait.ge [sflag:s4], $0x0  }
0x19: {  	s7 =	sld [smem:$0x3F88]  }
0x1a: {  	s8 =	sadd.s32 $0xFFFFE003, lr  }
0x1b: {  	s9 =	sadd.s32 $0xFFFFFEF7, lr;
	s5 =	simm.s32 $0xFFFFFFFF;
	p2 =	slt.u32 s8, $0xFFFFF086  }
0x1c: {  	p1 =	slt.u32 s9, $0xF7A;
	s5 =	simm.s32 @!p2 $0x0  }
0x1d: {  	s5 =	simm.s32 @p1 $0x1;
	p0 =	seq.s32 s7, s2  }
0x1e: {  	s7 =	smul.u32 @!p0 $0xF7A, s2;
	p2 =	seq.s32 @!p0 s5, $0x0  }
0x1f: {  	s9 =	smul.u32 $0xF7A, s1;
	s8 =	simm.s32 @!p0 $0x1BF5;
	p2 =	por !p2, p0  }
0x20: {  	[sflag:s8] =	ssyncset.s32 @!p0 $0xFFFFF086;
	s6 =	sadd.s32 @!p0 s3, s7;
	s7 =	simm.s32 @!p0 $0x108  }
0x21: {  	s3 =	sadd.s32 s3, s9;
	s6 =	sadd.s32 @!p0 $0x88, s6;
	s7 =	simm.s32 @p2 $0x1082  }
0x22: {  	[simem:s7], [sflag:s8] =	dma.local @!p0 [hbm:s6], $0xF7A  }
0x23: {  	s9 =	sor.u32 $0xD0000000, s2;
	s6 =	simm.s32 $0x108;
	_ =	swait.ge @!p0 [sflag:s8], $0x0  }
0x24: {  	s3 =	sadd.s32 $0x88, s3;
	s6 =	simm.s32 @!p1 $0x1082;
	[sflag:s4] =	ssyncset.s32 $0xFFFFF086  }
0x25: {  	[simem:s6], [sflag:s4] =	dma.local [hbm:s3], $0xF7A  }
0x26: {  	[smem:$0x3F88] =	sst s1;
	(tag) =	ssettag s2;
	_ =	strace s9  }
0x27: {  	s1 =	sld [smem:$0x3F98]  }
0x28: {  	s2 =	sld [smem:$0x3F99]  }
0x29: {  	s4 =	sld [smem:$0x3F9B]  }
0x2a: {  	p0 =	seq.s32 s5, $0x0;
	s5 =	sld [smem:$0x3F9C]  }
0x2b: {  	s6 =	sld [smem:$0x3F9D]  }
0x2c: {  	s7 =	sld [smem:$0x3F9E]  }
0x2d: {  	s3 =	simm.s32 $0x108;
	s8 =	sld [smem:$0x3F9F]  }
0x2e: {  	s3 =	simm.s32 @!p0 $0x1082;
	s9 =	sld [smem:$0x3FA0]  }
0x2f: {  	lr =	sadd.s32 s0, s3;
	s0 =	sld [smem:$0x3F97]  }
0x30: {  	s3 =	sld [smem:$0x3F9A]  }
0x31: {  	[smem:$0x3FA3] =	sst s10  }
0x32: {  	s10 =	sld [smem:$0x3FA1];
	_ =	sdelay $0x3  }
0x33: {  	p0 =	seq.s32 s10, $0x1;
	s10 =	sld [smem:$0x3FA3];
	_ =	sdelay $0x3  }
0x34: {  	[smem:$0x3FA3] =	sst s10  }
0x35: {  	s10 =	sld [smem:$0x3FA2];
	_ =	sdelay $0x3  }
0x36: {  	p1 =	seq.s32 s10, $0x1;
	s10 =	sld [smem:$0x3FA3];
	_ =	sdelay $0x3  }
0x37: {  	[smem:$0x3FA3] =	sst s10  }
0x38: {  	s10 =	sld [smem:$0x3FA4]  }
0x39: {  	_ = 	snop;
	(pc) =	sbr.ind lr, $3  }
0x3a: {  	_ = 	snop  }
0x3b: {  	_ = 	snop  }
0x3c: {  	p2 =	seq.s32 s10, $0x1;
	s10 =	sld [smem:$0x3FA3]  }
0x3d: {  	_ =	shalt  }
0x3e: {  	_ =	shalt  }
0x3f: {  	_ =	shalt  }
0x40: {  	_ =	shalt  }
0x41: {  	_ =	shalt  }
0x42: {  	_ =	shalt  }
0x43: {  	_ =	shalt  }
0x44: {  	_ =	shalt  }
0x45: {  	_ =	shalt  }
0x46: {  	_ =	shalt  }
0x47: {  	_ =	shalt  }
0x48: {  	_ =	shalt  }
0x49: {  	_ =	shalt  }
0x4a: {  	_ =	shalt  }
0x4b: {  	_ =	shalt  }
0x4c: {  	_ =	shalt  }
0x4d: {  	_ =	shalt  }
0x4e: {  	_ =	shalt  }
0x4f: {  	_ =	shalt  }
0x50: {  	_ =	shalt  }
0x51: {  	_ =	shalt  }
0x52: {  	_ =	shalt  }
0x53: {  	_ =	shalt  }
0x54: {  	_ =	shalt  }
0x55: {  	_ =	shalt  }
0x56: {  	_ =	shalt  }
0x57: {  	_ =	shalt  }
0x58: {  	_ =	shalt  }
0x59: {  	_ =	shalt  }
0x5a: {  	_ =	shalt  }
0x5b: {  	_ =	shalt  }
0x5c: {  	_ =	shalt  }
0x5d: {  	_ =	shalt  }
0x5e: {  	_ =	shalt  }
0x5f: {  	_ =	shalt  }
0x60: {  	_ =	shalt  }
0x61: {  	_ =	shalt  }
0x62: {  	_ =	shalt  }
0x63: {  	_ =	shalt  }
0x64: {  	_ =	shalt  }
0x65: {  	_ =	shalt  }
0x66: {  	_ =	shalt  }
0x67: {  	_ =	shalt  }
0x68: {  	_ =	shalt  }
0x69: {  	_ =	shalt  }
0x6a: {  	_ =	shalt  }
0x6b: {  	_ =	shalt  }
0x6c: {  	_ =	shalt  }
0x6d: {  	_ =	shalt  }
0x6e: {  	_ =	shalt  }
0x6f: {  	_ =	shalt  }
0x70: {  	_ =	shalt  }
0x71: {  	_ =	shalt  }
0x72: {  	_ =	shalt  }
0x73: {  	_ =	shalt  }
0x74: {  	_ =	shalt  }
0x75: {  	_ =	shalt  }
0x76: {  	_ =	shalt  }
0x77: {  	_ =	shalt  }
0x78: {  	_ =	shalt  }
0x79: {  	_ =	shalt  }
0x7a: {  	_ =	shalt  }
0x7b: {  	_ =	shalt  }
0x7c: {  	_ =	shalt  }
0x7d: {  	_ =	shalt  }
0x7e: {  	_ =	shalt  }
0x7f: {  	_ =	shalt  }
0x80: {  	_ =	shalt  }
0x81: {  	_ =	shalt  }
0x82: {  	_ =	shalt  }
0x83: {  	_ =	shalt  }
0x84: {  	_ =	shalt  }
0x85: {  	_ =	shalt  }
0x86: {  	_ =	shalt  }
0x87: {  	_ =	shalt  }
.Lfunc_end0:
.L_simem_size_0:
called_computation.2_lowered:
.L_overlay_start_0:
0x88: {  	s2 =	sld [smem:$0x3FD9]  }
0x89: {  	s3 =	sld [smem:$0x3FFE];
	_ =	sdelay $0x1  }
0x8a: {  	s1 =	srdreg.scid  }
0x8b: {  	s0 =	sand.u32 $0x1, s1  }
0x8c: {  	s17 =	sshll.u32 s0, $0xA;
	s2 =	sadd.s32 s3, s2  }
0x8d: {  	s2 =	sadd.s32 s2, s17  }
0x8e: {  	[smem:$0x3FAF] =	sst s2  }
0x8f: {  	_ = 	snop  }
0x90: {  	s2 =	sld [smem:$0x3FD0];
	(tm) =	ssettm $0x1  }
0x91: {  	s18 =	sld [smem:$0x3FFB];
	_ =	sdelay $0x3  }
0x92: {  	_ =	strace s18  }
0x93: {  	s3 =	sld [smem:$0x3FFC];
	_ =	sdelay $0x3  }
0x94: {  	_ =	strace s3  }
0x95: {  	s3 =	sld [smem:$0x3FFD];
	_ =	sdelay $0x3  }
0x96: {  	_ =	strace s3  }
0x97: {  	_ =	strace $0x8FFFFFFF  }
0x98: {  	s19 =	sld [smem:$0x3FDB];
	_ =	sdelay $0x1  }
0x99: {  	s4 =	simm.s32 $_scs_section_size  }
0x9a: {  	s5 =	simm.s32 $_size__tile_overlayer_lowered;
	s6 =	simm.s32 $_tile_overlayer_lowered  }
0x9b: {  	s22 =	simm.s32 $0x1BFF;
	s21 =	sshll.u32 s6, $0x1;
	s3 =	sadd.s32 s4, s19  }
0x9c: {  	s7 =	simm.s32 $0x0;
	s20 =	sshll.u32 s5, $0x1;
	s5 =	sadd.s32 s21, s3  }
0x9d: {  	[timem:s7], [sflag:s22] =	dma.local [hbm:s5], s20  }
0x9e: {  	_ =	swait.ge [sflag:s22], s20  }
0x9f: {  	s4 =	ssub.s32 $0x0, s20;
	[sflag:s22] =	ssyncset.done $0x0  }
0xa0: {  	[sflag:s22] =	ssyncadd.s32 s4;
	_ =	sdelay $0x1  }
0xa1: {  	s23 =	simm.s32 $0x1B8B  }
0xa2: {  	_ =	swait.ge [sflag:s23], $0x1  }
0xa3: {  	[sflag:s23] =	ssyncset.done $0x0  }
0xa4: {  	s25 =	simm.s32 $0x1B8E;
	s24 =	sld [smem:$0x3FFE];
	[sflag:s23] =	ssyncadd.s32 $0xFFFFFFFF  }
0xa5: {  	s26 =	simm.s32 $execute0_lowered;
	[smem:$0x3FD2] =	sst s25  }
0xa6: {  	s5 =	sshll.u32 s26, $0x1;
	_ =	strace $0x8000004C;
	[dreg:$0x1] =	wrdreg $0xFFFFFFFF  }
0xa7: {  	s28 =	simm.s32 $_size_execute0_lowered;
	s3 =	sadd.s32 s3, s5;
	[dreg:$0x0] =	wrdreg $0x0  }
0xa8: {  	s5 =	sshll.u32 s28, $0x1;
	[dreg:$0x2] =	wrdreg s3  }
0xa9: {  	[dreg:$0x3] =	wrdreg s5  }
0xaa: {  	[dreg:$0x4] =	wrdreg $0xC0  }
0xab: {  	_ =	task [dreg:s7], $0x5FFFF  }
0xac: {  	[dreg:$0x1] =	wrdreg $0xFFFFFFFF  }
0xad: {  	[dreg:$0x0] =	wrdreg $0x60  }
0xae: {  	[dreg:$0x2] =	wrdreg s24  }
0xaf: {  	[dreg:$0x3] =	wrdreg s2  }
0xb0: {  	[dreg:$0x4] =	wrdreg $0x0  }
0xb1: {  	[dreg:$0x5] =	wrdreg $0x9  }
0xb2: {  	_ =	task.clear_ibuf [dreg:s7], $0x6FFFF;
	_ =	strace $0x9000004C  }
0xb3: {  	s29 =	simm.s32 $0x9;
	_ =	strace $0x8000004E  }
0xb4: {  	_ =	swait.ge [sflag:s29], $0x1  }
0xb5: {  	[sflag:s29] =	ssyncadd.s32 $0xFFFFFFFF  }
0xb6: {  	_ =	strace $0x9000004E  }
0xb7: {  	_ =	sfence  }
0xb8: {  	s30 =	sld [smem:$0x0];
	_ =	sdelay $0x2  }
0xb9: {  	s31 =	sshll.u32 s1, $0xD;
	s1 =	sshrl.u32 s1, $0x2  }
0xba: {  	s3 =	sand.u32 $0x4000, s31;
	s1 =	sadd.s32 s1, s30  }
0xbb: {  	s0 =	sor.u32 s3, s0;
	s1 =	sshll.u32 s1, $0x11  }
0xbc: {  	s0 =	sor.u32 s1, s0  }
0xbd: {  	s0 =	sadd.s32 $0x8F2B, s0  }
0xbe: {  	[sflag:s0] =	ssyncadd.remote.s32 $0x1  }
0xbf: {  	_ =	sfence.sel $0xFFFF  }
0xc0: {  	[dreg:$0x0] =	wrdreg $0xFFFFFFFF;
	(pc) =	sbr.abs _section_cstart, $3  }
0xc1: {  	[dreg:$0x1] =	wrdreg $0xFFFFFFFF  }
0xc2: {  	_ =	task.clear_ibuf [dreg:s7], $0x2FFFF;
	_ =	strace $0x9FFFFFFF  }
0xc3: {  	(tm) =	ssettm $0x7FFFFFFF  }
tec
execute0_lowered:
.L_overlay_start_1:
0x0: {  	(tag) =	ssettag $0x1  }
0x1: {  	s0 =	rddreg [dreg:$0x0]  }
0x2: {  	s1 =	rddreg [dreg:$0x1]  }
0x3: {  	s2 =	rddreg [dreg:$0x2];
	s12 =	stileid.u32  }
0x4: {  	s5 =	simm.s32 $0x0;
	s4 =	srdreg.scid;
	s28 =	simm.s32 $0x3  }
0x5: {  	s29 =	simm.s32 $0x5;
	s30 =	simm.s32 $0x4;
	s3 =	smul.u32 $0xE80, s12  }
0x6: {  	s31 =	simm.s32 $0x6;
	[smem:$0x7FF] =	sst s5;
	s7 =	smul.u32 $0x3A, s12  }
0x7: {  	s26 =	sand.u32 $0x1, s4;
	s4 =	sadd.s32 $0x11E200, s0;
	s8 =	smul.u32 $0x2780, s12  }
0x8: {  	s9 =	sadd.s32 $0x47E00, s0;
	s12 =	smul.u32 $0x4F000, s12;
	_ =	strace $0x8000004D  }
0x9: {  	s6 =	smul.u32 $0x740, s26;
	s11 =	ssub.s32 $0x2, s26;
	s19 =	sshll.u32 s26, $0xB  }
0xa: {  	s13 =	sshllo.u32 s26, $0x1;
	s5 =	smul.u32 $0x1D000, s26;
	s10 =	sadd.s32 s3, s0  }
0xb: {  	s0 =	sadd.s32 s8, s0;
	s17 =	sshrl.u32 s11, $0x1;
	s14 =	sshrl.u32 s12, $0x2  }
0xc: {  	s15 =	sor.u32 s19, s12;
	s16 =	smul.u32 $0x3A0, s13;
	s13 =	sshll.u32 s13, $0xA  }
0xd: {  	s19 =	simm.s32 $0x58;
	s6 =	sadd.s32 s7, s6;
	s11 =	ssub.s32 s11, s17  }
0xe: {  	s18 =	sadd.s32 $0x11C00, s10;
	s20 =	sadd.s32 s14, s2;
	s0 =	sadd.s32 $0x20400, s0  }
0xf: {  	s21 =	sshrl.u32 s15, $0x3;
	s23 =	sor.u32 s12, s13;
	[dreg:$0x5] =	wrdreg s18  }
0x10: {  	s5 =	sadd.s32 s5, s9;
	s13 =	sadd.s32 $0x11C40, s10;
	[dreg:$0x6] =	wrdreg s20  }
0x11: {  	s17 =	simm.s32 $0xA;
	s6 =	sshll.u32 s6, $0x6;
	[dreg:$0x7] =	wrdreg s0  }
0x12: {  	s7 =	sadd.s32 s7, s16;
	s0 =	sadd.s32 s1, s21;
	s24 =	sshrl.u32 s23, $0x3  }
0x13: {  	s25 =	smax.u32 s11, $0x1;
	s26 =	sadd.s32 s3, s5;
	s20 =	simm.s32 $0x14400  }
0x14: {  	s23 =	simm.s32 $0x1;
	s6 =	sadd.s32 s9, s6;
	[dreg:$0x8] =	wrdreg s0  }
0x15: {  	s22 =	sshll.u32 s7, $0x6;
	[dreg:$0xb] =	wrdreg s25;
	s14 =	sadd.s32 $0x40, s26  }
.Ltmp0:
0x16: {  	s15 =	sadd.s32 $0xE840, s26;
	s25 =	simm.s32 $0x2;
	(pc) =	sbr.rel .LBB2_1-.Ltmp0, $4  }
0x17: {  	s26 =	simm.s32 $0x1C800;
	s7 =	simm.s32 $0x9;
	[dreg:$0x4] =	wrdreg s6  }
0x18: {  	s0 =	sadd.s32 s9, s22;
	s22 =	simm.s32 $0x17000;
	s9 =	simm.s32 $0x0  }
0x19: {  	[dreg:$0x9] =	wrdreg s0;
	s0 =	sadd.s32 s1, s24;
	s24 =	simm.s32 $0x19C00  }
0x1a: {  	s1 =	simm.s32 $0x8;
	[dreg:$0xa] =	wrdreg s0;
	s0 =	simm.s32 $0x7  }
.LBB2_7:
0x1b: {  	_ =	swait.ge [sflag:s30], $0x2C00  }
0x1c: {  	[sflag:s30] =	ssyncset.done $0x0  }
0x1d: {  	[sflag:s30] =	ssyncadd.s32 $0xFFFFD400  }
0x1e: {  	_ =	swait.ge [sflag:s31], $0x2C00  }
0x1f: {  	[sflag:s31] =	ssyncset.done $0x0  }
0x20: {  	s3 =	sor.u32 $0x14000, s5;
	[sflag:s31] =	ssyncadd.s32 $0xFFFFD400  }
0x21: {  	[spmem:s2] =	stream.indirect.scatter.add.f32 [tilespmem:s26], [sflag:$0x8], $0x80, s3, s19, $0xb8;
	[tilespmem:$0x1F400] =	vst v63  }
.LBB2_9:
0x22: {  	_ =	swait.ge [sflag:s0], $0x2C00  }
0x23: {  	[sflag:s0] =	ssyncset.done $0x0  }
0x24: {  	[sflag:s0] =	ssyncadd.s32 $0xFFFFD400  }
0x25: {  	_ =	swait.ge [sflag:s1], $0x2C00  }
0x26: {  	[sflag:s1] =	ssyncset.done $0x0  }
0x27: {  	[sflag:s1] =	ssyncadd.s32 $0xFFFFD400  }
0x28: {  	[bflag:$0x0] =	sbarrier.arrive $0xFFFF  }
0x29: {  	s5 =	simm.s32 $0x200;
	s6 =	simm.s32 $0x80;
	s3 =	rddreg [dreg:$0xa]  }
0x2a: {  	[hbm:s3@s5], [sflag:s10] =	dma.strided [spmem:s11@s6], $0x2780, s1, $0x10   }
0x2b: {  	_ =	swait.ge [sflag:s17], $0x2780  }
0x2c: {  	s9 =	sadd.s32 $0x1, s9;
	s21 =	rddreg [dreg:$0xb]  }
0x2d: {  	p0 =	sne.s32 s9, s21  }
.Ltmp1:
0x2e: {  	_ = 	snop;
	(pc) =	sbr.rel @!p0 .LBB2_10-.Ltmp1, $3  }
0x2f: {  	[sflag:s17] =	ssyncset.done $0x0  }
0x30: {  	[sflag:s17] =	ssyncadd.s32 $0xFFFFD880  }
0x31: {  	[bflag:$0x0] =	sbarrier.arrive $0xFFFF;
	_ =	sdelay $0x1  }
.LBB2_1:
0x32: {  	s3 =	simm.s32 $0x0;
	s5 =	rddreg [dreg:$0x4];
	s6 =	simm.s32 $0x13C00  }
0x33: {  	[tilespmem:s6], [sflag:$0xA] =	stream.linear.gather [hbm4b:s5+s3], $0x200, $0x38;
	[tilespmem:$0x1F400] =	vst v63  }
0x34: {  	_ =	swait.ge [sflag:s17], $0x200  }
0x35: {  	[sflag:s17] =	ssyncset.done $0x0  }
0x36: {  	s8 =	simm.s32 $0x14000;
	s11 =	rddreg [dreg:$0x5];
	[sflag:s17] =	ssyncadd.s32 $0xFFFFFE00  }
0x37: {  	[tilespmem:s8], [sflag:$0xA] =	stream.linear.gather [hbm4b:s11+s3], $0x200, $0x38;
	[tilespmem:$0x1F400] =	vst v63  }
0x38: {  	_ =	swait.ge [sflag:s17], $0x200  }
0x39: {  	s12 =	simm.s32 $0x13C80;
	s16 =	stileid.u32;
	[sflag:s17] =	ssyncset.done $0x0  }
0x3a: {  	s3 =	sshll.u32 s16, $0x6;
	s18 =	rddreg [dreg:$0x6];
	[sflag:s17] =	ssyncadd.s32 $0xFFFFFE00  }
0x3b: {  	[tilespmem:s20], [sflag:$0x1] =	stream.indirect.gather [hbm4b:s4+s19], $0x80, s6, s19, $0xb8;
	[tilespmem:$0x1F400] =	vst v63  }
0x3c: {  	s10 =	sor.u32 $0x1C0A, s3;
	s21 =	rddreg [dreg:$0x7];
	s11 =	sshrl.u32 s18, $0x3  }
0x3d: {  	[tilespmem:s22], [sflag:$0x2] =	stream.indirect.gather [hbm4b:s4+s19], $0x80, s12, s19, $0xb8;
	[tilespmem:$0x1F400] =	vst v63  }
0x3e: {  	[spmem:s11], [sflag:s10] =	dma.local [hbm:s21], $0x2780  }
0x3f: {  	_ =	swait.ge [sflag:s17], $0x2780  }
0x40: {  	[sflag:s17] =	ssyncset.done $0x0  }
0x41: {  	s18 =	simm.s32 $0x1;
	[sflag:s17] =	ssyncadd.s32 $0xFFFFD880  }
0x42: {  	s12 =	simm.s32 $0x0;
	s21 =	simm.s32 $0x0;
	[bflag:$0x0] =	sbarrier.arrive $0xFFFF  }
.LBB2_2:
0x43: {  	s3 =	sand.u32 $0x1, s18;
	p0 =	seq.s32 s21, $0xE40  }
0x44: {  	s5 =	sshll.u32 @!p0 s3, $0x9  }
0x45: {  	s8 =	sadd.s32 @!p0 s21, s14;
	s16 =	simm.s32 @!p0 $0x0;
	s6 =	sor.u32 @!p0 $0x13C00, s5  }
0x46: {  	[tilespmem:s6], [sflag:$0x9] =	stream.linear.gather @!p0 [hbm4b:s8+s16], $0x200, $0x38;
	[tilespmem:$0x1F400] =	vst v63  }
0x47: {  	s5 =	sor.u32 @!p0 $0x14000, s5;
	s6 =	sadd.s32 @!p0 s21, s13  }
0x48: {  	[tilespmem:s5], [sflag:$0x9] =	stream.linear.gather @!p0 [hbm4b:s6+s16], $0x200, $0x38;
	[tilespmem:$0x1F400] =	vst v63  }
0x49: {  	_ =	swait.ge [sflag:s23], $0x2C00  }
0x4a: {  	p0 =	seq.s32 s21, $0x0;
	[sflag:s23] =	ssyncset.done $0x0  }
0x4b: {  	s5 =	simm.s32 @!p0 $0x7;
	[sflag:s23] =	ssyncadd.s32 $0xFFFFD400  }
0x4c: {  	_ =	swait.ge @!p0 [sflag:s5], $0x2C00  }
0x4d: {  	s6 =	sand.u32 $0x200, s12;
	[sflag:s5] =	ssyncset.done @!p0 $0x0  }
0x4e: {  	s16 =	sor.u32 $0x14000, s6;
	[sflag:s5] =	ssyncadd.s32 @!p0 $0xFFFFD400  }
0x4f: {  	[spmem:s2] =	stream.indirect.scatter.add.f32 [tilespmem:s20], [sflag:$0x5], $0x80, s16, s19, $0xb8;
	[tilespmem:$0x1F400] =	vst v63  }
0x50: {  	s8 =	sor.u32 $0x13D00, s6  }
0x51: {  	[tilespmem:s24], [sflag:$0x3] =	stream.indirect.gather [hbm4b:s4+s19], $0x80, s8, s19, $0xb8;
	[tilespmem:$0x1F400] =	vst v63  }
0x52: {  	_ =	swait.ge [sflag:s25], $0x2C00  }
0x53: {  	[sflag:s25] =	ssyncset.done $0x0  }
0x54: {  	s5 =	simm.s32 @!p0 $0x8;
	[sflag:s25] =	ssyncadd.s32 $0xFFFFD400  }
0x55: {  	_ =	swait.ge @!p0 [sflag:s5], $0x2C00  }
0x56: {  	[sflag:s5] =	ssyncset.done @!p0 $0x0  }
0x57: {  	s16 =	sadd.s32 $0x14080, s6;
	[sflag:s5] =	ssyncadd.s32 @!p0 $0xFFFFD400  }
0x58: {  	[spmem:s2] =	stream.indirect.scatter.add.f32 [tilespmem:s22], [sflag:$0x6], $0x80, s16, s19, $0xb8;
	[tilespmem:$0x1F400] =	vst v63  }
0x59: {  	s8 =	sor.u32 $0x13D80, s6  }
0x5a: {  	[tilespmem:s26], [sflag:$0x4] =	stream.indirect.gather [hbm4b:s4+s19], $0x80, s8, s19, $0xb8;
	[tilespmem:$0x1F400] =	vst v63  }
0x5b: {  	_ =	swait.ge [sflag:s28], $0x2C00  }
0x5c: {  	[sflag:s28] =	ssyncset.done $0x0  }
0x5d: {  	p0 =	sne.s32 s21, $0xE40;
	[sflag:s28] =	ssyncadd.s32 $0xFFFFD400  }
.Ltmp2:
0x5e: {  	_ =	swait.ge [sflag:s29], $0x2C00;
	(pc) =	sbr.rel @!p0 .LBB2_3-.Ltmp2, $4  }
0x5f: {  	s16 =	sor.u32 $0x100, s6;
	[sflag:s29] =	ssyncset.done $0x0  }
0x60: {  	s5 =	sor.u32 $0x14000, s16;
	[sflag:s29] =	ssyncadd.s32 $0xFFFFD400  }
0x61: {  	[spmem:s2] =	stream.indirect.scatter.add.f32 [tilespmem:s24], [sflag:$0x7], $0x80, s5, s19, $0xb8;
	[tilespmem:$0x1F400] =	vst v63  }
0x62: {  	s5 =	sor.u32 $0x180, s6  }
0x63: {  	_ =	swait.ge [sflag:s7], $0x200  }
0x64: {  	[sflag:s7] =	ssyncset.done $0x0  }
0x65: {  	[sflag:s7] =	ssyncadd.s32 $0xFFFFFE00  }
0x66: {  	_ =	swait.ge [sflag:s7], $0x200  }
0x67: {  	s3 =	sshll.u32 s3, $0x9;
	[sflag:s7] =	ssyncset.done $0x0  }
0x68: {  	s6 =	sor.u32 $0x13C00, s3;
	[sflag:s7] =	ssyncadd.s32 $0xFFFFFE00  }
0x69: {  	[tilespmem:s20], [sflag:$0x1] =	stream.indirect.gather [hbm4b:s4+s19], $0x80, s6, s19, $0xb8;
	[tilespmem:$0x1F400] =	vst v63  }
0x6a: {  	_ =	swait.ge [sflag:s30], $0x2C00  }
0x6b: {  	[sflag:s30] =	ssyncset.done $0x0  }
0x6c: {  	s21 =	sadd.s32 $0x40, s21;
	[sflag:s30] =	ssyncadd.s32 $0xFFFFD400  }
0x6d: {  	p0 =	sne.s32 s21, $0xE80;
	_ =	swait.ge [sflag:s31], $0x2C00  }
.Ltmp3:
0x6e: {  	[sflag:s31] =	ssyncset.done $0x0;
	(pc) =	sbr.rel @p0 .LBB2_2-.Ltmp3, $4  }
.Ltmp4:
0x6f: {  	s5 =	sor.u32 $0x14000, s5;
	[sflag:s31] =	ssyncadd.s32 $0xFFFFD400;
	(pc) =	sbr.rel @!p0 .LBB2_5-.Ltmp4, $4  }
0x70: {  	[spmem:s2] =	stream.indirect.scatter.add.f32 [tilespmem:s26], [sflag:$0x8], $0x80, s5, s19, $0xb8;
	[tilespmem:$0x1F400] =	vst v63  }
0x71: {  	s18 =	sadd.s32 $0x1, s18;
	s12 =	sadd.s32 $0x200, s12;
	s3 =	sor.u32 $0x13C80, s3  }
0x72: {  	[tilespmem:s22], [sflag:$0x2] =	stream.indirect.gather [hbm4b:s4+s19], $0x80, s3, s19, $0xb8;
	[tilespmem:$0x1F400] =	vst v63  }
0x73: {  	_ = 	snop  }
.LBB2_3:
0x74: {  	_ =	swait.ge [sflag:s30], $0x2C00  }
0x75: {  	[sflag:s30] =	ssyncset.done $0x0  }
0x76: {  	[sflag:s30] =	ssyncadd.s32 $0xFFFFD400  }
0x77: {  	_ =	swait.ge [sflag:s31], $0x2C00  }
0x78: {  	[sflag:s31] =	ssyncset.done $0x0  }
0x79: {  	s3 =	sor.u32 $0x14000, s5;
	[sflag:s31] =	ssyncadd.s32 $0xFFFFD400  }
0x7a: {  	[spmem:s2] =	stream.indirect.scatter.add.f32 [tilespmem:s26], [sflag:$0x8], $0x80, s3, s19, $0xb8;
	[tilespmem:$0x1F400] =	vst v63  }
.LBB2_5:
0x7b: {  	_ =	swait.ge [sflag:s0], $0x2C00  }
0x7c: {  	[sflag:s0] =	ssyncset.done $0x0  }
0x7d: {  	[sflag:s0] =	ssyncadd.s32 $0xFFFFD400  }
0x7e: {  	_ =	swait.ge [sflag:s1], $0x2C00  }
0x7f: {  	[sflag:s1] =	ssyncset.done $0x0  }
0x80: {  	[sflag:s1] =	ssyncadd.s32 $0xFFFFD400  }
0x81: {  	[bflag:$0x0] =	sbarrier.arrive $0xFFFF  }
0x82: {  	s5 =	simm.s32 $0x200;
	s6 =	simm.s32 $0x80;
	s3 =	rddreg [dreg:$0x8]  }
0x83: {  	[hbm:s3@s5], [sflag:s10] =	dma.strided [spmem:s11@s6], $0x2780, s1, $0x10   }
0x84: {  	_ =	swait.ge [sflag:s17], $0x2780  }
0x85: {  	[sflag:s17] =	ssyncset.done $0x0  }
0x86: {  	[sflag:s17] =	ssyncadd.s32 $0xFFFFD880  }
0x87: {  	[bflag:$0x0] =	sbarrier.arrive $0xFFFF  }
0x88: {  	s12 =	simm.s32 $0x0;
	s21 =	simm.s32 $0x13C00;
	s18 =	rddreg [dreg:$0x9]  }
0x89: {  	[tilespmem:s21], [sflag:$0xA] =	stream.linear.gather [hbm4b:s18+s12], $0x200, $0x38;
	[tilespmem:$0x1F400] =	vst v63  }
0x8a: {  	_ =	swait.ge [sflag:s17], $0x200  }
0x8b: {  	[sflag:s17] =	ssyncset.done $0x0  }
0x8c: {  	s16 =	simm.s32 $0x14000;
	s8 =	rddreg [dreg:$0x5];
	[sflag:s17] =	ssyncadd.s32 $0xFFFFFE00  }
0x8d: {  	[tilespmem:s16], [sflag:$0xA] =	stream.linear.gather [hbm4b:s8+s12], $0x200, $0x38;
	[tilespmem:$0x1F400] =	vst v63  }
0x8e: {  	_ =	swait.ge [sflag:s17], $0x200  }
0x8f: {  	[sflag:s17] =	ssyncset.done $0x0  }
0x90: {  	[sflag:s17] =	ssyncadd.s32 $0xFFFFFE00  }
0x91: {  	[tilespmem:s20], [sflag:$0x1] =	stream.indirect.gather [hbm4b:s4+s19], $0x80, s21, s19, $0xb8;
	[tilespmem:$0x1F400] =	vst v63  }
0x92: {  	s18 =	simm.s32 $0x13C80;
	s21 =	rddreg [dreg:$0x7]  }
0x93: {  	[tilespmem:s22], [sflag:$0x2] =	stream.indirect.gather [hbm4b:s4+s19], $0x80, s18, s19, $0xb8;
	[tilespmem:$0x1F400] =	vst v63  }
0x94: {  	[spmem:s11], [sflag:s10] =	dma.local [hbm:s21], $0x2780  }
0x95: {  	_ =	swait.ge [sflag:s17], $0x2780  }
0x96: {  	[sflag:s17] =	ssyncset.done $0x0  }
0x97: {  	[sflag:s17] =	ssyncadd.s32 $0xFFFFD880  }
0x98: {  	s18 =	simm.s32 $0x1;
	s21 =	simm.s32 $0x0;
	[bflag:$0x0] =	sbarrier.arrive $0xFFFF  }
.LBB2_6:
0x99: {  	s3 =	sand.u32 $0x1, s18;
	p0 =	seq.s32 s21, $0xE40  }
0x9a: {  	s5 =	sshll.u32 @!p0 s3, $0x9  }
0x9b: {  	s8 =	sadd.s32 @!p0 s21, s15;
	s16 =	simm.s32 @!p0 $0x0;
	s6 =	sor.u32 @!p0 $0x13C00, s5  }
0x9c: {  	[tilespmem:s6], [sflag:$0x9] =	stream.linear.gather @!p0 [hbm4b:s8+s16], $0x200, $0x38;
	[tilespmem:$0x1F400] =	vst v63  }
0x9d: {  	s5 =	sor.u32 @!p0 $0x14000, s5;
	s6 =	sadd.s32 @!p0 s21, s13  }
0x9e: {  	[tilespmem:s5], [sflag:$0x9] =	stream.linear.gather @!p0 [hbm4b:s6+s16], $0x200, $0x38;
	[tilespmem:$0x1F400] =	vst v63  }
0x9f: {  	_ =	swait.ge [sflag:s23], $0x2C00  }
0xa0: {  	p0 =	seq.s32 s21, $0x0;
	[sflag:s23] =	ssyncset.done $0x0  }
0xa1: {  	s5 =	simm.s32 @!p0 $0x7;
	[sflag:s23] =	ssyncadd.s32 $0xFFFFD400  }
0xa2: {  	_ =	swait.ge @!p0 [sflag:s5], $0x2C00  }
0xa3: {  	s6 =	sand.u32 $0x200, s12;
	[sflag:s5] =	ssyncset.done @!p0 $0x0  }
0xa4: {  	s16 =	sor.u32 $0x14000, s6;
	[sflag:s5] =	ssyncadd.s32 @!p0 $0xFFFFD400  }
0xa5: {  	[spmem:s2] =	stream.indirect.scatter.add.f32 [tilespmem:s20], [sflag:$0x5], $0x80, s16, s19, $0xb8;
	[tilespmem:$0x1F400] =	vst v63  }
0xa6: {  	s8 =	sor.u32 $0x13D00, s6  }
0xa7: {  	[tilespmem:s24], [sflag:$0x3] =	stream.indirect.gather [hbm4b:s4+s19], $0x80, s8, s19, $0xb8;
	[tilespmem:$0x1F400] =	vst v63  }
0xa8: {  	_ =	swait.ge [sflag:s25], $0x2C00  }
0xa9: {  	[sflag:s25] =	ssyncset.done $0x0  }
0xaa: {  	s5 =	simm.s32 @!p0 $0x8;
	[sflag:s25] =	ssyncadd.s32 $0xFFFFD400  }
0xab: {  	_ =	swait.ge @!p0 [sflag:s5], $0x2C00  }
0xac: {  	[sflag:s5] =	ssyncset.done @!p0 $0x0  }
0xad: {  	s16 =	sadd.s32 $0x14080, s6;
	[sflag:s5] =	ssyncadd.s32 @!p0 $0xFFFFD400  }
0xae: {  	[spmem:s2] =	stream.indirect.scatter.add.f32 [tilespmem:s22], [sflag:$0x6], $0x80, s16, s19, $0xb8;
	[tilespmem:$0x1F400] =	vst v63  }
0xaf: {  	s8 =	sor.u32 $0x13D80, s6  }
0xb0: {  	[tilespmem:s26], [sflag:$0x4] =	stream.indirect.gather [hbm4b:s4+s19], $0x80, s8, s19, $0xb8;
	[tilespmem:$0x1F400] =	vst v63  }
0xb1: {  	_ =	swait.ge [sflag:s28], $0x2C00  }
0xb2: {  	[sflag:s28] =	ssyncset.done $0x0  }
0xb3: {  	p0 =	sne.s32 s21, $0xE40;
	[sflag:s28] =	ssyncadd.s32 $0xFFFFD400  }
.Ltmp5:
0xb4: {  	_ =	swait.ge [sflag:s29], $0x2C00;
	(pc) =	sbr.rel @!p0 .LBB2_7-.Ltmp5, $4  }
0xb5: {  	s16 =	sor.u32 $0x100, s6;
	[sflag:s29] =	ssyncset.done $0x0  }
0xb6: {  	s5 =	sor.u32 $0x14000, s16;
	[sflag:s29] =	ssyncadd.s32 $0xFFFFD400  }
0xb7: {  	[spmem:s2] =	stream.indirect.scatter.add.f32 [tilespmem:s24], [sflag:$0x7], $0x80, s5, s19, $0xb8;
	[tilespmem:$0x1F400] =	vst v63  }
0xb8: {  	s5 =	sor.u32 $0x180, s6  }
0xb9: {  	_ =	swait.ge [sflag:s7], $0x200  }
0xba: {  	[sflag:s7] =	ssyncset.done $0x0  }
0xbb: {  	[sflag:s7] =	ssyncadd.s32 $0xFFFFFE00  }
0xbc: {  	_ =	swait.ge [sflag:s7], $0x200  }
0xbd: {  	s3 =	sshll.u32 s3, $0x9;
	[sflag:s7] =	ssyncset.done $0x0  }
0xbe: {  	s6 =	sor.u32 $0x13C00, s3;
	[sflag:s7] =	ssyncadd.s32 $0xFFFFFE00  }
0xbf: {  	[tilespmem:s20], [sflag:$0x1] =	stream.indirect.gather [hbm4b:s4+s19], $0x80, s6, s19, $0xb8;
	[tilespmem:$0x1F400] =	vst v63  }
0xc0: {  	_ =	swait.ge [sflag:s30], $0x2C00  }
0xc1: {  	[sflag:s30] =	ssyncset.done $0x0  }
0xc2: {  	s21 =	sadd.s32 $0x40, s21;
	[sflag:s30] =	ssyncadd.s32 $0xFFFFD400  }
0xc3: {  	p0 =	sne.s32 s21, $0xE80;
	_ =	swait.ge [sflag:s31], $0x2C00  }
.Ltmp6:
0xc4: {  	[sflag:s31] =	ssyncset.done $0x0;
	(pc) =	sbr.rel @p0 .LBB2_6-.Ltmp6, $4  }
.Ltmp7:
0xc5: {  	s5 =	sor.u32 $0x14000, s5;
	[sflag:s31] =	ssyncadd.s32 $0xFFFFD400;
	(pc) =	sbr.rel @!p0 .LBB2_9-.Ltmp7, $4  }
0xc6: {  	[spmem:s2] =	stream.indirect.scatter.add.f32 [tilespmem:s26], [sflag:$0x8], $0x80, s5, s19, $0xb8;
	[tilespmem:$0x1F400] =	vst v63  }
0xc7: {  	s18 =	sadd.s32 $0x1, s18;
	s12 =	sadd.s32 $0x200, s12;
	s3 =	sor.u32 $0x13C80, s3  }
0xc8: {  	[tilespmem:s22], [sflag:$0x2] =	stream.indirect.gather [hbm4b:s4+s19], $0x80, s3, s19, $0xb8;
	[tilespmem:$0x1F400] =	vst v63  }
0xc9: {  	_ = 	snop  }
.LBB2_10:
0xca: {  	_ =	sfence.sel $0x180000  }
0xcb: {  	[bflag:$0x0] =	sbarrier.arrive $0xFFFF  }
0xcc: {  	_ =	strace $0x9000004D  }
0xcd: {  	s0 =	stileid.u32;
	[bflag:$0x2] =	sbarrier.arrive $0xFFFF  }
0xce: {  	p0 =	sne.s32 s0, $0x0;
	s0 =	rddreg [dreg:$0x3]  }
0xcf: {  	s0 =	sadd.s32 @!p0 $0x100000, s0  }
0xd0: {  	[sflag:s0] =	ssyncadd.tile.s32 @!p0 $0x1;
	_ =	shalt  }
.Lfunc_end2:
_tile_overlayer_lowered:
.L_overlay_start_2:
0xd1: {  	(tag) =	ssettag $0x2  }
0xd2: {  	s0 =	rddreg [dreg:$0x0];
	s2 =	stileid.u32  }
0xd3: {  	s1 =	rddreg [dreg:$0x1];
	p0 =	sne.s32 s2, $0x0  }
0xd4: {  	s3 =	rddreg [dreg:$0x2];
	[bflag:$0x3] =	sbarrier.arrive $0xFFFF;
	s2 =	simm.s32 @!p0 $0x1C0A  }
0xd5: {  	[timem:s3], [sflag:s2] =	dma.local @!p0 [hbm:s0], s1  }
0xd6: {  	s0 =	simm.s32 @!p0 $0xA  }
0xd7: {  	_ =	swait.ge @!p0 [sflag:s0], s1  }
0xd8: {  	s1 =	ssub.s32 @!p0 $0x0, s1;
	[sflag:s0] =	ssyncset.done @!p0 $0x0  }
0xd9: {  	[sflag:s0] =	ssyncadd.s32 @!p0 s1  }
0xda: {  	[bflag:$0x3] =	sbarrier.arrive $0xFFFF  }
0xdb: {  	_ =	shalt  }

// kernel: kernel.8.cloned.1.call-start
scs
__scs_entry_jumppad:
0x0: {  	(pc) =	sbr.rel $0x88, $3  }
0x1: {  	(tag) =	ssettag $0x0;
	lr =	simm.s32 $0x1  }
0x2: {  	[smem:$0x3F88] =	sst lr;
	_ =	strace $0xD0000000  }
0x3: {  	_ = 	snop  }
0x4: {  	_ = 	snop  }
0x5: {  	_ = 	snop  }
0x6: {  	_ = 	snop  }
0x7: {  	_ = 	snop  }
__scs_overlays_trampoline_lowered:
0x8: {  	[smem:$0x3F97] =	sst s0  }
0x9: {  	[smem:$0x3F98] =	sst s1  }
0xa: {  	[smem:$0x3F99] =	sst s2  }
0xb: {  	[smem:$0x3F9A] =	sst s3  }
0xc: {  	[smem:$0x3F9B] =	sst s4  }
0xd: {  	[smem:$0x3F9C] =	sst s5  }
0xe: {  	[smem:$0x3F9D] =	sst s6  }
0xf: {  	[smem:$0x3F9E] =	sst s7  }
0x10: {  	[smem:$0x3F9F] =	sst s8  }
0x11: {  	[smem:$0x3FA0] =	sst s9;
	s0 =	simm.s32 @!p0 $0x0  }
0x12: {  	s1 =	sld [smem:$0x3F86];
	s0 =	simm.s32 @p0 $0x1  }
0x13: {  	[smem:$0x3FA1] =	sst s0;
	s0 =	simm.s32 @!p1 $0x0  }
0x14: {  	s2 =	sld [smem:$0x3F85];
	s0 =	simm.s32 @p1 $0x1  }
0x15: {  	[smem:$0x3FA2] =	sst s0;
	s0 =	simm.s32 @!p2 $0x0  }
0x16: {  	s3 =	sld [smem:$0x3FDB];
	s0 =	simm.s32 @p2 $0x1  }
0x17: {  	s4 =	simm.s32 $0x1BF5;
	[smem:$0x3FA4] =	sst s0  }
0x18: {  	s0 =	sld [smem:$0x3F87];
	_ =	swait.ge [sflag:s4], $0x0  }
0x19: {  	s7 =	sld [smem:$0x3F88]  }
0x1a: {  	s8 =	sadd.s32 $0xFFFFE003, lr  }
0x1b: {  	s9 =	sadd.s32 $0xFFFFFEF7, lr;
	s5 =	simm.s32 $0xFFFFFFFF;
	p2 =	slt.u32 s8, $0xFFFFF086  }
0x1c: {  	p1 =	slt.u32 s9, $0xF7A;
	s5 =	simm.s32 @!p2 $0x0  }
0x1d: {  	s5 =	simm.s32 @p1 $0x1;
	p0 =	seq.s32 s7, s2  }
0x1e: {  	s7 =	smul.u32 @!p0 $0xF7A, s2;
	p2 =	seq.s32 @!p0 s5, $0x0  }
0x1f: {  	s9 =	smul.u32 $0xF7A, s1;
	s8 =	simm.s32 @!p0 $0x1BF5;
	p2 =	por !p2, p0  }
0x20: {  	[sflag:s8] =	ssyncset.s32 @!p0 $0xFFFFF086;
	s6 =	sadd.s32 @!p0 s3, s7;
	s7 =	simm.s32 @!p0 $0x108  }
0x21: {  	s3 =	sadd.s32 s3, s9;
	s6 =	sadd.s32 @!p0 $0x88, s6;
	s7 =	simm.s32 @p2 $0x1082  }
0x22: {  	[simem:s7], [sflag:s8] =	dma.local @!p0 [hbm:s6], $0xF7A  }
0x23: {  	s9 =	sor.u32 $0xD0000000, s2;
	s6 =	simm.s32 $0x108;
	_ =	swait.ge @!p0 [sflag:s8], $0x0  }
0x24: {  	s3 =	sadd.s32 $0x88, s3;
	s6 =	simm.s32 @!p1 $0x1082;
	[sflag:s4] =	ssyncset.s32 $0xFFFFF086  }
0x25: {  	[simem:s6], [sflag:s4] =	dma.local [hbm:s3], $0xF7A  }
0x26: {  	[smem:$0x3F88] =	sst s1;
	(tag) =	ssettag s2;
	_ =	strace s9  }
0x27: {  	s1 =	sld [smem:$0x3F98]  }
0x28: {  	s2 =	sld [smem:$0x3F99]  }
0x29: {  	s4 =	sld [smem:$0x3F9B]  }
0x2a: {  	p0 =	seq.s32 s5, $0x0;
	s5 =	sld [smem:$0x3F9C]  }
0x2b: {  	s6 =	sld [smem:$0x3F9D]  }
0x2c: {  	s7 =	sld [smem:$0x3F9E]  }
0x2d: {  	s3 =	simm.s32 $0x108;
	s8 =	sld [smem:$0x3F9F]  }
0x2e: {  	s3 =	simm.s32 @!p0 $0x1082;
	s9 =	sld [smem:$0x3FA0]  }
0x2f: {  	lr =	sadd.s32 s0, s3;
	s0 =	sld [smem:$0x3F97]  }
0x30: {  	s3 =	sld [smem:$0x3F9A]  }
0x31: {  	[smem:$0x3FA3] =	sst s10  }
0x32: {  	s10 =	sld [smem:$0x3FA1];
	_ =	sdelay $0x3  }
0x33: {  	p0 =	seq.s32 s10, $0x1;
	s10 =	sld [smem:$0x3FA3];
	_ =	sdelay $0x3  }
0x34: {  	[smem:$0x3FA3] =	sst s10  }
0x35: {  	s10 =	sld [smem:$0x3FA2];
	_ =	sdelay $0x3  }
0x36: {  	p1 =	seq.s32 s10, $0x1;
	s10 =	sld [smem:$0x3FA3];
	_ =	sdelay $0x3  }
0x37: {  	[smem:$0x3FA3] =	sst s10  }
0x38: {  	s10 =	sld [smem:$0x3FA4]  }
0x39: {  	_ = 	snop;
	(pc) =	sbr.ind lr, $3  }
0x3a: {  	_ = 	snop  }
0x3b: {  	_ = 	snop  }
0x3c: {  	p2 =	seq.s32 s10, $0x1;
	s10 =	sld [smem:$0x3FA3]  }
0x3d: {  	_ =	shalt  }
0x3e: {  	_ =	shalt  }
0x3f: {  	_ =	shalt  }
0x40: {  	_ =	shalt  }
0x41: {  	_ =	shalt  }
0x42: {  	_ =	shalt  }
0x43: {  	_ =	shalt  }
0x44: {  	_ =	shalt  }
0x45: {  	_ =	shalt  }
0x46: {  	_ =	shalt  }
0x47: {  	_ =	shalt  }
0x48: {  	_ =	shalt  }
0x49: {  	_ =	shalt  }
0x4a: {  	_ =	shalt  }
0x4b: {  	_ =	shalt  }
0x4c: {  	_ =	shalt  }
0x4d: {  	_ =	shalt  }
0x4e: {  	_ =	shalt  }
0x4f: {  	_ =	shalt  }
0x50: {  	_ =	shalt  }
0x51: {  	_ =	shalt  }
0x52: {  	_ =	shalt  }
0x53: {  	_ =	shalt  }
0x54: {  	_ =	shalt  }
0x55: {  	_ =	shalt  }
0x56: {  	_ =	shalt  }
0x57: {  	_ =	shalt  }
0x58: {  	_ =	shalt  }
0x59: {  	_ =	shalt  }
0x5a: {  	_ =	shalt  }
0x5b: {  	_ =	shalt  }
0x5c: {  	_ =	shalt  }
0x5d: {  	_ =	shalt  }
0x5e: {  	_ =	shalt  }
0x5f: {  	_ =	shalt  }
0x60: {  	_ =	shalt  }
0x61: {  	_ =	shalt  }
0x62: {  	_ =	shalt  }
0x63: {  	_ =	shalt  }
0x64: {  	_ =	shalt  }
0x65: {  	_ =	shalt  }
0x66: {  	_ =	shalt  }
0x67: {  	_ =	shalt  }
0x68: {  	_ =	shalt  }
0x69: {  	_ =	shalt  }
0x6a: {  	_ =	shalt  }
0x6b: {  	_ =	shalt  }
0x6c: {  	_ =	shalt  }
0x6d: {  	_ =	shalt  }
0x6e: {  	_ =	shalt  }
0x6f: {  	_ =	shalt  }
0x70: {  	_ =	shalt  }
0x71: {  	_ =	shalt  }
0x72: {  	_ =	shalt  }
0x73: {  	_ =	shalt  }
0x74: {  	_ =	shalt  }
0x75: {  	_ =	shalt  }
0x76: {  	_ =	shalt  }
0x77: {  	_ =	shalt  }
0x78: {  	_ =	shalt  }
0x79: {  	_ =	shalt  }
0x7a: {  	_ =	shalt  }
0x7b: {  	_ =	shalt  }
0x7c: {  	_ =	shalt  }
0x7d: {  	_ =	shalt  }
0x7e: {  	_ =	shalt  }
0x7f: {  	_ =	shalt  }
0x80: {  	_ =	shalt  }
0x81: {  	_ =	shalt  }
0x82: {  	_ =	shalt  }
0x83: {  	_ =	shalt  }
0x84: {  	_ =	shalt  }
0x85: {  	_ =	shalt  }
0x86: {  	_ =	shalt  }
0x87: {  	_ =	shalt  }
.Lfunc_end0:
.L_simem_size_0:
called_computation_lowered:
.L_overlay_start_0:
0x88: {  	s2 =	sld [smem:$0x3FD9]  }
0x89: {  	s3 =	sld [smem:$0x3FFE];
	_ =	sdelay $0x1  }
0x8a: {  	s1 =	srdreg.scid  }
0x8b: {  	s0 =	sand.u32 $0x1, s1  }
0x8c: {  	s17 =	sshll.u32 s0, $0xA;
	s2 =	sadd.s32 s3, s2  }
0x8d: {  	s2 =	sadd.s32 s2, s17  }
0x8e: {  	[smem:$0x3FAF] =	sst s2  }
0x8f: {  	_ = 	snop  }
0x90: {  	s2 =	sld [smem:$0x3FC9]  }
0x91: {  	s18 =	sld [smem:$0x3FD0];
	(tm) =	ssettm $0x1  }
0x92: {  	s4 =	sld [smem:$0x3FFB];
	_ =	sdelay $0x3  }
0x93: {  	_ =	strace s4  }
0x94: {  	s4 =	sld [smem:$0x3FFC];
	_ =	sdelay $0x3  }
0x95: {  	_ =	strace s4  }
0x96: {  	s4 =	sld [smem:$0x3FFD];
	_ =	sdelay $0x3  }
0x97: {  	_ =	strace s4  }
0x98: {  	_ =	strace $0x8FFFFFFF  }
0x99: {  	s19 =	sld [smem:$0x3FDB];
	_ =	sdelay $0x1  }
0x9a: {  	s5 =	simm.s32 $_scs_section_size  }
0x9b: {  	s6 =	simm.s32 $_size__tile_overlayer_lowered;
	s7 =	simm.s32 $_tile_overlayer_lowered  }
0x9c: {  	s22 =	simm.s32 $0x1BFF;
	s21 =	sshll.u32 s7, $0x1;
	s4 =	sadd.s32 s5, s19  }
0x9d: {  	s8 =	simm.s32 $0x0;
	s20 =	sshll.u32 s6, $0x1;
	s6 =	sadd.s32 s21, s4  }
0x9e: {  	[timem:s8], [sflag:s22] =	dma.local [hbm:s6], s20  }
0x9f: {  	_ =	swait.ge [sflag:s22], s20  }
0xa0: {  	s5 =	ssub.s32 $0x0, s20;
	[sflag:s22] =	ssyncset.done $0x0  }
0xa1: {  	[sflag:s22] =	ssyncadd.s32 s5;
	_ =	sdelay $0x1  }
0xa2: {  	s23 =	simm.s32 $0x1B8B  }
0xa3: {  	_ =	swait.ge [sflag:s23], $0x1  }
0xa4: {  	[sflag:s23] =	ssyncset.done $0x0  }
0xa5: {  	s25 =	simm.s32 $0x1B8E;
	s24 =	sld [smem:$0x3FFE];
	[sflag:s23] =	ssyncadd.s32 $0xFFFFFFFF  }
0xa6: {  	s26 =	simm.s32 $execute0_lowered;
	[smem:$0x3FD2] =	sst s25  }
0xa7: {  	s6 =	sshll.u32 s26, $0x1;
	_ =	strace $0x80000046;
	[dreg:$0x1] =	wrdreg $0xFFFFFFFF  }
0xa8: {  	s28 =	simm.s32 $_size_execute0_lowered;
	s4 =	sadd.s32 s4, s6;
	[dreg:$0x0] =	wrdreg $0x0  }
0xa9: {  	s6 =	sshll.u32 s28, $0x1;
	[dreg:$0x2] =	wrdreg s4  }
0xaa: {  	[dreg:$0x3] =	wrdreg s6  }
0xab: {  	[dreg:$0x4] =	wrdreg $0xC0  }
0xac: {  	_ =	task [dreg:s8], $0x5FFFF  }
0xad: {  	[dreg:$0x1] =	wrdreg $0xFFFFFFFF  }
0xae: {  	[dreg:$0x0] =	wrdreg $0x60  }
0xaf: {  	[dreg:$0x2] =	wrdreg s2  }
0xb0: {  	[dreg:$0x3] =	wrdreg s24  }
0xb1: {  	[dreg:$0x4] =	wrdreg s18  }
0xb2: {  	[dreg:$0x5] =	wrdreg $0x0  }
0xb3: {  	[dreg:$0x6] =	wrdreg $0x9  }
0xb4: {  	_ =	task.clear_ibuf [dreg:s8], $0x7FFFF;
	_ =	strace $0x90000046  }
0xb5: {  	s29 =	simm.s32 $0x9;
	_ =	strace $0x80000048  }
0xb6: {  	_ =	swait.ge [sflag:s29], $0x1  }
0xb7: {  	[sflag:s29] =	ssyncadd.s32 $0xFFFFFFFF  }
0xb8: {  	_ =	strace $0x90000048  }
0xb9: {  	_ =	sfence  }
0xba: {  	s30 =	sld [smem:$0x0];
	_ =	sdelay $0x2  }
0xbb: {  	s31 =	sshll.u32 s1, $0xD;
	s1 =	sshrl.u32 s1, $0x2  }
0xbc: {  	s3 =	sand.u32 $0x4000, s31;
	s1 =	sadd.s32 s1, s30  }
0xbd: {  	s0 =	sor.u32 s3, s0;
	s1 =	sshll.u32 s1, $0x11  }
0xbe: {  	s0 =	sor.u32 s1, s0  }
0xbf: {  	s0 =	sadd.s32 $0x8F2B, s0  }
0xc0: {  	[sflag:s0] =	ssyncadd.remote.s32 $0x1  }
0xc1: {  	_ =	sfence.sel $0xFFFF  }
0xc2: {  	[dreg:$0x0] =	wrdreg $0xFFFFFFFF;
	(pc) =	sbr.abs _section_cstart, $3  }
0xc3: {  	[dreg:$0x1] =	wrdreg $0xFFFFFFFF  }
0xc4: {  	_ =	task.clear_ibuf [dreg:s8], $0x2FFFF;
	_ =	strace $0x9FFFFFFF  }
0xc5: {  	(tm) =	ssettm $0x7FFFFFFF  }
tec
execute0_lowered:
.L_overlay_start_1:
0x0: {  	(tag) =	ssettag $0x1  }
0x1: {  	s1 =	rddreg [dreg:$0x0]  }
0x2: {  	s0 =	rddreg [dreg:$0x1]  }
0x3: {  	s3 =	rddreg [dreg:$0x2]  }
0x4: {  	s2 =	rddreg [dreg:$0x3]  }
0x5: {  	s4 =	srdreg.scid;
	s6 =	simm.s32 $0x0;
	s14 =	stileid.u32  }
0x6: {  	s12 =	simm.s32 $0x13C00;
	s28 =	simm.s32 $0x4;
	s13 =	smul.u32 $0x1D, s14  }
0x7: {  	s29 =	simm.s32 $0x6;
	s30 =	simm.s32 $0x7;
	s7 =	smul.u32 $0x2780, s14  }
0x8: {  	s31 =	simm.s32 $0x8;
	s4 =	sand.u32 $0x1, s4;
	s11 =	smul.u32 $0x4F000, s14  }
0x9: {  	[smem:$0x7FF] =	sst s6;
	s8 =	sadd.s32 $0x3400, s0;
	s18 =	smul.u32 $0x27800, s14  }
0xa: {  	s9 =	sadd.s32 $0x11C00, s0;
	s21 =	smul.u32 $0x740, s14;
	s26 =	sshll.u32 s14, $0x6  }
0xb: {  	s14 =	simm.s32 $0x9;
	s5 =	smul.u32 $0x1D0, s4;
	_ =	strace $0x80000047  }
0xc: {  	s10 =	ssub.s32 $0x2, s4;
	s19 =	sshll.u32 s4, $0xA;
	s4 =	smul.u32 $0x7400, s4  }
0xd: {  	s15 =	sshrl.u32 s10, $0x1;
	s0 =	sadd.s32 s7, s0;
	s17 =	sshrl.u32 s11, $0x2  }
0xe: {  	s20 =	sor.u32 s19, s18;
	s18 =	simm.s32 $0x17000;
	s19 =	sor.u32 $0x1C0A, s26  }
0xf: {  	s26 =	simm.s32 $0x5;
	s5 =	sadd.s32 s13, s5;
	s6 =	ssub.s32 s10, s15  }
0x10: {  	s0 =	sadd.s32 $0x20400, s0;
	s22 =	sadd.s32 s4, s8;
	s4 =	sadd.s32 s4, s9  }
0x11: {  	s13 =	simm.s32 $0xA;
	s15 =	simm.s32 $0x58;
	s5 =	sshll.u32 s5, $0x6  }
0x12: {  	[dreg:$0x7] =	wrdreg s0;
	s0 =	sshrl.u32 s20, $0x3;
	s23 =	sadd.s32 s21, s22  }
0x13: {  	s24 =	sadd.s32 s21, s4;
	s25 =	smax.u32 s6, $0x1;
	s21 =	simm.s32 $0x1  }
0x14: {  	s22 =	simm.s32 $0x19C00;
	s16 =	sadd.s32 s8, s5;
	s5 =	sadd.s32 s9, s5  }
.Ltmp0:
0x15: {  	s0 =	sadd.s32 s3, s0;
	[dreg:$0x9] =	wrdreg s25;
	(pc) =	sbr.rel .LBB2_1-.Ltmp0, $4  }
0x16: {  	s10 =	sadd.s32 $0x40, s23;
	s11 =	sadd.s32 $0x40, s24;
	[dreg:$0x5] =	wrdreg s16  }
0x17: {  	s23 =	simm.s32 $0x2;
	s24 =	simm.s32 $0x1C800;
	[dreg:$0x6] =	wrdreg s5  }
0x18: {  	s25 =	simm.s32 $0x3;
	s5 =	sadd.s32 s17, s2;
	[dreg:$0x8] =	wrdreg s0  }
0x19: {  	s16 =	simm.s32 $0x14400;
	s17 =	simm.s32 $0x0;
	s20 =	sshrl.u32 s5, $0x3  }
.LBB2_3:
0x1a: {  	_ =	swait.ge [sflag:s28], $0x2C00  }
0x1b: {  	[sflag:s28] =	ssyncset.done $0x0  }
0x1c: {  	[sflag:s28] =	ssyncadd.s32 $0xFFFFD400  }
0x1d: {  	_ =	swait.ge [sflag:s29], $0x2C00  }
0x1e: {  	[sflag:s29] =	ssyncset.done $0x0  }
0x1f: {  	s0 =	sor.u32 $0x14000, s6;
	[sflag:s29] =	ssyncadd.s32 $0xFFFFD400  }
0x20: {  	[spmem:s2] =	stream.indirect.scatter.add.f32 [tilespmem:s24], [sflag:$0x8], $0x80, s0, s15, $0xb8;
	[tilespmem:$0x1F400] =	vst v63  }
.LBB2_5:
0x21: {  	_ =	swait.ge [sflag:s30], $0x2C00  }
0x22: {  	[sflag:s30] =	ssyncset.done $0x0  }
0x23: {  	[sflag:s30] =	ssyncadd.s32 $0xFFFFD400  }
0x24: {  	_ =	swait.ge [sflag:s31], $0x2C00  }
0x25: {  	[sflag:s31] =	ssyncset.done $0x0  }
0x26: {  	[sflag:s31] =	ssyncadd.s32 $0xFFFFD400  }
0x27: {  	[bflag:$0x0] =	sbarrier.arrive $0xFFFF  }
0x28: {  	s3 =	simm.s32 $0x100;
	s4 =	simm.s32 $0x80;
	s0 =	rddreg [dreg:$0x8]  }
0x29: {  	[hbm:s0@s3], [sflag:s19] =	dma.strided [spmem:s20@s4], $0x2780, s31, $0x10   }
0x2a: {  	_ =	swait.ge [sflag:s13], $0x2780  }
0x2b: {  	s17 =	sadd.s32 $0x1, s17;
	s9 =	rddreg [dreg:$0x9]  }
0x2c: {  	p0 =	sne.s32 s17, s9  }
.Ltmp1:
0x2d: {  	_ = 	snop;
	(pc) =	sbr.rel @!p0 .LBB2_6-.Ltmp1, $3  }
0x2e: {  	[sflag:s13] =	ssyncset.done $0x0  }
0x2f: {  	[sflag:s13] =	ssyncadd.s32 $0xFFFFD880  }
0x30: {  	[bflag:$0x0] =	sbarrier.arrive $0xFFFF;
	_ =	sdelay $0x1  }
.LBB2_1:
0x31: {  	s0 =	simm.s32 $0x0;
	s3 =	rddreg [dreg:$0x5]  }
0x32: {  	[tilespmem:s12], [sflag:$0xA] =	stream.linear.gather [hbm4b:s3+s0], $0x200, $0x38;
	[tilespmem:$0x1F400] =	vst v63  }
0x33: {  	_ =	swait.ge [sflag:s13], $0x200  }
0x34: {  	[sflag:s13] =	ssyncset.done $0x0  }
0x35: {  	s4 =	simm.s32 $0x14000;
	s7 =	rddreg [dreg:$0x6];
	[sflag:s13] =	ssyncadd.s32 $0xFFFFFE00  }
0x36: {  	[tilespmem:s4], [sflag:$0xA] =	stream.linear.gather [hbm4b:s7+s0], $0x200, $0x38;
	[tilespmem:$0x1F400] =	vst v63  }
0x37: {  	_ =	swait.ge [sflag:s13], $0x200  }
0x38: {  	[sflag:s13] =	ssyncset.done $0x0  }
0x39: {  	[sflag:s13] =	ssyncadd.s32 $0xFFFFFE00  }
0x3a: {  	[tilespmem:s16], [sflag:$0x1] =	stream.indirect.gather [hbm4b:s1+s15], $0x80, s12, s15, $0xb8;
	[tilespmem:$0x1F400] =	vst v63  }
0x3b: {  	s8 =	simm.s32 $0x13C80;
	s9 =	rddreg [dreg:$0x7]  }
0x3c: {  	[tilespmem:s18], [sflag:$0x2] =	stream.indirect.gather [hbm4b:s1+s15], $0x80, s8, s15, $0xb8;
	[tilespmem:$0x1F400] =	vst v63  }
0x3d: {  	[spmem:s20], [sflag:s19] =	dma.local [hbm:s9], $0x2780  }
0x3e: {  	_ =	swait.ge [sflag:s13], $0x2780  }
0x3f: {  	[sflag:s13] =	ssyncset.done $0x0  }
0x40: {  	s3 =	simm.s32 $0x1;
	[sflag:s13] =	ssyncadd.s32 $0xFFFFD880  }
0x41: {  	s0 =	simm.s32 $0x0;
	s4 =	simm.s32 $0x0;
	[bflag:$0x0] =	sbarrier.arrive $0xFFFF  }
.LBB2_2:
0x42: {  	s5 =	sand.u32 $0x1, s3;
	p0 =	seq.s32 s4, $0x700  }
0x43: {  	s6 =	sshll.u32 @!p0 s5, $0x9  }
0x44: {  	s8 =	sadd.s32 @!p0 s4, s10;
	s9 =	simm.s32 @!p0 $0x0;
	s7 =	sor.u32 @!p0 $0x13C00, s6  }
0x45: {  	[tilespmem:s7], [sflag:$0x9] =	stream.linear.gather @!p0 [hbm4b:s8+s9], $0x200, $0x38;
	[tilespmem:$0x1F400] =	vst v63  }
0x46: {  	s6 =	sor.u32 @!p0 $0x14000, s6;
	s7 =	sadd.s32 @!p0 s4, s11  }
0x47: {  	[tilespmem:s6], [sflag:$0x9] =	stream.linear.gather @!p0 [hbm4b:s7+s9], $0x200, $0x38;
	[tilespmem:$0x1F400] =	vst v63  }
0x48: {  	_ =	swait.ge [sflag:s21], $0x2C00  }
0x49: {  	p0 =	seq.s32 s4, $0x0;
	[sflag:s21] =	ssyncset.done $0x0  }
0x4a: {  	s6 =	simm.s32 @!p0 $0x7;
	[sflag:s21] =	ssyncadd.s32 $0xFFFFD400  }
0x4b: {  	_ =	swait.ge @!p0 [sflag:s6], $0x2C00  }
0x4c: {  	s7 =	sand.u32 $0x200, s0;
	[sflag:s6] =	ssyncset.done @!p0 $0x0  }
0x4d: {  	s9 =	sor.u32 $0x14000, s7;
	[sflag:s6] =	ssyncadd.s32 @!p0 $0xFFFFD400  }
0x4e: {  	[spmem:s2] =	stream.indirect.scatter.add.f32 [tilespmem:s16], [sflag:$0x5], $0x80, s9, s15, $0xb8;
	[tilespmem:$0x1F400] =	vst v63  }
0x4f: {  	s8 =	sor.u32 $0x13D00, s7  }
0x50: {  	[tilespmem:s22], [sflag:$0x3] =	stream.indirect.gather [hbm4b:s1+s15], $0x80, s8, s15, $0xb8;
	[tilespmem:$0x1F400] =	vst v63  }
0x51: {  	_ =	swait.ge [sflag:s23], $0x2C00  }
0x52: {  	[sflag:s23] =	ssyncset.done $0x0  }
0x53: {  	s6 =	simm.s32 @!p0 $0x8;
	[sflag:s23] =	ssyncadd.s32 $0xFFFFD400  }
0x54: {  	_ =	swait.ge @!p0 [sflag:s6], $0x2C00  }
0x55: {  	[sflag:s6] =	ssyncset.done @!p0 $0x0  }
0x56: {  	s9 =	sadd.s32 $0x14080, s7;
	[sflag:s6] =	ssyncadd.s32 @!p0 $0xFFFFD400  }
0x57: {  	[spmem:s2] =	stream.indirect.scatter.add.f32 [tilespmem:s18], [sflag:$0x6], $0x80, s9, s15, $0xb8;
	[tilespmem:$0x1F400] =	vst v63  }
0x58: {  	s8 =	sor.u32 $0x13D80, s7  }
0x59: {  	[tilespmem:s24], [sflag:$0x4] =	stream.indirect.gather [hbm4b:s1+s15], $0x80, s8, s15, $0xb8;
	[tilespmem:$0x1F400] =	vst v63  }
0x5a: {  	_ =	swait.ge [sflag:s25], $0x2C00  }
0x5b: {  	[sflag:s25] =	ssyncset.done $0x0  }
0x5c: {  	p0 =	sne.s32 s4, $0x700;
	[sflag:s25] =	ssyncadd.s32 $0xFFFFD400  }
.Ltmp2:
0x5d: {  	_ =	swait.ge [sflag:s26], $0x2C00;
	(pc) =	sbr.rel @!p0 .LBB2_3-.Ltmp2, $4  }
0x5e: {  	s9 =	sor.u32 $0x100, s7;
	[sflag:s26] =	ssyncset.done $0x0  }
0x5f: {  	s6 =	sor.u32 $0x14000, s9;
	[sflag:s26] =	ssyncadd.s32 $0xFFFFD400  }
0x60: {  	[spmem:s2] =	stream.indirect.scatter.add.f32 [tilespmem:s22], [sflag:$0x7], $0x80, s6, s15, $0xb8;
	[tilespmem:$0x1F400] =	vst v63  }
0x61: {  	s6 =	sor.u32 $0x180, s7  }
0x62: {  	_ =	swait.ge [sflag:s14], $0x200  }
0x63: {  	[sflag:s14] =	ssyncset.done $0x0  }
0x64: {  	[sflag:s14] =	ssyncadd.s32 $0xFFFFFE00  }
0x65: {  	_ =	swait.ge [sflag:s14], $0x200  }
0x66: {  	s5 =	sshll.u32 s5, $0x9;
	[sflag:s14] =	ssyncset.done $0x0  }
0x67: {  	s7 =	sor.u32 $0x13C00, s5;
	[sflag:s14] =	ssyncadd.s32 $0xFFFFFE00  }
0x68: {  	[tilespmem:s16], [sflag:$0x1] =	stream.indirect.gather [hbm4b:s1+s15], $0x80, s7, s15, $0xb8;
	[tilespmem:$0x1F400] =	vst v63  }
0x69: {  	_ =	swait.ge [sflag:s28], $0x2C00  }
0x6a: {  	[sflag:s28] =	ssyncset.done $0x0  }
0x6b: {  	s4 =	sadd.s32 $0x40, s4;
	[sflag:s28] =	ssyncadd.s32 $0xFFFFD400  }
0x6c: {  	p0 =	sne.s32 s4, $0x740;
	_ =	swait.ge [sflag:s29], $0x2C00  }
.Ltmp3:
0x6d: {  	[sflag:s29] =	ssyncset.done $0x0;
	(pc) =	sbr.rel @p0 .LBB2_2-.Ltmp3, $4  }
.Ltmp4:
0x6e: {  	s6 =	sor.u32 $0x14000, s6;
	[sflag:s29] =	ssyncadd.s32 $0xFFFFD400;
	(pc) =	sbr.rel @!p0 .LBB2_5-.Ltmp4, $4  }
0x6f: {  	[spmem:s2] =	stream.indirect.scatter.add.f32 [tilespmem:s24], [sflag:$0x8], $0x80, s6, s15, $0xb8;
	[tilespmem:$0x1F400] =	vst v63  }
0x70: {  	s3 =	sadd.s32 $0x1, s3;
	s0 =	sadd.s32 $0x200, s0;
	s5 =	sor.u32 $0x13C80, s5  }
0x71: {  	[tilespmem:s18], [sflag:$0x2] =	stream.indirect.gather [hbm4b:s1+s15], $0x80, s5, s15, $0xb8;
	[tilespmem:$0x1F400] =	vst v63  }
0x72: {  	_ = 	snop  }
.LBB2_6:
0x73: {  	_ =	sfence.sel $0x180000  }
0x74: {  	[bflag:$0x0] =	sbarrier.arrive $0xFFFF  }
0x75: {  	_ =	strace $0x90000047  }
0x76: {  	s0 =	stileid.u32;
	[bflag:$0x2] =	sbarrier.arrive $0xFFFF  }
0x77: {  	p0 =	sne.s32 s0, $0x0;
	s0 =	rddreg [dreg:$0x4]  }
0x78: {  	s0 =	sadd.s32 @!p0 $0x100000, s0  }
0x79: {  	[sflag:s0] =	ssyncadd.tile.s32 @!p0 $0x1;
	_ =	shalt  }
.Lfunc_end2:
_tile_overlayer_lowered:
.L_overlay_start_2:
0x7a: {  	(tag) =	ssettag $0x2  }
0x7b: {  	s0 =	rddreg [dreg:$0x0];
	s2 =	stileid.u32  }
0x7c: {  	s1 =	rddreg [dreg:$0x1];
	p0 =	sne.s32 s2, $0x0  }
0x7d: {  	s3 =	rddreg [dreg:$0x2];
	[bflag:$0x3] =	sbarrier.arrive $0xFFFF;
	s2 =	simm.s32 @!p0 $0x1C0A  }
0x7e: {  	[timem:s3], [sflag:s2] =	dma.local @!p0 [hbm:s0], s1  }
0x7f: {  	s0 =	simm.s32 @!p0 $0xA  }
0x80: {  	_ =	swait.ge @!p0 [sflag:s0], s1  }
0x81: {  	s1 =	ssub.s32 @!p0 $0x0, s1;
	[sflag:s0] =	ssyncset.done @!p0 $0x0  }
0x82: {  	[sflag:s0] =	ssyncadd.s32 @!p0 s1  }
0x83: {  	[bflag:$0x3] =	sbarrier.arrive $0xFFFF  }
0x84: {  	_ =	shalt  }

</sc_bundles>
